<compile_context>
chip_gen: v7x
topology: tpu7x:2x2x1
jax: 0.10.2.dev20260603
libtpu: 0.0.44.dev20260713+nightly
codegen_flags: <defaults>
</compile_context>

<pallas_src>
import functools

import jax
import jax.numpy as jnp
from jax import lax
from jax.experimental import pallas as pl
from jax.experimental.pallas import tpu as pltpu
from jax.experimental.pallas import tpu_sc as plsc

NC = 2
NS = 16
NW = NC * NS
BATCH = 16384
HIDDEN = 64
CHUNK = 128
B_PER_W = BATCH // NW
NCHUNK = B_PER_W // CHUNK

NTAB = 1000000
RSB = 131072
RSGRID = (NTAB + RSB - 1) // RSB
RS_LEN = RSGRID * RSB


def _rowsum_body(inu_ref, ini_ref, outu_ref, outi_ref):
    @pl.when(pl.program_id(1) == 0)
    def _():
        outu_ref[...] = jnp.zeros_like(outu_ref)
        outi_ref[...] = jnp.zeros_like(outi_ref)

    outu_ref[...] += jnp.sum(inu_ref[...], axis=0)
    outi_ref[...] += jnp.sum(ini_ref[...], axis=0)


def _rowsum(tTu, tTi):
    bs = pl.BlockSpec((8, RSB), lambda j, r: (r, j))
    os = pl.BlockSpec((RSB,), lambda j, r: (j,))
    return pl.pallas_call(
        _rowsum_body,
        grid=(RSGRID, HIDDEN // 8),
        in_specs=[bs, bs],
        out_specs=[os, os],
        out_shape=[jax.ShapeDtypeStruct((RS_LEN,), jnp.float32),
                   jax.ShapeDtypeStruct((RS_LEN,), jnp.float32)],
    )(tTu, tTi)


def _sc_body(users_ref, items_ref, uf_hbm, if_hbm, rsu_hbm, rsi_hbm, out_hbm,
             uidx_v, iidx_v, uf_v, if_v, rsu_v, rsi_v, out_v, sem):
    wid = lax.axis_index("s") * NC + lax.axis_index("c")
    base = wid * B_PER_W
    row0 = wid * NCHUNK

    pltpu.sync_copy(users_ref.at[pl.ds(row0, NCHUNK)], uidx_v)
    pltpu.sync_copy(items_ref.at[pl.ds(row0, NCHUNK)], iidx_v)

    lanes = jax.lax.iota(jnp.int32, 16)
    last_lane = lanes == 15

    for c in range(NCHUNK):
        cp0 = pltpu.async_copy(uf_hbm.at[uidx_v.at[c]], uf_v, sem)
        cp1 = pltpu.async_copy(if_hbm.at[iidx_v.at[c]], if_v, sem)
        cp2 = pltpu.async_copy(rsu_hbm.at[uidx_v.at[c]], rsu_v.at[c], sem)
        cp3 = pltpu.async_copy(rsi_hbm.at[iidx_v.at[c]], rsi_v.at[c], sem)
        cp0.wait()
        cp1.wait()
        cp2.wait()
        cp3.wait()

        def group(g, _):
            for l in range(16):
                e = g * 16 + l
                acc = None
                for j in range(HIDDEN // 16):
                    sj = pl.ds(j * 16, 16)
                    t = uf_v[e, sj] * if_v[e, sj]
                    acc = t if acc is None else acc + t
                sums = plsc.cumsum(acc)
                plsc.store_scatter(out_v,
                                   [jnp.full((16,), c * CHUNK + e, jnp.int32)],
                                   sums, mask=last_lane)
            return 0

        lax.fori_loop(0, CHUNK // 16, group, 0)

        def bias(g, _):
            so = pl.ds(c * CHUNK + g * 16, 16)
            sg = pl.ds(g * 16, 16)
            out_v[so] = out_v[so] + rsu_v[c, sg] + rsi_v[c, sg]
            return 0

        lax.fori_loop(0, CHUNK // 16, bias, 0)

    pltpu.sync_copy(out_v, out_hbm.at[pl.ds(base, B_PER_W)])


@functools.partial(jax.jit, static_argnames=())
def kernel(users, items, user_factors, item_factors, user_biases, item_biases):
    rsu, rsi = _rowsum(user_biases.T, item_biases.T)

    mesh = plsc.VectorSubcoreMesh(
        core_axis_name="c", subcore_axis_name="s",
        num_cores=NC, num_subcores=NS)
    f = pl.kernel(
        _sc_body,
        out_type=jax.ShapeDtypeStruct((BATCH,), jnp.float32),
        mesh=mesh,
        compiler_params=pltpu.CompilerParams(needs_layout_passes=False,
                                             use_tc_tiling_on_sc=False),
        scratch_types=[
            pltpu.VMEM((NCHUNK, CHUNK), jnp.int32),
            pltpu.VMEM((NCHUNK, CHUNK), jnp.int32),
            pltpu.VMEM((CHUNK, HIDDEN), jnp.float32),
            pltpu.VMEM((CHUNK, HIDDEN), jnp.float32),
            pltpu.VMEM((NCHUNK, CHUNK), jnp.float32),
            pltpu.VMEM((NCHUNK, CHUNK), jnp.float32),
            pltpu.VMEM((B_PER_W,), jnp.float32),
            pltpu.SemaphoreType.DMA,
        ],
    )
    out = f(users.reshape(BATCH // CHUNK, CHUNK),
            items.reshape(BATCH // CHUNK, CHUNK),
            user_factors, item_factors, rsu, rsi)
    return out.reshape(BATCH, 1)

# --- scband reference (transcript-rebuilt; emitter-appended) ---
"""Pipeline reference for scband-mfwith-bias-model-17463337026180 (READ-ONLY COPY).

The authoritative reference and input builder live on the scoring server;
editing this copy changes nothing except your own understanding.
"""

import jax, jax.numpy as jnp
import numpy as np

NUSERS = 1000000
NITEMS = 1000000
HIDDEN = 64
BATCH = 16384

def setup_inputs(seed: int = 0) -> dict:
    key = jax.random.key(seed)
    k1, k2, k3, k4, k5, k6 = jax.random.split(key, 6)
    users = jax.random.randint(k1, (BATCH,), 0, NUSERS, dtype=jnp.int64 if jax.config.jax_enable_x64 else jnp.int32).astype(jnp.int32)
    items = jax.random.randint(k2, (BATCH,), 0, NITEMS, dtype=jnp.int32)
    user_factors = jax.random.normal(k3, (NUSERS, HIDDEN), dtype=jnp.float32)
    item_factors = jax.random.normal(k4, (NITEMS, HIDDEN), dtype=jnp.float32)
    user_biases = jax.random.normal(k5, (NUSERS, HIDDEN), dtype=jnp.float32)
    item_biases = jax.random.normal(k6, (NITEMS, HIDDEN), dtype=jnp.float32)
    return {
        "users": users,
        "items": items,
        "user_factors": user_factors,
        "item_factors": item_factors,
        "user_biases": user_biases,
        "item_biases": item_biases,
    }

def reference(users, items, user_factors, item_factors, user_biases, item_biases):
    bias_sum = jnp.take(user_biases, users, axis=0) + jnp.take(item_biases, items, axis=0)
    user_emb = jnp.take(user_factors, users, axis=0)
    item_emb = jnp.take(item_factors, items, axis=0)
    product_with_bias = user_emb * item_emb + bias_sum
    return jnp.sum(product_with_bias, axis=1, keepdims=True)

if __name__ == "__main__":
    import jax
    _d = setup_inputs()
    print(jax.jit(kernel)(*tuple(_d.values())))

</pallas_src>

<mosaic_0001>
#map = affine_map<(d0, d1) -> (0, 0)>
#map1 = affine_map<(d0, d1) -> (0)>
module attributes {stable_mosaic.version = 14 : i64} {
  func.func @_sc_body(%arg0: i32, %arg1: i32, %arg2: memref<128x128xi32, #tpu.memory_space<hbm>>, %arg3: memref<128x128xi32, #tpu.memory_space<hbm>>, %arg4: memref<1000000x64xf32, #tpu.memory_space<hbm>>, %arg5: memref<1000000x64xf32, #tpu.memory_space<hbm>>, %arg6: memref<1048576xf32, #tpu.memory_space<hbm>>, %arg7: memref<1048576xf32, #tpu.memory_space<hbm>>, %arg8: memref<16384xf32, #tpu.memory_space<hbm>>, %arg9: memref<4x128xi32, #tpu.memory_space<vmem>>, %arg10: memref<4x128xi32, #tpu.memory_space<vmem>>, %arg11: memref<128x64xf32, #tpu.memory_space<vmem>>, %arg12: memref<128x64xf32, #tpu.memory_space<vmem>>, %arg13: memref<4x128xf32, #tpu.memory_space<vmem>>, %arg14: memref<4x128xf32, #tpu.memory_space<vmem>>, %arg15: memref<512xf32, #tpu.memory_space<vmem>>, %arg16: memref<!tpu.dma_semaphore, #tpu.memory_space<semaphore_mem>>) attributes {dimension_semantics = [#tpu.dimension_semantics<core_parallel>, #tpu.dimension_semantics<subcore_parallel>], iteration_bounds = array<i64: 2, 16>, scalar_prefetch = 0 : i64, scratch_operands = 8 : i64, tpu.core_type = #tpu.core_type<sc_vector_subcore>, window_params = [{transform_indices = #map}, {transform_indices = #map}, {transform_indices = #map}, {transform_indices = #map}, {transform_indices = #map1}, {transform_indices = #map1}, {transform_indices = #map1}]} {
    %mul3A = arith.constant 2 : i32
    %mul3A_0 = arith.muli %arg1, %mul3A : i32
    %add3A = arith.addi %mul3A_0, %arg0 : i32
    %mul3A_1 = arith.constant 512 : i32
    %mul3A_2 = arith.muli %add3A, %mul3A_1 : i32
    %mul3A_3 = arith.constant 4 : i32
    %mul3A_4 = arith.muli %add3A, %mul3A_3 : i32
    "tpu.region"() ({
      %run_scoped3A = tpu.sem_alloc : memref<!tpu.dma_semaphore, #tpu.memory_space<semaphore_mem>>
      %dma_start3A_332 = arith.constant 0 : i32
      %dma_start3A_333 = tpu.memref_slice %arg2[%mul3A_4, %dma_start3A_332] : memref<128x128xi32, #tpu.memory_space<hbm>> -> memref<4x128xi32, #tpu.memory_space<hbm>>
      %dma_start3A_334 = arith.constant 0 : i32
      %dma_start3A_335 = tpu.memref_slice %arg2[%mul3A_4, %dma_start3A_334] : memref<128x128xi32, #tpu.memory_space<hbm>> -> memref<4x128xi32, #tpu.memory_space<hbm>>
      tpu.enqueue_dma source(%dma_start3A_335 : memref<4x128xi32, #tpu.memory_space<hbm>>) target(%arg9 : memref<4x128xi32, #tpu.memory_space<vmem>>) target_semaphore(%run_scoped3A : memref<!tpu.dma_semaphore, #tpu.memory_space<semaphore_mem>>)
      %dma_wait3A_336 = arith.constant 0 : i32
      %dma_wait3A_337 = tpu.memref_slice %arg2[%mul3A_4, %dma_wait3A_336] : memref<128x128xi32, #tpu.memory_space<hbm>> -> memref<4x128xi32, #tpu.memory_space<hbm>>
      %dma_wait3A_338 = arith.constant 0 : i32
      %dma_wait3A_339 = tpu.memref_slice %arg2[%mul3A_4, %dma_wait3A_338] : memref<128x128xi32, #tpu.memory_space<hbm>> -> memref<4x128xi32, #tpu.memory_space<hbm>>
      tpu.wait_dma2 semaphore(%run_scoped3A : memref<!tpu.dma_semaphore, #tpu.memory_space<semaphore_mem>>) src(%dma_wait3A_339 : memref<4x128xi32, #tpu.memory_space<hbm>>) dst(%arg9 : memref<4x128xi32, #tpu.memory_space<vmem>>)
      tpu.yield
    }) : () -> ()
    "tpu.region"() ({
      %run_scoped3A = tpu.sem_alloc : memref<!tpu.dma_semaphore, #tpu.memory_space<semaphore_mem>>
      %dma_start3A_332 = arith.constant 0 : i32
      %dma_start3A_333 = tpu.memref_slice %arg3[%mul3A_4, %dma_start3A_332] : memref<128x128xi32, #tpu.memory_space<hbm>> -> memref<4x128xi32, #tpu.memory_space<hbm>>
      %dma_start3A_334 = arith.constant 0 : i32
      %dma_start3A_335 = tpu.memref_slice %arg3[%mul3A_4, %dma_start3A_334] : memref<128x128xi32, #tpu.memory_space<hbm>> -> memref<4x128xi32, #tpu.memory_space<hbm>>
      tpu.enqueue_dma source(%dma_start3A_335 : memref<4x128xi32, #tpu.memory_space<hbm>>) target(%arg10 : memref<4x128xi32, #tpu.memory_space<vmem>>) target_semaphore(%run_scoped3A : memref<!tpu.dma_semaphore, #tpu.memory_space<semaphore_mem>>)
      %dma_wait3A_336 = arith.constant 0 : i32
      %dma_wait3A_337 = tpu.memref_slice %arg3[%mul3A_4, %dma_wait3A_336] : memref<128x128xi32, #tpu.memory_space<hbm>> -> memref<4x128xi32, #tpu.memory_space<hbm>>
      %dma_wait3A_338 = arith.constant 0 : i32
      %dma_wait3A_339 = tpu.memref_slice %arg3[%mul3A_4, %dma_wait3A_338] : memref<128x128xi32, #tpu.memory_space<hbm>> -> memref<4x128xi32, #tpu.memory_space<hbm>>
      tpu.wait_dma2 semaphore(%run_scoped3A : memref<!tpu.dma_semaphore, #tpu.memory_space<semaphore_mem>>) src(%dma_wait3A_339 : memref<4x128xi32, #tpu.memory_space<hbm>>) dst(%arg10 : memref<4x128xi32, #tpu.memory_space<vmem>>)
      tpu.yield
    }) : () -> ()
    %iota3A = tpu.iota {dimensions = array<i32: 0>} : vector<16xi32>
    %eq3A = arith.constant 15 : i32
    %eq3A_5 = vector.broadcast %eq3A : i32 to vector<16xi32>
    %eq3A_6 = arith.cmpi eq, %iota3A, %eq3A_5 : vector<16xi32>
    %dma_start3A = arith.constant 0 : i32
    %dma_start3A_7 = arith.constant 0 : i32
    %dma_start3A_8 = tpu.memref_slice %arg9[%dma_start3A, %dma_start3A_7] : memref<4x128xi32, #tpu.memory_space<vmem>> -> memref<1x128xi32, #tpu.memory_space<vmem>>
    %dma_start3A_9 = tpu.memref_squeeze %dma_start3A_8 : memref<1x128xi32, #tpu.memory_space<vmem>> -> memref<128xi32, #tpu.memory_space<vmem>>
    %dma_start3A_10 = arith.constant 0 : i32
    %dma_start3A_11 = arith.constant 0 : i32
    %dma_start3A_12 = tpu.memref_slice %arg4[%dma_start3A_10, %dma_start3A_11] : memref<1000000x64xf32, #tpu.memory_space<hbm>> -> memref<1000000x64xf32, #tpu.memory_space<hbm>>
    tpu.enqueue_indirect_dma source(%dma_start3A_12 : memref<1000000x64xf32, #tpu.memory_space<hbm>>) target(%arg11 : memref<128x64xf32, #tpu.memory_space<vmem>>) offsets(%dma_start3A_9 : memref<128xi32, #tpu.memory_space<vmem>>) semaphore(%arg16 : memref<!tpu.dma_semaphore, #tpu.memory_space<semaphore_mem>>)
    %dma_start3A_13 = arith.constant 0 : i32
    %dma_start3A_14 = arith.constant 0 : i32
    %dma_start3A_15 = tpu.memref_slice %arg10[%dma_start3A_13, %dma_start3A_14] : memref<4x128xi32, #tpu.memory_space<vmem>> -> memref<1x128xi32, #tpu.memory_space<vmem>>
    %dma_start3A_16 = tpu.memref_squeeze %dma_start3A_15 : memref<1x128xi32, #tpu.memory_space<vmem>> -> memref<128xi32, #tpu.memory_space<vmem>>
    %dma_start3A_17 = arith.constant 0 : i32
    %dma_start3A_18 = arith.constant 0 : i32
    %dma_start3A_19 = tpu.memref_slice %arg5[%dma_start3A_17, %dma_start3A_18] : memref<1000000x64xf32, #tpu.memory_space<hbm>> -> memref<1000000x64xf32, #tpu.memory_space<hbm>>
    tpu.enqueue_indirect_dma source(%dma_start3A_19 : memref<1000000x64xf32, #tpu.memory_space<hbm>>) target(%arg12 : memref<128x64xf32, #tpu.memory_space<vmem>>) offsets(%dma_start3A_16 : memref<128xi32, #tpu.memory_space<vmem>>) semaphore(%arg16 : memref<!tpu.dma_semaphore, #tpu.memory_space<semaphore_mem>>)
    %dma_start3A_20 = arith.constant 0 : i32
    %dma_start3A_21 = arith.constant 0 : i32
    %dma_start3A_22 = arith.constant 0 : i32
    %dma_start3A_23 = tpu.memref_slice %arg13[%dma_start3A_21, %dma_start3A_22] : memref<4x128xf32, #tpu.memory_space<vmem>> -> memref<1x128xf32, #tpu.memory_space<vmem>>
    %dma_start3A_24 = tpu.memref_squeeze %dma_start3A_23 : memref<1x128xf32, #tpu.memory_space<vmem>> -> memref<128xf32, #tpu.memory_space<vmem>>
    %dma_start3A_25 = arith.constant 0 : i32
    %dma_start3A_26 = tpu.memref_slice %arg9[%dma_start3A_20, %dma_start3A_25] : memref<4x128xi32, #tpu.memory_space<vmem>> -> memref<1x128xi32, #tpu.memory_space<vmem>>
    %dma_start3A_27 = tpu.memref_squeeze %dma_start3A_26 : memref<1x128xi32, #tpu.memory_space<vmem>> -> memref<128xi32, #tpu.memory_space<vmem>>
    %dma_start3A_28 = arith.constant 0 : i32
    %dma_start3A_29 = tpu.memref_slice %arg6[%dma_start3A_28] : memref<1048576xf32, #tpu.memory_space<hbm>> -> memref<1048576xf32, #tpu.memory_space<hbm>>
    tpu.enqueue_indirect_dma source(%dma_start3A_29 : memref<1048576xf32, #tpu.memory_space<hbm>>) target(%dma_start3A_24 : memref<128xf32, #tpu.memory_space<vmem>>) offsets(%dma_start3A_27 : memref<128xi32, #tpu.memory_space<vmem>>) semaphore(%arg16 : memref<!tpu.dma_semaphore, #tpu.memory_space<semaphore_mem>>)
    %dma_start3A_30 = arith.constant 0 : i32
    %dma_start3A_31 = arith.constant 0 : i32
    %dma_start3A_32 = arith.constant 0 : i32
    %dma_start3A_33 = tpu.memref_slice %arg14[%dma_start3A_31, %dma_start3A_32] : memref<4x128xf32, #tpu.memory_space<vmem>> -> memref<1x128xf32, #tpu.memory_space<vmem>>
    %dma_start3A_34 = tpu.memref_squeeze %dma_start3A_33 : memref<1x128xf32, #tpu.memory_space<vmem>> -> memref<128xf32, #tpu.memory_space<vmem>>
    %dma_start3A_35 = arith.constant 0 : i32
    %dma_start3A_36 = tpu.memref_slice %arg10[%dma_start3A_30, %dma_start3A_35] : memref<4x128xi32, #tpu.memory_space<vmem>> -> memref<1x128xi32, #tpu.memory_space<vmem>>
    %dma_start3A_37 = tpu.memref_squeeze %dma_start3A_36 : memref<1x128xi32, #tpu.memory_space<vmem>> -> memref<128xi32, #tpu.memory_space<vmem>>
    %dma_start3A_38 = arith.constant 0 : i32
    %dma_start3A_39 = tpu.memref_slice %arg7[%dma_start3A_38] : memref<1048576xf32, #tpu.memory_space<hbm>> -> memref<1048576xf32, #tpu.memory_space<hbm>>
    tpu.enqueue_indirect_dma source(%dma_start3A_39 : memref<1048576xf32, #tpu.memory_space<hbm>>) target(%dma_start3A_34 : memref<128xf32, #tpu.memory_space<vmem>>) offsets(%dma_start3A_37 : memref<128xi32, #tpu.memory_space<vmem>>) semaphore(%arg16 : memref<!tpu.dma_semaphore, #tpu.memory_space<semaphore_mem>>)
    %dma_wait3A = arith.constant 0 : i32
    %dma_wait3A_40 = arith.constant 0 : i32
    %dma_wait3A_41 = tpu.memref_slice %arg9[%dma_wait3A, %dma_wait3A_40] : memref<4x128xi32, #tpu.memory_space<vmem>> -> memref<1x128xi32, #tpu.memory_space<vmem>>
    %dma_wait3A_42 = tpu.memref_squeeze %dma_wait3A_41 : memref<1x128xi32, #tpu.memory_space<vmem>> -> memref<128xi32, #tpu.memory_space<vmem>>
    %dma_wait3A_43 = arith.constant 0 : i32
    %dma_wait3A_44 = arith.constant 0 : i32
    %dma_wait3A_45 = tpu.memref_slice %arg4[%dma_wait3A_43, %dma_wait3A_44] : memref<1000000x64xf32, #tpu.memory_space<hbm>> -> memref<1000000x64xf32, #tpu.memory_space<hbm>>
    tpu.wait_indirect_dma semaphore(%arg16 : memref<!tpu.dma_semaphore, #tpu.memory_space<semaphore_mem>>) src(%dma_wait3A_45 : memref<1000000x64xf32, #tpu.memory_space<hbm>>) dst(%arg11 : memref<128x64xf32, #tpu.memory_space<vmem>>)
    %dma_wait3A_46 = arith.constant 0 : i32
    %dma_wait3A_47 = arith.constant 0 : i32
    %dma_wait3A_48 = tpu.memref_slice %arg10[%dma_wait3A_46, %dma_wait3A_47] : memref<4x128xi32, #tpu.memory_space<vmem>> -> memref<1x128xi32, #tpu.memory_space<vmem>>
    %dma_wait3A_49 = tpu.memref_squeeze %dma_wait3A_48 : memref<1x128xi32, #tpu.memory_space<vmem>> -> memref<128xi32, #tpu.memory_space<vmem>>
    %dma_wait3A_50 = arith.constant 0 : i32
    %dma_wait3A_51 = arith.constant 0 : i32
    %dma_wait3A_52 = tpu.memref_slice %arg5[%dma_wait3A_50, %dma_wait3A_51] : memref<1000000x64xf32, #tpu.memory_space<hbm>> -> memref<1000000x64xf32, #tpu.memory_space<hbm>>
    tpu.wait_indirect_dma semaphore(%arg16 : memref<!tpu.dma_semaphore, #tpu.memory_space<semaphore_mem>>) src(%dma_wait3A_52 : memref<1000000x64xf32, #tpu.memory_space<hbm>>) dst(%arg12 : memref<128x64xf32, #tpu.memory_space<vmem>>)
    %dma_wait3A_53 = arith.constant 0 : i32
    %dma_wait3A_54 = arith.constant 0 : i32
    %dma_wait3A_55 = arith.constant 0 : i32
    %dma_wait3A_56 = tpu.memref_slice %arg13[%dma_wait3A_54, %dma_wait3A_55] : memref<4x128xf32, #tpu.memory_space<vmem>> -> memref<1x128xf32, #tpu.memory_space<vmem>>
    %dma_wait3A_57 = tpu.memref_squeeze %dma_wait3A_56 : memref<1x128xf32, #tpu.memory_space<vmem>> -> memref<128xf32, #tpu.memory_space<vmem>>
    %dma_wait3A_58 = arith.constant 0 : i32
    %dma_wait3A_59 = tpu.memref_slice %arg9[%dma_wait3A_53, %dma_wait3A_58] : memref<4x128xi32, #tpu.memory_space<vmem>> -> memref<1x128xi32, #tpu.memory_space<vmem>>
    %dma_wait3A_60 = tpu.memref_squeeze %dma_wait3A_59 : memref<1x128xi32, #tpu.memory_space<vmem>> -> memref<128xi32, #tpu.memory_space<vmem>>
    %dma_wait3A_61 = arith.constant 0 : i32
    %dma_wait3A_62 = tpu.memref_slice %arg6[%dma_wait3A_61] : memref<1048576xf32, #tpu.memory_space<hbm>> -> memref<1048576xf32, #tpu.memory_space<hbm>>
    tpu.wait_indirect_dma semaphore(%arg16 : memref<!tpu.dma_semaphore, #tpu.memory_space<semaphore_mem>>) src(%dma_wait3A_62 : memref<1048576xf32, #tpu.memory_space<hbm>>) dst(%dma_wait3A_57 : memref<128xf32, #tpu.memory_space<vmem>>)
    %dma_wait3A_63 = arith.constant 0 : i32
    %dma_wait3A_64 = arith.constant 0 : i32
    %dma_wait3A_65 = arith.constant 0 : i32
    %dma_wait3A_66 = tpu.memref_slice %arg14[%dma_wait3A_64, %dma_wait3A_65] : memref<4x128xf32, #tpu.memory_space<vmem>> -> memref<1x128xf32, #tpu.memory_space<vmem>>
    %dma_wait3A_67 = tpu.memref_squeeze %dma_wait3A_66 : memref<1x128xf32, #tpu.memory_space<vmem>> -> memref<128xf32, #tpu.memory_space<vmem>>
    %dma_wait3A_68 = arith.constant 0 : i32
    %dma_wait3A_69 = tpu.memref_slice %arg10[%dma_wait3A_63, %dma_wait3A_68] : memref<4x128xi32, #tpu.memory_space<vmem>> -> memref<1x128xi32, #tpu.memory_space<vmem>>
    %dma_wait3A_70 = tpu.memref_squeeze %dma_wait3A_69 : memref<1x128xi32, #tpu.memory_space<vmem>> -> memref<128xi32, #tpu.memory_space<vmem>>
    %dma_wait3A_71 = arith.constant 0 : i32
    %dma_wait3A_72 = tpu.memref_slice %arg7[%dma_wait3A_71] : memref<1048576xf32, #tpu.memory_space<hbm>> -> memref<1048576xf32, #tpu.memory_space<hbm>>
    tpu.wait_indirect_dma semaphore(%arg16 : memref<!tpu.dma_semaphore, #tpu.memory_space<semaphore_mem>>) src(%dma_wait3A_72 : memref<1048576xf32, #tpu.memory_space<hbm>>) dst(%dma_wait3A_67 : memref<128xf32, #tpu.memory_space<vmem>>)
    %scan3A = arith.constant 0 : i32
    %scan3A_73 = arith.constant 0 : i32
    %scan3A_74 = arith.constant 8 : i32
    %scan3A_75 = arith.addi %scan3A_73, %scan3A_74 : i32
    %scan3A_76 = arith.constant 1 : i32
    %scan3A_77 = scf.for %scan3A_332 = %scan3A_73 to %scan3A_75 step %scan3A_76 iter_args(%scan3A_333 = %scan3A) -> (i32)  : i32 {
      %mul3A_334 = arith.constant 16 : i32
      %mul3A_335 = arith.muli %scan3A_332, %mul3A_334 : i32
      %add3A_336 = arith.constant 0 : i32
      %add3A_337 = arith.addi %mul3A_335, %add3A_336 : i32
      %get3A = arith.index_cast %add3A_337 : i32 to index
      %get3A_338 = arith.constant 0 : index
      %get3A_339 = tpu.vector_load %arg11[%get3A, %get3A_338] {strides = array<i32>} : memref<128x64xf32, #tpu.memory_space<vmem>>, vector<16xf32>,
      %get3A_340 = arith.index_cast %add3A_337 : i32 to index
      %get3A_341 = arith.constant 0 : index
      %get3A_342 = tpu.vector_load %arg12[%get3A_340, %get3A_341] {strides = array<i32>} : memref<128x64xf32, #tpu.memory_space<vmem>>, vector<16xf32>,
      %mul3A_343 = arith.mulf %get3A_339, %get3A_342 : vector<16xf32>
      %get3A_344 = arith.index_cast %add3A_337 : i32 to index
      %get3A_345 = arith.constant 16 : index
      %get3A_346 = tpu.vector_load %arg11[%get3A_344, %get3A_345] {strides = array<i32>} : memref<128x64xf32, #tpu.memory_space<vmem>>, vector<16xf32>,
      %get3A_347 = arith.index_cast %add3A_337 : i32 to index
      %get3A_348 = arith.constant 16 : index
      %get3A_349 = tpu.vector_load %arg12[%get3A_347, %get3A_348] {strides = array<i32>} : memref<128x64xf32, #tpu.memory_space<vmem>>, vector<16xf32>,
      %mul3A_350 = arith.mulf %get3A_346, %get3A_349 : vector<16xf32>
      %add3A_351 = arith.addf %mul3A_343, %mul3A_350 : vector<16xf32>
      %get3A_352 = arith.index_cast %add3A_337 : i32 to index
      %get3A_353 = arith.constant 32 : index
      %get3A_354 = tpu.vector_load %arg11[%get3A_352, %get3A_353] {strides = array<i32>} : memref<128x64xf32, #tpu.memory_space<vmem>>, vector<16xf32>,
      %get3A_355 = arith.index_cast %add3A_337 : i32 to index
      %get3A_356 = arith.constant 32 : index
      %get3A_357 = tpu.vector_load %arg12[%get3A_355, %get3A_356] {strides = array<i32>} : memref<128x64xf32, #tpu.memory_space<vmem>>, vector<16xf32>,
      %mul3A_358 = arith.mulf %get3A_354, %get3A_357 : vector<16xf32>
      %add3A_359 = arith.addf %add3A_351, %mul3A_358 : vector<16xf32>
      %get3A_360 = arith.index_cast %add3A_337 : i32 to index
      %get3A_361 = arith.constant 48 : index
      %get3A_362 = tpu.vector_load %arg11[%get3A_360, %get3A_361] {strides = array<i32>} : memref<128x64xf32, #tpu.memory_space<vmem>>, vector<16xf32>,
      %get3A_363 = arith.index_cast %add3A_337 : i32 to index
      %get3A_364 = arith.constant 48 : index
      %get3A_365 = tpu.vector_load %arg12[%get3A_363, %get3A_364] {strides = array<i32>} : memref<128x64xf32, #tpu.memory_space<vmem>>, vector<16xf32>,
      %mul3A_366 = arith.mulf %get3A_362, %get3A_365 : vector<16xf32>
      %add3A_367 = arith.addf %add3A_359, %mul3A_366 : vector<16xf32>
      %broadcast_in_dim3A = arith.constant true
      %broadcast_in_dim3A_368 = vector.broadcast %broadcast_in_dim3A : i1 to vector<16xi1>
      %masked_cumsum3A = tpu.scan <sum>, %add3A_367 masked %broadcast_in_dim3A_368 : vector<16xf32>, vector<16xi1> -> vector<16xf32>
      %add3A_369 = arith.constant 0 : i32
      %add3A_370 = arith.addi %add3A_369, %add3A_337 : i32
      %broadcast_in_dim3A_371 = vector.broadcast %add3A_370 : i32 to vector<16xi32>
      tpu.vector_store_idx %arg15[%broadcast_in_dim3A_371], %masked_cumsum3A masked %eq3A_6 : memref<512xf32, #tpu.memory_space<vmem>>[vector<16xi32>], vector<16xf32>, vector<16xi1>
      %mul3A_372 = arith.constant 16 : i32
      %mul3A_373 = arith.muli %scan3A_332, %mul3A_372 : i32
      %add3A_374 = arith.constant 1 : i32
      %add3A_375 = arith.addi %mul3A_373, %add3A_374 : i32
      %get3A_376 = arith.index_cast %add3A_375 : i32 to index
      %get3A_377 = arith.constant 0 : index
      %get3A_378 = tpu.vector_load %arg11[%get3A_376, %get3A_377] {strides = array<i32>} : memref<128x64xf32, #tpu.memory_space<vmem>>, vector<16xf32>,
      %get3A_379 = arith.index_cast %add3A_375 : i32 to index
      %get3A_380 = arith.constant 0 : index
      %get3A_381 = tpu.vector_load %arg12[%get3A_379, %get3A_380] {strides = array<i32>} : memref<128x64xf32, #tpu.memory_space<vmem>>, vector<16xf32>,
      %mul3A_382 = arith.mulf %get3A_378, %get3A_381 : vector<16xf32>
      %get3A_383 = arith.index_cast %add3A_375 : i32 to index
      %get3A_384 = arith.constant 16 : index
      %get3A_385 = tpu.vector_load %arg11[%get3A_383, %get3A_384] {strides = array<i32>} : memref<128x64xf32, #tpu.memory_space<vmem>>, vector<16xf32>,
      %get3A_386 = arith.index_cast %add3A_375 : i32 to index
      %get3A_387 = arith.constant 16 : index
      %get3A_388 = tpu.vector_load %arg12[%get3A_386, %get3A_387] {strides = array<i32>} : memref<128x64xf32, #tpu.memory_space<vmem>>, vector<16xf32>,
      %mul3A_389 = arith.mulf %get3A_385, %get3A_388 : vector<16xf32>
      %add3A_390 = arith.addf %mul3A_382, %mul3A_389 : vector<16xf32>
      %get3A_391 = arith.index_cast %add3A_375 : i32 to index
      %get3A_392 = arith.constant 32 : index
      %get3A_393 = tpu.vector_load %arg11[%get3A_391, %get3A_392] {strides = array<i32>} : memref<128x64xf32, #tpu.memory_space<vmem>>, vector<16xf32>,
      %get3A_394 = arith.index_cast %add3A_375 : i32 to index
      %get3A_395 = arith.constant 32 : index
      %get3A_396 = tpu.vector_load %arg12[%get3A_394, %get3A_395] {strides = array<i32>} : memref<128x64xf32, #tpu.memory_space<vmem>>, vector<16xf32>,
      %mul3A_397 = arith.mulf %get3A_393, %get3A_396 : vector<16xf32>
      %add3A_398 = arith.addf %add3A_390, %mul3A_397 : vector<16xf32>
      %get3A_399 = arith.index_cast %add3A_375 : i32 to index
      %get3A_400 = arith.constant 48 : index
      %get3A_401 = tpu.vector_load %arg11[%get3A_399, %get3A_400] {strides = array<i32>} : memref<128x64xf32, #tpu.memory_space<vmem>>, vector<16xf32>,
      %get3A_402 = arith.index_cast %add3A_375 : i32 to index
      %get3A_403 = arith.constant 48 : index
      %get3A_404 = tpu.vector_load %arg12[%get3A_402, %get3A_403] {strides = array<i32>} : memref<128x64xf32, #tpu.memory_space<vmem>>, vector<16xf32>,
      %mul3A_405 = arith.mulf %get3A_401, %get3A_404 : vector<16xf32>
      %add3A_406 = arith.addf %add3A_398, %mul3A_405 : vector<16xf32>
      %broadcast_in_dim3A_407 = arith.constant true
      %broadcast_in_dim3A_408 = vector.broadcast %broadcast_in_dim3A_407 : i1 to vector<16xi1>
      %masked_cumsum3A_409 = tpu.scan <sum>, %add3A_406 masked %broadcast_in_dim3A_408 : vector<16xf32>, vector<16xi1> -> vector<16xf32>
      %add3A_410 = arith.constant 0 : i32
      %add3A_411 = arith.addi %add3A_410, %add3A_375 : i32
      %broadcast_in_dim3A_412 = vector.broadcast %add3A_411 : i32 to vector<16xi32>
      tpu.vector_store_idx %arg15[%broadcast_in_dim3A_412], %masked_cumsum3A_409 masked %eq3A_6 : memref<512xf32, #tpu.memory_space<vmem>>[vector<16xi32>], vector<16xf32>, vector<16xi1>
      %mul3A_413 = arith.constant 16 : i32
      %mul3A_414 = arith.muli %scan3A_332, %mul3A_413 : i32
      %add3A_415 = arith.constant 2 : i32
      %add3A_416 = arith.addi %mul3A_414, %add3A_415 : i32
      %get3A_417 = arith.index_cast %add3A_416 : i32 to index
      %get3A_418 = arith.constant 0 : index
      %get3A_419 = tpu.vector_load %arg11[%get3A_417, %get3A_418] {strides = array<i32>} : memref<128x64xf32, #tpu.memory_space<vmem>>, vector<16xf32>,
      %get3A_420 = arith.index_cast %add3A_416 : i32 to index
      %get3A_421 = arith.constant 0 : index
      %get3A_422 = tpu.vector_load %arg12[%get3A_420, %get3A_421] {strides = array<i32>} : memref<128x64xf32, #tpu.memory_space<vmem>>, vector<16xf32>,
      %mul3A_423 = arith.mulf %get3A_419, %get3A_422 : vector<16xf32>
      %get3A_424 = arith.index_cast %add3A_416 : i32 to index
      %get3A_425 = arith.constant 16 : index
      %get3A_426 = tpu.vector_load %arg11[%get3A_424, %get3A_425] {strides = array<i32>} : memref<128x64xf32, #tpu.memory_space<vmem>>, vector<16xf32>,
      %get3A_427 = arith.index_cast %add3A_416 : i32 to index
      %get3A_428 = arith.constant 16 : index
      %get3A_429 = tpu.vector_load %arg12[%get3A_427, %get3A_428] {strides = array<i32>} : memref<128x64xf32, #tpu.memory_space<vmem>>, vector<16xf32>,
      %mul3A_430 = arith.mulf %get3A_426, %get3A_429 : vector<16xf32>
      %add3A_431 = arith.addf %mul3A_423, %mul3A_430 : vector<16xf32>
      %get3A_432 = arith.index_cast %add3A_416 : i32 to index
      %get3A_433 = arith.constant 32 : index
      %get3A_434 = tpu.vector_load %arg11[%get3A_432, %get3A_433] {strides = array<i32>} : memref<128x64xf32, #tpu.memory_space<vmem>>, vector<16xf32>,
      %get3A_435 = arith.index_cast %add3A_416 : i32 to index
      %get3A_436 = arith.constant 32 : index
      %get3A_437 = tpu.vector_load %arg12[%get3A_435, %get3A_436] {strides = array<i32>} : memref<128x64xf32, #tpu.memory_space<vmem>>, vector<16xf32>,
      %mul3A_438 = arith.mulf %get3A_434, %get3A_437 : vector<16xf32>
      %add3A_439 = arith.addf %add3A_431, %mul3A_438 : vector<16xf32>
      %get3A_440 = arith.index_cast %add3A_416 : i32 to index
      %get3A_441 = arith.constant 48 : index
      %get3A_442 = tpu.vector_load %arg11[%get3A_440, %get3A_441] {strides = array<i32>} : memref<128x64xf32, #tpu.memory_space<vmem>>, vector<16xf32>,
      %get3A_443 = arith.index_cast %add3A_416 : i32 to index
      %get3A_444 = arith.constant 48 : index
      %get3A_445 = tpu.vector_load %arg12[%get3A_443, %get3A_444] {strides = array<i32>} : memref<128x64xf32, #tpu.memory_space<vmem>>, vector<16xf32>,
      %mul3A_446 = arith.mulf %get3A_442, %get3A_445 : vector<16xf32>
      %add3A_447 = arith.addf %add3A_439, %mul3A_446 : vector<16xf32>
      %broadcast_in_dim3A_448 = arith.constant true
      %broadcast_in_dim3A_449 = vector.broadcast %broadcast_in_dim3A_448 : i1 to vector<16xi1>
      %masked_cumsum3A_450 = tpu.scan <sum>, %add3A_447 masked %broadcast_in_dim3A_449 : vector<16xf32>, vector<16xi1> -> vector<16xf32>
      %add3A_451 = arith.constant 0 : i32
      %add3A_452 = arith.addi %add3A_451, %add3A_416 : i32
      %broadcast_in_dim3A_453 = vector.broadcast %add3A_452 : i32 to vector<16xi32>
      tpu.vector_store_idx %arg15[%broadcast_in_dim3A_453], %masked_cumsum3A_450 masked %eq3A_6 : memref<512xf32, #tpu.memory_space<vmem>>[vector<16xi32>], vector<16xf32>, vector<16xi1>
      %mul3A_454 = arith.constant 16 : i32
      %mul3A_455 = arith.muli %scan3A_332, %mul3A_454 : i32
      %add3A_456 = arith.constant 3 : i32
      %add3A_457 = arith.addi %mul3A_455, %add3A_456 : i32
      %get3A_458 = arith.index_cast %add3A_457 : i32 to index
      %get3A_459 = arith.constant 0 : index
      %get3A_460 = tpu.vector_load %arg11[%get3A_458, %get3A_459] {strides = array<i32>} : memref<128x64xf32, #tpu.memory_space<vmem>>, vector<16xf32>,
      %get3A_461 = arith.index_cast %add3A_457 : i32 to index
      %get3A_462 = arith.constant 0 : index
      %get3A_463 = tpu.vector_load %arg12[%get3A_461, %get3A_462] {strides = array<i32>} : memref<128x64xf32, #tpu.memory_space<vmem>>, vector<16xf32>,
      %mul3A_464 = arith.mulf %get3A_460, %get3A_463 : vector<16xf32>
      %get3A_465 = arith.index_cast %add3A_457 : i32 to index
      %get3A_466 = arith.constant 16 : index
      %get3A_467 = tpu.vector_load %arg11[%get3A_465, %get3A_466] {strides = array<i32>} : memref<128x64xf32, #tpu.memory_space<vmem>>, vector<16xf32>,
      %get3A_468 = arith.index_cast %add3A_457 : i32 to index
      %get3A_469 = arith.constant 16 : index
      %get3A_470 = tpu.vector_load %arg12[%get3A_468, %get3A_469] {strides = array<i32>} : memref<128x64xf32, #tpu.memory_space<vmem>>, vector<16xf32>,
      %mul3A_471 = arith.mulf %get3A_467, %get3A_470 : vector<16xf32>
      %add3A_472 = arith.addf %mul3A_464, %mul3A_471 : vector<16xf32>
      %get3A_473 = arith.index_cast %add3A_457 : i32 to index
      %get3A_474 = arith.constant 32 : index
      %get3A_475 = tpu.vector_load %arg11[%get3A_473, %get3A_474] {strides = array<i32>} : memref<128x64xf32, #tpu.memory_space<vmem>>, vector<16xf32>,
      %get3A_476 = arith.index_cast %add3A_457 : i32 to index
      %get3A_477 = arith.constant 32 : index
      %get3A_478 = tpu.vector_load %arg12[%get3A_476, %get3A_477] {strides = array<i32>} : memref<128x64xf32, #tpu.memory_space<vmem>>, vector<16xf32>,
      %mul3A_479 = arith.mulf %get3A_475, %get3A_478 : vector<16xf32>
      %add3A_480 = arith.addf %add3A_472, %mul3A_479 : vector<16xf32>
      %get3A_481 = arith.index_cast %add3A_457 : i32 to index
      %get3A_482 = arith.constant 48 : index
      %get3A_483 = tpu.vector_load %arg11[%get3A_481, %get3A_482] {strides = array<i32>} : memref<128x64xf32, #tpu.memory_space<vmem>>, vector<16xf32>,
      %get3A_484 = arith.index_cast %add3A_457 : i32 to index
      %get3A_485 = arith.constant 48 : index
      %get3A_486 = tpu.vector_load %arg12[%get3A_484, %get3A_485] {strides = array<i32>} : memref<128x64xf32, #tpu.memory_space<vmem>>, vector<16xf32>,
      %mul3A_487 = arith.mulf %get3A_483, %get3A_486 : vector<16xf32>
      %add3A_488 = arith.addf %add3A_480, %mul3A_487 : vector<16xf32>
      %broadcast_in_dim3A_489 = arith.constant true
      %broadcast_in_dim3A_490 = vector.broadcast %broadcast_in_dim3A_489 : i1 to vector<16xi1>
      %masked_cumsum3A_491 = tpu.scan <sum>, %add3A_488 masked %broadcast_in_dim3A_490 : vector<16xf32>, vector<16xi1> -> vector<16xf32>
      %add3A_492 = arith.constant 0 : i32
      %add3A_493 = arith.addi %add3A_492, %add3A_457 : i32
      %broadcast_in_dim3A_494 = vector.broadcast %add3A_493 : i32 to vector<16xi32>
      tpu.vector_store_idx %arg15[%broadcast_in_dim3A_494], %masked_cumsum3A_491 masked %eq3A_6 : memref<512xf32, #tpu.memory_space<vmem>>[vector<16xi32>], vector<16xf32>, vector<16xi1>
      %mul3A_495 = arith.constant 16 : i32
      %mul3A_496 = arith.muli %scan3A_332, %mul3A_495 : i32
      %add3A_497 = arith.constant 4 : i32
      %add3A_498 = arith.addi %mul3A_496, %add3A_497 : i32
      %get3A_499 = arith.index_cast %add3A_498 : i32 to index
      %get3A_500 = arith.constant 0 : index
      %get3A_501 = tpu.vector_load %arg11[%get3A_499, %get3A_500] {strides = array<i32>} : memref<128x64xf32, #tpu.memory_space<vmem>>, vector<16xf32>,
      %get3A_502 = arith.index_cast %add3A_498 : i32 to index
      %get3A_503 = arith.constant 0 : index
      %get3A_504 = tpu.vector_load %arg12[%get3A_502, %get3A_503] {strides = array<i32>} : memref<128x64xf32, #tpu.memory_space<vmem>>, vector<16xf32>,
      %mul3A_505 = arith.mulf %get3A_501, %get3A_504 : vector<16xf32>
      %get3A_506 = arith.index_cast %add3A_498 : i32 to index
      %get3A_507 = arith.constant 16 : index
      %get3A_508 = tpu.vector_load %arg11[%get3A_506, %get3A_507] {strides = array<i32>} : memref<128x64xf32, #tpu.memory_space<vmem>>, vector<16xf32>,
      %get3A_509 = arith.index_cast %add3A_498 : i32 to index
      %get3A_510 = arith.constant 16 : index
      %get3A_511 = tpu.vector_load %arg12[%get3A_509, %get3A_510] {strides = array<i32>} : memref<128x64xf32, #tpu.memory_space<vmem>>, vector<16xf32>,
      %mul3A_512 = arith.mulf %get3A_508, %get3A_511 : vector<16xf32>
      %add3A_513 = arith.addf %mul3A_505, %mul3A_512 : vector<16xf32>
      %get3A_514 = arith.index_cast %add3A_498 : i32 to index
      %get3A_515 = arith.constant 32 : index
      %get3A_516 = tpu.vector_load %arg11[%get3A_514, %get3A_515] {strides = array<i32>} : memref<128x64xf32, #tpu.memory_space<vmem>>, vector<16xf32>,
      %get3A_517 = arith.index_cast %add3A_498 : i32 to index
      %get3A_518 = arith.constant 32 : index
      %get3A_519 = tpu.vector_load %arg12[%get3A_517, %get3A_518] {strides = array<i32>} : memref<128x64xf32, #tpu.memory_space<vmem>>, vector<16xf32>,
      %mul3A_520 = arith.mulf %get3A_516, %get3A_519 : vector<16xf32>
      %add3A_521 = arith.addf %add3A_513, %mul3A_520 : vector<16xf32>
      %get3A_522 = arith.index_cast %add3A_498 : i32 to index
      %get3A_523 = arith.constant 48 : index
      %get3A_524 = tpu.vector_load %arg11[%get3A_522, %get3A_523] {strides = array<i32>} : memref<128x64xf32, #tpu.memory_space<vmem>>, vector<16xf32>,
      %get3A_525 = arith.index_cast %add3A_498 : i32 to index
      %get3A_526 = arith.constant 48 : index
      %get3A_527 = tpu.vector_load %arg12[%get3A_525, %get3A_526] {strides = array<i32>} : memref<128x64xf32, #tpu.memory_space<vmem>>, vector<16xf32>,
      %mul3A_528 = arith.mulf %get3A_524, %get3A_527 : vector<16xf32>
      %add3A_529 = arith.addf %add3A_521, %mul3A_528 : vector<16xf32>
      %broadcast_in_dim3A_530 = arith.constant true
      %broadcast_in_dim3A_531 = vector.broadcast %broadcast_in_dim3A_530 : i1 to vector<16xi1>
      %masked_cumsum3A_532 = tpu.scan <sum>, %add3A_529 masked %broadcast_in_dim3A_531 : vector<16xf32>, vector<16xi1> -> vector<16xf32>
      %add3A_533 = arith.constant 0 : i32
      %add3A_534 = arith.addi %add3A_533, %add3A_498 : i32
      %broadcast_in_dim3A_535 = vector.broadcast %add3A_534 : i32 to vector<16xi32>
      tpu.vector_store_idx %arg15[%broadcast_in_dim3A_535], %masked_cumsum3A_532 masked %eq3A_6 : memref<512xf32, #tpu.memory_space<vmem>>[vector<16xi32>], vector<16xf32>, vector<16xi1>
      %mul3A_536 = arith.constant 16 : i32
      %mul3A_537 = arith.muli %scan3A_332, %mul3A_536 : i32
      %add3A_538 = arith.constant 5 : i32
      %add3A_539 = arith.addi %mul3A_537, %add3A_538 : i32
      %get3A_540 = arith.index_cast %add3A_539 : i32 to index
      %get3A_541 = arith.constant 0 : index
      %get3A_542 = tpu.vector_load %arg11[%get3A_540, %get3A_541] {strides = array<i32>} : memref<128x64xf32, #tpu.memory_space<vmem>>, vector<16xf32>,
      %get3A_543 = arith.index_cast %add3A_539 : i32 to index
      %get3A_544 = arith.constant 0 : index
      %get3A_545 = tpu.vector_load %arg12[%get3A_543, %get3A_544] {strides = array<i32>} : memref<128x64xf32, #tpu.memory_space<vmem>>, vector<16xf32>,
      %mul3A_546 = arith.mulf %get3A_542, %get3A_545 : vector<16xf32>
      %get3A_547 = arith.index_cast %add3A_539 : i32 to index
      %get3A_548 = arith.constant 16 : index
      %get3A_549 = tpu.vector_load %arg11[%get3A_547, %get3A_548] {strides = array<i32>} : memref<128x64xf32, #tpu.memory_space<vmem>>, vector<16xf32>,
      %get3A_550 = arith.index_cast %add3A_539 : i32 to index
      %get3A_551 = arith.constant 16 : index
      %get3A_552 = tpu.vector_load %arg12[%get3A_550, %get3A_551] {strides = array<i32>} : memref<128x64xf32, #tpu.memory_space<vmem>>, vector<16xf32>,
      %mul3A_553 = arith.mulf %get3A_549, %get3A_552 : vector<16xf32>
      %add3A_554 = arith.addf %mul3A_546, %mul3A_553 : vector<16xf32>
      %get3A_555 = arith.index_cast %add3A_539 : i32 to index
      %get3A_556 = arith.constant 32 : index
      %get3A_557 = tpu.vector_load %arg11[%get3A_555, %get3A_556] {strides = array<i32>} : memref<128x64xf32, #tpu.memory_space<vmem>>, vector<16xf32>,
      %get3A_558 = arith.index_cast %add3A_539 : i32 to index
      %get3A_559 = arith.constant 32 : index
      %get3A_560 = tpu.vector_load %arg12[%get3A_558, %get3A_559] {strides = array<i32>} : memref<128x64xf32, #tpu.memory_space<vmem>>, vector<16xf32>,
      %mul3A_561 = arith.mulf %get3A_557, %get3A_560 : vector<16xf32>
      %add3A_562 = arith.addf %add3A_554, %mul3A_561 : vector<16xf32>
      %get3A_563 = arith.index_cast %add3A_539 : i32 to index
      %get3A_564 = arith.constant 48 : index
      %get3A_565 = tpu.vector_load %arg11[%get3A_563, %get3A_564] {strides = array<i32>} : memref<128x64xf32, #tpu.memory_space<vmem>>, vector<16xf32>,
      %get3A_566 = arith.index_cast %add3A_539 : i32 to index
      %get3A_567 = arith.constant 48 : index
      %get3A_568 = tpu.vector_load %arg12[%get3A_566, %get3A_567] {strides = array<i32>} : memref<128x64xf32, #tpu.memory_space<vmem>>, vector<16xf32>,
      %mul3A_569 = arith.mulf %get3A_565, %get3A_568 : vector<16xf32>
      %add3A_570 = arith.addf %add3A_562, %mul3A_569 : vector<16xf32>
      %broadcast_in_dim3A_571 = arith.constant true
      %broadcast_in_dim3A_572 = vector.broadcast %broadcast_in_dim3A_571 : i1 to vector<16xi1>
      %masked_cumsum3A_573 = tpu.scan <sum>, %add3A_570 masked %broadcast_in_dim3A_572 : vector<16xf32>, vector<16xi1> -> vector<16xf32>
      %add3A_574 = arith.constant 0 : i32
      %add3A_575 = arith.addi %add3A_574, %add3A_539 : i32
      %broadcast_in_dim3A_576 = vector.broadcast %add3A_575 : i32 to vector<16xi32>
      tpu.vector_store_idx %arg15[%broadcast_in_dim3A_576], %masked_cumsum3A_573 masked %eq3A_6 : memref<512xf32, #tpu.memory_space<vmem>>[vector<16xi32>], vector<16xf32>, vector<16xi1>
      %mul3A_577 = arith.constant 16 : i32
      %mul3A_578 = arith.muli %scan3A_332, %mul3A_577 : i32
      %add3A_579 = arith.constant 6 : i32
      %add3A_580 = arith.addi %mul3A_578, %add3A_579 : i32
      %get3A_581 = arith.index_cast %add3A_580 : i32 to index
      %get3A_582 = arith.constant 0 : index
      %get3A_583 = tpu.vector_load %arg11[%get3A_581, %get3A_582] {strides = array<i32>} : memref<128x64xf32, #tpu.memory_space<vmem>>, vector<16xf32>,
      %get3A_584 = arith.index_cast %add3A_580 : i32 to index
      %get3A_585 = arith.constant 0 : index
      %get3A_586 = tpu.vector_load %arg12[%get3A_584, %get3A_585] {strides = array<i32>} : memref<128x64xf32, #tpu.memory_space<vmem>>, vector<16xf32>,
      %mul3A_587 = arith.mulf %get3A_583, %get3A_586 : vector<16xf32>
      %get3A_588 = arith.index_cast %add3A_580 : i32 to index
      %get3A_589 = arith.constant 16 : index
      %get3A_590 = tpu.vector_load %arg11[%get3A_588, %get3A_589] {strides = array<i32>} : memref<128x64xf32, #tpu.memory_space<vmem>>, vector<16xf32>,
      %get3A_591 = arith.index_cast %add3A_580 : i32 to index
      %get3A_592 = arith.constant 16 : index
      %get3A_593 = tpu.vector_load %arg12[%get3A_591, %get3A_592] {strides = array<i32>} : memref<128x64xf32, #tpu.memory_space<vmem>>, vector<16xf32>,
      %mul3A_594 = arith.mulf %get3A_590, %get3A_593 : vector<16xf32>
      %add3A_595 = arith.addf %mul3A_587, %mul3A_594 : vector<16xf32>
      %get3A_596 = arith.index_cast %add3A_580 : i32 to index
      %get3A_597 = arith.constant 32 : index
      %get3A_598 = tpu.vector_load %arg11[%get3A_596, %get3A_597] {strides = array<i32>} : memref<128x64xf32, #tpu.memory_space<vmem>>, vector<16xf32>,
      %get3A_599 = arith.index_cast %add3A_580 : i32 to index
      %get3A_600 = arith.constant 32 : index
      %get3A_601 = tpu.vector_load %arg12[%get3A_599, %get3A_600] {strides = array<i32>} : memref<128x64xf32, #tpu.memory_space<vmem>>, vector<16xf32>,
      %mul3A_602 = arith.mulf %get3A_598, %get3A_601 : vector<16xf32>
      %add3A_603 = arith.addf %add3A_595, %mul3A_602 : vector<16xf32>
      %get3A_604 = arith.index_cast %add3A_580 : i32 to index
      %get3A_605 = arith.constant 48 : index
      %get3A_606 = tpu.vector_load %arg11[%get3A_604, %get3A_605] {strides = array<i32>} : memref<128x64xf32, #tpu.memory_space<vmem>>, vector<16xf32>,
      %get3A_607 = arith.index_cast %add3A_580 : i32 to index
      %get3A_608 = arith.constant 48 : index
      %get3A_609 = tpu.vector_load %arg12[%get3A_607, %get3A_608] {strides = array<i32>} : memref<128x64xf32, #tpu.memory_space<vmem>>, vector<16xf32>,
      %mul3A_610 = arith.mulf %get3A_606, %get3A_609 : vector<16xf32>
      %add3A_611 = arith.addf %add3A_603, %mul3A_610 : vector<16xf32>
      %broadcast_in_dim3A_612 = arith.constant true
      %broadcast_in_dim3A_613 = vector.broadcast %broadcast_in_dim3A_612 : i1 to vector<16xi1>
      %masked_cumsum3A_614 = tpu.scan <sum>, %add3A_611 masked %broadcast_in_dim3A_613 : vector<16xf32>, vector<16xi1> -> vector<16xf32>
      %add3A_615 = arith.constant 0 : i32
      %add3A_616 = arith.addi %add3A_615, %add3A_580 : i32
      %broadcast_in_dim3A_617 = vector.broadcast %add3A_616 : i32 to vector<16xi32>
      tpu.vector_store_idx %arg15[%broadcast_in_dim3A_617], %masked_cumsum3A_614 masked %eq3A_6 : memref<512xf32, #tpu.memory_space<vmem>>[vector<16xi32>], vector<16xf32>, vector<16xi1>
      %mul3A_618 = arith.constant 16 : i32
      %mul3A_619 = arith.muli %scan3A_332, %mul3A_618 : i32
      %add3A_620 = arith.constant 7 : i32
      %add3A_621 = arith.addi %mul3A_619, %add3A_620 : i32
      %get3A_622 = arith.index_cast %add3A_621 : i32 to index
      %get3A_623 = arith.constant 0 : index
      %get3A_624 = tpu.vector_load %arg11[%get3A_622, %get3A_623] {strides = array<i32>} : memref<128x64xf32, #tpu.memory_space<vmem>>, vector<16xf32>,
      %get3A_625 = arith.index_cast %add3A_621 : i32 to index
      %get3A_626 = arith.constant 0 : index
      %get3A_627 = tpu.vector_load %arg12[%get3A_625, %get3A_626] {strides = array<i32>} : memref<128x64xf32, #tpu.memory_space<vmem>>, vector<16xf32>,
      %mul3A_628 = arith.mulf %get3A_624, %get3A_627 : vector<16xf32>
      %get3A_629 = arith.index_cast %add3A_621 : i32 to index
      %get3A_630 = arith.constant 16 : index
      %get3A_631 = tpu.vector_load %arg11[%get3A_629, %get3A_630] {strides = array<i32>} : memref<128x64xf32, #tpu.memory_space<vmem>>, vector<16xf32>,
      %get3A_632 = arith.index_cast %add3A_621 : i32 to index
      %get3A_633 = arith.constant 16 : index
      %get3A_634 = tpu.vector_load %arg12[%get3A_632, %get3A_633] {strides = array<i32>} : memref<128x64xf32, #tpu.memory_space<vmem>>, vector<16xf32>,
      %mul3A_635 = arith.mulf %get3A_631, %get3A_634 : vector<16xf32>
      %add3A_636 = arith.addf %mul3A_628, %mul3A_635 : vector<16xf32>
      %get3A_637 = arith.index_cast %add3A_621 : i32 to index
      %get3A_638 = arith.constant 32 : index
      %get3A_639 = tpu.vector_load %arg11[%get3A_637, %get3A_638] {strides = array<i32>} : memref<128x64xf32, #tpu.memory_space<vmem>>, vector<16xf32>,
      %get3A_640 = arith.index_cast %add3A_621 : i32 to index
      %get3A_641 = arith.constant 32 : index
      %get3A_642 = tpu.vector_load %arg12[%get3A_640, %get3A_641] {strides = array<i32>} : memref<128x64xf32, #tpu.memory_space<vmem>>, vector<16xf32>,
      %mul3A_643 = arith.mulf %get3A_639, %get3A_642 : vector<16xf32>
      %add3A_644 = arith.addf %add3A_636, %mul3A_643 : vector<16xf32>
      %get3A_645 = arith.index_cast %add3A_621 : i32 to index
      %get3A_646 = arith.constant 48 : index
      %get3A_647 = tpu.vector_load %arg11[%get3A_645, %get3A_646] {strides = array<i32>} : memref<128x64xf32, #tpu.memory_space<vmem>>, vector<16xf32>,
      %get3A_648 = arith.index_cast %add3A_621 : i32 to index
      %get3A_649 = arith.constant 48 : index
      %get3A_650 = tpu.vector_load %arg12[%get3A_648, %get3A_649] {strides = array<i32>} : memref<128x64xf32, #tpu.memory_space<vmem>>, vector<16xf32>,
      %mul3A_651 = arith.mulf %get3A_647, %get3A_650 : vector<16xf32>
      %add3A_652 = arith.addf %add3A_644, %mul3A_651 : vector<16xf32>
      %broadcast_in_dim3A_653 = arith.constant true
      %broadcast_in_dim3A_654 = vector.broadcast %broadcast_in_dim3A_653 : i1 to vector<16xi1>
      %masked_cumsum3A_655 = tpu.scan <sum>, %add3A_652 masked %broadcast_in_dim3A_654 : vector<16xf32>, vector<16xi1> -> vector<16xf32>
      %add3A_656 = arith.constant 0 : i32
      %add3A_657 = arith.addi %add3A_656, %add3A_621 : i32
      %broadcast_in_dim3A_658 = vector.broadcast %add3A_657 : i32 to vector<16xi32>
      tpu.vector_store_idx %arg15[%broadcast_in_dim3A_658], %masked_cumsum3A_655 masked %eq3A_6 : memref<512xf32, #tpu.memory_space<vmem>>[vector<16xi32>], vector<16xf32>, vector<16xi1>
      %mul3A_659 = arith.constant 16 : i32
      %mul3A_660 = arith.muli %scan3A_332, %mul3A_659 : i32
      %add3A_661 = arith.constant 8 : i32
      %add3A_662 = arith.addi %mul3A_660, %add3A_661 : i32
      %get3A_663 = arith.index_cast %add3A_662 : i32 to index
      %get3A_664 = arith.constant 0 : index
      %get3A_665 = tpu.vector_load %arg11[%get3A_663, %get3A_664] {strides = array<i32>} : memref<128x64xf32, #tpu.memory_space<vmem>>, vector<16xf32>,
      %get3A_666 = arith.index_cast %add3A_662 : i32 to index
      %get3A_667 = arith.constant 0 : index
      %get3A_668 = tpu.vector_load %arg12[%get3A_666, %get3A_667] {strides = array<i32>} : memref<128x64xf32, #tpu.memory_space<vmem>>, vector<16xf32>,
      %mul3A_669 = arith.mulf %get3A_665, %get3A_668 : vector<16xf32>
      %get3A_670 = arith.index_cast %add3A_662 : i32 to index
      %get3A_671 = arith.constant 16 : index
      %get3A_672 = tpu.vector_load %arg11[%get3A_670, %get3A_671] {strides = array<i32>} : memref<128x64xf32, #tpu.memory_space<vmem>>, vector<16xf32>,
      %get3A_673 = arith.index_cast %add3A_662 : i32 to index
      %get3A_674 = arith.constant 16 : index
      %get3A_675 = tpu.vector_load %arg12[%get3A_673, %get3A_674] {strides = array<i32>} : memref<128x64xf32, #tpu.memory_space<vmem>>, vector<16xf32>,
      %mul3A_676 = arith.mulf %get3A_672, %get3A_675 : vector<16xf32>
      %add3A_677 = arith.addf %mul3A_669, %mul3A_676 : vector<16xf32>
      %get3A_678 = arith.index_cast %add3A_662 : i32 to index
      %get3A_679 = arith.constant 32 : index
      %get3A_680 = tpu.vector_load %arg11[%get3A_678, %get3A_679] {strides = array<i32>} : memref<128x64xf32, #tpu.memory_space<vmem>>, vector<16xf32>,
      %get3A_681 = arith.index_cast %add3A_662 : i32 to index
      %get3A_682 = arith.constant 32 : index
      %get3A_683 = tpu.vector_load %arg12[%get3A_681, %get3A_682] {strides = array<i32>} : memref<128x64xf32, #tpu.memory_space<vmem>>, vector<16xf32>,
      %mul3A_684 = arith.mulf %get3A_680, %get3A_683 : vector<16xf32>
      %add3A_685 = arith.addf %add3A_677, %mul3A_684 : vector<16xf32>
      %get3A_686 = arith.index_cast %add3A_662 : i32 to index
      %get3A_687 = arith.constant 48 : index
      %get3A_688 = tpu.vector_load %arg11[%get3A_686, %get3A_687] {strides = array<i32>} : memref<128x64xf32, #tpu.memory_space<vmem>>, vector<16xf32>,
      %get3A_689 = arith.index_cast %add3A_662 : i32 to index
      %get3A_690 = arith.constant 48 : index
      %get3A_691 = tpu.vector_load %arg12[%get3A_689, %get3A_690] {strides = array<i32>} : memref<128x64xf32, #tpu.memory_space<vmem>>, vector<16xf32>,
      %mul3A_692 = arith.mulf %get3A_688, %get3A_691 : vector<16xf32>
      %add3A_693 = arith.addf %add3A_685, %mul3A_692 : vector<16xf32>
      %broadcast_in_dim3A_694 = arith.constant true
      %broadcast_in_dim3A_695 = vector.broadcast %broadcast_in_dim3A_694 : i1 to vector<16xi1>
      %masked_cumsum3A_696 = tpu.scan <sum>, %add3A_693 masked %broadcast_in_dim3A_695 : vector<16xf32>, vector<16xi1> -> vector<16xf32>
      %add3A_697 = arith.constant 0 : i32
      %add3A_698 = arith.addi %add3A_697, %add3A_662 : i32
      %broadcast_in_dim3A_699 = vector.broadcast %add3A_698 : i32 to vector<16xi32>
      tpu.vector_store_idx %arg15[%broadcast_in_dim3A_699], %masked_cumsum3A_696 masked %eq3A_6 : memref<512xf32, #tpu.memory_space<vmem>>[vector<16xi32>], vector<16xf32>, vector<16xi1>
      %mul3A_700 = arith.constant 16 : i32
      %mul3A_701 = arith.muli %scan3A_332, %mul3A_700 : i32
      %add3A_702 = arith.constant 9 : i32
      %add3A_703 = arith.addi %mul3A_701, %add3A_702 : i32
      %get3A_704 = arith.index_cast %add3A_703 : i32 to index
      %get3A_705 = arith.constant 0 : index
      %get3A_706 = tpu.vector_load %arg11[%get3A_704, %get3A_705] {strides = array<i32>} : memref<128x64xf32, #tpu.memory_space<vmem>>, vector<16xf32>,
      %get3A_707 = arith.index_cast %add3A_703 : i32 to index
      %get3A_708 = arith.constant 0 : index
      %get3A_709 = tpu.vector_load %arg12[%get3A_707, %get3A_708] {strides = array<i32>} : memref<128x64xf32, #tpu.memory_space<vmem>>, vector<16xf32>,
      %mul3A_710 = arith.mulf %get3A_706, %get3A_709 : vector<16xf32>
      %get3A_711 = arith.index_cast %add3A_703 : i32 to index
      %get3A_712 = arith.constant 16 : index
      %get3A_713 = tpu.vector_load %arg11[%get3A_711, %get3A_712] {strides = array<i32>} : memref<128x64xf32, #tpu.memory_space<vmem>>, vector<16xf32>,
      %get3A_714 = arith.index_cast %add3A_703 : i32 to index
      %get3A_715 = arith.constant 16 : index
      %get3A_716 = tpu.vector_load %arg12[%get3A_714, %get3A_715] {strides = array<i32>} : memref<128x64xf32, #tpu.memory_space<vmem>>, vector<16xf32>,
      %mul3A_717 = arith.mulf %get3A_713, %get3A_716 : vector<16xf32>
      %add3A_718 = arith.addf %mul3A_710, %mul3A_717 : vector<16xf32>
      %get3A_719 = arith.index_cast %add3A_703 : i32 to index
      %get3A_720 = arith.constant 32 : index
      %get3A_721 = tpu.vector_load %arg11[%get3A_719, %get3A_720] {strides = array<i32>} : memref<128x64xf32, #tpu.memory_space<vmem>>, vector<16xf32>,
      %get3A_722 = arith.index_cast %add3A_703 : i32 to index
      %get3A_723 = arith.constant 32 : index
      %get3A_724 = tpu.vector_load %arg12[%get3A_722, %get3A_723] {strides = array<i32>} : memref<128x64xf32, #tpu.memory_space<vmem>>, vector<16xf32>,
      %mul3A_725 = arith.mulf %get3A_721, %get3A_724 : vector<16xf32>
      %add3A_726 = arith.addf %add3A_718, %mul3A_725 : vector<16xf32>
      %get3A_727 = arith.index_cast %add3A_703 : i32 to index
      %get3A_728 = arith.constant 48 : index
      %get3A_729 = tpu.vector_load %arg11[%get3A_727, %get3A_728] {strides = array<i32>} : memref<128x64xf32, #tpu.memory_space<vmem>>, vector<16xf32>,
      %get3A_730 = arith.index_cast %add3A_703 : i32 to index
      %get3A_731 = arith.constant 48 : index
      %get3A_732 = tpu.vector_load %arg12[%get3A_730, %get3A_731] {strides = array<i32>} : memref<128x64xf32, #tpu.memory_space<vmem>>, vector<16xf32>,
      %mul3A_733 = arith.mulf %get3A_729, %get3A_732 : vector<16xf32>
      %add3A_734 = arith.addf %add3A_726, %mul3A_733 : vector<16xf32>
      %broadcast_in_dim3A_735 = arith.constant true
      %broadcast_in_dim3A_736 = vector.broadcast %broadcast_in_dim3A_735 : i1 to vector<16xi1>
      %masked_cumsum3A_737 = tpu.scan <sum>, %add3A_734 masked %broadcast_in_dim3A_736 : vector<16xf32>, vector<16xi1> -> vector<16xf32>
      %add3A_738 = arith.constant 0 : i32
      %add3A_739 = arith.addi %add3A_738, %add3A_703 : i32
      %broadcast_in_dim3A_740 = vector.broadcast %add3A_739 : i32 to vector<16xi32>
      tpu.vector_store_idx %arg15[%broadcast_in_dim3A_740], %masked_cumsum3A_737 masked %eq3A_6 : memref<512xf32, #tpu.memory_space<vmem>>[vector<16xi32>], vector<16xf32>, vector<16xi1>
      %mul3A_741 = arith.constant 16 : i32
      %mul3A_742 = arith.muli %scan3A_332, %mul3A_741 : i32
      %add3A_743 = arith.constant 10 : i32
      %add3A_744 = arith.addi %mul3A_742, %add3A_743 : i32
      %get3A_745 = arith.index_cast %add3A_744 : i32 to index
      %get3A_746 = arith.constant 0 : index
      %get3A_747 = tpu.vector_load %arg11[%get3A_745, %get3A_746] {strides = array<i32>} : memref<128x64xf32, #tpu.memory_space<vmem>>, vector<16xf32>,
      %get3A_748 = arith.index_cast %add3A_744 : i32 to index
      %get3A_749 = arith.constant 0 : index
      %get3A_750 = tpu.vector_load %arg12[%get3A_748, %get3A_749] {strides = array<i32>} : memref<128x64xf32, #tpu.memory_space<vmem>>, vector<16xf32>,
      %mul3A_751 = arith.mulf %get3A_747, %get3A_750 : vector<16xf32>
      %get3A_752 = arith.index_cast %add3A_744 : i32 to index
      %get3A_753 = arith.constant 16 : index
      %get3A_754 = tpu.vector_load %arg11[%get3A_752, %get3A_753] {strides = array<i32>} : memref<128x64xf32, #tpu.memory_space<vmem>>, vector<16xf32>,
      %get3A_755 = arith.index_cast %add3A_744 : i32 to index
      %get3A_756 = arith.constant 16 : index
      %get3A_757 = tpu.vector_load %arg12[%get3A_755, %get3A_756] {strides = array<i32>} : memref<128x64xf32, #tpu.memory_space<vmem>>, vector<16xf32>,
      %mul3A_758 = arith.mulf %get3A_754, %get3A_757 : vector<16xf32>
      %add3A_759 = arith.addf %mul3A_751, %mul3A_758 : vector<16xf32>
      %get3A_760 = arith.index_cast %add3A_744 : i32 to index
      %get3A_761 = arith.constant 32 : index
      %get3A_762 = tpu.vector_load %arg11[%get3A_760, %get3A_761] {strides = array<i32>} : memref<128x64xf32, #tpu.memory_space<vmem>>, vector<16xf32>,
      %get3A_763 = arith.index_cast %add3A_744 : i32 to index
      %get3A_764 = arith.constant 32 : index
      %get3A_765 = tpu.vector_load %arg12[%get3A_763, %get3A_764] {strides = array<i32>} : memref<128x64xf32, #tpu.memory_space<vmem>>, vector<16xf32>,
      %mul3A_766 = arith.mulf %get3A_762, %get3A_765 : vector<16xf32>
      %add3A_767 = arith.addf %add3A_759, %mul3A_766 : vector<16xf32>
      %get3A_768 = arith.index_cast %add3A_744 : i32 to index
      %get3A_769 = arith.constant 48 : index
      %get3A_770 = tpu.vector_load %arg11[%get3A_768, %get3A_769] {strides = array<i32>} : memref<128x64xf32, #tpu.memory_space<vmem>>, vector<16xf32>,
      %get3A_771 = arith.index_cast %add3A_744 : i32 to index
      %get3A_772 = arith.constant 48 : index
      %get3A_773 = tpu.vector_load %arg12[%get3A_771, %get3A_772] {strides = array<i32>} : memref<128x64xf32, #tpu.memory_space<vmem>>, vector<16xf32>,
      %mul3A_774 = arith.mulf %get3A_770, %get3A_773 : vector<16xf32>
      %add3A_775 = arith.addf %add3A_767, %mul3A_774 : vector<16xf32>
      %broadcast_in_dim3A_776 = arith.constant true
      %broadcast_in_dim3A_777 = vector.broadcast %broadcast_in_dim3A_776 : i1 to vector<16xi1>
      %masked_cumsum3A_778 = tpu.scan <sum>, %add3A_775 masked %broadcast_in_dim3A_777 : vector<16xf32>, vector<16xi1> -> vector<16xf32>
      %add3A_779 = arith.constant 0 : i32
      %add3A_780 = arith.addi %add3A_779, %add3A_744 : i32
      %broadcast_in_dim3A_781 = vector.broadcast %add3A_780 : i32 to vector<16xi32>
      tpu.vector_store_idx %arg15[%broadcast_in_dim3A_781], %masked_cumsum3A_778 masked %eq3A_6 : memref<512xf32, #tpu.memory_space<vmem>>[vector<16xi32>], vector<16xf32>, vector<16xi1>
      %mul3A_782 = arith.constant 16 : i32
      %mul3A_783 = arith.muli %scan3A_332, %mul3A_782 : i32
      %add3A_784 = arith.constant 11 : i32
      %add3A_785 = arith.addi %mul3A_783, %add3A_784 : i32
      %get3A_786 = arith.index_cast %add3A_785 : i32 to index
      %get3A_787 = arith.constant 0 : index
      %get3A_788 = tpu.vector_load %arg11[%get3A_786, %get3A_787] {strides = array<i32>} : memref<128x64xf32, #tpu.memory_space<vmem>>, vector<16xf32>,
      %get3A_789 = arith.index_cast %add3A_785 : i32 to index
      %get3A_790 = arith.constant 0 : index
      %get3A_791 = tpu.vector_load %arg12[%get3A_789, %get3A_790] {strides = array<i32>} : memref<128x64xf32, #tpu.memory_space<vmem>>, vector<16xf32>,
      %mul3A_792 = arith.mulf %get3A_788, %get3A_791 : vector<16xf32>
      %get3A_793 = arith.index_cast %add3A_785 : i32 to index
      %get3A_794 = arith.constant 16 : index
      %get3A_795 = tpu.vector_load %arg11[%get3A_793, %get3A_794] {strides = array<i32>} : memref<128x64xf32, #tpu.memory_space<vmem>>, vector<16xf32>,
      %get3A_796 = arith.index_cast %add3A_785 : i32 to index
      %get3A_797 = arith.constant 16 : index
      %get3A_798 = tpu.vector_load %arg12[%get3A_796, %get3A_797] {strides = array<i32>} : memref<128x64xf32, #tpu.memory_space<vmem>>, vector<16xf32>,
      %mul3A_799 = arith.mulf %get3A_795, %get3A_798 : vector<16xf32>
      %add3A_800 = arith.addf %mul3A_792, %mul3A_799 : vector<16xf32>
      %get3A_801 = arith.index_cast %add3A_785 : i32 to index
      %get3A_802 = arith.constant 32 : index
      %get3A_803 = tpu.vector_load %arg11[%get3A_801, %get3A_802] {strides = array<i32>} : memref<128x64xf32, #tpu.memory_space<vmem>>, vector<16xf32>,
      %get3A_804 = arith.index_cast %add3A_785 : i32 to index
      %get3A_805 = arith.constant 32 : index
      %get3A_806 = tpu.vector_load %arg12[%get3A_804, %get3A_805] {strides = array<i32>} : memref<128x64xf32, #tpu.memory_space<vmem>>, vector<16xf32>,
      %mul3A_807 = arith.mulf %get3A_803, %get3A_806 : vector<16xf32>
      %add3A_808 = arith.addf %add3A_800, %mul3A_807 : vector<16xf32>
      %get3A_809 = arith.index_cast %add3A_785 : i32 to index
      %get3A_810 = arith.constant 48 : index
      %get3A_811 = tpu.vector_load %arg11[%get3A_809, %get3A_810] {strides = array<i32>} : memref<128x64xf32, #tpu.memory_space<vmem>>, vector<16xf32>,
      %get3A_812 = arith.index_cast %add3A_785 : i32 to index
      %get3A_813 = arith.constant 48 : index
      %get3A_814 = tpu.vector_load %arg12[%get3A_812, %get3A_813] {strides = array<i32>} : memref<128x64xf32, #tpu.memory_space<vmem>>, vector<16xf32>,
      %mul3A_815 = arith.mulf %get3A_811, %get3A_814 : vector<16xf32>
      %add3A_816 = arith.addf %add3A_808, %mul3A_815 : vector<16xf32>
      %broadcast_in_dim3A_817 = arith.constant true
      %broadcast_in_dim3A_818 = vector.broadcast %broadcast_in_dim3A_817 : i1 to vector<16xi1>
      %masked_cumsum3A_819 = tpu.scan <sum>, %add3A_816 masked %broadcast_in_dim3A_818 : vector<16xf32>, vector<16xi1> -> vector<16xf32>
      %add3A_820 = arith.constant 0 : i32
      %add3A_821 = arith.addi %add3A_820, %add3A_785 : i32
      %broadcast_in_dim3A_822 = vector.broadcast %add3A_821 : i32 to vector<16xi32>
      tpu.vector_store_idx %arg15[%broadcast_in_dim3A_822], %masked_cumsum3A_819 masked %eq3A_6 : memref<512xf32, #tpu.memory_space<vmem>>[vector<16xi32>], vector<16xf32>, vector<16xi1>
      %mul3A_823 = arith.constant 16 : i32
      %mul3A_824 = arith.muli %scan3A_332, %mul3A_823 : i32
      %add3A_825 = arith.constant 12 : i32
      %add3A_826 = arith.addi %mul3A_824, %add3A_825 : i32
      %get3A_827 = arith.index_cast %add3A_826 : i32 to index
      %get3A_828 = arith.constant 0 : index
      %get3A_829 = tpu.vector_load %arg11[%get3A_827, %get3A_828] {strides = array<i32>} : memref<128x64xf32, #tpu.memory_space<vmem>>, vector<16xf32>,
      %get3A_830 = arith.index_cast %add3A_826 : i32 to index
      %get3A_831 = arith.constant 0 : index
      %get3A_832 = tpu.vector_load %arg12[%get3A_830, %get3A_831] {strides = array<i32>} : memref<128x64xf32, #tpu.memory_space<vmem>>, vector<16xf32>,
      %mul3A_833 = arith.mulf %get3A_829, %get3A_832 : vector<16xf32>
      %get3A_834 = arith.index_cast %add3A_826 : i32 to index
      %get3A_835 = arith.constant 16 : index
      %get3A_836 = tpu.vector_load %arg11[%get3A_834, %get3A_835] {strides = array<i32>} : memref<128x64xf32, #tpu.memory_space<vmem>>, vector<16xf32>,
      %get3A_837 = arith.index_cast %add3A_826 : i32 to index
      %get3A_838 = arith.constant 16 : index
      %get3A_839 = tpu.vector_load %arg12[%get3A_837, %get3A_838] {strides = array<i32>} : memref<128x64xf32, #tpu.memory_space<vmem>>, vector<16xf32>,
      %mul3A_840 = arith.mulf %get3A_836, %get3A_839 : vector<16xf32>
      %add3A_841 = arith.addf %mul3A_833, %mul3A_840 : vector<16xf32>
      %get3A_842 = arith.index_cast %add3A_826 : i32 to index
      %get3A_843 = arith.constant 32 : index
      %get3A_844 = tpu.vector_load %arg11[%get3A_842, %get3A_843] {strides = array<i32>} : memref<128x64xf32, #tpu.memory_space<vmem>>, vector<16xf32>,
      %get3A_845 = arith.index_cast %add3A_826 : i32 to index
      %get3A_846 = arith.constant 32 : index
      %get3A_847 = tpu.vector_load %arg12[%get3A_845, %get3A_846] {strides = array<i32>} : memref<128x64xf32, #tpu.memory_space<vmem>>, vector<16xf32>,
      %mul3A_848 = arith.mulf %get3A_844, %get3A_847 : vector<16xf32>
      %add3A_849 = arith.addf %add3A_841, %mul3A_848 : vector<16xf32>
      %get3A_850 = arith.index_cast %add3A_826 : i32 to index
      %get3A_851 = arith.constant 48 : index
      %get3A_852 = tpu.vector_load %arg11[%get3A_850, %get3A_851] {strides = array<i32>} : memref<128x64xf32, #tpu.memory_space<vmem>>, vector<16xf32>,
      %get3A_853 = arith.index_cast %add3A_826 : i32 to index
      %get3A_854 = arith.constant 48 : index
      %get3A_855 = tpu.vector_load %arg12[%get3A_853, %get3A_854] {strides = array<i32>} : memref<128x64xf32, #tpu.memory_space<vmem>>, vector<16xf32>,
      %mul3A_856 = arith.mulf %get3A_852, %get3A_855 : vector<16xf32>
      %add3A_857 = arith.addf %add3A_849, %mul3A_856 : vector<16xf32>
      %broadcast_in_dim3A_858 = arith.constant true
      %broadcast_in_dim3A_859 = vector.broadcast %broadcast_in_dim3A_858 : i1 to vector<16xi1>
      %masked_cumsum3A_860 = tpu.scan <sum>, %add3A_857 masked %broadcast_in_dim3A_859 : vector<16xf32>, vector<16xi1> -> vector<16xf32>
      %add3A_861 = arith.constant 0 : i32
      %add3A_862 = arith.addi %add3A_861, %add3A_826 : i32
      %broadcast_in_dim3A_863 = vector.broadcast %add3A_862 : i32 to vector<16xi32>
      tpu.vector_store_idx %arg15[%broadcast_in_dim3A_863], %masked_cumsum3A_860 masked %eq3A_6 : memref<512xf32, #tpu.memory_space<vmem>>[vector<16xi32>], vector<16xf32>, vector<16xi1>
      %mul3A_864 = arith.constant 16 : i32
      %mul3A_865 = arith.muli %scan3A_332, %mul3A_864 : i32
      %add3A_866 = arith.constant 13 : i32
      %add3A_867 = arith.addi %mul3A_865, %add3A_866 : i32
      %get3A_868 = arith.index_cast %add3A_867 : i32 to index
      %get3A_869 = arith.constant 0 : index
      %get3A_870 = tpu.vector_load %arg11[%get3A_868, %get3A_869] {strides = array<i32>} : memref<128x64xf32, #tpu.memory_space<vmem>>, vector<16xf32>,
      %get3A_871 = arith.index_cast %add3A_867 : i32 to index
      %get3A_872 = arith.constant 0 : index
      %get3A_873 = tpu.vector_load %arg12[%get3A_871, %get3A_872] {strides = array<i32>} : memref<128x64xf32, #tpu.memory_space<vmem>>, vector<16xf32>,
      %mul3A_874 = arith.mulf %get3A_870, %get3A_873 : vector<16xf32>
      %get3A_875 = arith.index_cast %add3A_867 : i32 to index
      %get3A_876 = arith.constant 16 : index
      %get3A_877 = tpu.vector_load %arg11[%get3A_875, %get3A_876] {strides = array<i32>} : memref<128x64xf32, #tpu.memory_space<vmem>>, vector<16xf32>,
      %get3A_878 = arith.index_cast %add3A_867 : i32 to index
      %get3A_879 = arith.constant 16 : index
      %get3A_880 = tpu.vector_load %arg12[%get3A_878, %get3A_879] {strides = array<i32>} : memref<128x64xf32, #tpu.memory_space<vmem>>, vector<16xf32>,
      %mul3A_881 = arith.mulf %get3A_877, %get3A_880 : vector<16xf32>
      %add3A_882 = arith.addf %mul3A_874, %mul3A_881 : vector<16xf32>
      %get3A_883 = arith.index_cast %add3A_867 : i32 to index
      %get3A_884 = arith.constant 32 : index
      %get3A_885 = tpu.vector_load %arg11[%get3A_883, %get3A_884] {strides = array<i32>} : memref<128x64xf32, #tpu.memory_space<vmem>>, vector<16xf32>,
      %get3A_886 = arith.index_cast %add3A_867 : i32 to index
      %get3A_887 = arith.constant 32 : index
      %get3A_888 = tpu.vector_load %arg12[%get3A_886, %get3A_887] {strides = array<i32>} : memref<128x64xf32, #tpu.memory_space<vmem>>, vector<16xf32>,
      %mul3A_889 = arith.mulf %get3A_885, %get3A_888 : vector<16xf32>
      %add3A_890 = arith.addf %add3A_882, %mul3A_889 : vector<16xf32>
      %get3A_891 = arith.index_cast %add3A_867 : i32 to index
      %get3A_892 = arith.constant 48 : index
      %get3A_893 = tpu.vector_load %arg11[%get3A_891, %get3A_892] {strides = array<i32>} : memref<128x64xf32, #tpu.memory_space<vmem>>, vector<16xf32>,
      %get3A_894 = arith.index_cast %add3A_867 : i32 to index
      %get3A_895 = arith.constant 48 : index
      %get3A_896 = tpu.vector_load %arg12[%get3A_894, %get3A_895] {strides = array<i32>} : memref<128x64xf32, #tpu.memory_space<vmem>>, vector<16xf32>,
      %mul3A_897 = arith.mulf %get3A_893, %get3A_896 : vector<16xf32>
      %add3A_898 = arith.addf %add3A_890, %mul3A_897 : vector<16xf32>
      %broadcast_in_dim3A_899 = arith.constant true
      %broadcast_in_dim3A_900 = vector.broadcast %broadcast_in_dim3A_899 : i1 to vector<16xi1>
      %masked_cumsum3A_901 = tpu.scan <sum>, %add3A_898 masked %broadcast_in_dim3A_900 : vector<16xf32>, vector<16xi1> -> vector<16xf32>
      %add3A_902 = arith.constant 0 : i32
      %add3A_903 = arith.addi %add3A_902, %add3A_867 : i32
      %broadcast_in_dim3A_904 = vector.broadcast %add3A_903 : i32 to vector<16xi32>
      tpu.vector_store_idx %arg15[%broadcast_in_dim3A_904], %masked_cumsum3A_901 masked %eq3A_6 : memref<512xf32, #tpu.memory_space<vmem>>[vector<16xi32>], vector<16xf32>, vector<16xi1>
      %mul3A_905 = arith.constant 16 : i32
      %mul3A_906 = arith.muli %scan3A_332, %mul3A_905 : i32
      %add3A_907 = arith.constant 14 : i32
      %add3A_908 = arith.addi %mul3A_906, %add3A_907 : i32
      %get3A_909 = arith.index_cast %add3A_908 : i32 to index
      %get3A_910 = arith.constant 0 : index
      %get3A_911 = tpu.vector_load %arg11[%get3A_909, %get3A_910] {strides = array<i32>} : memref<128x64xf32, #tpu.memory_space<vmem>>, vector<16xf32>,
      %get3A_912 = arith.index_cast %add3A_908 : i32 to index
      %get3A_913 = arith.constant 0 : index
      %get3A_914 = tpu.vector_load %arg12[%get3A_912, %get3A_913] {strides = array<i32>} : memref<128x64xf32, #tpu.memory_space<vmem>>, vector<16xf32>,
      %mul3A_915 = arith.mulf %get3A_911, %get3A_914 : vector<16xf32>
      %get3A_916 = arith.index_cast %add3A_908 : i32 to index
      %get3A_917 = arith.constant 16 : index
      %get3A_918 = tpu.vector_load %arg11[%get3A_916, %get3A_917] {strides = array<i32>} : memref<128x64xf32, #tpu.memory_space<vmem>>, vector<16xf32>,
      %get3A_919 = arith.index_cast %add3A_908 : i32 to index
      %get3A_920 = arith.constant 16 : index
      %get3A_921 = tpu.vector_load %arg12[%get3A_919, %get3A_920] {strides = array<i32>} : memref<128x64xf32, #tpu.memory_space<vmem>>, vector<16xf32>,
      %mul3A_922 = arith.mulf %get3A_918, %get3A_921 : vector<16xf32>
      %add3A_923 = arith.addf %mul3A_915, %mul3A_922 : vector<16xf32>
      %get3A_924 = arith.index_cast %add3A_908 : i32 to index
      %get3A_925 = arith.constant 32 : index
      %get3A_926 = tpu.vector_load %arg11[%get3A_924, %get3A_925] {strides = array<i32>} : memref<128x64xf32, #tpu.memory_space<vmem>>, vector<16xf32>,
      %get3A_927 = arith.index_cast %add3A_908 : i32 to index
      %get3A_928 = arith.constant 32 : index
      %get3A_929 = tpu.vector_load %arg12[%get3A_927, %get3A_928] {strides = array<i32>} : memref<128x64xf32, #tpu.memory_space<vmem>>, vector<16xf32>,
      %mul3A_930 = arith.mulf %get3A_926, %get3A_929 : vector<16xf32>
      %add3A_931 = arith.addf %add3A_923, %mul3A_930 : vector<16xf32>
      %get3A_932 = arith.index_cast %add3A_908 : i32 to index
      %get3A_933 = arith.constant 48 : index
      %get3A_934 = tpu.vector_load %arg11[%get3A_932, %get3A_933] {strides = array<i32>} : memref<128x64xf32, #tpu.memory_space<vmem>>, vector<16xf32>,
      %get3A_935 = arith.index_cast %add3A_908 : i32 to index
      %get3A_936 = arith.constant 48 : index
      %get3A_937 = tpu.vector_load %arg12[%get3A_935, %get3A_936] {strides = array<i32>} : memref<128x64xf32, #tpu.memory_space<vmem>>, vector<16xf32>,
      %mul3A_938 = arith.mulf %get3A_934, %get3A_937 : vector<16xf32>
      %add3A_939 = arith.addf %add3A_931, %mul3A_938 : vector<16xf32>
      %broadcast_in_dim3A_940 = arith.constant true
      %broadcast_in_dim3A_941 = vector.broadcast %broadcast_in_dim3A_940 : i1 to vector<16xi1>
      %masked_cumsum3A_942 = tpu.scan <sum>, %add3A_939 masked %broadcast_in_dim3A_941 : vector<16xf32>, vector<16xi1> -> vector<16xf32>
      %add3A_943 = arith.constant 0 : i32
      %add3A_944 = arith.addi %add3A_943, %add3A_908 : i32
      %broadcast_in_dim3A_945 = vector.broadcast %add3A_944 : i32 to vector<16xi32>
      tpu.vector_store_idx %arg15[%broadcast_in_dim3A_945], %masked_cumsum3A_942 masked %eq3A_6 : memref<512xf32, #tpu.memory_space<vmem>>[vector<16xi32>], vector<16xf32>, vector<16xi1>
      %mul3A_946 = arith.constant 16 : i32
      %mul3A_947 = arith.muli %scan3A_332, %mul3A_946 : i32
      %add3A_948 = arith.constant 15 : i32
      %add3A_949 = arith.addi %mul3A_947, %add3A_948 : i32
      %get3A_950 = arith.index_cast %add3A_949 : i32 to index
      %get3A_951 = arith.constant 0 : index
      %get3A_952 = tpu.vector_load %arg11[%get3A_950, %get3A_951] {strides = array<i32>} : memref<128x64xf32, #tpu.memory_space<vmem>>, vector<16xf32>,
      %get3A_953 = arith.index_cast %add3A_949 : i32 to index
      %get3A_954 = arith.constant 0 : index
      %get3A_955 = tpu.vector_load %arg12[%get3A_953, %get3A_954] {strides = array<i32>} : memref<128x64xf32, #tpu.memory_space<vmem>>, vector<16xf32>,
      %mul3A_956 = arith.mulf %get3A_952, %get3A_955 : vector<16xf32>
      %get3A_957 = arith.index_cast %add3A_949 : i32 to index
      %get3A_958 = arith.constant 16 : index
      %get3A_959 = tpu.vector_load %arg11[%get3A_957, %get3A_958] {strides = array<i32>} : memref<128x64xf32, #tpu.memory_space<vmem>>, vector<16xf32>,
      %get3A_960 = arith.index_cast %add3A_949 : i32 to index
      %get3A_961 = arith.constant 16 : index
      %get3A_962 = tpu.vector_load %arg12[%get3A_960, %get3A_961] {strides = array<i32>} : memref<128x64xf32, #tpu.memory_space<vmem>>, vector<16xf32>,
      %mul3A_963 = arith.mulf %get3A_959, %get3A_962 : vector<16xf32>
      %add3A_964 = arith.addf %mul3A_956, %mul3A_963 : vector<16xf32>
      %get3A_965 = arith.index_cast %add3A_949 : i32 to index
      %get3A_966 = arith.constant 32 : index
      %get3A_967 = tpu.vector_load %arg11[%get3A_965, %get3A_966] {strides = array<i32>} : memref<128x64xf32, #tpu.memory_space<vmem>>, vector<16xf32>,
      %get3A_968 = arith.index_cast %add3A_949 : i32 to index
      %get3A_969 = arith.constant 32 : index
      %get3A_970 = tpu.vector_load %arg12[%get3A_968, %get3A_969] {strides = array<i32>} : memref<128x64xf32, #tpu.memory_space<vmem>>, vector<16xf32>,
      %mul3A_971 = arith.mulf %get3A_967, %get3A_970 : vector<16xf32>
      %add3A_972 = arith.addf %add3A_964, %mul3A_971 : vector<16xf32>
      %get3A_973 = arith.index_cast %add3A_949 : i32 to index
      %get3A_974 = arith.constant 48 : index
      %get3A_975 = tpu.vector_load %arg11[%get3A_973, %get3A_974] {strides = array<i32>} : memref<128x64xf32, #tpu.memory_space<vmem>>, vector<16xf32>,
      %get3A_976 = arith.index_cast %add3A_949 : i32 to index
      %get3A_977 = arith.constant 48 : index
      %get3A_978 = tpu.vector_load %arg12[%get3A_976, %get3A_977] {strides = array<i32>} : memref<128x64xf32, #tpu.memory_space<vmem>>, vector<16xf32>,
      %mul3A_979 = arith.mulf %get3A_975, %get3A_978 : vector<16xf32>
      %add3A_980 = arith.addf %add3A_972, %mul3A_979 : vector<16xf32>
      %broadcast_in_dim3A_981 = arith.constant true
      %broadcast_in_dim3A_982 = vector.broadcast %broadcast_in_dim3A_981 : i1 to vector<16xi1>
      %masked_cumsum3A_983 = tpu.scan <sum>, %add3A_980 masked %broadcast_in_dim3A_982 : vector<16xf32>, vector<16xi1> -> vector<16xf32>
      %add3A_984 = arith.constant 0 : i32
      %add3A_985 = arith.addi %add3A_984, %add3A_949 : i32
      %broadcast_in_dim3A_986 = vector.broadcast %add3A_985 : i32 to vector<16xi32>
      tpu.vector_store_idx %arg15[%broadcast_in_dim3A_986], %masked_cumsum3A_983 masked %eq3A_6 : memref<512xf32, #tpu.memory_space<vmem>>[vector<16xi32>], vector<16xf32>, vector<16xi1>
      %scan3A_987 = arith.constant 0 : i32
      scf.yield %scan3A_987 : i32
    }
    %scan3A_78 = arith.constant 8 : i32
    %scan3A_79 = arith.constant 0 : i32
    %scan3A_80 = arith.constant 0 : i32
    %scan3A_81 = arith.constant 8 : i32
    %scan3A_82 = arith.addi %scan3A_80, %scan3A_81 : i32
    %scan3A_83 = arith.constant 1 : i32
    %scan3A_84 = scf.for %scan3A_332 = %scan3A_80 to %scan3A_82 step %scan3A_83 iter_args(%scan3A_333 = %scan3A_79) -> (i32)  : i32 {
      %mul3A_334 = arith.constant 16 : i32
      %mul3A_335 = arith.muli %scan3A_332, %mul3A_334 : i32
      %add3A_336 = arith.constant 0 : i32
      %add3A_337 = arith.addi %add3A_336, %mul3A_335 : i32
      %mul3A_338 = arith.constant 16 : i32
      %mul3A_339 = arith.muli %scan3A_332, %mul3A_338 : i32
      %get3A = arith.index_cast %add3A_337 : i32 to index
      %get3A_340 = tpu.vector_load %arg15[%get3A] {strides = array<i32>} : memref<512xf32, #tpu.memory_space<vmem>>, vector<16xf32>,
      %get3A_341 = arith.constant 0 : i32
      %get3A_342 = arith.index_cast %get3A_341 : i32 to index
      %get3A_343 = arith.index_cast %mul3A_339 : i32 to index
      %get3A_344 = tpu.vector_load %arg13[%get3A_342, %get3A_343] {strides = array<i32>} : memref<4x128xf32, #tpu.memory_space<vmem>>, vector<16xf32>,
      %add3A_345 = arith.addf %get3A_340, %get3A_344 : vector<16xf32>
      %get3A_346 = arith.constant 0 : i32
      %get3A_347 = arith.index_cast %get3A_346 : i32 to index
      %get3A_348 = arith.index_cast %mul3A_339 : i32 to index
      %get3A_349 = tpu.vector_load %arg14[%get3A_347, %get3A_348] {strides = array<i32>} : memref<4x128xf32, #tpu.memory_space<vmem>>, vector<16xf32>,
      %add3A_350 = arith.addf %add3A_345, %get3A_349 : vector<16xf32>
      %swap3A = arith.index_cast %add3A_337 : i32 to index
      %swap3A_351 = tpu.vector_load %arg15[%swap3A] {strides = array<i32>} : memref<512xf32, #tpu.memory_space<vmem>>, vector<16xf32>,
      tpu.vector_store %arg15[%swap3A], %add3A_350 {strides = array<i32>} : memref<512xf32, #tpu.memory_space<vmem>>, vector<16xf32>,
      %scan3A_352 = arith.constant 0 : i32
      scf.yield %scan3A_352 : i32
    }
    %scan3A_85 = arith.constant 8 : i32
    %dma_start3A_86 = arith.constant 1 : i32
    %dma_start3A_87 = arith.constant 0 : i32
    %dma_start3A_88 = tpu.memref_slice %arg9[%dma_start3A_86, %dma_start3A_87] : memref<4x128xi32, #tpu.memory_space<vmem>> -> memref<1x128xi32, #tpu.memory_space<vmem>>
    %dma_start3A_89 = tpu.memref_squeeze %dma_start3A_88 : memref<1x128xi32, #tpu.memory_space<vmem>> -> memref<128xi32, #tpu.memory_space<vmem>>
    %dma_start3A_90 = arith.constant 0 : i32
    %dma_start3A_91 = arith.constant 0 : i32
    %dma_start3A_92 = tpu.memref_slice %arg4[%dma_start3A_90, %dma_start3A_91] : memref<1000000x64xf32, #tpu.memory_space<hbm>> -> memref<1000000x64xf32, #tpu.memory_space<hbm>>
    tpu.enqueue_indirect_dma source(%dma_start3A_92 : memref<1000000x64xf32, #tpu.memory_space<hbm>>) target(%arg11 : memref<128x64xf32, #tpu.memory_space<vmem>>) offsets(%dma_start3A_89 : memref<128xi32, #tpu.memory_space<vmem>>) semaphore(%arg16 : memref<!tpu.dma_semaphore, #tpu.memory_space<semaphore_mem>>)
    %dma_start3A_93 = arith.constant 1 : i32
    %dma_start3A_94 = arith.constant 0 : i32
    %dma_start3A_95 = tpu.memref_slice %arg10[%dma_start3A_93, %dma_start3A_94] : memref<4x128xi32, #tpu.memory_space<vmem>> -> memref<1x128xi32, #tpu.memory_space<vmem>>
    %dma_start3A_96 = tpu.memref_squeeze %dma_start3A_95 : memref<1x128xi32, #tpu.memory_space<vmem>> -> memref<128xi32, #tpu.memory_space<vmem>>
    %dma_start3A_97 = arith.constant 0 : i32
    %dma_start3A_98 = arith.constant 0 : i32
    %dma_start3A_99 = tpu.memref_slice %arg5[%dma_start3A_97, %dma_start3A_98] : memref<1000000x64xf32, #tpu.memory_space<hbm>> -> memref<1000000x64xf32, #tpu.memory_space<hbm>>
    tpu.enqueue_indirect_dma source(%dma_start3A_99 : memref<1000000x64xf32, #tpu.memory_space<hbm>>) target(%arg12 : memref<128x64xf32, #tpu.memory_space<vmem>>) offsets(%dma_start3A_96 : memref<128xi32, #tpu.memory_space<vmem>>) semaphore(%arg16 : memref<!tpu.dma_semaphore, #tpu.memory_space<semaphore_mem>>)
    %dma_start3A_100 = arith.constant 1 : i32
    %dma_start3A_101 = arith.constant 1 : i32
    %dma_start3A_102 = arith.constant 0 : i32
    %dma_start3A_103 = tpu.memref_slice %arg13[%dma_start3A_101, %dma_start3A_102] : memref<4x128xf32, #tpu.memory_space<vmem>> -> memref<1x128xf32, #tpu.memory_space<vmem>>
    %dma_start3A_104 = tpu.memref_squeeze %dma_start3A_103 : memref<1x128xf32, #tpu.memory_space<vmem>> -> memref<128xf32, #tpu.memory_space<vmem>>
    %dma_start3A_105 = arith.constant 0 : i32
    %dma_start3A_106 = tpu.memref_slice %arg9[%dma_start3A_100, %dma_start3A_105] : memref<4x128xi32, #tpu.memory_space<vmem>> -> memref<1x128xi32, #tpu.memory_space<vmem>>
    %dma_start3A_107 = tpu.memref_squeeze %dma_start3A_106 : memref<1x128xi32, #tpu.memory_space<vmem>> -> memref<128xi32, #tpu.memory_space<vmem>>
    %dma_start3A_108 = arith.constant 0 : i32
    %dma_start3A_109 = tpu.memref_slice %arg6[%dma_start3A_108] : memref<1048576xf32, #tpu.memory_space<hbm>> -> memref<1048576xf32, #tpu.memory_space<hbm>>
    tpu.enqueue_indirect_dma source(%dma_start3A_109 : memref<1048576xf32, #tpu.memory_space<hbm>>) target(%dma_start3A_104 : memref<128xf32, #tpu.memory_space<vmem>>) offsets(%dma_start3A_107 : memref<128xi32, #tpu.memory_space<vmem>>) semaphore(%arg16 : memref<!tpu.dma_semaphore, #tpu.memory_space<semaphore_mem>>)
    %dma_start3A_110 = arith.constant 1 : i32
    %dma_start3A_111 = arith.constant 1 : i32
    %dma_start3A_112 = arith.constant 0 : i32
    %dma_start3A_113 = tpu.memref_slice %arg14[%dma_start3A_111, %dma_start3A_112] : memref<4x128xf32, #tpu.memory_space<vmem>> -> memref<1x128xf32, #tpu.memory_space<vmem>>
    %dma_start3A_114 = tpu.memref_squeeze %dma_start3A_113 : memref<1x128xf32, #tpu.memory_space<vmem>> -> memref<128xf32, #tpu.memory_space<vmem>>
    %dma_start3A_115 = arith.constant 0 : i32
    %dma_start3A_116 = tpu.memref_slice %arg10[%dma_start3A_110, %dma_start3A_115] : memref<4x128xi32, #tpu.memory_space<vmem>> -> memref<1x128xi32, #tpu.memory_space<vmem>>
    %dma_start3A_117 = tpu.memref_squeeze %dma_start3A_116 : memref<1x128xi32, #tpu.memory_space<vmem>> -> memref<128xi32, #tpu.memory_space<vmem>>
    %dma_start3A_118 = arith.constant 0 : i32
    %dma_start3A_119 = tpu.memref_slice %arg7[%dma_start3A_118] : memref<1048576xf32, #tpu.memory_space<hbm>> -> memref<1048576xf32, #tpu.memory_space<hbm>>
    tpu.enqueue_indirect_dma source(%dma_start3A_119 : memref<1048576xf32, #tpu.memory_space<hbm>>) target(%dma_start3A_114 : memref<128xf32, #tpu.memory_space<vmem>>) offsets(%dma_start3A_117 : memref<128xi32, #tpu.memory_space<vmem>>) semaphore(%arg16 : memref<!tpu.dma_semaphore, #tpu.memory_space<semaphore_mem>>)
    %dma_wait3A_120 = arith.constant 1 : i32
    %dma_wait3A_121 = arith.constant 0 : i32
    %dma_wait3A_122 = tpu.memref_slice %arg9[%dma_wait3A_120, %dma_wait3A_121] : memref<4x128xi32, #tpu.memory_space<vmem>> -> memref<1x128xi32, #tpu.memory_space<vmem>>
    %dma_wait3A_123 = tpu.memref_squeeze %dma_wait3A_122 : memref<1x128xi32, #tpu.memory_space<vmem>> -> memref<128xi32, #tpu.memory_space<vmem>>
    %dma_wait3A_124 = arith.constant 0 : i32
    %dma_wait3A_125 = arith.constant 0 : i32
    %dma_wait3A_126 = tpu.memref_slice %arg4[%dma_wait3A_124, %dma_wait3A_125] : memref<1000000x64xf32, #tpu.memory_space<hbm>> -> memref<1000000x64xf32, #tpu.memory_space<hbm>>
    tpu.wait_indirect_dma semaphore(%arg16 : memref<!tpu.dma_semaphore, #tpu.memory_space<semaphore_mem>>) src(%dma_wait3A_126 : memref<1000000x64xf32, #tpu.memory_space<hbm>>) dst(%arg11 : memref<128x64xf32, #tpu.memory_space<vmem>>)
    %dma_wait3A_127 = arith.constant 1 : i32
    %dma_wait3A_128 = arith.constant 0 : i32
    %dma_wait3A_129 = tpu.memref_slice %arg10[%dma_wait3A_127, %dma_wait3A_128] : memref<4x128xi32, #tpu.memory_space<vmem>> -> memref<1x128xi32, #tpu.memory_space<vmem>>
    %dma_wait3A_130 = tpu.memref_squeeze %dma_wait3A_129 : memref<1x128xi32, #tpu.memory_space<vmem>> -> memref<128xi32, #tpu.memory_space<vmem>>
    %dma_wait3A_131 = arith.constant 0 : i32
    %dma_wait3A_132 = arith.constant 0 : i32
    %dma_wait3A_133 = tpu.memref_slice %arg5[%dma_wait3A_131, %dma_wait3A_132] : memref<1000000x64xf32, #tpu.memory_space<hbm>> -> memref<1000000x64xf32, #tpu.memory_space<hbm>>
    tpu.wait_indirect_dma semaphore(%arg16 : memref<!tpu.dma_semaphore, #tpu.memory_space<semaphore_mem>>) src(%dma_wait3A_133 : memref<1000000x64xf32, #tpu.memory_space<hbm>>) dst(%arg12 : memref<128x64xf32, #tpu.memory_space<vmem>>)
    %dma_wait3A_134 = arith.constant 1 : i32
    %dma_wait3A_135 = arith.constant 1 : i32
    %dma_wait3A_136 = arith.constant 0 : i32
    %dma_wait3A_137 = tpu.memref_slice %arg13[%dma_wait3A_135, %dma_wait3A_136] : memref<4x128xf32, #tpu.memory_space<vmem>> -> memref<1x128xf32, #tpu.memory_space<vmem>>
    %dma_wait3A_138 = tpu.memref_squeeze %dma_wait3A_137 : memref<1x128xf32, #tpu.memory_space<vmem>> -> memref<128xf32, #tpu.memory_space<vmem>>
    %dma_wait3A_139 = arith.constant 0 : i32
    %dma_wait3A_140 = tpu.memref_slice %arg9[%dma_wait3A_134, %dma_wait3A_139] : memref<4x128xi32, #tpu.memory_space<vmem>> -> memref<1x128xi32, #tpu.memory_space<vmem>>
    %dma_wait3A_141 = tpu.memref_squeeze %dma_wait3A_140 : memref<1x128xi32, #tpu.memory_space<vmem>> -> memref<128xi32, #tpu.memory_space<vmem>>
    %dma_wait3A_142 = arith.constant 0 : i32
    %dma_wait3A_143 = tpu.memref_slice %arg6[%dma_wait3A_142] : memref<1048576xf32, #tpu.memory_space<hbm>> -> memref<1048576xf32, #tpu.memory_space<hbm>>
    tpu.wait_indirect_dma semaphore(%arg16 : memref<!tpu.dma_semaphore, #tpu.memory_space<semaphore_mem>>) src(%dma_wait3A_143 : memref<1048576xf32, #tpu.memory_space<hbm>>) dst(%dma_wait3A_138 : memref<128xf32, #tpu.memory_space<vmem>>)
    %dma_wait3A_144 = arith.constant 1 : i32
    %dma_wait3A_145 = arith.constant 1 : i32
    %dma_wait3A_146 = arith.constant 0 : i32
    %dma_wait3A_147 = tpu.memref_slice %arg14[%dma_wait3A_145, %dma_wait3A_146] : memref<4x128xf32, #tpu.memory_space<vmem>> -> memref<1x128xf32, #tpu.memory_space<vmem>>
    %dma_wait3A_148 = tpu.memref_squeeze %dma_wait3A_147 : memref<1x128xf32, #tpu.memory_space<vmem>> -> memref<128xf32, #tpu.memory_space<vmem>>
    %dma_wait3A_149 = arith.constant 0 : i32
    %dma_wait3A_150 = tpu.memref_slice %arg10[%dma_wait3A_144, %dma_wait3A_149] : memref<4x128xi32, #tpu.memory_space<vmem>> -> memref<1x128xi32, #tpu.memory_space<vmem>>
    %dma_wait3A_151 = tpu.memref_squeeze %dma_wait3A_150 : memref<1x128xi32, #tpu.memory_space<vmem>> -> memref<128xi32, #tpu.memory_space<vmem>>
    %dma_wait3A_152 = arith.constant 0 : i32
    %dma_wait3A_153 = tpu.memref_slice %arg7[%dma_wait3A_152] : memref<1048576xf32, #tpu.memory_space<hbm>> -> memref<1048576xf32, #tpu.memory_space<hbm>>
    tpu.wait_indirect_dma semaphore(%arg16 : memref<!tpu.dma_semaphore, #tpu.memory_space<semaphore_mem>>) src(%dma_wait3A_153 : memref<1048576xf32, #tpu.memory_space<hbm>>) dst(%dma_wait3A_148 : memref<128xf32, #tpu.memory_space<vmem>>)
    %scan3A_154 = arith.constant 0 : i32
    %scan3A_155 = arith.constant 0 : i32
    %scan3A_156 = arith.constant 8 : i32
    %scan3A_157 = arith.addi %scan3A_155, %scan3A_156 : i32
    %scan3A_158 = arith.constant 1 : i32
    %scan3A_159 = scf.for %scan3A_332 = %scan3A_155 to %scan3A_157 step %scan3A_158 iter_args(%scan3A_333 = %scan3A_154) -> (i32)  : i32 {
      %mul3A_334 = arith.constant 16 : i32
      %mul3A_335 = arith.muli %scan3A_332, %mul3A_334 : i32
      %add3A_336 = arith.constant 0 : i32
      %add3A_337 = arith.addi %mul3A_335, %add3A_336 : i32
      %get3A = arith.index_cast %add3A_337 : i32 to index
      %get3A_338 = arith.constant 0 : index
      %get3A_339 = tpu.vector_load %arg11[%get3A, %get3A_338] {strides = array<i32>} : memref<128x64xf32, #tpu.memory_space<vmem>>, vector<16xf32>,
      %get3A_340 = arith.index_cast %add3A_337 : i32 to index
      %get3A_341 = arith.constant 0 : index
      %get3A_342 = tpu.vector_load %arg12[%get3A_340, %get3A_341] {strides = array<i32>} : memref<128x64xf32, #tpu.memory_space<vmem>>, vector<16xf32>,
      %mul3A_343 = arith.mulf %get3A_339, %get3A_342 : vector<16xf32>
      %get3A_344 = arith.index_cast %add3A_337 : i32 to index
      %get3A_345 = arith.constant 16 : index
      %get3A_346 = tpu.vector_load %arg11[%get3A_344, %get3A_345] {strides = array<i32>} : memref<128x64xf32, #tpu.memory_space<vmem>>, vector<16xf32>,
      %get3A_347 = arith.index_cast %add3A_337 : i32 to index
      %get3A_348 = arith.constant 16 : index
      %get3A_349 = tpu.vector_load %arg12[%get3A_347, %get3A_348] {strides = array<i32>} : memref<128x64xf32, #tpu.memory_space<vmem>>, vector<16xf32>,
      %mul3A_350 = arith.mulf %get3A_346, %get3A_349 : vector<16xf32>
      %add3A_351 = arith.addf %mul3A_343, %mul3A_350 : vector<16xf32>
      %get3A_352 = arith.index_cast %add3A_337 : i32 to index
      %get3A_353 = arith.constant 32 : index
      %get3A_354 = tpu.vector_load %arg11[%get3A_352, %get3A_353] {strides = array<i32>} : memref<128x64xf32, #tpu.memory_space<vmem>>, vector<16xf32>,
      %get3A_355 = arith.index_cast %add3A_337 : i32 to index
      %get3A_356 = arith.constant 32 : index
      %get3A_357 = tpu.vector_load %arg12[%get3A_355, %get3A_356] {strides = array<i32>} : memref<128x64xf32, #tpu.memory_space<vmem>>, vector<16xf32>,
      %mul3A_358 = arith.mulf %get3A_354, %get3A_357 : vector<16xf32>
      %add3A_359 = arith.addf %add3A_351, %mul3A_358 : vector<16xf32>
      %get3A_360 = arith.index_cast %add3A_337 : i32 to index
      %get3A_361 = arith.constant 48 : index
      %get3A_362 = tpu.vector_load %arg11[%get3A_360, %get3A_361] {strides = array<i32>} : memref<128x64xf32, #tpu.memory_space<vmem>>, vector<16xf32>,
      %get3A_363 = arith.index_cast %add3A_337 : i32 to index
      %get3A_364 = arith.constant 48 : index
      %get3A_365 = tpu.vector_load %arg12[%get3A_363, %get3A_364] {strides = array<i32>} : memref<128x64xf32, #tpu.memory_space<vmem>>, vector<16xf32>,
      %mul3A_366 = arith.mulf %get3A_362, %get3A_365 : vector<16xf32>
      %add3A_367 = arith.addf %add3A_359, %mul3A_366 : vector<16xf32>
      %broadcast_in_dim3A = arith.constant true
      %broadcast_in_dim3A_368 = vector.broadcast %broadcast_in_dim3A : i1 to vector<16xi1>
      %masked_cumsum3A = tpu.scan <sum>, %add3A_367 masked %broadcast_in_dim3A_368 : vector<16xf32>, vector<16xi1> -> vector<16xf32>
      %add3A_369 = arith.constant 128 : i32
      %add3A_370 = arith.addi %add3A_369, %add3A_337 : i32
      %broadcast_in_dim3A_371 = vector.broadcast %add3A_370 : i32 to vector<16xi32>
      tpu.vector_store_idx %arg15[%broadcast_in_dim3A_371], %masked_cumsum3A masked %eq3A_6 : memref<512xf32, #tpu.memory_space<vmem>>[vector<16xi32>], vector<16xf32>, vector<16xi1>
      %mul3A_372 = arith.constant 16 : i32
      %mul3A_373 = arith.muli %scan3A_332, %mul3A_372 : i32
      %add3A_374 = arith.constant 1 : i32
      %add3A_375 = arith.addi %mul3A_373, %add3A_374 : i32
      %get3A_376 = arith.index_cast %add3A_375 : i32 to index
      %get3A_377 = arith.constant 0 : index
      %get3A_378 = tpu.vector_load %arg11[%get3A_376, %get3A_377] {strides = array<i32>} : memref<128x64xf32, #tpu.memory_space<vmem>>, vector<16xf32>,
      %get3A_379 = arith.index_cast %add3A_375 : i32 to index
      %get3A_380 = arith.constant 0 : index
      %get3A_381 = tpu.vector_load %arg12[%get3A_379, %get3A_380] {strides = array<i32>} : memref<128x64xf32, #tpu.memory_space<vmem>>, vector<16xf32>,
      %mul3A_382 = arith.mulf %get3A_378, %get3A_381 : vector<16xf32>
      %get3A_383 = arith.index_cast %add3A_375 : i32 to index
      %get3A_384 = arith.constant 16 : index
      %get3A_385 = tpu.vector_load %arg11[%get3A_383, %get3A_384] {strides = array<i32>} : memref<128x64xf32, #tpu.memory_space<vmem>>, vector<16xf32>,
      %get3A_386 = arith.index_cast %add3A_375 : i32 to index
      %get3A_387 = arith.constant 16 : index
      %get3A_388 = tpu.vector_load %arg12[%get3A_386, %get3A_387] {strides = array<i32>} : memref<128x64xf32, #tpu.memory_space<vmem>>, vector<16xf32>,
      %mul3A_389 = arith.mulf %get3A_385, %get3A_388 : vector<16xf32>
      %add3A_390 = arith.addf %mul3A_382, %mul3A_389 : vector<16xf32>
      %get3A_391 = arith.index_cast %add3A_375 : i32 to index
      %get3A_392 = arith.constant 32 : index
      %get3A_393 = tpu.vector_load %arg11[%get3A_391, %get3A_392] {strides = array<i32>} : memref<128x64xf32, #tpu.memory_space<vmem>>, vector<16xf32>,
      %get3A_394 = arith.index_cast %add3A_375 : i32 to index
      %get3A_395 = arith.constant 32 : index
      %get3A_396 = tpu.vector_load %arg12[%get3A_394, %get3A_395] {strides = array<i32>} : memref<128x64xf32, #tpu.memory_space<vmem>>, vector<16xf32>,
      %mul3A_397 = arith.mulf %get3A_393, %get3A_396 : vector<16xf32>
      %add3A_398 = arith.addf %add3A_390, %mul3A_397 : vector<16xf32>
      %get3A_399 = arith.index_cast %add3A_375 : i32 to index
      %get3A_400 = arith.constant 48 : index
      %get3A_401 = tpu.vector_load %arg11[%get3A_399, %get3A_400] {strides = array<i32>} : memref<128x64xf32, #tpu.memory_space<vmem>>, vector<16xf32>,
      %get3A_402 = arith.index_cast %add3A_375 : i32 to index
      %get3A_403 = arith.constant 48 : index
      %get3A_404 = tpu.vector_load %arg12[%get3A_402, %get3A_403] {strides = array<i32>} : memref<128x64xf32, #tpu.memory_space<vmem>>, vector<16xf32>,
      %mul3A_405 = arith.mulf %get3A_401, %get3A_404 : vector<16xf32>
      %add3A_406 = arith.addf %add3A_398, %mul3A_405 : vector<16xf32>
      %broadcast_in_dim3A_407 = arith.constant true
      %broadcast_in_dim3A_408 = vector.broadcast %broadcast_in_dim3A_407 : i1 to vector<16xi1>
      %masked_cumsum3A_409 = tpu.scan <sum>, %add3A_406 masked %broadcast_in_dim3A_408 : vector<16xf32>, vector<16xi1> -> vector<16xf32>
      %add3A_410 = arith.constant 128 : i32
      %add3A_411 = arith.addi %add3A_410, %add3A_375 : i32
      %broadcast_in_dim3A_412 = vector.broadcast %add3A_411 : i32 to vector<16xi32>
      tpu.vector_store_idx %arg15[%broadcast_in_dim3A_412], %masked_cumsum3A_409 masked %eq3A_6 : memref<512xf32, #tpu.memory_space<vmem>>[vector<16xi32>], vector<16xf32>, vector<16xi1>
      %mul3A_413 = arith.constant 16 : i32
      %mul3A_414 = arith.muli %scan3A_332, %mul3A_413 : i32
      %add3A_415 = arith.constant 2 : i32
      %add3A_416 = arith.addi %mul3A_414, %add3A_415 : i32
      %get3A_417 = arith.index_cast %add3A_416 : i32 to index
      %get3A_418 = arith.constant 0 : index
      %get3A_419 = tpu.vector_load %arg11[%get3A_417, %get3A_418] {strides = array<i32>} : memref<128x64xf32, #tpu.memory_space<vmem>>, vector<16xf32>,
      %get3A_420 = arith.index_cast %add3A_416 : i32 to index
      %get3A_421 = arith.constant 0 : index
      %get3A_422 = tpu.vector_load %arg12[%get3A_420, %get3A_421] {strides = array<i32>} : memref<128x64xf32, #tpu.memory_space<vmem>>, vector<16xf32>,
      %mul3A_423 = arith.mulf %get3A_419, %get3A_422 : vector<16xf32>
      %get3A_424 = arith.index_cast %add3A_416 : i32 to index
      %get3A_425 = arith.constant 16 : index
      %get3A_426 = tpu.vector_load %arg11[%get3A_424, %get3A_425] {strides = array<i32>} : memref<128x64xf32, #tpu.memory_space<vmem>>, vector<16xf32>,
      %get3A_427 = arith.index_cast %add3A_416 : i32 to index
      %get3A_428 = arith.constant 16 : index
      %get3A_429 = tpu.vector_load %arg12[%get3A_427, %get3A_428] {strides = array<i32>} : memref<128x64xf32, #tpu.memory_space<vmem>>, vector<16xf32>,
      %mul3A_430 = arith.mulf %get3A_426, %get3A_429 : vector<16xf32>
      %add3A_431 = arith.addf %mul3A_423, %mul3A_430 : vector<16xf32>
      %get3A_432 = arith.index_cast %add3A_416 : i32 to index
      %get3A_433 = arith.constant 32 : index
      %get3A_434 = tpu.vector_load %arg11[%get3A_432, %get3A_433] {strides = array<i32>} : memref<128x64xf32, #tpu.memory_space<vmem>>, vector<16xf32>,
      %get3A_435 = arith.index_cast %add3A_416 : i32 to index
      %get3A_436 = arith.constant 32 : index
      %get3A_437 = tpu.vector_load %arg12[%get3A_435, %get3A_436] {strides = array<i32>} : memref<128x64xf32, #tpu.memory_space<vmem>>, vector<16xf32>,
      %mul3A_438 = arith.mulf %get3A_434, %get3A_437 : vector<16xf32>
      %add3A_439 = arith.addf %add3A_431, %mul3A_438 : vector<16xf32>
      %get3A_440 = arith.index_cast %add3A_416 : i32 to index
      %get3A_441 = arith.constant 48 : index
      %get3A_442 = tpu.vector_load %arg11[%get3A_440, %get3A_441] {strides = array<i32>} : memref<128x64xf32, #tpu.memory_space<vmem>>, vector<16xf32>,
      %get3A_443 = arith.index_cast %add3A_416 : i32 to index
      %get3A_444 = arith.constant 48 : index
      %get3A_445 = tpu.vector_load %arg12[%get3A_443, %get3A_444] {strides = array<i32>} : memref<128x64xf32, #tpu.memory_space<vmem>>, vector<16xf32>,
      %mul3A_446 = arith.mulf %get3A_442, %get3A_445 : vector<16xf32>
      %add3A_447 = arith.addf %add3A_439, %mul3A_446 : vector<16xf32>
      %broadcast_in_dim3A_448 = arith.constant true
      %broadcast_in_dim3A_449 = vector.broadcast %broadcast_in_dim3A_448 : i1 to vector<16xi1>
      %masked_cumsum3A_450 = tpu.scan <sum>, %add3A_447 masked %broadcast_in_dim3A_449 : vector<16xf32>, vector<16xi1> -> vector<16xf32>
      %add3A_451 = arith.constant 128 : i32
      %add3A_452 = arith.addi %add3A_451, %add3A_416 : i32
      %broadcast_in_dim3A_453 = vector.broadcast %add3A_452 : i32 to vector<16xi32>
      tpu.vector_store_idx %arg15[%broadcast_in_dim3A_453], %masked_cumsum3A_450 masked %eq3A_6 : memref<512xf32, #tpu.memory_space<vmem>>[vector<16xi32>], vector<16xf32>, vector<16xi1>
      %mul3A_454 = arith.constant 16 : i32
      %mul3A_455 = arith.muli %scan3A_332, %mul3A_454 : i32
      %add3A_456 = arith.constant 3 : i32
      %add3A_457 = arith.addi %mul3A_455, %add3A_456 : i32
      %get3A_458 = arith.index_cast %add3A_457 : i32 to index
      %get3A_459 = arith.constant 0 : index
      %get3A_460 = tpu.vector_load %arg11[%get3A_458, %get3A_459] {strides = array<i32>} : memref<128x64xf32, #tpu.memory_space<vmem>>, vector<16xf32>,
      %get3A_461 = arith.index_cast %add3A_457 : i32 to index
      %get3A_462 = arith.constant 0 : index
      %get3A_463 = tpu.vector_load %arg12[%get3A_461, %get3A_462] {strides = array<i32>} : memref<128x64xf32, #tpu.memory_space<vmem>>, vector<16xf32>,
      %mul3A_464 = arith.mulf %get3A_460, %get3A_463 : vector<16xf32>
      %get3A_465 = arith.index_cast %add3A_457 : i32 to index
      %get3A_466 = arith.constant 16 : index
      %get3A_467 = tpu.vector_load %arg11[%get3A_465, %get3A_466] {strides = array<i32>} : memref<128x64xf32, #tpu.memory_space<vmem>>, vector<16xf32>,
      %get3A_468 = arith.index_cast %add3A_457 : i32 to index
      %get3A_469 = arith.constant 16 : index
      %get3A_470 = tpu.vector_load %arg12[%get3A_468, %get3A_469] {strides = array<i32>} : memref<128x64xf32, #tpu.memory_space<vmem>>, vector<16xf32>,
      %mul3A_471 = arith.mulf %get3A_467, %get3A_470 : vector<16xf32>
      %add3A_472 = arith.addf %mul3A_464, %mul3A_471 : vector<16xf32>
      %get3A_473 = arith.index_cast %add3A_457 : i32 to index
      %get3A_474 = arith.constant 32 : index
      %get3A_475 = tpu.vector_load %arg11[%get3A_473, %get3A_474] {strides = array<i32>} : memref<128x64xf32, #tpu.memory_space<vmem>>, vector<16xf32>,
      %get3A_476 = arith.index_cast %add3A_457 : i32 to index
      %get3A_477 = arith.constant 32 : index
      %get3A_478 = tpu.vector_load %arg12[%get3A_476, %get3A_477] {strides = array<i32>} : memref<128x64xf32, #tpu.memory_space<vmem>>, vector<16xf32>,
      %mul3A_479 = arith.mulf %get3A_475, %get3A_478 : vector<16xf32>
      %add3A_480 = arith.addf %add3A_472, %mul3A_479 : vector<16xf32>
      %get3A_481 = arith.index_cast %add3A_457 : i32 to index
      %get3A_482 = arith.constant 48 : index
      %get3A_483 = tpu.vector_load %arg11[%get3A_481, %get3A_482] {strides = array<i32>} : memref<128x64xf32, #tpu.memory_space<vmem>>, vector<16xf32>,
      %get3A_484 = arith.index_cast %add3A_457 : i32 to index
      %get3A_485 = arith.constant 48 : index
      %get3A_486 = tpu.vector_load %arg12[%get3A_484, %get3A_485] {strides = array<i32>} : memref<128x64xf32, #tpu.memory_space<vmem>>, vector<16xf32>,
      %mul3A_487 = arith.mulf %get3A_483, %get3A_486 : vector<16xf32>
      %add3A_488 = arith.addf %add3A_480, %mul3A_487 : vector<16xf32>
      %broadcast_in_dim3A_489 = arith.constant true
      %broadcast_in_dim3A_490 = vector.broadcast %broadcast_in_dim3A_489 : i1 to vector<16xi1>
      %masked_cumsum3A_491 = tpu.scan <sum>, %add3A_488 masked %broadcast_in_dim3A_490 : vector<16xf32>, vector<16xi1> -> vector<16xf32>
      %add3A_492 = arith.constant 128 : i32
      %add3A_493 = arith.addi %add3A_492, %add3A_457 : i32
      %broadcast_in_dim3A_494 = vector.broadcast %add3A_493 : i32 to vector<16xi32>
      tpu.vector_store_idx %arg15[%broadcast_in_dim3A_494], %masked_cumsum3A_491 masked %eq3A_6 : memref<512xf32, #tpu.memory_space<vmem>>[vector<16xi32>], vector<16xf32>, vector<16xi1>
      %mul3A_495 = arith.constant 16 : i32
      %mul3A_496 = arith.muli %scan3A_332, %mul3A_495 : i32
      %add3A_497 = arith.constant 4 : i32
      %add3A_498 = arith.addi %mul3A_496, %add3A_497 : i32
      %get3A_499 = arith.index_cast %add3A_498 : i32 to index
      %get3A_500 = arith.constant 0 : index
      %get3A_501 = tpu.vector_load %arg11[%get3A_499, %get3A_500] {strides = array<i32>} : memref<128x64xf32, #tpu.memory_space<vmem>>, vector<16xf32>,
      %get3A_502 = arith.index_cast %add3A_498 : i32 to index
      %get3A_503 = arith.constant 0 : index
      %get3A_504 = tpu.vector_load %arg12[%get3A_502, %get3A_503] {strides = array<i32>} : memref<128x64xf32, #tpu.memory_space<vmem>>, vector<16xf32>,
      %mul3A_505 = arith.mulf %get3A_501, %get3A_504 : vector<16xf32>
      %get3A_506 = arith.index_cast %add3A_498 : i32 to index
      %get3A_507 = arith.constant 16 : index
      %get3A_508 = tpu.vector_load %arg11[%get3A_506, %get3A_507] {strides = array<i32>} : memref<128x64xf32, #tpu.memory_space<vmem>>, vector<16xf32>,
      %get3A_509 = arith.index_cast %add3A_498 : i32 to index
      %get3A_510 = arith.constant 16 : index
      %get3A_511 = tpu.vector_load %arg12[%get3A_509, %get3A_510] {strides = array<i32>} : memref<128x64xf32, #tpu.memory_space<vmem>>, vector<16xf32>,
      %mul3A_512 = arith.mulf %get3A_508, %get3A_511 : vector<16xf32>
      %add3A_513 = arith.addf %mul3A_505, %mul3A_512 : vector<16xf32>
      %get3A_514 = arith.index_cast %add3A_498 : i32 to index
      %get3A_515 = arith.constant 32 : index
      %get3A_516 = tpu.vector_load %arg11[%get3A_514, %get3A_515] {strides = array<i32>} : memref<128x64xf32, #tpu.memory_space<vmem>>, vector<16xf32>,
      %get3A_517 = arith.index_cast %add3A_498 : i32 to index
      %get3A_518 = arith.constant 32 : index
      %get3A_519 = tpu.vector_load %arg12[%get3A_517, %get3A_518] {strides = array<i32>} : memref<128x64xf32, #tpu.memory_space<vmem>>, vector<16xf32>,
      %mul3A_520 = arith.mulf %get3A_516, %get3A_519 : vector<16xf32>
      %add3A_521 = arith.addf %add3A_513, %mul3A_520 : vector<16xf32>
      %get3A_522 = arith.index_cast %add3A_498 : i32 to index
      %get3A_523 = arith.constant 48 : index
      %get3A_524 = tpu.vector_load %arg11[%get3A_522, %get3A_523] {strides = array<i32>} : memref<128x64xf32, #tpu.memory_space<vmem>>, vector<16xf32>,
      %get3A_525 = arith.index_cast %add3A_498 : i32 to index
      %get3A_526 = arith.constant 48 : index
      %get3A_527 = tpu.vector_load %arg12[%get3A_525, %get3A_526] {strides = array<i32>} : memref<128x64xf32, #tpu.memory_space<vmem>>, vector<16xf32>,
      %mul3A_528 = arith.mulf %get3A_524, %get3A_527 : vector<16xf32>
      %add3A_529 = arith.addf %add3A_521, %mul3A_528 : vector<16xf32>
      %broadcast_in_dim3A_530 = arith.constant true
      %broadcast_in_dim3A_531 = vector.broadcast %broadcast_in_dim3A_530 : i1 to vector<16xi1>
      %masked_cumsum3A_532 = tpu.scan <sum>, %add3A_529 masked %broadcast_in_dim3A_531 : vector<16xf32>, vector<16xi1> -> vector<16xf32>
      %add3A_533 = arith.constant 128 : i32
      %add3A_534 = arith.addi %add3A_533, %add3A_498 : i32
      %broadcast_in_dim3A_535 = vector.broadcast %add3A_534 : i32 to vector<16xi32>
      tpu.vector_store_idx %arg15[%broadcast_in_dim3A_535], %masked_cumsum3A_532 masked %eq3A_6 : memref<512xf32, #tpu.memory_space<vmem>>[vector<16xi32>], vector<16xf32>, vector<16xi1>
      %mul3A_536 = arith.constant 16 : i32
      %mul3A_537 = arith.muli %scan3A_332, %mul3A_536 : i32
      %add3A_538 = arith.constant 5 : i32
      %add3A_539 = arith.addi %mul3A_537, %add3A_538 : i32
      %get3A_540 = arith.index_cast %add3A_539 : i32 to index
      %get3A_541 = arith.constant 0 : index
      %get3A_542 = tpu.vector_load %arg11[%get3A_540, %get3A_541] {strides = array<i32>} : memref<128x64xf32, #tpu.memory_space<vmem>>, vector<16xf32>,
      %get3A_543 = arith.index_cast %add3A_539 : i32 to index
      %get3A_544 = arith.constant 0 : index
      %get3A_545 = tpu.vector_load %arg12[%get3A_543, %get3A_544] {strides = array<i32>} : memref<128x64xf32, #tpu.memory_space<vmem>>, vector<16xf32>,
      %mul3A_546 = arith.mulf %get3A_542, %get3A_545 : vector<16xf32>
      %get3A_547 = arith.index_cast %add3A_539 : i32 to index
      %get3A_548 = arith.constant 16 : index
      %get3A_549 = tpu.vector_load %arg11[%get3A_547, %get3A_548] {strides = array<i32>} : memref<128x64xf32, #tpu.memory_space<vmem>>, vector<16xf32>,
      %get3A_550 = arith.index_cast %add3A_539 : i32 to index
      %get3A_551 = arith.constant 16 : index
      %get3A_552 = tpu.vector_load %arg12[%get3A_550, %get3A_551] {strides = array<i32>} : memref<128x64xf32, #tpu.memory_space<vmem>>, vector<16xf32>,
      %mul3A_553 = arith.mulf %get3A_549, %get3A_552 : vector<16xf32>
      %add3A_554 = arith.addf %mul3A_546, %mul3A_553 : vector<16xf32>
      %get3A_555 = arith.index_cast %add3A_539 : i32 to index
      %get3A_556 = arith.constant 32 : index
      %get3A_557 = tpu.vector_load %arg11[%get3A_555, %get3A_556] {strides = array<i32>} : memref<128x64xf32, #tpu.memory_space<vmem>>, vector<16xf32>,
      %get3A_558 = arith.index_cast %add3A_539 : i32 to index
      %get3A_559 = arith.constant 32 : index
      %get3A_560 = tpu.vector_load %arg12[%get3A_558, %get3A_559] {strides = array<i32>} : memref<128x64xf32, #tpu.memory_space<vmem>>, vector<16xf32>,
      %mul3A_561 = arith.mulf %get3A_557, %get3A_560 : vector<16xf32>
      %add3A_562 = arith.addf %add3A_554, %mul3A_561 : vector<16xf32>
      %get3A_563 = arith.index_cast %add3A_539 : i32 to index
      %get3A_564 = arith.constant 48 : index
      %get3A_565 = tpu.vector_load %arg11[%get3A_563, %get3A_564] {strides = array<i32>} : memref<128x64xf32, #tpu.memory_space<vmem>>, vector<16xf32>,
      %get3A_566 = arith.index_cast %add3A_539 : i32 to index
      %get3A_567 = arith.constant 48 : index
      %get3A_568 = tpu.vector_load %arg12[%get3A_566, %get3A_567] {strides = array<i32>} : memref<128x64xf32, #tpu.memory_space<vmem>>, vector<16xf32>,
      %mul3A_569 = arith.mulf %get3A_565, %get3A_568 : vector<16xf32>
      %add3A_570 = arith.addf %add3A_562, %mul3A_569 : vector<16xf32>
      %broadcast_in_dim3A_571 = arith.constant true
      %broadcast_in_dim3A_572 = vector.broadcast %broadcast_in_dim3A_571 : i1 to vector<16xi1>
      %masked_cumsum3A_573 = tpu.scan <sum>, %add3A_570 masked %broadcast_in_dim3A_572 : vector<16xf32>, vector<16xi1> -> vector<16xf32>
      %add3A_574 = arith.constant 128 : i32
      %add3A_575 = arith.addi %add3A_574, %add3A_539 : i32
      %broadcast_in_dim3A_576 = vector.broadcast %add3A_575 : i32 to vector<16xi32>
      tpu.vector_store_idx %arg15[%broadcast_in_dim3A_576], %masked_cumsum3A_573 masked %eq3A_6 : memref<512xf32, #tpu.memory_space<vmem>>[vector<16xi32>], vector<16xf32>, vector<16xi1>
      %mul3A_577 = arith.constant 16 : i32
      %mul3A_578 = arith.muli %scan3A_332, %mul3A_577 : i32
      %add3A_579 = arith.constant 6 : i32
      %add3A_580 = arith.addi %mul3A_578, %add3A_579 : i32
      %get3A_581 = arith.index_cast %add3A_580 : i32 to index
      %get3A_582 = arith.constant 0 : index
      %get3A_583 = tpu.vector_load %arg11[%get3A_581, %get3A_582] {strides = array<i32>} : memref<128x64xf32, #tpu.memory_space<vmem>>, vector<16xf32>,
      %get3A_584 = arith.index_cast %add3A_580 : i32 to index
      %get3A_585 = arith.constant 0 : index
      %get3A_586 = tpu.vector_load %arg12[%get3A_584, %get3A_585] {strides = array<i32>} : memref<128x64xf32, #tpu.memory_space<vmem>>, vector<16xf32>,
      %mul3A_587 = arith.mulf %get3A_583, %get3A_586 : vector<16xf32>
      %get3A_588 = arith.index_cast %add3A_580 : i32 to index
      %get3A_589 = arith.constant 16 : index
      %get3A_590 = tpu.vector_load %arg11[%get3A_588, %get3A_589] {strides = array<i32>} : memref<128x64xf32, #tpu.memory_space<vmem>>, vector<16xf32>,
      %get3A_591 = arith.index_cast %add3A_580 : i32 to index
      %get3A_592 = arith.constant 16 : index
      %get3A_593 = tpu.vector_load %arg12[%get3A_591, %get3A_592] {strides = array<i32>} : memref<128x64xf32, #tpu.memory_space<vmem>>, vector<16xf32>,
      %mul3A_594 = arith.mulf %get3A_590, %get3A_593 : vector<16xf32>
      %add3A_595 = arith.addf %mul3A_587, %mul3A_594 : vector<16xf32>
      %get3A_596 = arith.index_cast %add3A_580 : i32 to index
      %get3A_597 = arith.constant 32 : index
      %get3A_598 = tpu.vector_load %arg11[%get3A_596, %get3A_597] {strides = array<i32>} : memref<128x64xf32, #tpu.memory_space<vmem>>, vector<16xf32>,
      %get3A_599 = arith.index_cast %add3A_580 : i32 to index
      %get3A_600 = arith.constant 32 : index
      %get3A_601 = tpu.vector_load %arg12[%get3A_599, %get3A_600] {strides = array<i32>} : memref<128x64xf32, #tpu.memory_space<vmem>>, vector<16xf32>,
      %mul3A_602 = arith.mulf %get3A_598, %get3A_601 : vector<16xf32>
      %add3A_603 = arith.addf %add3A_595, %mul3A_602 : vector<16xf32>
      %get3A_604 = arith.index_cast %add3A_580 : i32 to index
      %get3A_605 = arith.constant 48 : index
      %get3A_606 = tpu.vector_load %arg11[%get3A_604, %get3A_605] {strides = array<i32>} : memref<128x64xf32, #tpu.memory_space<vmem>>, vector<16xf32>,
      %get3A_607 = arith.index_cast %add3A_580 : i32 to index
      %get3A_608 = arith.constant 48 : index
      %get3A_609 = tpu.vector_load %arg12[%get3A_607, %get3A_608] {strides = array<i32>} : memref<128x64xf32, #tpu.memory_space<vmem>>, vector<16xf32>,
      %mul3A_610 = arith.mulf %get3A_606, %get3A_609 : vector<16xf32>
      %add3A_611 = arith.addf %add3A_603, %mul3A_610 : vector<16xf32>
      %broadcast_in_dim3A_612 = arith.constant true
      %broadcast_in_dim3A_613 = vector.broadcast %broadcast_in_dim3A_612 : i1 to vector<16xi1>
      %masked_cumsum3A_614 = tpu.scan <sum>, %add3A_611 masked %broadcast_in_dim3A_613 : vector<16xf32>, vector<16xi1> -> vector<16xf32>
      %add3A_615 = arith.constant 128 : i32
      %add3A_616 = arith.addi %add3A_615, %add3A_580 : i32
      %broadcast_in_dim3A_617 = vector.broadcast %add3A_616 : i32 to vector<16xi32>
      tpu.vector_store_idx %arg15[%broadcast_in_dim3A_617], %masked_cumsum3A_614 masked %eq3A_6 : memref<512xf32, #tpu.memory_space<vmem>>[vector<16xi32>], vector<16xf32>, vector<16xi1>
      %mul3A_618 = arith.constant 16 : i32
      %mul3A_619 = arith.muli %scan3A_332, %mul3A_618 : i32
      %add3A_620 = arith.constant 7 : i32
      %add3A_621 = arith.addi %mul3A_619, %add3A_620 : i32
      %get3A_622 = arith.index_cast %add3A_621 : i32 to index
      %get3A_623 = arith.constant 0 : index
      %get3A_624 = tpu.vector_load %arg11[%get3A_622, %get3A_623] {strides = array<i32>} : memref<128x64xf32, #tpu.memory_space<vmem>>, vector<16xf32>,
      %get3A_625 = arith.index_cast %add3A_621 : i32 to index
      %get3A_626 = arith.constant 0 : index
      %get3A_627 = tpu.vector_load %arg12[%get3A_625, %get3A_626] {strides = array<i32>} : memref<128x64xf32, #tpu.memory_space<vmem>>, vector<16xf32>,
      %mul3A_628 = arith.mulf %get3A_624, %get3A_627 : vector<16xf32>
      %get3A_629 = arith.index_cast %add3A_621 : i32 to index
      %get3A_630 = arith.constant 16 : index
      %get3A_631 = tpu.vector_load %arg11[%get3A_629, %get3A_630] {strides = array<i32>} : memref<128x64xf32, #tpu.memory_space<vmem>>, vector<16xf32>,
      %get3A_632 = arith.index_cast %add3A_621 : i32 to index
      %get3A_633 = arith.constant 16 : index
      %get3A_634 = tpu.vector_load %arg12[%get3A_632, %get3A_633] {strides = array<i32>} : memref<128x64xf32, #tpu.memory_space<vmem>>, vector<16xf32>,
      %mul3A_635 = arith.mulf %get3A_631, %get3A_634 : vector<16xf32>
      %add3A_636 = arith.addf %mul3A_628, %mul3A_635 : vector<16xf32>
      %get3A_637 = arith.index_cast %add3A_621 : i32 to index
      %get3A_638 = arith.constant 32 : index
      %get3A_639 = tpu.vector_load %arg11[%get3A_637, %get3A_638] {strides = array<i32>} : memref<128x64xf32, #tpu.memory_space<vmem>>, vector<16xf32>,
      %get3A_640 = arith.index_cast %add3A_621 : i32 to index
      %get3A_641 = arith.constant 32 : index
      %get3A_642 = tpu.vector_load %arg12[%get3A_640, %get3A_641] {strides = array<i32>} : memref<128x64xf32, #tpu.memory_space<vmem>>, vector<16xf32>,
      %mul3A_643 = arith.mulf %get3A_639, %get3A_642 : vector<16xf32>
      %add3A_644 = arith.addf %add3A_636, %mul3A_643 : vector<16xf32>
      %get3A_645 = arith.index_cast %add3A_621 : i32 to index
      %get3A_646 = arith.constant 48 : index
      %get3A_647 = tpu.vector_load %arg11[%get3A_645, %get3A_646] {strides = array<i32>} : memref<128x64xf32, #tpu.memory_space<vmem>>, vector<16xf32>,
      %get3A_648 = arith.index_cast %add3A_621 : i32 to index
      %get3A_649 = arith.constant 48 : index
      %get3A_650 = tpu.vector_load %arg12[%get3A_648, %get3A_649] {strides = array<i32>} : memref<128x64xf32, #tpu.memory_space<vmem>>, vector<16xf32>,
      %mul3A_651 = arith.mulf %get3A_647, %get3A_650 : vector<16xf32>
      %add3A_652 = arith.addf %add3A_644, %mul3A_651 : vector<16xf32>
      %broadcast_in_dim3A_653 = arith.constant true
      %broadcast_in_dim3A_654 = vector.broadcast %broadcast_in_dim3A_653 : i1 to vector<16xi1>
      %masked_cumsum3A_655 = tpu.scan <sum>, %add3A_652 masked %broadcast_in_dim3A_654 : vector<16xf32>, vector<16xi1> -> vector<16xf32>
      %add3A_656 = arith.constant 128 : i32
      %add3A_657 = arith.addi %add3A_656, %add3A_621 : i32
      %broadcast_in_dim3A_658 = vector.broadcast %add3A_657 : i32 to vector<16xi32>
      tpu.vector_store_idx %arg15[%broadcast_in_dim3A_658], %masked_cumsum3A_655 masked %eq3A_6 : memref<512xf32, #tpu.memory_space<vmem>>[vector<16xi32>], vector<16xf32>, vector<16xi1>
      %mul3A_659 = arith.constant 16 : i32
      %mul3A_660 = arith.muli %scan3A_332, %mul3A_659 : i32
      %add3A_661 = arith.constant 8 : i32
      %add3A_662 = arith.addi %mul3A_660, %add3A_661 : i32
      %get3A_663 = arith.index_cast %add3A_662 : i32 to index
      %get3A_664 = arith.constant 0 : index
      %get3A_665 = tpu.vector_load %arg11[%get3A_663, %get3A_664] {strides = array<i32>} : memref<128x64xf32, #tpu.memory_space<vmem>>, vector<16xf32>,
      %get3A_666 = arith.index_cast %add3A_662 : i32 to index
      %get3A_667 = arith.constant 0 : index
      %get3A_668 = tpu.vector_load %arg12[%get3A_666, %get3A_667] {strides = array<i32>} : memref<128x64xf32, #tpu.memory_space<vmem>>, vector<16xf32>,
      %mul3A_669 = arith.mulf %get3A_665, %get3A_668 : vector<16xf32>
      %get3A_670 = arith.index_cast %add3A_662 : i32 to index
      %get3A_671 = arith.constant 16 : index
      %get3A_672 = tpu.vector_load %arg11[%get3A_670, %get3A_671] {strides = array<i32>} : memref<128x64xf32, #tpu.memory_space<vmem>>, vector<16xf32>,
      %get3A_673 = arith.index_cast %add3A_662 : i32 to index
      %get3A_674 = arith.constant 16 : index
      %get3A_675 = tpu.vector_load %arg12[%get3A_673, %get3A_674] {strides = array<i32>} : memref<128x64xf32, #tpu.memory_space<vmem>>, vector<16xf32>,
      %mul3A_676 = arith.mulf %get3A_672, %get3A_675 : vector<16xf32>
      %add3A_677 = arith.addf %mul3A_669, %mul3A_676 : vector<16xf32>
      %get3A_678 = arith.index_cast %add3A_662 : i32 to index
      %get3A_679 = arith.constant 32 : index
      %get3A_680 = tpu.vector_load %arg11[%get3A_678, %get3A_679] {strides = array<i32>} : memref<128x64xf32, #tpu.memory_space<vmem>>, vector<16xf32>,
      %get3A_681 = arith.index_cast %add3A_662 : i32 to index
      %get3A_682 = arith.constant 32 : index
      %get3A_683 = tpu.vector_load %arg12[%get3A_681, %get3A_682] {strides = array<i32>} : memref<128x64xf32, #tpu.memory_space<vmem>>, vector<16xf32>,
      %mul3A_684 = arith.mulf %get3A_680, %get3A_683 : vector<16xf32>
      %add3A_685 = arith.addf %add3A_677, %mul3A_684 : vector<16xf32>
      %get3A_686 = arith.index_cast %add3A_662 : i32 to index
      %get3A_687 = arith.constant 48 : index
      %get3A_688 = tpu.vector_load %arg11[%get3A_686, %get3A_687] {strides = array<i32>} : memref<128x64xf32, #tpu.memory_space<vmem>>, vector<16xf32>,
      %get3A_689 = arith.index_cast %add3A_662 : i32 to index
      %get3A_690 = arith.constant 48 : index
      %get3A_691 = tpu.vector_load %arg12[%get3A_689, %get3A_690] {strides = array<i32>} : memref<128x64xf32, #tpu.memory_space<vmem>>, vector<16xf32>,
      %mul3A_692 = arith.mulf %get3A_688, %get3A_691 : vector<16xf32>
      %add3A_693 = arith.addf %add3A_685, %mul3A_692 : vector<16xf32>
      %broadcast_in_dim3A_694 = arith.constant true
      %broadcast_in_dim3A_695 = vector.broadcast %broadcast_in_dim3A_694 : i1 to vector<16xi1>
      %masked_cumsum3A_696 = tpu.scan <sum>, %add3A_693 masked %broadcast_in_dim3A_695 : vector<16xf32>, vector<16xi1> -> vector<16xf32>
      %add3A_697 = arith.constant 128 : i32
      %add3A_698 = arith.addi %add3A_697, %add3A_662 : i32
      %broadcast_in_dim3A_699 = vector.broadcast %add3A_698 : i32 to vector<16xi32>
      tpu.vector_store_idx %arg15[%broadcast_in_dim3A_699], %masked_cumsum3A_696 masked %eq3A_6 : memref<512xf32, #tpu.memory_space<vmem>>[vector<16xi32>], vector<16xf32>, vector<16xi1>
      %mul3A_700 = arith.constant 16 : i32
      %mul3A_701 = arith.muli %scan3A_332, %mul3A_700 : i32
      %add3A_702 = arith.constant 9 : i32
      %add3A_703 = arith.addi %mul3A_701, %add3A_702 : i32
      %get3A_704 = arith.index_cast %add3A_703 : i32 to index
      %get3A_705 = arith.constant 0 : index
      %get3A_706 = tpu.vector_load %arg11[%get3A_704, %get3A_705] {strides = array<i32>} : memref<128x64xf32, #tpu.memory_space<vmem>>, vector<16xf32>,
      %get3A_707 = arith.index_cast %add3A_703 : i32 to index
      %get3A_708 = arith.constant 0 : index
      %get3A_709 = tpu.vector_load %arg12[%get3A_707, %get3A_708] {strides = array<i32>} : memref<128x64xf32, #tpu.memory_space<vmem>>, vector<16xf32>,
      %mul3A_710 = arith.mulf %get3A_706, %get3A_709 : vector<16xf32>
      %get3A_711 = arith.index_cast %add3A_703 : i32 to index
      %get3A_712 = arith.constant 16 : index
      %get3A_713 = tpu.vector_load %arg11[%get3A_711, %get3A_712] {strides = array<i32>} : memref<128x64xf32, #tpu.memory_space<vmem>>, vector<16xf32>,
      %get3A_714 = arith.index_cast %add3A_703 : i32 to index
      %get3A_715 = arith.constant 16 : index
      %get3A_716 = tpu.vector_load %arg12[%get3A_714, %get3A_715] {strides = array<i32>} : memref<128x64xf32, #tpu.memory_space<vmem>>, vector<16xf32>,
      %mul3A_717 = arith.mulf %get3A_713, %get3A_716 : vector<16xf32>
      %add3A_718 = arith.addf %mul3A_710, %mul3A_717 : vector<16xf32>
      %get3A_719 = arith.index_cast %add3A_703 : i32 to index
      %get3A_720 = arith.constant 32 : index
      %get3A_721 = tpu.vector_load %arg11[%get3A_719, %get3A_720] {strides = array<i32>} : memref<128x64xf32, #tpu.memory_space<vmem>>, vector<16xf32>,
      %get3A_722 = arith.index_cast %add3A_703 : i32 to index
      %get3A_723 = arith.constant 32 : index
      %get3A_724 = tpu.vector_load %arg12[%get3A_722, %get3A_723] {strides = array<i32>} : memref<128x64xf32, #tpu.memory_space<vmem>>, vector<16xf32>,
      %mul3A_725 = arith.mulf %get3A_721, %get3A_724 : vector<16xf32>
      %add3A_726 = arith.addf %add3A_718, %mul3A_725 : vector<16xf32>
      %get3A_727 = arith.index_cast %add3A_703 : i32 to index
      %get3A_728 = arith.constant 48 : index
      %get3A_729 = tpu.vector_load %arg11[%get3A_727, %get3A_728] {strides = array<i32>} : memref<128x64xf32, #tpu.memory_space<vmem>>, vector<16xf32>,
      %get3A_730 = arith.index_cast %add3A_703 : i32 to index
      %get3A_731 = arith.constant 48 : index
      %get3A_732 = tpu.vector_load %arg12[%get3A_730, %get3A_731] {strides = array<i32>} : memref<128x64xf32, #tpu.memory_space<vmem>>, vector<16xf32>,
      %mul3A_733 = arith.mulf %get3A_729, %get3A_732 : vector<16xf32>
      %add3A_734 = arith.addf %add3A_726, %mul3A_733 : vector<16xf32>
      %broadcast_in_dim3A_735 = arith.constant true
      %broadcast_in_dim3A_736 = vector.broadcast %broadcast_in_dim3A_735 : i1 to vector<16xi1>
      %masked_cumsum3A_737 = tpu.scan <sum>, %add3A_734 masked %broadcast_in_dim3A_736 : vector<16xf32>, vector<16xi1> -> vector<16xf32>
      %add3A_738 = arith.constant 128 : i32
      %add3A_739 = arith.addi %add3A_738, %add3A_703 : i32
      %broadcast_in_dim3A_740 = vector.broadcast %add3A_739 : i32 to vector<16xi32>
      tpu.vector_store_idx %arg15[%broadcast_in_dim3A_740], %masked_cumsum3A_737 masked %eq3A_6 : memref<512xf32, #tpu.memory_space<vmem>>[vector<16xi32>], vector<16xf32>, vector<16xi1>
      %mul3A_741 = arith.constant 16 : i32
      %mul3A_742 = arith.muli %scan3A_332, %mul3A_741 : i32
      %add3A_743 = arith.constant 10 : i32
      %add3A_744 = arith.addi %mul3A_742, %add3A_743 : i32
      %get3A_745 = arith.index_cast %add3A_744 : i32 to index
      %get3A_746 = arith.constant 0 : index
      %get3A_747 = tpu.vector_load %arg11[%get3A_745, %get3A_746] {strides = array<i32>} : memref<128x64xf32, #tpu.memory_space<vmem>>, vector<16xf32>,
      %get3A_748 = arith.index_cast %add3A_744 : i32 to index
      %get3A_749 = arith.constant 0 : index
      %get3A_750 = tpu.vector_load %arg12[%get3A_748, %get3A_749] {strides = array<i32>} : memref<128x64xf32, #tpu.memory_space<vmem>>, vector<16xf32>,
      %mul3A_751 = arith.mulf %get3A_747, %get3A_750 : vector<16xf32>
      %get3A_752 = arith.index_cast %add3A_744 : i32 to index
      %get3A_753 = arith.constant 16 : index
      %get3A_754 = tpu.vector_load %arg11[%get3A_752, %get3A_753] {strides = array<i32>} : memref<128x64xf32, #tpu.memory_space<vmem>>, vector<16xf32>,
      %get3A_755 = arith.index_cast %add3A_744 : i32 to index
      %get3A_756 = arith.constant 16 : index
      %get3A_757 = tpu.vector_load %arg12[%get3A_755, %get3A_756] {strides = array<i32>} : memref<128x64xf32, #tpu.memory_space<vmem>>, vector<16xf32>,
      %mul3A_758 = arith.mulf %get3A_754, %get3A_757 : vector<16xf32>
      %add3A_759 = arith.addf %mul3A_751, %mul3A_758 : vector<16xf32>
      %get3A_760 = arith.index_cast %add3A_744 : i32 to index
      %get3A_761 = arith.constant 32 : index
      %get3A_762 = tpu.vector_load %arg11[%get3A_760, %get3A_761] {strides = array<i32>} : memref<128x64xf32, #tpu.memory_space<vmem>>, vector<16xf32>,
      %get3A_763 = arith.index_cast %add3A_744 : i32 to index
      %get3A_764 = arith.constant 32 : index
      %get3A_765 = tpu.vector_load %arg12[%get3A_763, %get3A_764] {strides = array<i32>} : memref<128x64xf32, #tpu.memory_space<vmem>>, vector<16xf32>,
      %mul3A_766 = arith.mulf %get3A_762, %get3A_765 : vector<16xf32>
      %add3A_767 = arith.addf %add3A_759, %mul3A_766 : vector<16xf32>
      %get3A_768 = arith.index_cast %add3A_744 : i32 to index
      %get3A_769 = arith.constant 48 : index
      %get3A_770 = tpu.vector_load %arg11[%get3A_768, %get3A_769] {strides = array<i32>} : memref<128x64xf32, #tpu.memory_space<vmem>>, vector<16xf32>,
      %get3A_771 = arith.index_cast %add3A_744 : i32 to index
      %get3A_772 = arith.constant 48 : index
      %get3A_773 = tpu.vector_load %arg12[%get3A_771, %get3A_772] {strides = array<i32>} : memref<128x64xf32, #tpu.memory_space<vmem>>, vector<16xf32>,
      %mul3A_774 = arith.mulf %get3A_770, %get3A_773 : vector<16xf32>
      %add3A_775 = arith.addf %add3A_767, %mul3A_774 : vector<16xf32>
      %broadcast_in_dim3A_776 = arith.constant true
      %broadcast_in_dim3A_777 = vector.broadcast %broadcast_in_dim3A_776 : i1 to vector<16xi1>
      %masked_cumsum3A_778 = tpu.scan <sum>, %add3A_775 masked %broadcast_in_dim3A_777 : vector<16xf32>, vector<16xi1> -> vector<16xf32>
      %add3A_779 = arith.constant 128 : i32
      %add3A_780 = arith.addi %add3A_779, %add3A_744 : i32
      %broadcast_in_dim3A_781 = vector.broadcast %add3A_780 : i32 to vector<16xi32>
      tpu.vector_store_idx %arg15[%broadcast_in_dim3A_781], %masked_cumsum3A_778 masked %eq3A_6 : memref<512xf32, #tpu.memory_space<vmem>>[vector<16xi32>], vector<16xf32>, vector<16xi1>
      %mul3A_782 = arith.constant 16 : i32
      %mul3A_783 = arith.muli %scan3A_332, %mul3A_782 : i32
      %add3A_784 = arith.constant 11 : i32
      %add3A_785 = arith.addi %mul3A_783, %add3A_784 : i32
      %get3A_786 = arith.index_cast %add3A_785 : i32 to index
      %get3A_787 = arith.constant 0 : index
      %get3A_788 = tpu.vector_load %arg11[%get3A_786, %get3A_787] {strides = array<i32>} : memref<128x64xf32, #tpu.memory_space<vmem>>, vector<16xf32>,
      %get3A_789 = arith.index_cast %add3A_785 : i32 to index
      %get3A_790 = arith.constant 0 : index
      %get3A_791 = tpu.vector_load %arg12[%get3A_789, %get3A_790] {strides = array<i32>} : memref<128x64xf32, #tpu.memory_space<vmem>>, vector<16xf32>,
      %mul3A_792 = arith.mulf %get3A_788, %get3A_791 : vector<16xf32>
      %get3A_793 = arith.index_cast %add3A_785 : i32 to index
      %get3A_794 = arith.constant 16 : index
      %get3A_795 = tpu.vector_load %arg11[%get3A_793, %get3A_794] {strides = array<i32>} : memref<128x64xf32, #tpu.memory_space<vmem>>, vector<16xf32>,
      %get3A_796 = arith.index_cast %add3A_785 : i32 to index
      %get3A_797 = arith.constant 16 : index
      %get3A_798 = tpu.vector_load %arg12[%get3A_796, %get3A_797] {strides = array<i32>} : memref<128x64xf32, #tpu.memory_space<vmem>>, vector<16xf32>,
      %mul3A_799 = arith.mulf %get3A_795, %get3A_798 : vector<16xf32>
      %add3A_800 = arith.addf %mul3A_792, %mul3A_799 : vector<16xf32>
      %get3A_801 = arith.index_cast %add3A_785 : i32 to index
      %get3A_802 = arith.constant 32 : index
      %get3A_803 = tpu.vector_load %arg11[%get3A_801, %get3A_802] {strides = array<i32>} : memref<128x64xf32, #tpu.memory_space<vmem>>, vector<16xf32>,
      %get3A_804 = arith.index_cast %add3A_785 : i32 to index
      %get3A_805 = arith.constant 32 : index
      %get3A_806 = tpu.vector_load %arg12[%get3A_804, %get3A_805] {strides = array<i32>} : memref<128x64xf32, #tpu.memory_space<vmem>>, vector<16xf32>,
      %mul3A_807 = arith.mulf %get3A_803, %get3A_806 : vector<16xf32>
      %add3A_808 = arith.addf %add3A_800, %mul3A_807 : vector<16xf32>
      %get3A_809 = arith.index_cast %add3A_785 : i32 to index
      %get3A_810 = arith.constant 48 : index
      %get3A_811 = tpu.vector_load %arg11[%get3A_809, %get3A_810] {strides = array<i32>} : memref<128x64xf32, #tpu.memory_space<vmem>>, vector<16xf32>,
      %get3A_812 = arith.index_cast %add3A_785 : i32 to index
      %get3A_813 = arith.constant 48 : index
      %get3A_814 = tpu.vector_load %arg12[%get3A_812, %get3A_813] {strides = array<i32>} : memref<128x64xf32, #tpu.memory_space<vmem>>, vector<16xf32>,
      %mul3A_815 = arith.mulf %get3A_811, %get3A_814 : vector<16xf32>
      %add3A_816 = arith.addf %add3A_808, %mul3A_815 : vector<16xf32>
      %broadcast_in_dim3A_817 = arith.constant true
      %broadcast_in_dim3A_818 = vector.broadcast %broadcast_in_dim3A_817 : i1 to vector<16xi1>
      %masked_cumsum3A_819 = tpu.scan <sum>, %add3A_816 masked %broadcast_in_dim3A_818 : vector<16xf32>, vector<16xi1> -> vector<16xf32>
      %add3A_820 = arith.constant 128 : i32
      %add3A_821 = arith.addi %add3A_820, %add3A_785 : i32
      %broadcast_in_dim3A_822 = vector.broadcast %add3A_821 : i32 to vector<16xi32>
      tpu.vector_store_idx %arg15[%broadcast_in_dim3A_822], %masked_cumsum3A_819 masked %eq3A_6 : memref<512xf32, #tpu.memory_space<vmem>>[vector<16xi32>], vector<16xf32>, vector<16xi1>
      %mul3A_823 = arith.constant 16 : i32
      %mul3A_824 = arith.muli %scan3A_332, %mul3A_823 : i32
      %add3A_825 = arith.constant 12 : i32
      %add3A_826 = arith.addi %mul3A_824, %add3A_825 : i32
      %get3A_827 = arith.index_cast %add3A_826 : i32 to index
      %get3A_828 = arith.constant 0 : index
      %get3A_829 = tpu.vector_load %arg11[%get3A_827, %get3A_828] {strides = array<i32>} : memref<128x64xf32, #tpu.memory_space<vmem>>, vector<16xf32>,
      %get3A_830 = arith.index_cast %add3A_826 : i32 to index
      %get3A_831 = arith.constant 0 : index
      %get3A_832 = tpu.vector_load %arg12[%get3A_830, %get3A_831] {strides = array<i32>} : memref<128x64xf32, #tpu.memory_space<vmem>>, vector<16xf32>,
      %mul3A_833 = arith.mulf %get3A_829, %get3A_832 : vector<16xf32>
      %get3A_834 = arith.index_cast %add3A_826 : i32 to index
      %get3A_835 = arith.constant 16 : index
      %get3A_836 = tpu.vector_load %arg11[%get3A_834, %get3A_835] {strides = array<i32>} : memref<128x64xf32, #tpu.memory_space<vmem>>, vector<16xf32>,
      %get3A_837 = arith.index_cast %add3A_826 : i32 to index
      %get3A_838 = arith.constant 16 : index
      %get3A_839 = tpu.vector_load %arg12[%get3A_837, %get3A_838] {strides = array<i32>} : memref<128x64xf32, #tpu.memory_space<vmem>>, vector<16xf32>,
      %mul3A_840 = arith.mulf %get3A_836, %get3A_839 : vector<16xf32>
      %add3A_841 = arith.addf %mul3A_833, %mul3A_840 : vector<16xf32>
      %get3A_842 = arith.index_cast %add3A_826 : i32 to index
      %get3A_843 = arith.constant 32 : index
      %get3A_844 = tpu.vector_load %arg11[%get3A_842, %get3A_843] {strides = array<i32>} : memref<128x64xf32, #tpu.memory_space<vmem>>, vector<16xf32>,
      %get3A_845 = arith.index_cast %add3A_826 : i32 to index
      %get3A_846 = arith.constant 32 : index
      %get3A_847 = tpu.vector_load %arg12[%get3A_845, %get3A_846] {strides = array<i32>} : memref<128x64xf32, #tpu.memory_space<vmem>>, vector<16xf32>,
      %mul3A_848 = arith.mulf %get3A_844, %get3A_847 : vector<16xf32>
      %add3A_849 = arith.addf %add3A_841, %mul3A_848 : vector<16xf32>
      %get3A_850 = arith.index_cast %add3A_826 : i32 to index
      %get3A_851 = arith.constant 48 : index
      %get3A_852 = tpu.vector_load %arg11[%get3A_850, %get3A_851] {strides = array<i32>} : memref<128x64xf32, #tpu.memory_space<vmem>>, vector<16xf32>,
      %get3A_853 = arith.index_cast %add3A_826 : i32 to index
      %get3A_854 = arith.constant 48 : index
      %get3A_855 = tpu.vector_load %arg12[%get3A_853, %get3A_854] {strides = array<i32>} : memref<128x64xf32, #tpu.memory_space<vmem>>, vector<16xf32>,
      %mul3A_856 = arith.mulf %get3A_852, %get3A_855 : vector<16xf32>
      %add3A_857 = arith.addf %add3A_849, %mul3A_856 : vector<16xf32>
      %broadcast_in_dim3A_858 = arith.constant true
      %broadcast_in_dim3A_859 = vector.broadcast %broadcast_in_dim3A_858 : i1 to vector<16xi1>
      %masked_cumsum3A_860 = tpu.scan <sum>, %add3A_857 masked %broadcast_in_dim3A_859 : vector<16xf32>, vector<16xi1> -> vector<16xf32>
      %add3A_861 = arith.constant 128 : i32
      %add3A_862 = arith.addi %add3A_861, %add3A_826 : i32
      %broadcast_in_dim3A_863 = vector.broadcast %add3A_862 : i32 to vector<16xi32>
      tpu.vector_store_idx %arg15[%broadcast_in_dim3A_863], %masked_cumsum3A_860 masked %eq3A_6 : memref<512xf32, #tpu.memory_space<vmem>>[vector<16xi32>], vector<16xf32>, vector<16xi1>
      %mul3A_864 = arith.constant 16 : i32
      %mul3A_865 = arith.muli %scan3A_332, %mul3A_864 : i32
      %add3A_866 = arith.constant 13 : i32
      %add3A_867 = arith.addi %mul3A_865, %add3A_866 : i32
      %get3A_868 = arith.index_cast %add3A_867 : i32 to index
      %get3A_869 = arith.constant 0 : index
      %get3A_870 = tpu.vector_load %arg11[%get3A_868, %get3A_869] {strides = array<i32>} : memref<128x64xf32, #tpu.memory_space<vmem>>, vector<16xf32>,
      %get3A_871 = arith.index_cast %add3A_867 : i32 to index
      %get3A_872 = arith.constant 0 : index
      %get3A_873 = tpu.vector_load %arg12[%get3A_871, %get3A_872] {strides = array<i32>} : memref<128x64xf32, #tpu.memory_space<vmem>>, vector<16xf32>,
      %mul3A_874 = arith.mulf %get3A_870, %get3A_873 : vector<16xf32>
      %get3A_875 = arith.index_cast %add3A_867 : i32 to index
      %get3A_876 = arith.constant 16 : index
      %get3A_877 = tpu.vector_load %arg11[%get3A_875, %get3A_876] {strides = array<i32>} : memref<128x64xf32, #tpu.memory_space<vmem>>, vector<16xf32>,
      %get3A_878 = arith.index_cast %add3A_867 : i32 to index
      %get3A_879 = arith.constant 16 : index
      %get3A_880 = tpu.vector_load %arg12[%get3A_878, %get3A_879] {strides = array<i32>} : memref<128x64xf32, #tpu.memory_space<vmem>>, vector<16xf32>,
      %mul3A_881 = arith.mulf %get3A_877, %get3A_880 : vector<16xf32>
      %add3A_882 = arith.addf %mul3A_874, %mul3A_881 : vector<16xf32>
      %get3A_883 = arith.index_cast %add3A_867 : i32 to index
      %get3A_884 = arith.constant 32 : index
      %get3A_885 = tpu.vector_load %arg11[%get3A_883, %get3A_884] {strides = array<i32>} : memref<128x64xf32, #tpu.memory_space<vmem>>, vector<16xf32>,
      %get3A_886 = arith.index_cast %add3A_867 : i32 to index
      %get3A_887 = arith.constant 32 : index
      %get3A_888 = tpu.vector_load %arg12[%get3A_886, %get3A_887] {strides = array<i32>} : memref<128x64xf32, #tpu.memory_space<vmem>>, vector<16xf32>,
      %mul3A_889 = arith.mulf %get3A_885, %get3A_888 : vector<16xf32>
      %add3A_890 = arith.addf %add3A_882, %mul3A_889 : vector<16xf32>
      %get3A_891 = arith.index_cast %add3A_867 : i32 to index
      %get3A_892 = arith.constant 48 : index
      %get3A_893 = tpu.vector_load %arg11[%get3A_891, %get3A_892] {strides = array<i32>} : memref<128x64xf32, #tpu.memory_space<vmem>>, vector<16xf32>,
      %get3A_894 = arith.index_cast %add3A_867 : i32 to index
      %get3A_895 = arith.constant 48 : index
      %get3A_896 = tpu.vector_load %arg12[%get3A_894, %get3A_895] {strides = array<i32>} : memref<128x64xf32, #tpu.memory_space<vmem>>, vector<16xf32>,
      %mul3A_897 = arith.mulf %get3A_893, %get3A_896 : vector<16xf32>
      %add3A_898 = arith.addf %add3A_890, %mul3A_897 : vector<16xf32>
      %broadcast_in_dim3A_899 = arith.constant true
      %broadcast_in_dim3A_900 = vector.broadcast %broadcast_in_dim3A_899 : i1 to vector<16xi1>
      %masked_cumsum3A_901 = tpu.scan <sum>, %add3A_898 masked %broadcast_in_dim3A_900 : vector<16xf32>, vector<16xi1> -> vector<16xf32>
      %add3A_902 = arith.constant 128 : i32
      %add3A_903 = arith.addi %add3A_902, %add3A_867 : i32
      %broadcast_in_dim3A_904 = vector.broadcast %add3A_903 : i32 to vector<16xi32>
      tpu.vector_store_idx %arg15[%broadcast_in_dim3A_904], %masked_cumsum3A_901 masked %eq3A_6 : memref<512xf32, #tpu.memory_space<vmem>>[vector<16xi32>], vector<16xf32>, vector<16xi1>
      %mul3A_905 = arith.constant 16 : i32
      %mul3A_906 = arith.muli %scan3A_332, %mul3A_905 : i32
      %add3A_907 = arith.constant 14 : i32
      %add3A_908 = arith.addi %mul3A_906, %add3A_907 : i32
      %get3A_909 = arith.index_cast %add3A_908 : i32 to index
      %get3A_910 = arith.constant 0 : index
      %get3A_911 = tpu.vector_load %arg11[%get3A_909, %get3A_910] {strides = array<i32>} : memref<128x64xf32, #tpu.memory_space<vmem>>, vector<16xf32>,
      %get3A_912 = arith.index_cast %add3A_908 : i32 to index
      %get3A_913 = arith.constant 0 : index
      %get3A_914 = tpu.vector_load %arg12[%get3A_912, %get3A_913] {strides = array<i32>} : memref<128x64xf32, #tpu.memory_space<vmem>>, vector<16xf32>,
      %mul3A_915 = arith.mulf %get3A_911, %get3A_914 : vector<16xf32>
      %get3A_916 = arith.index_cast %add3A_908 : i32 to index
      %get3A_917 = arith.constant 16 : index
      %get3A_918 = tpu.vector_load %arg11[%get3A_916, %get3A_917] {strides = array<i32>} : memref<128x64xf32, #tpu.memory_space<vmem>>, vector<16xf32>,
      %get3A_919 = arith.index_cast %add3A_908 : i32 to index
      %get3A_920 = arith.constant 16 : index
      %get3A_921 = tpu.vector_load %arg12[%get3A_919, %get3A_920] {strides = array<i32>} : memref<128x64xf32, #tpu.memory_space<vmem>>, vector<16xf32>,
      %mul3A_922 = arith.mulf %get3A_918, %get3A_921 : vector<16xf32>
      %add3A_923 = arith.addf %mul3A_915, %mul3A_922 : vector<16xf32>
      %get3A_924 = arith.index_cast %add3A_908 : i32 to index
      %get3A_925 = arith.constant 32 : index
      %get3A_926 = tpu.vector_load %arg11[%get3A_924, %get3A_925] {strides = array<i32>} : memref<128x64xf32, #tpu.memory_space<vmem>>, vector<16xf32>,
      %get3A_927 = arith.index_cast %add3A_908 : i32 to index
      %get3A_928 = arith.constant 32 : index
      %get3A_929 = tpu.vector_load %arg12[%get3A_927, %get3A_928] {strides = array<i32>} : memref<128x64xf32, #tpu.memory_space<vmem>>, vector<16xf32>,
      %mul3A_930 = arith.mulf %get3A_926, %get3A_929 : vector<16xf32>
      %add3A_931 = arith.addf %add3A_923, %mul3A_930 : vector<16xf32>
      %get3A_932 = arith.index_cast %add3A_908 : i32 to index
      %get3A_933 = arith.constant 48 : index
      %get3A_934 = tpu.vector_load %arg11[%get3A_932, %get3A_933] {strides = array<i32>} : memref<128x64xf32, #tpu.memory_space<vmem>>, vector<16xf32>,
      %get3A_935 = arith.index_cast %add3A_908 : i32 to index
      %get3A_936 = arith.constant 48 : index
      %get3A_937 = tpu.vector_load %arg12[%get3A_935, %get3A_936] {strides = array<i32>} : memref<128x64xf32, #tpu.memory_space<vmem>>, vector<16xf32>,
      %mul3A_938 = arith.mulf %get3A_934, %get3A_937 : vector<16xf32>
      %add3A_939 = arith.addf %add3A_931, %mul3A_938 : vector<16xf32>
      %broadcast_in_dim3A_940 = arith.constant true
      %broadcast_in_dim3A_941 = vector.broadcast %broadcast_in_dim3A_940 : i1 to vector<16xi1>
      %masked_cumsum3A_942 = tpu.scan <sum>, %add3A_939 masked %broadcast_in_dim3A_941 : vector<16xf32>, vector<16xi1> -> vector<16xf32>
      %add3A_943 = arith.constant 128 : i32
      %add3A_944 = arith.addi %add3A_943, %add3A_908 : i32
      %broadcast_in_dim3A_945 = vector.broadcast %add3A_944 : i32 to vector<16xi32>
      tpu.vector_store_idx %arg15[%broadcast_in_dim3A_945], %masked_cumsum3A_942 masked %eq3A_6 : memref<512xf32, #tpu.memory_space<vmem>>[vector<16xi32>], vector<16xf32>, vector<16xi1>
      %mul3A_946 = arith.constant 16 : i32
      %mul3A_947 = arith.muli %scan3A_332, %mul3A_946 : i32
      %add3A_948 = arith.constant 15 : i32
      %add3A_949 = arith.addi %mul3A_947, %add3A_948 : i32
      %get3A_950 = arith.index_cast %add3A_949 : i32 to index
      %get3A_951 = arith.constant 0 : index
      %get3A_952 = tpu.vector_load %arg11[%get3A_950, %get3A_951] {strides = array<i32>} : memref<128x64xf32, #tpu.memory_space<vmem>>, vector<16xf32>,
      %get3A_953 = arith.index_cast %add3A_949 : i32 to index
      %get3A_954 = arith.constant 0 : index
      %get3A_955 = tpu.vector_load %arg12[%get3A_953, %get3A_954] {strides = array<i32>} : memref<128x64xf32, #tpu.memory_space<vmem>>, vector<16xf32>,
      %mul3A_956 = arith.mulf %get3A_952, %get3A_955 : vector<16xf32>
      %get3A_957 = arith.index_cast %add3A_949 : i32 to index
      %get3A_958 = arith.constant 16 : index
      %get3A_959 = tpu.vector_load %arg11[%get3A_957, %get3A_958] {strides = array<i32>} : memref<128x64xf32, #tpu.memory_space<vmem>>, vector<16xf32>,
      %get3A_960 = arith.index_cast %add3A_949 : i32 to index
      %get3A_961 = arith.constant 16 : index
      %get3A_962 = tpu.vector_load %arg12[%get3A_960, %get3A_961] {strides = array<i32>} : memref<128x64xf32, #tpu.memory_space<vmem>>, vector<16xf32>,
      %mul3A_963 = arith.mulf %get3A_959, %get3A_962 : vector<16xf32>
      %add3A_964 = arith.addf %mul3A_956, %mul3A_963 : vector<16xf32>
      %get3A_965 = arith.index_cast %add3A_949 : i32 to index
      %get3A_966 = arith.constant 32 : index
      %get3A_967 = tpu.vector_load %arg11[%get3A_965, %get3A_966] {strides = array<i32>} : memref<128x64xf32, #tpu.memory_space<vmem>>, vector<16xf32>,
      %get3A_968 = arith.index_cast %add3A_949 : i32 to index
      %get3A_969 = arith.constant 32 : index
      %get3A_970 = tpu.vector_load %arg12[%get3A_968, %get3A_969] {strides = array<i32>} : memref<128x64xf32, #tpu.memory_space<vmem>>, vector<16xf32>,
      %mul3A_971 = arith.mulf %get3A_967, %get3A_970 : vector<16xf32>
      %add3A_972 = arith.addf %add3A_964, %mul3A_971 : vector<16xf32>
      %get3A_973 = arith.index_cast %add3A_949 : i32 to index
      %get3A_974 = arith.constant 48 : index
      %get3A_975 = tpu.vector_load %arg11[%get3A_973, %get3A_974] {strides = array<i32>} : memref<128x64xf32, #tpu.memory_space<vmem>>, vector<16xf32>,
      %get3A_976 = arith.index_cast %add3A_949 : i32 to index
      %get3A_977 = arith.constant 48 : index
      %get3A_978 = tpu.vector_load %arg12[%get3A_976, %get3A_977] {strides = array<i32>} : memref<128x64xf32, #tpu.memory_space<vmem>>, vector<16xf32>,
      %mul3A_979 = arith.mulf %get3A_975, %get3A_978 : vector<16xf32>
      %add3A_980 = arith.addf %add3A_972, %mul3A_979 : vector<16xf32>
      %broadcast_in_dim3A_981 = arith.constant true
      %broadcast_in_dim3A_982 = vector.broadcast %broadcast_in_dim3A_981 : i1 to vector<16xi1>
      %masked_cumsum3A_983 = tpu.scan <sum>, %add3A_980 masked %broadcast_in_dim3A_982 : vector<16xf32>, vector<16xi1> -> vector<16xf32>
      %add3A_984 = arith.constant 128 : i32
      %add3A_985 = arith.addi %add3A_984, %add3A_949 : i32
      %broadcast_in_dim3A_986 = vector.broadcast %add3A_985 : i32 to vector<16xi32>
      tpu.vector_store_idx %arg15[%broadcast_in_dim3A_986], %masked_cumsum3A_983 masked %eq3A_6 : memref<512xf32, #tpu.memory_space<vmem>>[vector<16xi32>], vector<16xf32>, vector<16xi1>
      %scan3A_987 = arith.constant 0 : i32
      scf.yield %scan3A_987 : i32
    }
    %scan3A_160 = arith.constant 8 : i32
    %scan3A_161 = arith.constant 0 : i32
    %scan3A_162 = arith.constant 0 : i32
    %scan3A_163 = arith.constant 8 : i32
    %scan3A_164 = arith.addi %scan3A_162, %scan3A_163 : i32
    %scan3A_165 = arith.constant 1 : i32
    %scan3A_166 = scf.for %scan3A_332 = %scan3A_162 to %scan3A_164 step %scan3A_165 iter_args(%scan3A_333 = %scan3A_161) -> (i32)  : i32 {
      %mul3A_334 = arith.constant 16 : i32
      %mul3A_335 = arith.muli %scan3A_332, %mul3A_334 : i32
      %add3A_336 = arith.constant 128 : i32
      %add3A_337 = arith.addi %add3A_336, %mul3A_335 : i32
      %mul3A_338 = arith.constant 16 : i32
      %mul3A_339 = arith.muli %scan3A_332, %mul3A_338 : i32
      %get3A = arith.index_cast %add3A_337 : i32 to index
      %get3A_340 = tpu.vector_load %arg15[%get3A] {strides = array<i32>} : memref<512xf32, #tpu.memory_space<vmem>>, vector<16xf32>,
      %get3A_341 = arith.constant 1 : i32
      %get3A_342 = arith.index_cast %get3A_341 : i32 to index
      %get3A_343 = arith.index_cast %mul3A_339 : i32 to index
      %get3A_344 = tpu.vector_load %arg13[%get3A_342, %get3A_343] {strides = array<i32>} : memref<4x128xf32, #tpu.memory_space<vmem>>, vector<16xf32>,
      %add3A_345 = arith.addf %get3A_340, %get3A_344 : vector<16xf32>
      %get3A_346 = arith.constant 1 : i32
      %get3A_347 = arith.index_cast %get3A_346 : i32 to index
      %get3A_348 = arith.index_cast %mul3A_339 : i32 to index
      %get3A_349 = tpu.vector_load %arg14[%get3A_347, %get3A_348] {strides = array<i32>} : memref<4x128xf32, #tpu.memory_space<vmem>>, vector<16xf32>,
      %add3A_350 = arith.addf %add3A_345, %get3A_349 : vector<16xf32>
      %swap3A = arith.index_cast %add3A_337 : i32 to index
      %swap3A_351 = tpu.vector_load %arg15[%swap3A] {strides = array<i32>} : memref<512xf32, #tpu.memory_space<vmem>>, vector<16xf32>,
      tpu.vector_store %arg15[%swap3A], %add3A_350 {strides = array<i32>} : memref<512xf32, #tpu.memory_space<vmem>>, vector<16xf32>,
      %scan3A_352 = arith.constant 0 : i32
      scf.yield %scan3A_352 : i32
    }
    %scan3A_167 = arith.constant 8 : i32
    %dma_start3A_168 = arith.constant 2 : i32
    %dma_start3A_169 = arith.constant 0 : i32
    %dma_start3A_170 = tpu.memref_slice %arg9[%dma_start3A_168, %dma_start3A_169] : memref<4x128xi32, #tpu.memory_space<vmem>> -> memref<1x128xi32, #tpu.memory_space<vmem>>
    %dma_start3A_171 = tpu.memref_squeeze %dma_start3A_170 : memref<1x128xi32, #tpu.memory_space<vmem>> -> memref<128xi32, #tpu.memory_space<vmem>>
    %dma_start3A_172 = arith.constant 0 : i32
    %dma_start3A_173 = arith.constant 0 : i32
    %dma_start3A_174 = tpu.memref_slice %arg4[%dma_start3A_172, %dma_start3A_173] : memref<1000000x64xf32, #tpu.memory_space<hbm>> -> memref<1000000x64xf32, #tpu.memory_space<hbm>>
    tpu.enqueue_indirect_dma source(%dma_start3A_174 : memref<1000000x64xf32, #tpu.memory_space<hbm>>) target(%arg11 : memref<128x64xf32, #tpu.memory_space<vmem>>) offsets(%dma_start3A_171 : memref<128xi32, #tpu.memory_space<vmem>>) semaphore(%arg16 : memref<!tpu.dma_semaphore, #tpu.memory_space<semaphore_mem>>)
    %dma_start3A_175 = arith.constant 2 : i32
    %dma_start3A_176 = arith.constant 0 : i32
    %dma_start3A_177 = tpu.memref_slice %arg10[%dma_start3A_175, %dma_start3A_176] : memref<4x128xi32, #tpu.memory_space<vmem>> -> memref<1x128xi32, #tpu.memory_space<vmem>>
    %dma_start3A_178 = tpu.memref_squeeze %dma_start3A_177 : memref<1x128xi32, #tpu.memory_space<vmem>> -> memref<128xi32, #tpu.memory_space<vmem>>
    %dma_start3A_179 = arith.constant 0 : i32
    %dma_start3A_180 = arith.constant 0 : i32
    %dma_start3A_181 = tpu.memref_slice %arg5[%dma_start3A_179, %dma_start3A_180] : memref<1000000x64xf32, #tpu.memory_space<hbm>> -> memref<1000000x64xf32, #tpu.memory_space<hbm>>
    tpu.enqueue_indirect_dma source(%dma_start3A_181 : memref<1000000x64xf32, #tpu.memory_space<hbm>>) target(%arg12 : memref<128x64xf32, #tpu.memory_space<vmem>>) offsets(%dma_start3A_178 : memref<128xi32, #tpu.memory_space<vmem>>) semaphore(%arg16 : memref<!tpu.dma_semaphore, #tpu.memory_space<semaphore_mem>>)
    %dma_start3A_182 = arith.constant 2 : i32
    %dma_start3A_183 = arith.constant 2 : i32
    %dma_start3A_184 = arith.constant 0 : i32
    %dma_start3A_185 = tpu.memref_slice %arg13[%dma_start3A_183, %dma_start3A_184] : memref<4x128xf32, #tpu.memory_space<vmem>> -> memref<1x128xf32, #tpu.memory_space<vmem>>
    %dma_start3A_186 = tpu.memref_squeeze %dma_start3A_185 : memref<1x128xf32, #tpu.memory_space<vmem>> -> memref<128xf32, #tpu.memory_space<vmem>>
    %dma_start3A_187 = arith.constant 0 : i32
    %dma_start3A_188 = tpu.memref_slice %arg9[%dma_start3A_182, %dma_start3A_187] : memref<4x128xi32, #tpu.memory_space<vmem>> -> memref<1x128xi32, #tpu.memory_space<vmem>>
    %dma_start3A_189 = tpu.memref_squeeze %dma_start3A_188 : memref<1x128xi32, #tpu.memory_space<vmem>> -> memref<128xi32, #tpu.memory_space<vmem>>
    %dma_start3A_190 = arith.constant 0 : i32
    %dma_start3A_191 = tpu.memref_slice %arg6[%dma_start3A_190] : memref<1048576xf32, #tpu.memory_space<hbm>> -> memref<1048576xf32, #tpu.memory_space<hbm>>
    tpu.enqueue_indirect_dma source(%dma_start3A_191 : memref<1048576xf32, #tpu.memory_space<hbm>>) target(%dma_start3A_186 : memref<128xf32, #tpu.memory_space<vmem>>) offsets(%dma_start3A_189 : memref<128xi32, #tpu.memory_space<vmem>>) semaphore(%arg16 : memref<!tpu.dma_semaphore, #tpu.memory_space<semaphore_mem>>)
    %dma_start3A_192 = arith.constant 2 : i32
    %dma_start3A_193 = arith.constant 2 : i32
    %dma_start3A_194 = arith.constant 0 : i32
    %dma_start3A_195 = tpu.memref_slice %arg14[%dma_start3A_193, %dma_start3A_194] : memref<4x128xf32, #tpu.memory_space<vmem>> -> memref<1x128xf32, #tpu.memory_space<vmem>>
    %dma_start3A_196 = tpu.memref_squeeze %dma_start3A_195 : memref<1x128xf32, #tpu.memory_space<vmem>> -> memref<128xf32, #tpu.memory_space<vmem>>
    %dma_start3A_197 = arith.constant 0 : i32
    %dma_start3A_198 = tpu.memref_slice %arg10[%dma_start3A_192, %dma_start3A_197] : memref<4x128xi32, #tpu.memory_space<vmem>> -> memref<1x128xi32, #tpu.memory_space<vmem>>
    %dma_start3A_199 = tpu.memref_squeeze %dma_start3A_198 : memref<1x128xi32, #tpu.memory_space<vmem>> -> memref<128xi32, #tpu.memory_space<vmem>>
    %dma_start3A_200 = arith.constant 0 : i32
    %dma_start3A_201 = tpu.memref_slice %arg7[%dma_start3A_200] : memref<1048576xf32, #tpu.memory_space<hbm>> -> memref<1048576xf32, #tpu.memory_space<hbm>>
    tpu.enqueue_indirect_dma source(%dma_start3A_201 : memref<1048576xf32, #tpu.memory_space<hbm>>) target(%dma_start3A_196 : memref<128xf32, #tpu.memory_space<vmem>>) offsets(%dma_start3A_199 : memref<128xi32, #tpu.memory_space<vmem>>) semaphore(%arg16 : memref<!tpu.dma_semaphore, #tpu.memory_space<semaphore_mem>>)
    %dma_wait3A_202 = arith.constant 2 : i32
    %dma_wait3A_203 = arith.constant 0 : i32
    %dma_wait3A_204 = tpu.memref_slice %arg9[%dma_wait3A_202, %dma_wait3A_203] : memref<4x128xi32, #tpu.memory_space<vmem>> -> memref<1x128xi32, #tpu.memory_space<vmem>>
    %dma_wait3A_205 = tpu.memref_squeeze %dma_wait3A_204 : memref<1x128xi32, #tpu.memory_space<vmem>> -> memref<128xi32, #tpu.memory_space<vmem>>
    %dma_wait3A_206 = arith.constant 0 : i32
    %dma_wait3A_207 = arith.constant 0 : i32
    %dma_wait3A_208 = tpu.memref_slice %arg4[%dma_wait3A_206, %dma_wait3A_207] : memref<1000000x64xf32, #tpu.memory_space<hbm>> -> memref<1000000x64xf32, #tpu.memory_space<hbm>>
    tpu.wait_indirect_dma semaphore(%arg16 : memref<!tpu.dma_semaphore, #tpu.memory_space<semaphore_mem>>) src(%dma_wait3A_208 : memref<1000000x64xf32, #tpu.memory_space<hbm>>) dst(%arg11 : memref<128x64xf32, #tpu.memory_space<vmem>>)
    %dma_wait3A_209 = arith.constant 2 : i32
    %dma_wait3A_210 = arith.constant 0 : i32
    %dma_wait3A_211 = tpu.memref_slice %arg10[%dma_wait3A_209, %dma_wait3A_210] : memref<4x128xi32, #tpu.memory_space<vmem>> -> memref<1x128xi32, #tpu.memory_space<vmem>>
    %dma_wait3A_212 = tpu.memref_squeeze %dma_wait3A_211 : memref<1x128xi32, #tpu.memory_space<vmem>> -> memref<128xi32, #tpu.memory_space<vmem>>
    %dma_wait3A_213 = arith.constant 0 : i32
    %dma_wait3A_214 = arith.constant 0 : i32
    %dma_wait3A_215 = tpu.memref_slice %arg5[%dma_wait3A_213, %dma_wait3A_214] : memref<1000000x64xf32, #tpu.memory_space<hbm>> -> memref<1000000x64xf32, #tpu.memory_space<hbm>>
    tpu.wait_indirect_dma semaphore(%arg16 : memref<!tpu.dma_semaphore, #tpu.memory_space<semaphore_mem>>) src(%dma_wait3A_215 : memref<1000000x64xf32, #tpu.memory_space<hbm>>) dst(%arg12 : memref<128x64xf32, #tpu.memory_space<vmem>>)
    %dma_wait3A_216 = arith.constant 2 : i32
    %dma_wait3A_217 = arith.constant 2 : i32
    %dma_wait3A_218 = arith.constant 0 : i32
    %dma_wait3A_219 = tpu.memref_slice %arg13[%dma_wait3A_217, %dma_wait3A_218] : memref<4x128xf32, #tpu.memory_space<vmem>> -> memref<1x128xf32, #tpu.memory_space<vmem>>
    %dma_wait3A_220 = tpu.memref_squeeze %dma_wait3A_219 : memref<1x128xf32, #tpu.memory_space<vmem>> -> memref<128xf32, #tpu.memory_space<vmem>>
    %dma_wait3A_221 = arith.constant 0 : i32
    %dma_wait3A_222 = tpu.memref_slice %arg9[%dma_wait3A_216, %dma_wait3A_221] : memref<4x128xi32, #tpu.memory_space<vmem>> -> memref<1x128xi32, #tpu.memory_space<vmem>>
    %dma_wait3A_223 = tpu.memref_squeeze %dma_wait3A_222 : memref<1x128xi32, #tpu.memory_space<vmem>> -> memref<128xi32, #tpu.memory_space<vmem>>
    %dma_wait3A_224 = arith.constant 0 : i32
    %dma_wait3A_225 = tpu.memref_slice %arg6[%dma_wait3A_224] : memref<1048576xf32, #tpu.memory_space<hbm>> -> memref<1048576xf32, #tpu.memory_space<hbm>>
    tpu.wait_indirect_dma semaphore(%arg16 : memref<!tpu.dma_semaphore, #tpu.memory_space<semaphore_mem>>) src(%dma_wait3A_225 : memref<1048576xf32, #tpu.memory_space<hbm>>) dst(%dma_wait3A_220 : memref<128xf32, #tpu.memory_space<vmem>>)
    %dma_wait3A_226 = arith.constant 2 : i32
    %dma_wait3A_227 = arith.constant 2 : i32
    %dma_wait3A_228 = arith.constant 0 : i32
    %dma_wait3A_229 = tpu.memref_slice %arg14[%dma_wait3A_227, %dma_wait3A_228] : memref<4x128xf32, #tpu.memory_space<vmem>> -> memref<1x128xf32, #tpu.memory_space<vmem>>
    %dma_wait3A_230 = tpu.memref_squeeze %dma_wait3A_229 : memref<1x128xf32, #tpu.memory_space<vmem>> -> memref<128xf32, #tpu.memory_space<vmem>>
    %dma_wait3A_231 = arith.constant 0 : i32
    %dma_wait3A_232 = tpu.memref_slice %arg10[%dma_wait3A_226, %dma_wait3A_231] : memref<4x128xi32, #tpu.memory_space<vmem>> -> memref<1x128xi32, #tpu.memory_space<vmem>>
    %dma_wait3A_233 = tpu.memref_squeeze %dma_wait3A_232 : memref<1x128xi32, #tpu.memory_space<vmem>> -> memref<128xi32, #tpu.memory_space<vmem>>
    %dma_wait3A_234 = arith.constant 0 : i32
    %dma_wait3A_235 = tpu.memref_slice %arg7[%dma_wait3A_234] : memref<1048576xf32, #tpu.memory_space<hbm>> -> memref<1048576xf32, #tpu.memory_space<hbm>>
    tpu.wait_indirect_dma semaphore(%arg16 : memref<!tpu.dma_semaphore, #tpu.memory_space<semaphore_mem>>) src(%dma_wait3A_235 : memref<1048576xf32, #tpu.memory_space<hbm>>) dst(%dma_wait3A_230 : memref<128xf32, #tpu.memory_space<vmem>>)
    %scan3A_236 = arith.constant 0 : i32
    %scan3A_237 = arith.constant 0 : i32
    %scan3A_238 = arith.constant 8 : i32
    %scan3A_239 = arith.addi %scan3A_237, %scan3A_238 : i32
    %scan3A_240 = arith.constant 1 : i32
    %scan3A_241 = scf.for %scan3A_332 = %scan3A_237 to %scan3A_239 step %scan3A_240 iter_args(%scan3A_333 = %scan3A_236) -> (i32)  : i32 {
      %mul3A_334 = arith.constant 16 : i32
      %mul3A_335 = arith.muli %scan3A_332, %mul3A_334 : i32
      %add3A_336 = arith.constant 0 : i32
      %add3A_337 = arith.addi %mul3A_335, %add3A_336 : i32
      %get3A = arith.index_cast %add3A_337 : i32 to index
      %get3A_338 = arith.constant 0 : index
      %get3A_339 = tpu.vector_load %arg11[%get3A, %get3A_338] {strides = array<i32>} : memref<128x64xf32, #tpu.memory_space<vmem>>, vector<16xf32>,
      %get3A_340 = arith.index_cast %add3A_337 : i32 to index
      %get3A_341 = arith.constant 0 : index
      %get3A_342 = tpu.vector_load %arg12[%get3A_340, %get3A_341] {strides = array<i32>} : memref<128x64xf32, #tpu.memory_space<vmem>>, vector<16xf32>,
      %mul3A_343 = arith.mulf %get3A_339, %get3A_342 : vector<16xf32>
      %get3A_344 = arith.index_cast %add3A_337 : i32 to index
      %get3A_345 = arith.constant 16 : index
      %get3A_346 = tpu.vector_load %arg11[%get3A_344, %get3A_345] {strides = array<i32>} : memref<128x64xf32, #tpu.memory_space<vmem>>, vector<16xf32>,
      %get3A_347 = arith.index_cast %add3A_337 : i32 to index
      %get3A_348 = arith.constant 16 : index
      %get3A_349 = tpu.vector_load %arg12[%get3A_347, %get3A_348] {strides = array<i32>} : memref<128x64xf32, #tpu.memory_space<vmem>>, vector<16xf32>,
      %mul3A_350 = arith.mulf %get3A_346, %get3A_349 : vector<16xf32>
      %add3A_351 = arith.addf %mul3A_343, %mul3A_350 : vector<16xf32>
      %get3A_352 = arith.index_cast %add3A_337 : i32 to index
      %get3A_353 = arith.constant 32 : index
      %get3A_354 = tpu.vector_load %arg11[%get3A_352, %get3A_353] {strides = array<i32>} : memref<128x64xf32, #tpu.memory_space<vmem>>, vector<16xf32>,
      %get3A_355 = arith.index_cast %add3A_337 : i32 to index
      %get3A_356 = arith.constant 32 : index
      %get3A_357 = tpu.vector_load %arg12[%get3A_355, %get3A_356] {strides = array<i32>} : memref<128x64xf32, #tpu.memory_space<vmem>>, vector<16xf32>,
      %mul3A_358 = arith.mulf %get3A_354, %get3A_357 : vector<16xf32>
      %add3A_359 = arith.addf %add3A_351, %mul3A_358 : vector<16xf32>
      %get3A_360 = arith.index_cast %add3A_337 : i32 to index
      %get3A_361 = arith.constant 48 : index
      %get3A_362 = tpu.vector_load %arg11[%get3A_360, %get3A_361] {strides = array<i32>} : memref<128x64xf32, #tpu.memory_space<vmem>>, vector<16xf32>,
      %get3A_363 = arith.index_cast %add3A_337 : i32 to index
      %get3A_364 = arith.constant 48 : index
      %get3A_365 = tpu.vector_load %arg12[%get3A_363, %get3A_364] {strides = array<i32>} : memref<128x64xf32, #tpu.memory_space<vmem>>, vector<16xf32>,
      %mul3A_366 = arith.mulf %get3A_362, %get3A_365 : vector<16xf32>
      %add3A_367 = arith.addf %add3A_359, %mul3A_366 : vector<16xf32>
      %broadcast_in_dim3A = arith.constant true
      %broadcast_in_dim3A_368 = vector.broadcast %broadcast_in_dim3A : i1 to vector<16xi1>
      %masked_cumsum3A = tpu.scan <sum>, %add3A_367 masked %broadcast_in_dim3A_368 : vector<16xf32>, vector<16xi1> -> vector<16xf32>
      %add3A_369 = arith.constant 256 : i32
      %add3A_370 = arith.addi %add3A_369, %add3A_337 : i32
      %broadcast_in_dim3A_371 = vector.broadcast %add3A_370 : i32 to vector<16xi32>
      tpu.vector_store_idx %arg15[%broadcast_in_dim3A_371], %masked_cumsum3A masked %eq3A_6 : memref<512xf32, #tpu.memory_space<vmem>>[vector<16xi32>], vector<16xf32>, vector<16xi1>
      %mul3A_372 = arith.constant 16 : i32
      %mul3A_373 = arith.muli %scan3A_332, %mul3A_372 : i32
      %add3A_374 = arith.constant 1 : i32
      %add3A_375 = arith.addi %mul3A_373, %add3A_374 : i32
      %get3A_376 = arith.index_cast %add3A_375 : i32 to index
      %get3A_377 = arith.constant 0 : index
      %get3A_378 = tpu.vector_load %arg11[%get3A_376, %get3A_377] {strides = array<i32>} : memref<128x64xf32, #tpu.memory_space<vmem>>, vector<16xf32>,
      %get3A_379 = arith.index_cast %add3A_375 : i32 to index
      %get3A_380 = arith.constant 0 : index
      %get3A_381 = tpu.vector_load %arg12[%get3A_379, %get3A_380] {strides = array<i32>} : memref<128x64xf32, #tpu.memory_space<vmem>>, vector<16xf32>,
      %mul3A_382 = arith.mulf %get3A_378, %get3A_381 : vector<16xf32>
      %get3A_383 = arith.index_cast %add3A_375 : i32 to index
      %get3A_384 = arith.constant 16 : index
      %get3A_385 = tpu.vector_load %arg11[%get3A_383, %get3A_384] {strides = array<i32>} : memref<128x64xf32, #tpu.memory_space<vmem>>, vector<16xf32>,
      %get3A_386 = arith.index_cast %add3A_375 : i32 to index
      %get3A_387 = arith.constant 16 : index
      %get3A_388 = tpu.vector_load %arg12[%get3A_386, %get3A_387] {strides = array<i32>} : memref<128x64xf32, #tpu.memory_space<vmem>>, vector<16xf32>,
      %mul3A_389 = arith.mulf %get3A_385, %get3A_388 : vector<16xf32>
      %add3A_390 = arith.addf %mul3A_382, %mul3A_389 : vector<16xf32>
      %get3A_391 = arith.index_cast %add3A_375 : i32 to index
      %get3A_392 = arith.constant 32 : index
      %get3A_393 = tpu.vector_load %arg11[%get3A_391, %get3A_392] {strides = array<i32>} : memref<128x64xf32, #tpu.memory_space<vmem>>, vector<16xf32>,
      %get3A_394 = arith.index_cast %add3A_375 : i32 to index
      %get3A_395 = arith.constant 32 : index
      %get3A_396 = tpu.vector_load %arg12[%get3A_394, %get3A_395] {strides = array<i32>} : memref<128x64xf32, #tpu.memory_space<vmem>>, vector<16xf32>,
      %mul3A_397 = arith.mulf %get3A_393, %get3A_396 : vector<16xf32>
      %add3A_398 = arith.addf %add3A_390, %mul3A_397 : vector<16xf32>
      %get3A_399 = arith.index_cast %add3A_375 : i32 to index
      %get3A_400 = arith.constant 48 : index
      %get3A_401 = tpu.vector_load %arg11[%get3A_399, %get3A_400] {strides = array<i32>} : memref<128x64xf32, #tpu.memory_space<vmem>>, vector<16xf32>,
      %get3A_402 = arith.index_cast %add3A_375 : i32 to index
      %get3A_403 = arith.constant 48 : index
      %get3A_404 = tpu.vector_load %arg12[%get3A_402, %get3A_403] {strides = array<i32>} : memref<128x64xf32, #tpu.memory_space<vmem>>, vector<16xf32>,
      %mul3A_405 = arith.mulf %get3A_401, %get3A_404 : vector<16xf32>
      %add3A_406 = arith.addf %add3A_398, %mul3A_405 : vector<16xf32>
      %broadcast_in_dim3A_407 = arith.constant true
      %broadcast_in_dim3A_408 = vector.broadcast %broadcast_in_dim3A_407 : i1 to vector<16xi1>
      %masked_cumsum3A_409 = tpu.scan <sum>, %add3A_406 masked %broadcast_in_dim3A_408 : vector<16xf32>, vector<16xi1> -> vector<16xf32>
      %add3A_410 = arith.constant 256 : i32
      %add3A_411 = arith.addi %add3A_410, %add3A_375 : i32
      %broadcast_in_dim3A_412 = vector.broadcast %add3A_411 : i32 to vector<16xi32>
      tpu.vector_store_idx %arg15[%broadcast_in_dim3A_412], %masked_cumsum3A_409 masked %eq3A_6 : memref<512xf32, #tpu.memory_space<vmem>>[vector<16xi32>], vector<16xf32>, vector<16xi1>
      %mul3A_413 = arith.constant 16 : i32
      %mul3A_414 = arith.muli %scan3A_332, %mul3A_413 : i32
      %add3A_415 = arith.constant 2 : i32
      %add3A_416 = arith.addi %mul3A_414, %add3A_415 : i32
      %get3A_417 = arith.index_cast %add3A_416 : i32 to index
      %get3A_418 = arith.constant 0 : index
      %get3A_419 = tpu.vector_load %arg11[%get3A_417, %get3A_418] {strides = array<i32>} : memref<128x64xf32, #tpu.memory_space<vmem>>, vector<16xf32>,
      %get3A_420 = arith.index_cast %add3A_416 : i32 to index
      %get3A_421 = arith.constant 0 : index
      %get3A_422 = tpu.vector_load %arg12[%get3A_420, %get3A_421] {strides = array<i32>} : memref<128x64xf32, #tpu.memory_space<vmem>>, vector<16xf32>,
      %mul3A_423 = arith.mulf %get3A_419, %get3A_422 : vector<16xf32>
      %get3A_424 = arith.index_cast %add3A_416 : i32 to index
      %get3A_425 = arith.constant 16 : index
      %get3A_426 = tpu.vector_load %arg11[%get3A_424, %get3A_425] {strides = array<i32>} : memref<128x64xf32, #tpu.memory_space<vmem>>, vector<16xf32>,
      %get3A_427 = arith.index_cast %add3A_416 : i32 to index
      %get3A_428 = arith.constant 16 : index
      %get3A_429 = tpu.vector_load %arg12[%get3A_427, %get3A_428] {strides = array<i32>} : memref<128x64xf32, #tpu.memory_space<vmem>>, vector<16xf32>,
      %mul3A_430 = arith.mulf %get3A_426, %get3A_429 : vector<16xf32>
      %add3A_431 = arith.addf %mul3A_423, %mul3A_430 : vector<16xf32>
      %get3A_432 = arith.index_cast %add3A_416 : i32 to index
      %get3A_433 = arith.constant 32 : index
      %get3A_434 = tpu.vector_load %arg11[%get3A_432, %get3A_433] {strides = array<i32>} : memref<128x64xf32, #tpu.memory_space<vmem>>, vector<16xf32>,
      %get3A_435 = arith.index_cast %add3A_416 : i32 to index
      %get3A_436 = arith.constant 32 : index
      %get3A_437 = tpu.vector_load %arg12[%get3A_435, %get3A_436] {strides = array<i32>} : memref<128x64xf32, #tpu.memory_space<vmem>>, vector<16xf32>,
      %mul3A_438 = arith.mulf %get3A_434, %get3A_437 : vector<16xf32>
      %add3A_439 = arith.addf %add3A_431, %mul3A_438 : vector<16xf32>
      %get3A_440 = arith.index_cast %add3A_416 : i32 to index
      %get3A_441 = arith.constant 48 : index
      %get3A_442 = tpu.vector_load %arg11[%get3A_440, %get3A_441] {strides = array<i32>} : memref<128x64xf32, #tpu.memory_space<vmem>>, vector<16xf32>,
      %get3A_443 = arith.index_cast %add3A_416 : i32 to index
      %get3A_444 = arith.constant 48 : index
      %get3A_445 = tpu.vector_load %arg12[%get3A_443, %get3A_444] {strides = array<i32>} : memref<128x64xf32, #tpu.memory_space<vmem>>, vector<16xf32>,
      %mul3A_446 = arith.mulf %get3A_442, %get3A_445 : vector<16xf32>
      %add3A_447 = arith.addf %add3A_439, %mul3A_446 : vector<16xf32>
      %broadcast_in_dim3A_448 = arith.constant true
      %broadcast_in_dim3A_449 = vector.broadcast %broadcast_in_dim3A_448 : i1 to vector<16xi1>
      %masked_cumsum3A_450 = tpu.scan <sum>, %add3A_447 masked %broadcast_in_dim3A_449 : vector<16xf32>, vector<16xi1> -> vector<16xf32>
      %add3A_451 = arith.constant 256 : i32
      %add3A_452 = arith.addi %add3A_451, %add3A_416 : i32
      %broadcast_in_dim3A_453 = vector.broadcast %add3A_452 : i32 to vector<16xi32>
      tpu.vector_store_idx %arg15[%broadcast_in_dim3A_453], %masked_cumsum3A_450 masked %eq3A_6 : memref<512xf32, #tpu.memory_space<vmem>>[vector<16xi32>], vector<16xf32>, vector<16xi1>
      %mul3A_454 = arith.constant 16 : i32
      %mul3A_455 = arith.muli %scan3A_332, %mul3A_454 : i32
      %add3A_456 = arith.constant 3 : i32
      %add3A_457 = arith.addi %mul3A_455, %add3A_456 : i32
      %get3A_458 = arith.index_cast %add3A_457 : i32 to index
      %get3A_459 = arith.constant 0 : index
      %get3A_460 = tpu.vector_load %arg11[%get3A_458, %get3A_459] {strides = array<i32>} : memref<128x64xf32, #tpu.memory_space<vmem>>, vector<16xf32>,
      %get3A_461 = arith.index_cast %add3A_457 : i32 to index
      %get3A_462 = arith.constant 0 : index
      %get3A_463 = tpu.vector_load %arg12[%get3A_461, %get3A_462] {strides = array<i32>} : memref<128x64xf32, #tpu.memory_space<vmem>>, vector<16xf32>,
      %mul3A_464 = arith.mulf %get3A_460, %get3A_463 : vector<16xf32>
      %get3A_465 = arith.index_cast %add3A_457 : i32 to index
      %get3A_466 = arith.constant 16 : index
      %get3A_467 = tpu.vector_load %arg11[%get3A_465, %get3A_466] {strides = array<i32>} : memref<128x64xf32, #tpu.memory_space<vmem>>, vector<16xf32>,
      %get3A_468 = arith.index_cast %add3A_457 : i32 to index
      %get3A_469 = arith.constant 16 : index
      %get3A_470 = tpu.vector_load %arg12[%get3A_468, %get3A_469] {strides = array<i32>} : memref<128x64xf32, #tpu.memory_space<vmem>>, vector<16xf32>,
      %mul3A_471 = arith.mulf %get3A_467, %get3A_470 : vector<16xf32>
      %add3A_472 = arith.addf %mul3A_464, %mul3A_471 : vector<16xf32>
      %get3A_473 = arith.index_cast %add3A_457 : i32 to index
      %get3A_474 = arith.constant 32 : index
      %get3A_475 = tpu.vector_load %arg11[%get3A_473, %get3A_474] {strides = array<i32>} : memref<128x64xf32, #tpu.memory_space<vmem>>, vector<16xf32>,
      %get3A_476 = arith.index_cast %add3A_457 : i32 to index
      %get3A_477 = arith.constant 32 : index
      %get3A_478 = tpu.vector_load %arg12[%get3A_476, %get3A_477] {strides = array<i32>} : memref<128x64xf32, #tpu.memory_space<vmem>>, vector<16xf32>,
      %mul3A_479 = arith.mulf %get3A_475, %get3A_478 : vector<16xf32>
      %add3A_480 = arith.addf %add3A_472, %mul3A_479 : vector<16xf32>
      %get3A_481 = arith.index_cast %add3A_457 : i32 to index
      %get3A_482 = arith.constant 48 : index
      %get3A_483 = tpu.vector_load %arg11[%get3A_481, %get3A_482] {strides = array<i32>} : memref<128x64xf32, #tpu.memory_space<vmem>>, vector<16xf32>,
      %get3A_484 = arith.index_cast %add3A_457 : i32 to index
      %get3A_485 = arith.constant 48 : index
      %get3A_486 = tpu.vector_load %arg12[%get3A_484, %get3A_485] {strides = array<i32>} : memref<128x64xf32, #tpu.memory_space<vmem>>, vector<16xf32>,
      %mul3A_487 = arith.mulf %get3A_483, %get3A_486 : vector<16xf32>
      %add3A_488 = arith.addf %add3A_480, %mul3A_487 : vector<16xf32>
      %broadcast_in_dim3A_489 = arith.constant true
      %broadcast_in_dim3A_490 = vector.broadcast %broadcast_in_dim3A_489 : i1 to vector<16xi1>
      %masked_cumsum3A_491 = tpu.scan <sum>, %add3A_488 masked %broadcast_in_dim3A_490 : vector<16xf32>, vector<16xi1> -> vector<16xf32>
      %add3A_492 = arith.constant 256 : i32
      %add3A_493 = arith.addi %add3A_492, %add3A_457 : i32
      %broadcast_in_dim3A_494 = vector.broadcast %add3A_493 : i32 to vector<16xi32>
      tpu.vector_store_idx %arg15[%broadcast_in_dim3A_494], %masked_cumsum3A_491 masked %eq3A_6 : memref<512xf32, #tpu.memory_space<vmem>>[vector<16xi32>], vector<16xf32>, vector<16xi1>
      %mul3A_495 = arith.constant 16 : i32
      %mul3A_496 = arith.muli %scan3A_332, %mul3A_495 : i32
      %add3A_497 = arith.constant 4 : i32
      %add3A_498 = arith.addi %mul3A_496, %add3A_497 : i32
      %get3A_499 = arith.index_cast %add3A_498 : i32 to index
      %get3A_500 = arith.constant 0 : index
      %get3A_501 = tpu.vector_load %arg11[%get3A_499, %get3A_500] {strides = array<i32>} : memref<128x64xf32, #tpu.memory_space<vmem>>, vector<16xf32>,
      %get3A_502 = arith.index_cast %add3A_498 : i32 to index
      %get3A_503 = arith.constant 0 : index
      %get3A_504 = tpu.vector_load %arg12[%get3A_502, %get3A_503] {strides = array<i32>} : memref<128x64xf32, #tpu.memory_space<vmem>>, vector<16xf32>,
      %mul3A_505 = arith.mulf %get3A_501, %get3A_504 : vector<16xf32>
      %get3A_506 = arith.index_cast %add3A_498 : i32 to index
      %get3A_507 = arith.constant 16 : index
      %get3A_508 = tpu.vector_load %arg11[%get3A_506, %get3A_507] {strides = array<i32>} : memref<128x64xf32, #tpu.memory_space<vmem>>, vector<16xf32>,
      %get3A_509 = arith.index_cast %add3A_498 : i32 to index
      %get3A_510 = arith.constant 16 : index
      %get3A_511 = tpu.vector_load %arg12[%get3A_509, %get3A_510] {strides = array<i32>} : memref<128x64xf32, #tpu.memory_space<vmem>>, vector<16xf32>,
      %mul3A_512 = arith.mulf %get3A_508, %get3A_511 : vector<16xf32>
      %add3A_513 = arith.addf %mul3A_505, %mul3A_512 : vector<16xf32>
      %get3A_514 = arith.index_cast %add3A_498 : i32 to index
      %get3A_515 = arith.constant 32 : index
      %get3A_516 = tpu.vector_load %arg11[%get3A_514, %get3A_515] {strides = array<i32>} : memref<128x64xf32, #tpu.memory_space<vmem>>, vector<16xf32>,
      %get3A_517 = arith.index_cast %add3A_498 : i32 to index
      %get3A_518 = arith.constant 32 : index
      %get3A_519 = tpu.vector_load %arg12[%get3A_517, %get3A_518] {strides = array<i32>} : memref<128x64xf32, #tpu.memory_space<vmem>>, vector<16xf32>,
      %mul3A_520 = arith.mulf %get3A_516, %get3A_519 : vector<16xf32>
      %add3A_521 = arith.addf %add3A_513, %mul3A_520 : vector<16xf32>
      %get3A_522 = arith.index_cast %add3A_498 : i32 to index
      %get3A_523 = arith.constant 48 : index
      %get3A_524 = tpu.vector_load %arg11[%get3A_522, %get3A_523] {strides = array<i32>} : memref<128x64xf32, #tpu.memory_space<vmem>>, vector<16xf32>,
      %get3A_525 = arith.index_cast %add3A_498 : i32 to index
      %get3A_526 = arith.constant 48 : index
      %get3A_527 = tpu.vector_load %arg12[%get3A_525, %get3A_526] {strides = array<i32>} : memref<128x64xf32, #tpu.memory_space<vmem>>, vector<16xf32>,
      %mul3A_528 = arith.mulf %get3A_524, %get3A_527 : vector<16xf32>
      %add3A_529 = arith.addf %add3A_521, %mul3A_528 : vector<16xf32>
      %broadcast_in_dim3A_530 = arith.constant true
      %broadcast_in_dim3A_531 = vector.broadcast %broadcast_in_dim3A_530 : i1 to vector<16xi1>
      %masked_cumsum3A_532 = tpu.scan <sum>, %add3A_529 masked %broadcast_in_dim3A_531 : vector<16xf32>, vector<16xi1> -> vector<16xf32>
      %add3A_533 = arith.constant 256 : i32
      %add3A_534 = arith.addi %add3A_533, %add3A_498 : i32
      %broadcast_in_dim3A_535 = vector.broadcast %add3A_534 : i32 to vector<16xi32>
      tpu.vector_store_idx %arg15[%broadcast_in_dim3A_535], %masked_cumsum3A_532 masked %eq3A_6 : memref<512xf32, #tpu.memory_space<vmem>>[vector<16xi32>], vector<16xf32>, vector<16xi1>
      %mul3A_536 = arith.constant 16 : i32
      %mul3A_537 = arith.muli %scan3A_332, %mul3A_536 : i32
      %add3A_538 = arith.constant 5 : i32
      %add3A_539 = arith.addi %mul3A_537, %add3A_538 : i32
      %get3A_540 = arith.index_cast %add3A_539 : i32 to index
      %get3A_541 = arith.constant 0 : index
      %get3A_542 = tpu.vector_load %arg11[%get3A_540, %get3A_541] {strides = array<i32>} : memref<128x64xf32, #tpu.memory_space<vmem>>, vector<16xf32>,
      %get3A_543 = arith.index_cast %add3A_539 : i32 to index
      %get3A_544 = arith.constant 0 : index
      %get3A_545 = tpu.vector_load %arg12[%get3A_543, %get3A_544] {strides = array<i32>} : memref<128x64xf32, #tpu.memory_space<vmem>>, vector<16xf32>,
      %mul3A_546 = arith.mulf %get3A_542, %get3A_545 : vector<16xf32>
      %get3A_547 = arith.index_cast %add3A_539 : i32 to index
      %get3A_548 = arith.constant 16 : index
      %get3A_549 = tpu.vector_load %arg11[%get3A_547, %get3A_548] {strides = array<i32>} : memref<128x64xf32, #tpu.memory_space<vmem>>, vector<16xf32>,
      %get3A_550 = arith.index_cast %add3A_539 : i32 to index
      %get3A_551 = arith.constant 16 : index
      %get3A_552 = tpu.vector_load %arg12[%get3A_550, %get3A_551] {strides = array<i32>} : memref<128x64xf32, #tpu.memory_space<vmem>>, vector<16xf32>,
      %mul3A_553 = arith.mulf %get3A_549, %get3A_552 : vector<16xf32>
      %add3A_554 = arith.addf %mul3A_546, %mul3A_553 : vector<16xf32>
      %get3A_555 = arith.index_cast %add3A_539 : i32 to index
      %get3A_556 = arith.constant 32 : index
      %get3A_557 = tpu.vector_load %arg11[%get3A_555, %get3A_556] {strides = array<i32>} : memref<128x64xf32, #tpu.memory_space<vmem>>, vector<16xf32>,
      %get3A_558 = arith.index_cast %add3A_539 : i32 to index
      %get3A_559 = arith.constant 32 : index
      %get3A_560 = tpu.vector_load %arg12[%get3A_558, %get3A_559] {strides = array<i32>} : memref<128x64xf32, #tpu.memory_space<vmem>>, vector<16xf32>,
      %mul3A_561 = arith.mulf %get3A_557, %get3A_560 : vector<16xf32>
      %add3A_562 = arith.addf %add3A_554, %mul3A_561 : vector<16xf32>
      %get3A_563 = arith.index_cast %add3A_539 : i32 to index
      %get3A_564 = arith.constant 48 : index
      %get3A_565 = tpu.vector_load %arg11[%get3A_563, %get3A_564] {strides = array<i32>} : memref<128x64xf32, #tpu.memory_space<vmem>>, vector<16xf32>,
      %get3A_566 = arith.index_cast %add3A_539 : i32 to index
      %get3A_567 = arith.constant 48 : index
      %get3A_568 = tpu.vector_load %arg12[%get3A_566, %get3A_567] {strides = array<i32>} : memref<128x64xf32, #tpu.memory_space<vmem>>, vector<16xf32>,
      %mul3A_569 = arith.mulf %get3A_565, %get3A_568 : vector<16xf32>
      %add3A_570 = arith.addf %add3A_562, %mul3A_569 : vector<16xf32>
      %broadcast_in_dim3A_571 = arith.constant true
      %broadcast_in_dim3A_572 = vector.broadcast %broadcast_in_dim3A_571 : i1 to vector<16xi1>
      %masked_cumsum3A_573 = tpu.scan <sum>, %add3A_570 masked %broadcast_in_dim3A_572 : vector<16xf32>, vector<16xi1> -> vector<16xf32>
      %add3A_574 = arith.constant 256 : i32
      %add3A_575 = arith.addi %add3A_574, %add3A_539 : i32
      %broadcast_in_dim3A_576 = vector.broadcast %add3A_575 : i32 to vector<16xi32>
      tpu.vector_store_idx %arg15[%broadcast_in_dim3A_576], %masked_cumsum3A_573 masked %eq3A_6 : memref<512xf32, #tpu.memory_space<vmem>>[vector<16xi32>], vector<16xf32>, vector<16xi1>
      %mul3A_577 = arith.constant 16 : i32
      %mul3A_578 = arith.muli %scan3A_332, %mul3A_577 : i32
      %add3A_579 = arith.constant 6 : i32
      %add3A_580 = arith.addi %mul3A_578, %add3A_579 : i32
      %get3A_581 = arith.index_cast %add3A_580 : i32 to index
      %get3A_582 = arith.constant 0 : index
      %get3A_583 = tpu.vector_load %arg11[%get3A_581, %get3A_582] {strides = array<i32>} : memref<128x64xf32, #tpu.memory_space<vmem>>, vector<16xf32>,
      %get3A_584 = arith.index_cast %add3A_580 : i32 to index
      %get3A_585 = arith.constant 0 : index
      %get3A_586 = tpu.vector_load %arg12[%get3A_584, %get3A_585] {strides = array<i32>} : memref<128x64xf32, #tpu.memory_space<vmem>>, vector<16xf32>,
      %mul3A_587 = arith.mulf %get3A_583, %get3A_586 : vector<16xf32>
      %get3A_588 = arith.index_cast %add3A_580 : i32 to index
      %get3A_589 = arith.constant 16 : index
      %get3A_590 = tpu.vector_load %arg11[%get3A_588, %get3A_589] {strides = array<i32>} : memref<128x64xf32, #tpu.memory_space<vmem>>, vector<16xf32>,
      %get3A_591 = arith.index_cast %add3A_580 : i32 to index
      %get3A_592 = arith.constant 16 : index
      %get3A_593 = tpu.vector_load %arg12[%get3A_591, %get3A_592] {strides = array<i32>} : memref<128x64xf32, #tpu.memory_space<vmem>>, vector<16xf32>,
      %mul3A_594 = arith.mulf %get3A_590, %get3A_593 : vector<16xf32>
      %add3A_595 = arith.addf %mul3A_587, %mul3A_594 : vector<16xf32>
      %get3A_596 = arith.index_cast %add3A_580 : i32 to index
      %get3A_597 = arith.constant 32 : index
      %get3A_598 = tpu.vector_load %arg11[%get3A_596, %get3A_597] {strides = array<i32>} : memref<128x64xf32, #tpu.memory_space<vmem>>, vector<16xf32>,
      %get3A_599 = arith.index_cast %add3A_580 : i32 to index
      %get3A_600 = arith.constant 32 : index
      %get3A_601 = tpu.vector_load %arg12[%get3A_599, %get3A_600] {strides = array<i32>} : memref<128x64xf32, #tpu.memory_space<vmem>>, vector<16xf32>,
      %mul3A_602 = arith.mulf %get3A_598, %get3A_601 : vector<16xf32>
      %add3A_603 = arith.addf %add3A_595, %mul3A_602 : vector<16xf32>
      %get3A_604 = arith.index_cast %add3A_580 : i32 to index
      %get3A_605 = arith.constant 48 : index
      %get3A_606 = tpu.vector_load %arg11[%get3A_604, %get3A_605] {strides = array<i32>} : memref<128x64xf32, #tpu.memory_space<vmem>>, vector<16xf32>,
      %get3A_607 = arith.index_cast %add3A_580 : i32 to index
      %get3A_608 = arith.constant 48 : index
      %get3A_609 = tpu.vector_load %arg12[%get3A_607, %get3A_608] {strides = array<i32>} : memref<128x64xf32, #tpu.memory_space<vmem>>, vector<16xf32>,
      %mul3A_610 = arith.mulf %get3A_606, %get3A_609 : vector<16xf32>
      %add3A_611 = arith.addf %add3A_603, %mul3A_610 : vector<16xf32>
      %broadcast_in_dim3A_612 = arith.constant true
      %broadcast_in_dim3A_613 = vector.broadcast %broadcast_in_dim3A_612 : i1 to vector<16xi1>
      %masked_cumsum3A_614 = tpu.scan <sum>, %add3A_611 masked %broadcast_in_dim3A_613 : vector<16xf32>, vector<16xi1> -> vector<16xf32>
      %add3A_615 = arith.constant 256 : i32
      %add3A_616 = arith.addi %add3A_615, %add3A_580 : i32
      %broadcast_in_dim3A_617 = vector.broadcast %add3A_616 : i32 to vector<16xi32>
      tpu.vector_store_idx %arg15[%broadcast_in_dim3A_617], %masked_cumsum3A_614 masked %eq3A_6 : memref<512xf32, #tpu.memory_space<vmem>>[vector<16xi32>], vector<16xf32>, vector<16xi1>
      %mul3A_618 = arith.constant 16 : i32
      %mul3A_619 = arith.muli %scan3A_332, %mul3A_618 : i32
      %add3A_620 = arith.constant 7 : i32
      %add3A_621 = arith.addi %mul3A_619, %add3A_620 : i32
      %get3A_622 = arith.index_cast %add3A_621 : i32 to index
      %get3A_623 = arith.constant 0 : index
      %get3A_624 = tpu.vector_load %arg11[%get3A_622, %get3A_623] {strides = array<i32>} : memref<128x64xf32, #tpu.memory_space<vmem>>, vector<16xf32>,
      %get3A_625 = arith.index_cast %add3A_621 : i32 to index
      %get3A_626 = arith.constant 0 : index
      %get3A_627 = tpu.vector_load %arg12[%get3A_625, %get3A_626] {strides = array<i32>} : memref<128x64xf32, #tpu.memory_space<vmem>>, vector<16xf32>,
      %mul3A_628 = arith.mulf %get3A_624, %get3A_627 : vector<16xf32>
      %get3A_629 = arith.index_cast %add3A_621 : i32 to index
      %get3A_630 = arith.constant 16 : index
      %get3A_631 = tpu.vector_load %arg11[%get3A_629, %get3A_630] {strides = array<i32>} : memref<128x64xf32, #tpu.memory_space<vmem>>, vector<16xf32>,
      %get3A_632 = arith.index_cast %add3A_621 : i32 to index
      %get3A_633 = arith.constant 16 : index
      %get3A_634 = tpu.vector_load %arg12[%get3A_632, %get3A_633] {strides = array<i32>} : memref<128x64xf32, #tpu.memory_space<vmem>>, vector<16xf32>,
      %mul3A_635 = arith.mulf %get3A_631, %get3A_634 : vector<16xf32>
      %add3A_636 = arith.addf %mul3A_628, %mul3A_635 : vector<16xf32>
      %get3A_637 = arith.index_cast %add3A_621 : i32 to index
      %get3A_638 = arith.constant 32 : index
      %get3A_639 = tpu.vector_load %arg11[%get3A_637, %get3A_638] {strides = array<i32>} : memref<128x64xf32, #tpu.memory_space<vmem>>, vector<16xf32>,
      %get3A_640 = arith.index_cast %add3A_621 : i32 to index
      %get3A_641 = arith.constant 32 : index
      %get3A_642 = tpu.vector_load %arg12[%get3A_640, %get3A_641] {strides = array<i32>} : memref<128x64xf32, #tpu.memory_space<vmem>>, vector<16xf32>,
      %mul3A_643 = arith.mulf %get3A_639, %get3A_642 : vector<16xf32>
      %add3A_644 = arith.addf %add3A_636, %mul3A_643 : vector<16xf32>
      %get3A_645 = arith.index_cast %add3A_621 : i32 to index
      %get3A_646 = arith.constant 48 : index
      %get3A_647 = tpu.vector_load %arg11[%get3A_645, %get3A_646] {strides = array<i32>} : memref<128x64xf32, #tpu.memory_space<vmem>>, vector<16xf32>,
      %get3A_648 = arith.index_cast %add3A_621 : i32 to index
      %get3A_649 = arith.constant 48 : index
      %get3A_650 = tpu.vector_load %arg12[%get3A_648, %get3A_649] {strides = array<i32>} : memref<128x64xf32, #tpu.memory_space<vmem>>, vector<16xf32>,
      %mul3A_651 = arith.mulf %get3A_647, %get3A_650 : vector<16xf32>
      %add3A_652 = arith.addf %add3A_644, %mul3A_651 : vector<16xf32>
      %broadcast_in_dim3A_653 = arith.constant true
      %broadcast_in_dim3A_654 = vector.broadcast %broadcast_in_dim3A_653 : i1 to vector<16xi1>
      %masked_cumsum3A_655 = tpu.scan <sum>, %add3A_652 masked %broadcast_in_dim3A_654 : vector<16xf32>, vector<16xi1> -> vector<16xf32>
      %add3A_656 = arith.constant 256 : i32
      %add3A_657 = arith.addi %add3A_656, %add3A_621 : i32
      %broadcast_in_dim3A_658 = vector.broadcast %add3A_657 : i32 to vector<16xi32>
      tpu.vector_store_idx %arg15[%broadcast_in_dim3A_658], %masked_cumsum3A_655 masked %eq3A_6 : memref<512xf32, #tpu.memory_space<vmem>>[vector<16xi32>], vector<16xf32>, vector<16xi1>
      %mul3A_659 = arith.constant 16 : i32
      %mul3A_660 = arith.muli %scan3A_332, %mul3A_659 : i32
      %add3A_661 = arith.constant 8 : i32
      %add3A_662 = arith.addi %mul3A_660, %add3A_661 : i32
      %get3A_663 = arith.index_cast %add3A_662 : i32 to index
      %get3A_664 = arith.constant 0 : index
      %get3A_665 = tpu.vector_load %arg11[%get3A_663, %get3A_664] {strides = array<i32>} : memref<128x64xf32, #tpu.memory_space<vmem>>, vector<16xf32>,
      %get3A_666 = arith.index_cast %add3A_662 : i32 to index
      %get3A_667 = arith.constant 0 : index
      %get3A_668 = tpu.vector_load %arg12[%get3A_666, %get3A_667] {strides = array<i32>} : memref<128x64xf32, #tpu.memory_space<vmem>>, vector<16xf32>,
      %mul3A_669 = arith.mulf %get3A_665, %get3A_668 : vector<16xf32>
      %get3A_670 = arith.index_cast %add3A_662 : i32 to index
      %get3A_671 = arith.constant 16 : index
      %get3A_672 = tpu.vector_load %arg11[%get3A_670, %get3A_671] {strides = array<i32>} : memref<128x64xf32, #tpu.memory_space<vmem>>, vector<16xf32>,
      %get3A_673 = arith.index_cast %add3A_662 : i32 to index
      %get3A_674 = arith.constant 16 : index
      %get3A_675 = tpu.vector_load %arg12[%get3A_673, %get3A_674] {strides = array<i32>} : memref<128x64xf32, #tpu.memory_space<vmem>>, vector<16xf32>,
      %mul3A_676 = arith.mulf %get3A_672, %get3A_675 : vector<16xf32>
      %add3A_677 = arith.addf %mul3A_669, %mul3A_676 : vector<16xf32>
      %get3A_678 = arith.index_cast %add3A_662 : i32 to index
      %get3A_679 = arith.constant 32 : index
      %get3A_680 = tpu.vector_load %arg11[%get3A_678, %get3A_679] {strides = array<i32>} : memref<128x64xf32, #tpu.memory_space<vmem>>, vector<16xf32>,
      %get3A_681 = arith.index_cast %add3A_662 : i32 to index
      %get3A_682 = arith.constant 32 : index
      %get3A_683 = tpu.vector_load %arg12[%get3A_681, %get3A_682] {strides = array<i32>} : memref<128x64xf32, #tpu.memory_space<vmem>>, vector<16xf32>,
      %mul3A_684 = arith.mulf %get3A_680, %get3A_683 : vector<16xf32>
      %add3A_685 = arith.addf %add3A_677, %mul3A_684 : vector<16xf32>
      %get3A_686 = arith.index_cast %add3A_662 : i32 to index
      %get3A_687 = arith.constant 48 : index
      %get3A_688 = tpu.vector_load %arg11[%get3A_686, %get3A_687] {strides = array<i32>} : memref<128x64xf32, #tpu.memory_space<vmem>>, vector<16xf32>,
      %get3A_689 = arith.index_cast %add3A_662 : i32 to index
      %get3A_690 = arith.constant 48 : index
      %get3A_691 = tpu.vector_load %arg12[%get3A_689, %get3A_690] {strides = array<i32>} : memref<128x64xf32, #tpu.memory_space<vmem>>, vector<16xf32>,
      %mul3A_692 = arith.mulf %get3A_688, %get3A_691 : vector<16xf32>
      %add3A_693 = arith.addf %add3A_685, %mul3A_692 : vector<16xf32>
      %broadcast_in_dim3A_694 = arith.constant true
      %broadcast_in_dim3A_695 = vector.broadcast %broadcast_in_dim3A_694 : i1 to vector<16xi1>
      %masked_cumsum3A_696 = tpu.scan <sum>, %add3A_693 masked %broadcast_in_dim3A_695 : vector<16xf32>, vector<16xi1> -> vector<16xf32>
      %add3A_697 = arith.constant 256 : i32
      %add3A_698 = arith.addi %add3A_697, %add3A_662 : i32
      %broadcast_in_dim3A_699 = vector.broadcast %add3A_698 : i32 to vector<16xi32>
      tpu.vector_store_idx %arg15[%broadcast_in_dim3A_699], %masked_cumsum3A_696 masked %eq3A_6 : memref<512xf32, #tpu.memory_space<vmem>>[vector<16xi32>], vector<16xf32>, vector<16xi1>
      %mul3A_700 = arith.constant 16 : i32
      %mul3A_701 = arith.muli %scan3A_332, %mul3A_700 : i32
      %add3A_702 = arith.constant 9 : i32
      %add3A_703 = arith.addi %mul3A_701, %add3A_702 : i32
      %get3A_704 = arith.index_cast %add3A_703 : i32 to index
      %get3A_705 = arith.constant 0 : index
      %get3A_706 = tpu.vector_load %arg11[%get3A_704, %get3A_705] {strides = array<i32>} : memref<128x64xf32, #tpu.memory_space<vmem>>, vector<16xf32>,
      %get3A_707 = arith.index_cast %add3A_703 : i32 to index
      %get3A_708 = arith.constant 0 : index
      %get3A_709 = tpu.vector_load %arg12[%get3A_707, %get3A_708] {strides = array<i32>} : memref<128x64xf32, #tpu.memory_space<vmem>>, vector<16xf32>,
      %mul3A_710 = arith.mulf %get3A_706, %get3A_709 : vector<16xf32>
      %get3A_711 = arith.index_cast %add3A_703 : i32 to index
      %get3A_712 = arith.constant 16 : index
      %get3A_713 = tpu.vector_load %arg11[%get3A_711, %get3A_712] {strides = array<i32>} : memref<128x64xf32, #tpu.memory_space<vmem>>, vector<16xf32>,
      %get3A_714 = arith.index_cast %add3A_703 : i32 to index
      %get3A_715 = arith.constant 16 : index
      %get3A_716 = tpu.vector_load %arg12[%get3A_714, %get3A_715] {strides = array<i32>} : memref<128x64xf32, #tpu.memory_space<vmem>>, vector<16xf32>,
      %mul3A_717 = arith.mulf %get3A_713, %get3A_716 : vector<16xf32>
      %add3A_718 = arith.addf %mul3A_710, %mul3A_717 : vector<16xf32>
      %get3A_719 = arith.index_cast %add3A_703 : i32 to index
      %get3A_720 = arith.constant 32 : index
      %get3A_721 = tpu.vector_load %arg11[%get3A_719, %get3A_720] {strides = array<i32>} : memref<128x64xf32, #tpu.memory_space<vmem>>, vector<16xf32>,
      %get3A_722 = arith.index_cast %add3A_703 : i32 to index
      %get3A_723 = arith.constant 32 : index
      %get3A_724 = tpu.vector_load %arg12[%get3A_722, %get3A_723] {strides = array<i32>} : memref<128x64xf32, #tpu.memory_space<vmem>>, vector<16xf32>,
      %mul3A_725 = arith.mulf %get3A_721, %get3A_724 : vector<16xf32>
      %add3A_726 = arith.addf %add3A_718, %mul3A_725 : vector<16xf32>
      %get3A_727 = arith.index_cast %add3A_703 : i32 to index
      %get3A_728 = arith.constant 48 : index
      %get3A_729 = tpu.vector_load %arg11[%get3A_727, %get3A_728] {strides = array<i32>} : memref<128x64xf32, #tpu.memory_space<vmem>>, vector<16xf32>,
      %get3A_730 = arith.index_cast %add3A_703 : i32 to index
      %get3A_731 = arith.constant 48 : index
      %get3A_732 = tpu.vector_load %arg12[%get3A_730, %get3A_731] {strides = array<i32>} : memref<128x64xf32, #tpu.memory_space<vmem>>, vector<16xf32>,
      %mul3A_733 = arith.mulf %get3A_729, %get3A_732 : vector<16xf32>
      %add3A_734 = arith.addf %add3A_726, %mul3A_733 : vector<16xf32>
      %broadcast_in_dim3A_735 = arith.constant true
      %broadcast_in_dim3A_736 = vector.broadcast %broadcast_in_dim3A_735 : i1 to vector<16xi1>
      %masked_cumsum3A_737 = tpu.scan <sum>, %add3A_734 masked %broadcast_in_dim3A_736 : vector<16xf32>, vector<16xi1> -> vector<16xf32>
      %add3A_738 = arith.constant 256 : i32
      %add3A_739 = arith.addi %add3A_738, %add3A_703 : i32
      %broadcast_in_dim3A_740 = vector.broadcast %add3A_739 : i32 to vector<16xi32>
      tpu.vector_store_idx %arg15[%broadcast_in_dim3A_740], %masked_cumsum3A_737 masked %eq3A_6 : memref<512xf32, #tpu.memory_space<vmem>>[vector<16xi32>], vector<16xf32>, vector<16xi1>
      %mul3A_741 = arith.constant 16 : i32
      %mul3A_742 = arith.muli %scan3A_332, %mul3A_741 : i32
      %add3A_743 = arith.constant 10 : i32
      %add3A_744 = arith.addi %mul3A_742, %add3A_743 : i32
      %get3A_745 = arith.index_cast %add3A_744 : i32 to index
      %get3A_746 = arith.constant 0 : index
      %get3A_747 = tpu.vector_load %arg11[%get3A_745, %get3A_746] {strides = array<i32>} : memref<128x64xf32, #tpu.memory_space<vmem>>, vector<16xf32>,
      %get3A_748 = arith.index_cast %add3A_744 : i32 to index
      %get3A_749 = arith.constant 0 : index
      %get3A_750 = tpu.vector_load %arg12[%get3A_748, %get3A_749] {strides = array<i32>} : memref<128x64xf32, #tpu.memory_space<vmem>>, vector<16xf32>,
      %mul3A_751 = arith.mulf %get3A_747, %get3A_750 : vector<16xf32>
      %get3A_752 = arith.index_cast %add3A_744 : i32 to index
      %get3A_753 = arith.constant 16 : index
      %get3A_754 = tpu.vector_load %arg11[%get3A_752, %get3A_753] {strides = array<i32>} : memref<128x64xf32, #tpu.memory_space<vmem>>, vector<16xf32>,
      %get3A_755 = arith.index_cast %add3A_744 : i32 to index
      %get3A_756 = arith.constant 16 : index
      %get3A_757 = tpu.vector_load %arg12[%get3A_755, %get3A_756] {strides = array<i32>} : memref<128x64xf32, #tpu.memory_space<vmem>>, vector<16xf32>,
      %mul3A_758 = arith.mulf %get3A_754, %get3A_757 : vector<16xf32>
      %add3A_759 = arith.addf %mul3A_751, %mul3A_758 : vector<16xf32>
      %get3A_760 = arith.index_cast %add3A_744 : i32 to index
      %get3A_761 = arith.constant 32 : index
      %get3A_762 = tpu.vector_load %arg11[%get3A_760, %get3A_761] {strides = array<i32>} : memref<128x64xf32, #tpu.memory_space<vmem>>, vector<16xf32>,
      %get3A_763 = arith.index_cast %add3A_744 : i32 to index
      %get3A_764 = arith.constant 32 : index
      %get3A_765 = tpu.vector_load %arg12[%get3A_763, %get3A_764] {strides = array<i32>} : memref<128x64xf32, #tpu.memory_space<vmem>>, vector<16xf32>,
      %mul3A_766 = arith.mulf %get3A_762, %get3A_765 : vector<16xf32>
      %add3A_767 = arith.addf %add3A_759, %mul3A_766 : vector<16xf32>
      %get3A_768 = arith.index_cast %add3A_744 : i32 to index
      %get3A_769 = arith.constant 48 : index
      %get3A_770 = tpu.vector_load %arg11[%get3A_768, %get3A_769] {strides = array<i32>} : memref<128x64xf32, #tpu.memory_space<vmem>>, vector<16xf32>,
      %get3A_771 = arith.index_cast %add3A_744 : i32 to index
      %get3A_772 = arith.constant 48 : index
      %get3A_773 = tpu.vector_load %arg12[%get3A_771, %get3A_772] {strides = array<i32>} : memref<128x64xf32, #tpu.memory_space<vmem>>, vector<16xf32>,
      %mul3A_774 = arith.mulf %get3A_770, %get3A_773 : vector<16xf32>
      %add3A_775 = arith.addf %add3A_767, %mul3A_774 : vector<16xf32>
      %broadcast_in_dim3A_776 = arith.constant true
      %broadcast_in_dim3A_777 = vector.broadcast %broadcast_in_dim3A_776 : i1 to vector<16xi1>
      %masked_cumsum3A_778 = tpu.scan <sum>, %add3A_775 masked %broadcast_in_dim3A_777 : vector<16xf32>, vector<16xi1> -> vector<16xf32>
      %add3A_779 = arith.constant 256 : i32
      %add3A_780 = arith.addi %add3A_779, %add3A_744 : i32
      %broadcast_in_dim3A_781 = vector.broadcast %add3A_780 : i32 to vector<16xi32>
      tpu.vector_store_idx %arg15[%broadcast_in_dim3A_781], %masked_cumsum3A_778 masked %eq3A_6 : memref<512xf32, #tpu.memory_space<vmem>>[vector<16xi32>], vector<16xf32>, vector<16xi1>
      %mul3A_782 = arith.constant 16 : i32
      %mul3A_783 = arith.muli %scan3A_332, %mul3A_782 : i32
      %add3A_784 = arith.constant 11 : i32
      %add3A_785 = arith.addi %mul3A_783, %add3A_784 : i32
      %get3A_786 = arith.index_cast %add3A_785 : i32 to index
      %get3A_787 = arith.constant 0 : index
      %get3A_788 = tpu.vector_load %arg11[%get3A_786, %get3A_787] {strides = array<i32>} : memref<128x64xf32, #tpu.memory_space<vmem>>, vector<16xf32>,
      %get3A_789 = arith.index_cast %add3A_785 : i32 to index
      %get3A_790 = arith.constant 0 : index
      %get3A_791 = tpu.vector_load %arg12[%get3A_789, %get3A_790] {strides = array<i32>} : memref<128x64xf32, #tpu.memory_space<vmem>>, vector<16xf32>,
      %mul3A_792 = arith.mulf %get3A_788, %get3A_791 : vector<16xf32>
      %get3A_793 = arith.index_cast %add3A_785 : i32 to index
      %get3A_794 = arith.constant 16 : index
      %get3A_795 = tpu.vector_load %arg11[%get3A_793, %get3A_794] {strides = array<i32>} : memref<128x64xf32, #tpu.memory_space<vmem>>, vector<16xf32>,
      %get3A_796 = arith.index_cast %add3A_785 : i32 to index
      %get3A_797 = arith.constant 16 : index
      %get3A_798 = tpu.vector_load %arg12[%get3A_796, %get3A_797] {strides = array<i32>} : memref<128x64xf32, #tpu.memory_space<vmem>>, vector<16xf32>,
      %mul3A_799 = arith.mulf %get3A_795, %get3A_798 : vector<16xf32>
      %add3A_800 = arith.addf %mul3A_792, %mul3A_799 : vector<16xf32>
      %get3A_801 = arith.index_cast %add3A_785 : i32 to index
      %get3A_802 = arith.constant 32 : index
      %get3A_803 = tpu.vector_load %arg11[%get3A_801, %get3A_802] {strides = array<i32>} : memref<128x64xf32, #tpu.memory_space<vmem>>, vector<16xf32>,
      %get3A_804 = arith.index_cast %add3A_785 : i32 to index
      %get3A_805 = arith.constant 32 : index
      %get3A_806 = tpu.vector_load %arg12[%get3A_804, %get3A_805] {strides = array<i32>} : memref<128x64xf32, #tpu.memory_space<vmem>>, vector<16xf32>,
      %mul3A_807 = arith.mulf %get3A_803, %get3A_806 : vector<16xf32>
      %add3A_808 = arith.addf %add3A_800, %mul3A_807 : vector<16xf32>
      %get3A_809 = arith.index_cast %add3A_785 : i32 to index
      %get3A_810 = arith.constant 48 : index
      %get3A_811 = tpu.vector_load %arg11[%get3A_809, %get3A_810] {strides = array<i32>} : memref<128x64xf32, #tpu.memory_space<vmem>>, vector<16xf32>,
      %get3A_812 = arith.index_cast %add3A_785 : i32 to index
      %get3A_813 = arith.constant 48 : index
      %get3A_814 = tpu.vector_load %arg12[%get3A_812, %get3A_813] {strides = array<i32>} : memref<128x64xf32, #tpu.memory_space<vmem>>, vector<16xf32>,
      %mul3A_815 = arith.mulf %get3A_811, %get3A_814 : vector<16xf32>
      %add3A_816 = arith.addf %add3A_808, %mul3A_815 : vector<16xf32>
      %broadcast_in_dim3A_817 = arith.constant true
      %broadcast_in_dim3A_818 = vector.broadcast %broadcast_in_dim3A_817 : i1 to vector<16xi1>
      %masked_cumsum3A_819 = tpu.scan <sum>, %add3A_816 masked %broadcast_in_dim3A_818 : vector<16xf32>, vector<16xi1> -> vector<16xf32>
      %add3A_820 = arith.constant 256 : i32
      %add3A_821 = arith.addi %add3A_820, %add3A_785 : i32
      %broadcast_in_dim3A_822 = vector.broadcast %add3A_821 : i32 to vector<16xi32>
      tpu.vector_store_idx %arg15[%broadcast_in_dim3A_822], %masked_cumsum3A_819 masked %eq3A_6 : memref<512xf32, #tpu.memory_space<vmem>>[vector<16xi32>], vector<16xf32>, vector<16xi1>
      %mul3A_823 = arith.constant 16 : i32
      %mul3A_824 = arith.muli %scan3A_332, %mul3A_823 : i32
      %add3A_825 = arith.constant 12 : i32
      %add3A_826 = arith.addi %mul3A_824, %add3A_825 : i32
      %get3A_827 = arith.index_cast %add3A_826 : i32 to index
      %get3A_828 = arith.constant 0 : index
      %get3A_829 = tpu.vector_load %arg11[%get3A_827, %get3A_828] {strides = array<i32>} : memref<128x64xf32, #tpu.memory_space<vmem>>, vector<16xf32>,
      %get3A_830 = arith.index_cast %add3A_826 : i32 to index
      %get3A_831 = arith.constant 0 : index
      %get3A_832 = tpu.vector_load %arg12[%get3A_830, %get3A_831] {strides = array<i32>} : memref<128x64xf32, #tpu.memory_space<vmem>>, vector<16xf32>,
      %mul3A_833 = arith.mulf %get3A_829, %get3A_832 : vector<16xf32>
      %get3A_834 = arith.index_cast %add3A_826 : i32 to index
      %get3A_835 = arith.constant 16 : index
      %get3A_836 = tpu.vector_load %arg11[%get3A_834, %get3A_835] {strides = array<i32>} : memref<128x64xf32, #tpu.memory_space<vmem>>, vector<16xf32>,
      %get3A_837 = arith.index_cast %add3A_826 : i32 to index
      %get3A_838 = arith.constant 16 : index
      %get3A_839 = tpu.vector_load %arg12[%get3A_837, %get3A_838] {strides = array<i32>} : memref<128x64xf32, #tpu.memory_space<vmem>>, vector<16xf32>,
      %mul3A_840 = arith.mulf %get3A_836, %get3A_839 : vector<16xf32>
      %add3A_841 = arith.addf %mul3A_833, %mul3A_840 : vector<16xf32>
      %get3A_842 = arith.index_cast %add3A_826 : i32 to index
      %get3A_843 = arith.constant 32 : index
      %get3A_844 = tpu.vector_load %arg11[%get3A_842, %get3A_843] {strides = array<i32>} : memref<128x64xf32, #tpu.memory_space<vmem>>, vector<16xf32>,
      %get3A_845 = arith.index_cast %add3A_826 : i32 to index
      %get3A_846 = arith.constant 32 : index
      %get3A_847 = tpu.vector_load %arg12[%get3A_845, %get3A_846] {strides = array<i32>} : memref<128x64xf32, #tpu.memory_space<vmem>>, vector<16xf32>,
      %mul3A_848 = arith.mulf %get3A_844, %get3A_847 : vector<16xf32>
      %add3A_849 = arith.addf %add3A_841, %mul3A_848 : vector<16xf32>
      %get3A_850 = arith.index_cast %add3A_826 : i32 to index
      %get3A_851 = arith.constant 48 : index
      %get3A_852 = tpu.vector_load %arg11[%get3A_850, %get3A_851] {strides = array<i32>} : memref<128x64xf32, #tpu.memory_space<vmem>>, vector<16xf32>,
      %get3A_853 = arith.index_cast %add3A_826 : i32 to index
      %get3A_854 = arith.constant 48 : index
      %get3A_855 = tpu.vector_load %arg12[%get3A_853, %get3A_854] {strides = array<i32>} : memref<128x64xf32, #tpu.memory_space<vmem>>, vector<16xf32>,
      %mul3A_856 = arith.mulf %get3A_852, %get3A_855 : vector<16xf32>
      %add3A_857 = arith.addf %add3A_849, %mul3A_856 : vector<16xf32>
      %broadcast_in_dim3A_858 = arith.constant true
      %broadcast_in_dim3A_859 = vector.broadcast %broadcast_in_dim3A_858 : i1 to vector<16xi1>
      %masked_cumsum3A_860 = tpu.scan <sum>, %add3A_857 masked %broadcast_in_dim3A_859 : vector<16xf32>, vector<16xi1> -> vector<16xf32>
      %add3A_861 = arith.constant 256 : i32
      %add3A_862 = arith.addi %add3A_861, %add3A_826 : i32
      %broadcast_in_dim3A_863 = vector.broadcast %add3A_862 : i32 to vector<16xi32>
      tpu.vector_store_idx %arg15[%broadcast_in_dim3A_863], %masked_cumsum3A_860 masked %eq3A_6 : memref<512xf32, #tpu.memory_space<vmem>>[vector<16xi32>], vector<16xf32>, vector<16xi1>
      %mul3A_864 = arith.constant 16 : i32
      %mul3A_865 = arith.muli %scan3A_332, %mul3A_864 : i32
      %add3A_866 = arith.constant 13 : i32
      %add3A_867 = arith.addi %mul3A_865, %add3A_866 : i32
      %get3A_868 = arith.index_cast %add3A_867 : i32 to index
      %get3A_869 = arith.constant 0 : index
      %get3A_870 = tpu.vector_load %arg11[%get3A_868, %get3A_869] {strides = array<i32>} : memref<128x64xf32, #tpu.memory_space<vmem>>, vector<16xf32>,
      %get3A_871 = arith.index_cast %add3A_867 : i32 to index
      %get3A_872 = arith.constant 0 : index
      %get3A_873 = tpu.vector_load %arg12[%get3A_871, %get3A_872] {strides = array<i32>} : memref<128x64xf32, #tpu.memory_space<vmem>>, vector<16xf32>,
      %mul3A_874 = arith.mulf %get3A_870, %get3A_873 : vector<16xf32>
      %get3A_875 = arith.index_cast %add3A_867 : i32 to index
      %get3A_876 = arith.constant 16 : index
      %get3A_877 = tpu.vector_load %arg11[%get3A_875, %get3A_876] {strides = array<i32>} : memref<128x64xf32, #tpu.memory_space<vmem>>, vector<16xf32>,
      %get3A_878 = arith.index_cast %add3A_867 : i32 to index
      %get3A_879 = arith.constant 16 : index
      %get3A_880 = tpu.vector_load %arg12[%get3A_878, %get3A_879] {strides = array<i32>} : memref<128x64xf32, #tpu.memory_space<vmem>>, vector<16xf32>,
      %mul3A_881 = arith.mulf %get3A_877, %get3A_880 : vector<16xf32>
      %add3A_882 = arith.addf %mul3A_874, %mul3A_881 : vector<16xf32>
      %get3A_883 = arith.index_cast %add3A_867 : i32 to index
      %get3A_884 = arith.constant 32 : index
      %get3A_885 = tpu.vector_load %arg11[%get3A_883, %get3A_884] {strides = array<i32>} : memref<128x64xf32, #tpu.memory_space<vmem>>, vector<16xf32>,
      %get3A_886 = arith.index_cast %add3A_867 : i32 to index
      %get3A_887 = arith.constant 32 : index
      %get3A_888 = tpu.vector_load %arg12[%get3A_886, %get3A_887] {strides = array<i32>} : memref<128x64xf32, #tpu.memory_space<vmem>>, vector<16xf32>,
      %mul3A_889 = arith.mulf %get3A_885, %get3A_888 : vector<16xf32>
      %add3A_890 = arith.addf %add3A_882, %mul3A_889 : vector<16xf32>
      %get3A_891 = arith.index_cast %add3A_867 : i32 to index
      %get3A_892 = arith.constant 48 : index
      %get3A_893 = tpu.vector_load %arg11[%get3A_891, %get3A_892] {strides = array<i32>} : memref<128x64xf32, #tpu.memory_space<vmem>>, vector<16xf32>,
      %get3A_894 = arith.index_cast %add3A_867 : i32 to index
      %get3A_895 = arith.constant 48 : index
      %get3A_896 = tpu.vector_load %arg12[%get3A_894, %get3A_895] {strides = array<i32>} : memref<128x64xf32, #tpu.memory_space<vmem>>, vector<16xf32>,
      %mul3A_897 = arith.mulf %get3A_893, %get3A_896 : vector<16xf32>
      %add3A_898 = arith.addf %add3A_890, %mul3A_897 : vector<16xf32>
      %broadcast_in_dim3A_899 = arith.constant true
      %broadcast_in_dim3A_900 = vector.broadcast %broadcast_in_dim3A_899 : i1 to vector<16xi1>
      %masked_cumsum3A_901 = tpu.scan <sum>, %add3A_898 masked %broadcast_in_dim3A_900 : vector<16xf32>, vector<16xi1> -> vector<16xf32>
      %add3A_902 = arith.constant 256 : i32
      %add3A_903 = arith.addi %add3A_902, %add3A_867 : i32
      %broadcast_in_dim3A_904 = vector.broadcast %add3A_903 : i32 to vector<16xi32>
      tpu.vector_store_idx %arg15[%broadcast_in_dim3A_904], %masked_cumsum3A_901 masked %eq3A_6 : memref<512xf32, #tpu.memory_space<vmem>>[vector<16xi32>], vector<16xf32>, vector<16xi1>
      %mul3A_905 = arith.constant 16 : i32
      %mul3A_906 = arith.muli %scan3A_332, %mul3A_905 : i32
      %add3A_907 = arith.constant 14 : i32
      %add3A_908 = arith.addi %mul3A_906, %add3A_907 : i32
      %get3A_909 = arith.index_cast %add3A_908 : i32 to index
      %get3A_910 = arith.constant 0 : index
      %get3A_911 = tpu.vector_load %arg11[%get3A_909, %get3A_910] {strides = array<i32>} : memref<128x64xf32, #tpu.memory_space<vmem>>, vector<16xf32>,
      %get3A_912 = arith.index_cast %add3A_908 : i32 to index
      %get3A_913 = arith.constant 0 : index
      %get3A_914 = tpu.vector_load %arg12[%get3A_912, %get3A_913] {strides = array<i32>} : memref<128x64xf32, #tpu.memory_space<vmem>>, vector<16xf32>,
      %mul3A_915 = arith.mulf %get3A_911, %get3A_914 : vector<16xf32>
      %get3A_916 = arith.index_cast %add3A_908 : i32 to index
      %get3A_917 = arith.constant 16 : index
      %get3A_918 = tpu.vector_load %arg11[%get3A_916, %get3A_917] {strides = array<i32>} : memref<128x64xf32, #tpu.memory_space<vmem>>, vector<16xf32>,
      %get3A_919 = arith.index_cast %add3A_908 : i32 to index
      %get3A_920 = arith.constant 16 : index
      %get3A_921 = tpu.vector_load %arg12[%get3A_919, %get3A_920] {strides = array<i32>} : memref<128x64xf32, #tpu.memory_space<vmem>>, vector<16xf32>,
      %mul3A_922 = arith.mulf %get3A_918, %get3A_921 : vector<16xf32>
      %add3A_923 = arith.addf %mul3A_915, %mul3A_922 : vector<16xf32>
      %get3A_924 = arith.index_cast %add3A_908 : i32 to index
      %get3A_925 = arith.constant 32 : index
      %get3A_926 = tpu.vector_load %arg11[%get3A_924, %get3A_925] {strides = array<i32>} : memref<128x64xf32, #tpu.memory_space<vmem>>, vector<16xf32>,
      %get3A_927 = arith.index_cast %add3A_908 : i32 to index
      %get3A_928 = arith.constant 32 : index
      %get3A_929 = tpu.vector_load %arg12[%get3A_927, %get3A_928] {strides = array<i32>} : memref<128x64xf32, #tpu.memory_space<vmem>>, vector<16xf32>,
      %mul3A_930 = arith.mulf %get3A_926, %get3A_929 : vector<16xf32>
      %add3A_931 = arith.addf %add3A_923, %mul3A_930 : vector<16xf32>
      %get3A_932 = arith.index_cast %add3A_908 : i32 to index
      %get3A_933 = arith.constant 48 : index
      %get3A_934 = tpu.vector_load %arg11[%get3A_932, %get3A_933] {strides = array<i32>} : memref<128x64xf32, #tpu.memory_space<vmem>>, vector<16xf32>,
      %get3A_935 = arith.index_cast %add3A_908 : i32 to index
      %get3A_936 = arith.constant 48 : index
      %get3A_937 = tpu.vector_load %arg12[%get3A_935, %get3A_936] {strides = array<i32>} : memref<128x64xf32, #tpu.memory_space<vmem>>, vector<16xf32>,
      %mul3A_938 = arith.mulf %get3A_934, %get3A_937 : vector<16xf32>
      %add3A_939 = arith.addf %add3A_931, %mul3A_938 : vector<16xf32>
      %broadcast_in_dim3A_940 = arith.constant true
      %broadcast_in_dim3A_941 = vector.broadcast %broadcast_in_dim3A_940 : i1 to vector<16xi1>
      %masked_cumsum3A_942 = tpu.scan <sum>, %add3A_939 masked %broadcast_in_dim3A_941 : vector<16xf32>, vector<16xi1> -> vector<16xf32>
      %add3A_943 = arith.constant 256 : i32
      %add3A_944 = arith.addi %add3A_943, %add3A_908 : i32
      %broadcast_in_dim3A_945 = vector.broadcast %add3A_944 : i32 to vector<16xi32>
      tpu.vector_store_idx %arg15[%broadcast_in_dim3A_945], %masked_cumsum3A_942 masked %eq3A_6 : memref<512xf32, #tpu.memory_space<vmem>>[vector<16xi32>], vector<16xf32>, vector<16xi1>
      %mul3A_946 = arith.constant 16 : i32
      %mul3A_947 = arith.muli %scan3A_332, %mul3A_946 : i32
      %add3A_948 = arith.constant 15 : i32
      %add3A_949 = arith.addi %mul3A_947, %add3A_948 : i32
      %get3A_950 = arith.index_cast %add3A_949 : i32 to index
      %get3A_951 = arith.constant 0 : index
      %get3A_952 = tpu.vector_load %arg11[%get3A_950, %get3A_951] {strides = array<i32>} : memref<128x64xf32, #tpu.memory_space<vmem>>, vector<16xf32>,
      %get3A_953 = arith.index_cast %add3A_949 : i32 to index
      %get3A_954 = arith.constant 0 : index
      %get3A_955 = tpu.vector_load %arg12[%get3A_953, %get3A_954] {strides = array<i32>} : memref<128x64xf32, #tpu.memory_space<vmem>>, vector<16xf32>,
      %mul3A_956 = arith.mulf %get3A_952, %get3A_955 : vector<16xf32>
      %get3A_957 = arith.index_cast %add3A_949 : i32 to index
      %get3A_958 = arith.constant 16 : index
      %get3A_959 = tpu.vector_load %arg11[%get3A_957, %get3A_958] {strides = array<i32>} : memref<128x64xf32, #tpu.memory_space<vmem>>, vector<16xf32>,
      %get3A_960 = arith.index_cast %add3A_949 : i32 to index
      %get3A_961 = arith.constant 16 : index
      %get3A_962 = tpu.vector_load %arg12[%get3A_960, %get3A_961] {strides = array<i32>} : memref<128x64xf32, #tpu.memory_space<vmem>>, vector<16xf32>,
      %mul3A_963 = arith.mulf %get3A_959, %get3A_962 : vector<16xf32>
      %add3A_964 = arith.addf %mul3A_956, %mul3A_963 : vector<16xf32>
      %get3A_965 = arith.index_cast %add3A_949 : i32 to index
      %get3A_966 = arith.constant 32 : index
      %get3A_967 = tpu.vector_load %arg11[%get3A_965, %get3A_966] {strides = array<i32>} : memref<128x64xf32, #tpu.memory_space<vmem>>, vector<16xf32>,
      %get3A_968 = arith.index_cast %add3A_949 : i32 to index
      %get3A_969 = arith.constant 32 : index
      %get3A_970 = tpu.vector_load %arg12[%get3A_968, %get3A_969] {strides = array<i32>} : memref<128x64xf32, #tpu.memory_space<vmem>>, vector<16xf32>,
      %mul3A_971 = arith.mulf %get3A_967, %get3A_970 : vector<16xf32>
      %add3A_972 = arith.addf %add3A_964, %mul3A_971 : vector<16xf32>
      %get3A_973 = arith.index_cast %add3A_949 : i32 to index
      %get3A_974 = arith.constant 48 : index
      %get3A_975 = tpu.vector_load %arg11[%get3A_973, %get3A_974] {strides = array<i32>} : memref<128x64xf32, #tpu.memory_space<vmem>>, vector<16xf32>,
      %get3A_976 = arith.index_cast %add3A_949 : i32 to index
      %get3A_977 = arith.constant 48 : index
      %get3A_978 = tpu.vector_load %arg12[%get3A_976, %get3A_977] {strides = array<i32>} : memref<128x64xf32, #tpu.memory_space<vmem>>, vector<16xf32>,
      %mul3A_979 = arith.mulf %get3A_975, %get3A_978 : vector<16xf32>
      %add3A_980 = arith.addf %add3A_972, %mul3A_979 : vector<16xf32>
      %broadcast_in_dim3A_981 = arith.constant true
      %broadcast_in_dim3A_982 = vector.broadcast %broadcast_in_dim3A_981 : i1 to vector<16xi1>
      %masked_cumsum3A_983 = tpu.scan <sum>, %add3A_980 masked %broadcast_in_dim3A_982 : vector<16xf32>, vector<16xi1> -> vector<16xf32>
      %add3A_984 = arith.constant 256 : i32
      %add3A_985 = arith.addi %add3A_984, %add3A_949 : i32
      %broadcast_in_dim3A_986 = vector.broadcast %add3A_985 : i32 to vector<16xi32>
      tpu.vector_store_idx %arg15[%broadcast_in_dim3A_986], %masked_cumsum3A_983 masked %eq3A_6 : memref<512xf32, #tpu.memory_space<vmem>>[vector<16xi32>], vector<16xf32>, vector<16xi1>
      %scan3A_987 = arith.constant 0 : i32
      scf.yield %scan3A_987 : i32
    }
    %scan3A_242 = arith.constant 8 : i32
    %scan3A_243 = arith.constant 0 : i32
    %scan3A_244 = arith.constant 0 : i32
    %scan3A_245 = arith.constant 8 : i32
    %scan3A_246 = arith.addi %scan3A_244, %scan3A_245 : i32
    %scan3A_247 = arith.constant 1 : i32
    %scan3A_248 = scf.for %scan3A_332 = %scan3A_244 to %scan3A_246 step %scan3A_247 iter_args(%scan3A_333 = %scan3A_243) -> (i32)  : i32 {
      %mul3A_334 = arith.constant 16 : i32
      %mul3A_335 = arith.muli %scan3A_332, %mul3A_334 : i32
      %add3A_336 = arith.constant 256 : i32
      %add3A_337 = arith.addi %add3A_336, %mul3A_335 : i32
      %mul3A_338 = arith.constant 16 : i32
      %mul3A_339 = arith.muli %scan3A_332, %mul3A_338 : i32
      %get3A = arith.index_cast %add3A_337 : i32 to index
      %get3A_340 = tpu.vector_load %arg15[%get3A] {strides = array<i32>} : memref<512xf32, #tpu.memory_space<vmem>>, vector<16xf32>,
      %get3A_341 = arith.constant 2 : i32
      %get3A_342 = arith.index_cast %get3A_341 : i32 to index
      %get3A_343 = arith.index_cast %mul3A_339 : i32 to index
      %get3A_344 = tpu.vector_load %arg13[%get3A_342, %get3A_343] {strides = array<i32>} : memref<4x128xf32, #tpu.memory_space<vmem>>, vector<16xf32>,
      %add3A_345 = arith.addf %get3A_340, %get3A_344 : vector<16xf32>
      %get3A_346 = arith.constant 2 : i32
      %get3A_347 = arith.index_cast %get3A_346 : i32 to index
      %get3A_348 = arith.index_cast %mul3A_339 : i32 to index
      %get3A_349 = tpu.vector_load %arg14[%get3A_347, %get3A_348] {strides = array<i32>} : memref<4x128xf32, #tpu.memory_space<vmem>>, vector<16xf32>,
      %add3A_350 = arith.addf %add3A_345, %get3A_349 : vector<16xf32>
      %swap3A = arith.index_cast %add3A_337 : i32 to index
      %swap3A_351 = tpu.vector_load %arg15[%swap3A] {strides = array<i32>} : memref<512xf32, #tpu.memory_space<vmem>>, vector<16xf32>,
      tpu.vector_store %arg15[%swap3A], %add3A_350 {strides = array<i32>} : memref<512xf32, #tpu.memory_space<vmem>>, vector<16xf32>,
      %scan3A_352 = arith.constant 0 : i32
      scf.yield %scan3A_352 : i32
    }
    %scan3A_249 = arith.constant 8 : i32
    %dma_start3A_250 = arith.constant 3 : i32
    %dma_start3A_251 = arith.constant 0 : i32
    %dma_start3A_252 = tpu.memref_slice %arg9[%dma_start3A_250, %dma_start3A_251] : memref<4x128xi32, #tpu.memory_space<vmem>> -> memref<1x128xi32, #tpu.memory_space<vmem>>
    %dma_start3A_253 = tpu.memref_squeeze %dma_start3A_252 : memref<1x128xi32, #tpu.memory_space<vmem>> -> memref<128xi32, #tpu.memory_space<vmem>>
    %dma_start3A_254 = arith.constant 0 : i32
    %dma_start3A_255 = arith.constant 0 : i32
    %dma_start3A_256 = tpu.memref_slice %arg4[%dma_start3A_254, %dma_start3A_255] : memref<1000000x64xf32, #tpu.memory_space<hbm>> -> memref<1000000x64xf32, #tpu.memory_space<hbm>>
    tpu.enqueue_indirect_dma source(%dma_start3A_256 : memref<1000000x64xf32, #tpu.memory_space<hbm>>) target(%arg11 : memref<128x64xf32, #tpu.memory_space<vmem>>) offsets(%dma_start3A_253 : memref<128xi32, #tpu.memory_space<vmem>>) semaphore(%arg16 : memref<!tpu.dma_semaphore, #tpu.memory_space<semaphore_mem>>)
    %dma_start3A_257 = arith.constant 3 : i32
    %dma_start3A_258 = arith.constant 0 : i32
    %dma_start3A_259 = tpu.memref_slice %arg10[%dma_start3A_257, %dma_start3A_258] : memref<4x128xi32, #tpu.memory_space<vmem>> -> memref<1x128xi32, #tpu.memory_space<vmem>>
    %dma_start3A_260 = tpu.memref_squeeze %dma_start3A_259 : memref<1x128xi32, #tpu.memory_space<vmem>> -> memref<128xi32, #tpu.memory_space<vmem>>
    %dma_start3A_261 = arith.constant 0 : i32
    %dma_start3A_262 = arith.constant 0 : i32
    %dma_start3A_263 = tpu.memref_slice %arg5[%dma_start3A_261, %dma_start3A_262] : memref<1000000x64xf32, #tpu.memory_space<hbm>> -> memref<1000000x64xf32, #tpu.memory_space<hbm>>
    tpu.enqueue_indirect_dma source(%dma_start3A_263 : memref<1000000x64xf32, #tpu.memory_space<hbm>>) target(%arg12 : memref<128x64xf32, #tpu.memory_space<vmem>>) offsets(%dma_start3A_260 : memref<128xi32, #tpu.memory_space<vmem>>) semaphore(%arg16 : memref<!tpu.dma_semaphore, #tpu.memory_space<semaphore_mem>>)
    %dma_start3A_264 = arith.constant 3 : i32
    %dma_start3A_265 = arith.constant 3 : i32
    %dma_start3A_266 = arith.constant 0 : i32
    %dma_start3A_267 = tpu.memref_slice %arg13[%dma_start3A_265, %dma_start3A_266] : memref<4x128xf32, #tpu.memory_space<vmem>> -> memref<1x128xf32, #tpu.memory_space<vmem>>
    %dma_start3A_268 = tpu.memref_squeeze %dma_start3A_267 : memref<1x128xf32, #tpu.memory_space<vmem>> -> memref<128xf32, #tpu.memory_space<vmem>>
    %dma_start3A_269 = arith.constant 0 : i32
    %dma_start3A_270 = tpu.memref_slice %arg9[%dma_start3A_264, %dma_start3A_269] : memref<4x128xi32, #tpu.memory_space<vmem>> -> memref<1x128xi32, #tpu.memory_space<vmem>>
    %dma_start3A_271 = tpu.memref_squeeze %dma_start3A_270 : memref<1x128xi32, #tpu.memory_space<vmem>> -> memref<128xi32, #tpu.memory_space<vmem>>
    %dma_start3A_272 = arith.constant 0 : i32
    %dma_start3A_273 = tpu.memref_slice %arg6[%dma_start3A_272] : memref<1048576xf32, #tpu.memory_space<hbm>> -> memref<1048576xf32, #tpu.memory_space<hbm>>
    tpu.enqueue_indirect_dma source(%dma_start3A_273 : memref<1048576xf32, #tpu.memory_space<hbm>>) target(%dma_start3A_268 : memref<128xf32, #tpu.memory_space<vmem>>) offsets(%dma_start3A_271 : memref<128xi32, #tpu.memory_space<vmem>>) semaphore(%arg16 : memref<!tpu.dma_semaphore, #tpu.memory_space<semaphore_mem>>)
    %dma_start3A_274 = arith.constant 3 : i32
    %dma_start3A_275 = arith.constant 3 : i32
    %dma_start3A_276 = arith.constant 0 : i32
    %dma_start3A_277 = tpu.memref_slice %arg14[%dma_start3A_275, %dma_start3A_276] : memref<4x128xf32, #tpu.memory_space<vmem>> -> memref<1x128xf32, #tpu.memory_space<vmem>>
    %dma_start3A_278 = tpu.memref_squeeze %dma_start3A_277 : memref<1x128xf32, #tpu.memory_space<vmem>> -> memref<128xf32, #tpu.memory_space<vmem>>
    %dma_start3A_279 = arith.constant 0 : i32
    %dma_start3A_280 = tpu.memref_slice %arg10[%dma_start3A_274, %dma_start3A_279] : memref<4x128xi32, #tpu.memory_space<vmem>> -> memref<1x128xi32, #tpu.memory_space<vmem>>
    %dma_start3A_281 = tpu.memref_squeeze %dma_start3A_280 : memref<1x128xi32, #tpu.memory_space<vmem>> -> memref<128xi32, #tpu.memory_space<vmem>>
    %dma_start3A_282 = arith.constant 0 : i32
    %dma_start3A_283 = tpu.memref_slice %arg7[%dma_start3A_282] : memref<1048576xf32, #tpu.memory_space<hbm>> -> memref<1048576xf32, #tpu.memory_space<hbm>>
    tpu.enqueue_indirect_dma source(%dma_start3A_283 : memref<1048576xf32, #tpu.memory_space<hbm>>) target(%dma_start3A_278 : memref<128xf32, #tpu.memory_space<vmem>>) offsets(%dma_start3A_281 : memref<128xi32, #tpu.memory_space<vmem>>) semaphore(%arg16 : memref<!tpu.dma_semaphore, #tpu.memory_space<semaphore_mem>>)
    %dma_wait3A_284 = arith.constant 3 : i32
    %dma_wait3A_285 = arith.constant 0 : i32
    %dma_wait3A_286 = tpu.memref_slice %arg9[%dma_wait3A_284, %dma_wait3A_285] : memref<4x128xi32, #tpu.memory_space<vmem>> -> memref<1x128xi32, #tpu.memory_space<vmem>>
    %dma_wait3A_287 = tpu.memref_squeeze %dma_wait3A_286 : memref<1x128xi32, #tpu.memory_space<vmem>> -> memref<128xi32, #tpu.memory_space<vmem>>
    %dma_wait3A_288 = arith.constant 0 : i32
    %dma_wait3A_289 = arith.constant 0 : i32
    %dma_wait3A_290 = tpu.memref_slice %arg4[%dma_wait3A_288, %dma_wait3A_289] : memref<1000000x64xf32, #tpu.memory_space<hbm>> -> memref<1000000x64xf32, #tpu.memory_space<hbm>>
    tpu.wait_indirect_dma semaphore(%arg16 : memref<!tpu.dma_semaphore, #tpu.memory_space<semaphore_mem>>) src(%dma_wait3A_290 : memref<1000000x64xf32, #tpu.memory_space<hbm>>) dst(%arg11 : memref<128x64xf32, #tpu.memory_space<vmem>>)
    %dma_wait3A_291 = arith.constant 3 : i32
    %dma_wait3A_292 = arith.constant 0 : i32
    %dma_wait3A_293 = tpu.memref_slice %arg10[%dma_wait3A_291, %dma_wait3A_292] : memref<4x128xi32, #tpu.memory_space<vmem>> -> memref<1x128xi32, #tpu.memory_space<vmem>>
    %dma_wait3A_294 = tpu.memref_squeeze %dma_wait3A_293 : memref<1x128xi32, #tpu.memory_space<vmem>> -> memref<128xi32, #tpu.memory_space<vmem>>
    %dma_wait3A_295 = arith.constant 0 : i32
    %dma_wait3A_296 = arith.constant 0 : i32
    %dma_wait3A_297 = tpu.memref_slice %arg5[%dma_wait3A_295, %dma_wait3A_296] : memref<1000000x64xf32, #tpu.memory_space<hbm>> -> memref<1000000x64xf32, #tpu.memory_space<hbm>>
    tpu.wait_indirect_dma semaphore(%arg16 : memref<!tpu.dma_semaphore, #tpu.memory_space<semaphore_mem>>) src(%dma_wait3A_297 : memref<1000000x64xf32, #tpu.memory_space<hbm>>) dst(%arg12 : memref<128x64xf32, #tpu.memory_space<vmem>>)
    %dma_wait3A_298 = arith.constant 3 : i32
    %dma_wait3A_299 = arith.constant 3 : i32
    %dma_wait3A_300 = arith.constant 0 : i32
    %dma_wait3A_301 = tpu.memref_slice %arg13[%dma_wait3A_299, %dma_wait3A_300] : memref<4x128xf32, #tpu.memory_space<vmem>> -> memref<1x128xf32, #tpu.memory_space<vmem>>
    %dma_wait3A_302 = tpu.memref_squeeze %dma_wait3A_301 : memref<1x128xf32, #tpu.memory_space<vmem>> -> memref<128xf32, #tpu.memory_space<vmem>>
    %dma_wait3A_303 = arith.constant 0 : i32
    %dma_wait3A_304 = tpu.memref_slice %arg9[%dma_wait3A_298, %dma_wait3A_303] : memref<4x128xi32, #tpu.memory_space<vmem>> -> memref<1x128xi32, #tpu.memory_space<vmem>>
    %dma_wait3A_305 = tpu.memref_squeeze %dma_wait3A_304 : memref<1x128xi32, #tpu.memory_space<vmem>> -> memref<128xi32, #tpu.memory_space<vmem>>
    %dma_wait3A_306 = arith.constant 0 : i32
    %dma_wait3A_307 = tpu.memref_slice %arg6[%dma_wait3A_306] : memref<1048576xf32, #tpu.memory_space<hbm>> -> memref<1048576xf32, #tpu.memory_space<hbm>>
    tpu.wait_indirect_dma semaphore(%arg16 : memref<!tpu.dma_semaphore, #tpu.memory_space<semaphore_mem>>) src(%dma_wait3A_307 : memref<1048576xf32, #tpu.memory_space<hbm>>) dst(%dma_wait3A_302 : memref<128xf32, #tpu.memory_space<vmem>>)
    %dma_wait3A_308 = arith.constant 3 : i32
    %dma_wait3A_309 = arith.constant 3 : i32
    %dma_wait3A_310 = arith.constant 0 : i32
    %dma_wait3A_311 = tpu.memref_slice %arg14[%dma_wait3A_309, %dma_wait3A_310] : memref<4x128xf32, #tpu.memory_space<vmem>> -> memref<1x128xf32, #tpu.memory_space<vmem>>
    %dma_wait3A_312 = tpu.memref_squeeze %dma_wait3A_311 : memref<1x128xf32, #tpu.memory_space<vmem>> -> memref<128xf32, #tpu.memory_space<vmem>>
    %dma_wait3A_313 = arith.constant 0 : i32
    %dma_wait3A_314 = tpu.memref_slice %arg10[%dma_wait3A_308, %dma_wait3A_313] : memref<4x128xi32, #tpu.memory_space<vmem>> -> memref<1x128xi32, #tpu.memory_space<vmem>>
    %dma_wait3A_315 = tpu.memref_squeeze %dma_wait3A_314 : memref<1x128xi32, #tpu.memory_space<vmem>> -> memref<128xi32, #tpu.memory_space<vmem>>
    %dma_wait3A_316 = arith.constant 0 : i32
    %dma_wait3A_317 = tpu.memref_slice %arg7[%dma_wait3A_316] : memref<1048576xf32, #tpu.memory_space<hbm>> -> memref<1048576xf32, #tpu.memory_space<hbm>>
    tpu.wait_indirect_dma semaphore(%arg16 : memref<!tpu.dma_semaphore, #tpu.memory_space<semaphore_mem>>) src(%dma_wait3A_317 : memref<1048576xf32, #tpu.memory_space<hbm>>) dst(%dma_wait3A_312 : memref<128xf32, #tpu.memory_space<vmem>>)
    %scan3A_318 = arith.constant 0 : i32
    %scan3A_319 = arith.constant 0 : i32
    %scan3A_320 = arith.constant 8 : i32
    %scan3A_321 = arith.addi %scan3A_319, %scan3A_320 : i32
    %scan3A_322 = arith.constant 1 : i32
    %scan3A_323 = scf.for %scan3A_332 = %scan3A_319 to %scan3A_321 step %scan3A_322 iter_args(%scan3A_333 = %scan3A_318) -> (i32)  : i32 {
      %mul3A_334 = arith.constant 16 : i32
      %mul3A_335 = arith.muli %scan3A_332, %mul3A_334 : i32
      %add3A_336 = arith.constant 0 : i32
      %add3A_337 = arith.addi %mul3A_335, %add3A_336 : i32
      %get3A = arith.index_cast %add3A_337 : i32 to index
      %get3A_338 = arith.constant 0 : index
      %get3A_339 = tpu.vector_load %arg11[%get3A, %get3A_338] {strides = array<i32>} : memref<128x64xf32, #tpu.memory_space<vmem>>, vector<16xf32>,
      %get3A_340 = arith.index_cast %add3A_337 : i32 to index
      %get3A_341 = arith.constant 0 : index
      %get3A_342 = tpu.vector_load %arg12[%get3A_340, %get3A_341] {strides = array<i32>} : memref<128x64xf32, #tpu.memory_space<vmem>>, vector<16xf32>,
      %mul3A_343 = arith.mulf %get3A_339, %get3A_342 : vector<16xf32>
      %get3A_344 = arith.index_cast %add3A_337 : i32 to index
      %get3A_345 = arith.constant 16 : index
      %get3A_346 = tpu.vector_load %arg11[%get3A_344, %get3A_345] {strides = array<i32>} : memref<128x64xf32, #tpu.memory_space<vmem>>, vector<16xf32>,
      %get3A_347 = arith.index_cast %add3A_337 : i32 to index
      %get3A_348 = arith.constant 16 : index
      %get3A_349 = tpu.vector_load %arg12[%get3A_347, %get3A_348] {strides = array<i32>} : memref<128x64xf32, #tpu.memory_space<vmem>>, vector<16xf32>,
      %mul3A_350 = arith.mulf %get3A_346, %get3A_349 : vector<16xf32>
      %add3A_351 = arith.addf %mul3A_343, %mul3A_350 : vector<16xf32>
      %get3A_352 = arith.index_cast %add3A_337 : i32 to index
      %get3A_353 = arith.constant 32 : index
      %get3A_354 = tpu.vector_load %arg11[%get3A_352, %get3A_353] {strides = array<i32>} : memref<128x64xf32, #tpu.memory_space<vmem>>, vector<16xf32>,
      %get3A_355 = arith.index_cast %add3A_337 : i32 to index
      %get3A_356 = arith.constant 32 : index
      %get3A_357 = tpu.vector_load %arg12[%get3A_355, %get3A_356] {strides = array<i32>} : memref<128x64xf32, #tpu.memory_space<vmem>>, vector<16xf32>,
      %mul3A_358 = arith.mulf %get3A_354, %get3A_357 : vector<16xf32>
      %add3A_359 = arith.addf %add3A_351, %mul3A_358 : vector<16xf32>
      %get3A_360 = arith.index_cast %add3A_337 : i32 to index
      %get3A_361 = arith.constant 48 : index
      %get3A_362 = tpu.vector_load %arg11[%get3A_360, %get3A_361] {strides = array<i32>} : memref<128x64xf32, #tpu.memory_space<vmem>>, vector<16xf32>,
      %get3A_363 = arith.index_cast %add3A_337 : i32 to index
      %get3A_364 = arith.constant 48 : index
      %get3A_365 = tpu.vector_load %arg12[%get3A_363, %get3A_364] {strides = array<i32>} : memref<128x64xf32, #tpu.memory_space<vmem>>, vector<16xf32>,
      %mul3A_366 = arith.mulf %get3A_362, %get3A_365 : vector<16xf32>
      %add3A_367 = arith.addf %add3A_359, %mul3A_366 : vector<16xf32>
      %broadcast_in_dim3A = arith.constant true
      %broadcast_in_dim3A_368 = vector.broadcast %broadcast_in_dim3A : i1 to vector<16xi1>
      %masked_cumsum3A = tpu.scan <sum>, %add3A_367 masked %broadcast_in_dim3A_368 : vector<16xf32>, vector<16xi1> -> vector<16xf32>
      %add3A_369 = arith.constant 384 : i32
      %add3A_370 = arith.addi %add3A_369, %add3A_337 : i32
      %broadcast_in_dim3A_371 = vector.broadcast %add3A_370 : i32 to vector<16xi32>
      tpu.vector_store_idx %arg15[%broadcast_in_dim3A_371], %masked_cumsum3A masked %eq3A_6 : memref<512xf32, #tpu.memory_space<vmem>>[vector<16xi32>], vector<16xf32>, vector<16xi1>
      %mul3A_372 = arith.constant 16 : i32
      %mul3A_373 = arith.muli %scan3A_332, %mul3A_372 : i32
      %add3A_374 = arith.constant 1 : i32
      %add3A_375 = arith.addi %mul3A_373, %add3A_374 : i32
      %get3A_376 = arith.index_cast %add3A_375 : i32 to index
      %get3A_377 = arith.constant 0 : index
      %get3A_378 = tpu.vector_load %arg11[%get3A_376, %get3A_377] {strides = array<i32>} : memref<128x64xf32, #tpu.memory_space<vmem>>, vector<16xf32>,
      %get3A_379 = arith.index_cast %add3A_375 : i32 to index
      %get3A_380 = arith.constant 0 : index
      %get3A_381 = tpu.vector_load %arg12[%get3A_379, %get3A_380] {strides = array<i32>} : memref<128x64xf32, #tpu.memory_space<vmem>>, vector<16xf32>,
      %mul3A_382 = arith.mulf %get3A_378, %get3A_381 : vector<16xf32>
      %get3A_383 = arith.index_cast %add3A_375 : i32 to index
      %get3A_384 = arith.constant 16 : index
      %get3A_385 = tpu.vector_load %arg11[%get3A_383, %get3A_384] {strides = array<i32>} : memref<128x64xf32, #tpu.memory_space<vmem>>, vector<16xf32>,
      %get3A_386 = arith.index_cast %add3A_375 : i32 to index
      %get3A_387 = arith.constant 16 : index
      %get3A_388 = tpu.vector_load %arg12[%get3A_386, %get3A_387] {strides = array<i32>} : memref<128x64xf32, #tpu.memory_space<vmem>>, vector<16xf32>,
      %mul3A_389 = arith.mulf %get3A_385, %get3A_388 : vector<16xf32>
      %add3A_390 = arith.addf %mul3A_382, %mul3A_389 : vector<16xf32>
      %get3A_391 = arith.index_cast %add3A_375 : i32 to index
      %get3A_392 = arith.constant 32 : index
      %get3A_393 = tpu.vector_load %arg11[%get3A_391, %get3A_392] {strides = array<i32>} : memref<128x64xf32, #tpu.memory_space<vmem>>, vector<16xf32>,
      %get3A_394 = arith.index_cast %add3A_375 : i32 to index
      %get3A_395 = arith.constant 32 : index
      %get3A_396 = tpu.vector_load %arg12[%get3A_394, %get3A_395] {strides = array<i32>} : memref<128x64xf32, #tpu.memory_space<vmem>>, vector<16xf32>,
      %mul3A_397 = arith.mulf %get3A_393, %get3A_396 : vector<16xf32>
      %add3A_398 = arith.addf %add3A_390, %mul3A_397 : vector<16xf32>
      %get3A_399 = arith.index_cast %add3A_375 : i32 to index
      %get3A_400 = arith.constant 48 : index
      %get3A_401 = tpu.vector_load %arg11[%get3A_399, %get3A_400] {strides = array<i32>} : memref<128x64xf32, #tpu.memory_space<vmem>>, vector<16xf32>,
      %get3A_402 = arith.index_cast %add3A_375 : i32 to index
      %get3A_403 = arith.constant 48 : index
      %get3A_404 = tpu.vector_load %arg12[%get3A_402, %get3A_403] {strides = array<i32>} : memref<128x64xf32, #tpu.memory_space<vmem>>, vector<16xf32>,
      %mul3A_405 = arith.mulf %get3A_401, %get3A_404 : vector<16xf32>
      %add3A_406 = arith.addf %add3A_398, %mul3A_405 : vector<16xf32>
      %broadcast_in_dim3A_407 = arith.constant true
      %broadcast_in_dim3A_408 = vector.broadcast %broadcast_in_dim3A_407 : i1 to vector<16xi1>
      %masked_cumsum3A_409 = tpu.scan <sum>, %add3A_406 masked %broadcast_in_dim3A_408 : vector<16xf32>, vector<16xi1> -> vector<16xf32>
      %add3A_410 = arith.constant 384 : i32
      %add3A_411 = arith.addi %add3A_410, %add3A_375 : i32
      %broadcast_in_dim3A_412 = vector.broadcast %add3A_411 : i32 to vector<16xi32>
      tpu.vector_store_idx %arg15[%broadcast_in_dim3A_412], %masked_cumsum3A_409 masked %eq3A_6 : memref<512xf32, #tpu.memory_space<vmem>>[vector<16xi32>], vector<16xf32>, vector<16xi1>
      %mul3A_413 = arith.constant 16 : i32
      %mul3A_414 = arith.muli %scan3A_332, %mul3A_413 : i32
      %add3A_415 = arith.constant 2 : i32
      %add3A_416 = arith.addi %mul3A_414, %add3A_415 : i32
      %get3A_417 = arith.index_cast %add3A_416 : i32 to index
      %get3A_418 = arith.constant 0 : index
      %get3A_419 = tpu.vector_load %arg11[%get3A_417, %get3A_418] {strides = array<i32>} : memref<128x64xf32, #tpu.memory_space<vmem>>, vector<16xf32>,
      %get3A_420 = arith.index_cast %add3A_416 : i32 to index
      %get3A_421 = arith.constant 0 : index
      %get3A_422 = tpu.vector_load %arg12[%get3A_420, %get3A_421] {strides = array<i32>} : memref<128x64xf32, #tpu.memory_space<vmem>>, vector<16xf32>,
      %mul3A_423 = arith.mulf %get3A_419, %get3A_422 : vector<16xf32>
      %get3A_424 = arith.index_cast %add3A_416 : i32 to index
      %get3A_425 = arith.constant 16 : index
      %get3A_426 = tpu.vector_load %arg11[%get3A_424, %get3A_425] {strides = array<i32>} : memref<128x64xf32, #tpu.memory_space<vmem>>, vector<16xf32>,
      %get3A_427 = arith.index_cast %add3A_416 : i32 to index
      %get3A_428 = arith.constant 16 : index
      %get3A_429 = tpu.vector_load %arg12[%get3A_427, %get3A_428] {strides = array<i32>} : memref<128x64xf32, #tpu.memory_space<vmem>>, vector<16xf32>,
      %mul3A_430 = arith.mulf %get3A_426, %get3A_429 : vector<16xf32>
      %add3A_431 = arith.addf %mul3A_423, %mul3A_430 : vector<16xf32>
      %get3A_432 = arith.index_cast %add3A_416 : i32 to index
      %get3A_433 = arith.constant 32 : index
      %get3A_434 = tpu.vector_load %arg11[%get3A_432, %get3A_433] {strides = array<i32>} : memref<128x64xf32, #tpu.memory_space<vmem>>, vector<16xf32>,
      %get3A_435 = arith.index_cast %add3A_416 : i32 to index
      %get3A_436 = arith.constant 32 : index
      %get3A_437 = tpu.vector_load %arg12[%get3A_435, %get3A_436] {strides = array<i32>} : memref<128x64xf32, #tpu.memory_space<vmem>>, vector<16xf32>,
      %mul3A_438 = arith.mulf %get3A_434, %get3A_437 : vector<16xf32>
      %add3A_439 = arith.addf %add3A_431, %mul3A_438 : vector<16xf32>
      %get3A_440 = arith.index_cast %add3A_416 : i32 to index
      %get3A_441 = arith.constant 48 : index
      %get3A_442 = tpu.vector_load %arg11[%get3A_440, %get3A_441] {strides = array<i32>} : memref<128x64xf32, #tpu.memory_space<vmem>>, vector<16xf32>,
      %get3A_443 = arith.index_cast %add3A_416 : i32 to index
      %get3A_444 = arith.constant 48 : index
      %get3A_445 = tpu.vector_load %arg12[%get3A_443, %get3A_444] {strides = array<i32>} : memref<128x64xf32, #tpu.memory_space<vmem>>, vector<16xf32>,
      %mul3A_446 = arith.mulf %get3A_442, %get3A_445 : vector<16xf32>
      %add3A_447 = arith.addf %add3A_439, %mul3A_446 : vector<16xf32>
      %broadcast_in_dim3A_448 = arith.constant true
      %broadcast_in_dim3A_449 = vector.broadcast %broadcast_in_dim3A_448 : i1 to vector<16xi1>
      %masked_cumsum3A_450 = tpu.scan <sum>, %add3A_447 masked %broadcast_in_dim3A_449 : vector<16xf32>, vector<16xi1> -> vector<16xf32>
      %add3A_451 = arith.constant 384 : i32
      %add3A_452 = arith.addi %add3A_451, %add3A_416 : i32
      %broadcast_in_dim3A_453 = vector.broadcast %add3A_452 : i32 to vector<16xi32>
      tpu.vector_store_idx %arg15[%broadcast_in_dim3A_453], %masked_cumsum3A_450 masked %eq3A_6 : memref<512xf32, #tpu.memory_space<vmem>>[vector<16xi32>], vector<16xf32>, vector<16xi1>
      %mul3A_454 = arith.constant 16 : i32
      %mul3A_455 = arith.muli %scan3A_332, %mul3A_454 : i32
      %add3A_456 = arith.constant 3 : i32
      %add3A_457 = arith.addi %mul3A_455, %add3A_456 : i32
      %get3A_458 = arith.index_cast %add3A_457 : i32 to index
      %get3A_459 = arith.constant 0 : index
      %get3A_460 = tpu.vector_load %arg11[%get3A_458, %get3A_459] {strides = array<i32>} : memref<128x64xf32, #tpu.memory_space<vmem>>, vector<16xf32>,
      %get3A_461 = arith.index_cast %add3A_457 : i32 to index
      %get3A_462 = arith.constant 0 : index
      %get3A_463 = tpu.vector_load %arg12[%get3A_461, %get3A_462] {strides = array<i32>} : memref<128x64xf32, #tpu.memory_space<vmem>>, vector<16xf32>,
      %mul3A_464 = arith.mulf %get3A_460, %get3A_463 : vector<16xf32>
      %get3A_465 = arith.index_cast %add3A_457 : i32 to index
      %get3A_466 = arith.constant 16 : index
      %get3A_467 = tpu.vector_load %arg11[%get3A_465, %get3A_466] {strides = array<i32>} : memref<128x64xf32, #tpu.memory_space<vmem>>, vector<16xf32>,
      %get3A_468 = arith.index_cast %add3A_457 : i32 to index
      %get3A_469 = arith.constant 16 : index
      %get3A_470 = tpu.vector_load %arg12[%get3A_468, %get3A_469] {strides = array<i32>} : memref<128x64xf32, #tpu.memory_space<vmem>>, vector<16xf32>,
      %mul3A_471 = arith.mulf %get3A_467, %get3A_470 : vector<16xf32>
      %add3A_472 = arith.addf %mul3A_464, %mul3A_471 : vector<16xf32>
      %get3A_473 = arith.index_cast %add3A_457 : i32 to index
      %get3A_474 = arith.constant 32 : index
      %get3A_475 = tpu.vector_load %arg11[%get3A_473, %get3A_474] {strides = array<i32>} : memref<128x64xf32, #tpu.memory_space<vmem>>, vector<16xf32>,
      %get3A_476 = arith.index_cast %add3A_457 : i32 to index
      %get3A_477 = arith.constant 32 : index
      %get3A_478 = tpu.vector_load %arg12[%get3A_476, %get3A_477] {strides = array<i32>} : memref<128x64xf32, #tpu.memory_space<vmem>>, vector<16xf32>,
      %mul3A_479 = arith.mulf %get3A_475, %get3A_478 : vector<16xf32>
      %add3A_480 = arith.addf %add3A_472, %mul3A_479 : vector<16xf32>
      %get3A_481 = arith.index_cast %add3A_457 : i32 to index
      %get3A_482 = arith.constant 48 : index
      %get3A_483 = tpu.vector_load %arg11[%get3A_481, %get3A_482] {strides = array<i32>} : memref<128x64xf32, #tpu.memory_space<vmem>>, vector<16xf32>,
      %get3A_484 = arith.index_cast %add3A_457 : i32 to index
      %get3A_485 = arith.constant 48 : index
      %get3A_486 = tpu.vector_load %arg12[%get3A_484, %get3A_485] {strides = array<i32>} : memref<128x64xf32, #tpu.memory_space<vmem>>, vector<16xf32>,
      %mul3A_487 = arith.mulf %get3A_483, %get3A_486 : vector<16xf32>
      %add3A_488 = arith.addf %add3A_480, %mul3A_487 : vector<16xf32>
      %broadcast_in_dim3A_489 = arith.constant true
      %broadcast_in_dim3A_490 = vector.broadcast %broadcast_in_dim3A_489 : i1 to vector<16xi1>
      %masked_cumsum3A_491 = tpu.scan <sum>, %add3A_488 masked %broadcast_in_dim3A_490 : vector<16xf32>, vector<16xi1> -> vector<16xf32>
      %add3A_492 = arith.constant 384 : i32
      %add3A_493 = arith.addi %add3A_492, %add3A_457 : i32
      %broadcast_in_dim3A_494 = vector.broadcast %add3A_493 : i32 to vector<16xi32>
      tpu.vector_store_idx %arg15[%broadcast_in_dim3A_494], %masked_cumsum3A_491 masked %eq3A_6 : memref<512xf32, #tpu.memory_space<vmem>>[vector<16xi32>], vector<16xf32>, vector<16xi1>
      %mul3A_495 = arith.constant 16 : i32
      %mul3A_496 = arith.muli %scan3A_332, %mul3A_495 : i32
      %add3A_497 = arith.constant 4 : i32
      %add3A_498 = arith.addi %mul3A_496, %add3A_497 : i32
      %get3A_499 = arith.index_cast %add3A_498 : i32 to index
      %get3A_500 = arith.constant 0 : index
      %get3A_501 = tpu.vector_load %arg11[%get3A_499, %get3A_500] {strides = array<i32>} : memref<128x64xf32, #tpu.memory_space<vmem>>, vector<16xf32>,
      %get3A_502 = arith.index_cast %add3A_498 : i32 to index
      %get3A_503 = arith.constant 0 : index
      %get3A_504 = tpu.vector_load %arg12[%get3A_502, %get3A_503] {strides = array<i32>} : memref<128x64xf32, #tpu.memory_space<vmem>>, vector<16xf32>,
      %mul3A_505 = arith.mulf %get3A_501, %get3A_504 : vector<16xf32>
      %get3A_506 = arith.index_cast %add3A_498 : i32 to index
      %get3A_507 = arith.constant 16 : index
      %get3A_508 = tpu.vector_load %arg11[%get3A_506, %get3A_507] {strides = array<i32>} : memref<128x64xf32, #tpu.memory_space<vmem>>, vector<16xf32>,
      %get3A_509 = arith.index_cast %add3A_498 : i32 to index
      %get3A_510 = arith.constant 16 : index
      %get3A_511 = tpu.vector_load %arg12[%get3A_509, %get3A_510] {strides = array<i32>} : memref<128x64xf32, #tpu.memory_space<vmem>>, vector<16xf32>,
      %mul3A_512 = arith.mulf %get3A_508, %get3A_511 : vector<16xf32>
      %add3A_513 = arith.addf %mul3A_505, %mul3A_512 : vector<16xf32>
      %get3A_514 = arith.index_cast %add3A_498 : i32 to index
      %get3A_515 = arith.constant 32 : index
      %get3A_516 = tpu.vector_load %arg11[%get3A_514, %get3A_515] {strides = array<i32>} : memref<128x64xf32, #tpu.memory_space<vmem>>, vector<16xf32>,
      %get3A_517 = arith.index_cast %add3A_498 : i32 to index
      %get3A_518 = arith.constant 32 : index
      %get3A_519 = tpu.vector_load %arg12[%get3A_517, %get3A_518] {strides = array<i32>} : memref<128x64xf32, #tpu.memory_space<vmem>>, vector<16xf32>,
      %mul3A_520 = arith.mulf %get3A_516, %get3A_519 : vector<16xf32>
      %add3A_521 = arith.addf %add3A_513, %mul3A_520 : vector<16xf32>
      %get3A_522 = arith.index_cast %add3A_498 : i32 to index
      %get3A_523 = arith.constant 48 : index
      %get3A_524 = tpu.vector_load %arg11[%get3A_522, %get3A_523] {strides = array<i32>} : memref<128x64xf32, #tpu.memory_space<vmem>>, vector<16xf32>,
      %get3A_525 = arith.index_cast %add3A_498 : i32 to index
      %get3A_526 = arith.constant 48 : index
      %get3A_527 = tpu.vector_load %arg12[%get3A_525, %get3A_526] {strides = array<i32>} : memref<128x64xf32, #tpu.memory_space<vmem>>, vector<16xf32>,
      %mul3A_528 = arith.mulf %get3A_524, %get3A_527 : vector<16xf32>
      %add3A_529 = arith.addf %add3A_521, %mul3A_528 : vector<16xf32>
      %broadcast_in_dim3A_530 = arith.constant true
      %broadcast_in_dim3A_531 = vector.broadcast %broadcast_in_dim3A_530 : i1 to vector<16xi1>
      %masked_cumsum3A_532 = tpu.scan <sum>, %add3A_529 masked %broadcast_in_dim3A_531 : vector<16xf32>, vector<16xi1> -> vector<16xf32>
      %add3A_533 = arith.constant 384 : i32
      %add3A_534 = arith.addi %add3A_533, %add3A_498 : i32
      %broadcast_in_dim3A_535 = vector.broadcast %add3A_534 : i32 to vector<16xi32>
      tpu.vector_store_idx %arg15[%broadcast_in_dim3A_535], %masked_cumsum3A_532 masked %eq3A_6 : memref<512xf32, #tpu.memory_space<vmem>>[vector<16xi32>], vector<16xf32>, vector<16xi1>
      %mul3A_536 = arith.constant 16 : i32
      %mul3A_537 = arith.muli %scan3A_332, %mul3A_536 : i32
      %add3A_538 = arith.constant 5 : i32
      %add3A_539 = arith.addi %mul3A_537, %add3A_538 : i32
      %get3A_540 = arith.index_cast %add3A_539 : i32 to index
      %get3A_541 = arith.constant 0 : index
      %get3A_542 = tpu.vector_load %arg11[%get3A_540, %get3A_541] {strides = array<i32>} : memref<128x64xf32, #tpu.memory_space<vmem>>, vector<16xf32>,
      %get3A_543 = arith.index_cast %add3A_539 : i32 to index
      %get3A_544 = arith.constant 0 : index
      %get3A_545 = tpu.vector_load %arg12[%get3A_543, %get3A_544] {strides = array<i32>} : memref<128x64xf32, #tpu.memory_space<vmem>>, vector<16xf32>,
      %mul3A_546 = arith.mulf %get3A_542, %get3A_545 : vector<16xf32>
      %get3A_547 = arith.index_cast %add3A_539 : i32 to index
      %get3A_548 = arith.constant 16 : index
      %get3A_549 = tpu.vector_load %arg11[%get3A_547, %get3A_548] {strides = array<i32>} : memref<128x64xf32, #tpu.memory_space<vmem>>, vector<16xf32>,
      %get3A_550 = arith.index_cast %add3A_539 : i32 to index
      %get3A_551 = arith.constant 16 : index
      %get3A_552 = tpu.vector_load %arg12[%get3A_550, %get3A_551] {strides = array<i32>} : memref<128x64xf32, #tpu.memory_space<vmem>>, vector<16xf32>,
      %mul3A_553 = arith.mulf %get3A_549, %get3A_552 : vector<16xf32>
      %add3A_554 = arith.addf %mul3A_546, %mul3A_553 : vector<16xf32>
      %get3A_555 = arith.index_cast %add3A_539 : i32 to index
      %get3A_556 = arith.constant 32 : index
      %get3A_557 = tpu.vector_load %arg11[%get3A_555, %get3A_556] {strides = array<i32>} : memref<128x64xf32, #tpu.memory_space<vmem>>, vector<16xf32>,
      %get3A_558 = arith.index_cast %add3A_539 : i32 to index
      %get3A_559 = arith.constant 32 : index
      %get3A_560 = tpu.vector_load %arg12[%get3A_558, %get3A_559] {strides = array<i32>} : memref<128x64xf32, #tpu.memory_space<vmem>>, vector<16xf32>,
      %mul3A_561 = arith.mulf %get3A_557, %get3A_560 : vector<16xf32>
      %add3A_562 = arith.addf %add3A_554, %mul3A_561 : vector<16xf32>
      %get3A_563 = arith.index_cast %add3A_539 : i32 to index
      %get3A_564 = arith.constant 48 : index
      %get3A_565 = tpu.vector_load %arg11[%get3A_563, %get3A_564] {strides = array<i32>} : memref<128x64xf32, #tpu.memory_space<vmem>>, vector<16xf32>,
      %get3A_566 = arith.index_cast %add3A_539 : i32 to index
      %get3A_567 = arith.constant 48 : index
      %get3A_568 = tpu.vector_load %arg12[%get3A_566, %get3A_567] {strides = array<i32>} : memref<128x64xf32, #tpu.memory_space<vmem>>, vector<16xf32>,
      %mul3A_569 = arith.mulf %get3A_565, %get3A_568 : vector<16xf32>
      %add3A_570 = arith.addf %add3A_562, %mul3A_569 : vector<16xf32>
      %broadcast_in_dim3A_571 = arith.constant true
      %broadcast_in_dim3A_572 = vector.broadcast %broadcast_in_dim3A_571 : i1 to vector<16xi1>
      %masked_cumsum3A_573 = tpu.scan <sum>, %add3A_570 masked %broadcast_in_dim3A_572 : vector<16xf32>, vector<16xi1> -> vector<16xf32>
      %add3A_574 = arith.constant 384 : i32
      %add3A_575 = arith.addi %add3A_574, %add3A_539 : i32
      %broadcast_in_dim3A_576 = vector.broadcast %add3A_575 : i32 to vector<16xi32>
      tpu.vector_store_idx %arg15[%broadcast_in_dim3A_576], %masked_cumsum3A_573 masked %eq3A_6 : memref<512xf32, #tpu.memory_space<vmem>>[vector<16xi32>], vector<16xf32>, vector<16xi1>
      %mul3A_577 = arith.constant 16 : i32
      %mul3A_578 = arith.muli %scan3A_332, %mul3A_577 : i32
      %add3A_579 = arith.constant 6 : i32
      %add3A_580 = arith.addi %mul3A_578, %add3A_579 : i32
      %get3A_581 = arith.index_cast %add3A_580 : i32 to index
      %get3A_582 = arith.constant 0 : index
      %get3A_583 = tpu.vector_load %arg11[%get3A_581, %get3A_582] {strides = array<i32>} : memref<128x64xf32, #tpu.memory_space<vmem>>, vector<16xf32>,
      %get3A_584 = arith.index_cast %add3A_580 : i32 to index
      %get3A_585 = arith.constant 0 : index
      %get3A_586 = tpu.vector_load %arg12[%get3A_584, %get3A_585] {strides = array<i32>} : memref<128x64xf32, #tpu.memory_space<vmem>>, vector<16xf32>,
      %mul3A_587 = arith.mulf %get3A_583, %get3A_586 : vector<16xf32>
      %get3A_588 = arith.index_cast %add3A_580 : i32 to index
      %get3A_589 = arith.constant 16 : index
      %get3A_590 = tpu.vector_load %arg11[%get3A_588, %get3A_589] {strides = array<i32>} : memref<128x64xf32, #tpu.memory_space<vmem>>, vector<16xf32>,
      %get3A_591 = arith.index_cast %add3A_580 : i32 to index
      %get3A_592 = arith.constant 16 : index
      %get3A_593 = tpu.vector_load %arg12[%get3A_591, %get3A_592] {strides = array<i32>} : memref<128x64xf32, #tpu.memory_space<vmem>>, vector<16xf32>,
      %mul3A_594 = arith.mulf %get3A_590, %get3A_593 : vector<16xf32>
      %add3A_595 = arith.addf %mul3A_587, %mul3A_594 : vector<16xf32>
      %get3A_596 = arith.index_cast %add3A_580 : i32 to index
      %get3A_597 = arith.constant 32 : index
      %get3A_598 = tpu.vector_load %arg11[%get3A_596, %get3A_597] {strides = array<i32>} : memref<128x64xf32, #tpu.memory_space<vmem>>, vector<16xf32>,
      %get3A_599 = arith.index_cast %add3A_580 : i32 to index
      %get3A_600 = arith.constant 32 : index
      %get3A_601 = tpu.vector_load %arg12[%get3A_599, %get3A_600] {strides = array<i32>} : memref<128x64xf32, #tpu.memory_space<vmem>>, vector<16xf32>,
      %mul3A_602 = arith.mulf %get3A_598, %get3A_601 : vector<16xf32>
      %add3A_603 = arith.addf %add3A_595, %mul3A_602 : vector<16xf32>
      %get3A_604 = arith.index_cast %add3A_580 : i32 to index
      %get3A_605 = arith.constant 48 : index
      %get3A_606 = tpu.vector_load %arg11[%get3A_604, %get3A_605] {strides = array<i32>} : memref<128x64xf32, #tpu.memory_space<vmem>>, vector<16xf32>,
      %get3A_607 = arith.index_cast %add3A_580 : i32 to index
      %get3A_608 = arith.constant 48 : index
      %get3A_609 = tpu.vector_load %arg12[%get3A_607, %get3A_608] {strides = array<i32>} : memref<128x64xf32, #tpu.memory_space<vmem>>, vector<16xf32>,
      %mul3A_610 = arith.mulf %get3A_606, %get3A_609 : vector<16xf32>
      %add3A_611 = arith.addf %add3A_603, %mul3A_610 : vector<16xf32>
      %broadcast_in_dim3A_612 = arith.constant true
      %broadcast_in_dim3A_613 = vector.broadcast %broadcast_in_dim3A_612 : i1 to vector<16xi1>
      %masked_cumsum3A_614 = tpu.scan <sum>, %add3A_611 masked %broadcast_in_dim3A_613 : vector<16xf32>, vector<16xi1> -> vector<16xf32>
      %add3A_615 = arith.constant 384 : i32
      %add3A_616 = arith.addi %add3A_615, %add3A_580 : i32
      %broadcast_in_dim3A_617 = vector.broadcast %add3A_616 : i32 to vector<16xi32>
      tpu.vector_store_idx %arg15[%broadcast_in_dim3A_617], %masked_cumsum3A_614 masked %eq3A_6 : memref<512xf32, #tpu.memory_space<vmem>>[vector<16xi32>], vector<16xf32>, vector<16xi1>
      %mul3A_618 = arith.constant 16 : i32
      %mul3A_619 = arith.muli %scan3A_332, %mul3A_618 : i32
      %add3A_620 = arith.constant 7 : i32
      %add3A_621 = arith.addi %mul3A_619, %add3A_620 : i32
      %get3A_622 = arith.index_cast %add3A_621 : i32 to index
      %get3A_623 = arith.constant 0 : index
      %get3A_624 = tpu.vector_load %arg11[%get3A_622, %get3A_623] {strides = array<i32>} : memref<128x64xf32, #tpu.memory_space<vmem>>, vector<16xf32>,
      %get3A_625 = arith.index_cast %add3A_621 : i32 to index
      %get3A_626 = arith.constant 0 : index
      %get3A_627 = tpu.vector_load %arg12[%get3A_625, %get3A_626] {strides = array<i32>} : memref<128x64xf32, #tpu.memory_space<vmem>>, vector<16xf32>,
      %mul3A_628 = arith.mulf %get3A_624, %get3A_627 : vector<16xf32>
      %get3A_629 = arith.index_cast %add3A_621 : i32 to index
      %get3A_630 = arith.constant 16 : index
      %get3A_631 = tpu.vector_load %arg11[%get3A_629, %get3A_630] {strides = array<i32>} : memref<128x64xf32, #tpu.memory_space<vmem>>, vector<16xf32>,
      %get3A_632 = arith.index_cast %add3A_621 : i32 to index
      %get3A_633 = arith.constant 16 : index
      %get3A_634 = tpu.vector_load %arg12[%get3A_632, %get3A_633] {strides = array<i32>} : memref<128x64xf32, #tpu.memory_space<vmem>>, vector<16xf32>,
      %mul3A_635 = arith.mulf %get3A_631, %get3A_634 : vector<16xf32>
      %add3A_636 = arith.addf %mul3A_628, %mul3A_635 : vector<16xf32>
      %get3A_637 = arith.index_cast %add3A_621 : i32 to index
      %get3A_638 = arith.constant 32 : index
      %get3A_639 = tpu.vector_load %arg11[%get3A_637, %get3A_638] {strides = array<i32>} : memref<128x64xf32, #tpu.memory_space<vmem>>, vector<16xf32>,
      %get3A_640 = arith.index_cast %add3A_621 : i32 to index
      %get3A_641 = arith.constant 32 : index
      %get3A_642 = tpu.vector_load %arg12[%get3A_640, %get3A_641] {strides = array<i32>} : memref<128x64xf32, #tpu.memory_space<vmem>>, vector<16xf32>,
      %mul3A_643 = arith.mulf %get3A_639, %get3A_642 : vector<16xf32>
      %add3A_644 = arith.addf %add3A_636, %mul3A_643 : vector<16xf32>
      %get3A_645 = arith.index_cast %add3A_621 : i32 to index
      %get3A_646 = arith.constant 48 : index
      %get3A_647 = tpu.vector_load %arg11[%get3A_645, %get3A_646] {strides = array<i32>} : memref<128x64xf32, #tpu.memory_space<vmem>>, vector<16xf32>,
      %get3A_648 = arith.index_cast %add3A_621 : i32 to index
      %get3A_649 = arith.constant 48 : index
      %get3A_650 = tpu.vector_load %arg12[%get3A_648, %get3A_649] {strides = array<i32>} : memref<128x64xf32, #tpu.memory_space<vmem>>, vector<16xf32>,
      %mul3A_651 = arith.mulf %get3A_647, %get3A_650 : vector<16xf32>
      %add3A_652 = arith.addf %add3A_644, %mul3A_651 : vector<16xf32>
      %broadcast_in_dim3A_653 = arith.constant true
      %broadcast_in_dim3A_654 = vector.broadcast %broadcast_in_dim3A_653 : i1 to vector<16xi1>
      %masked_cumsum3A_655 = tpu.scan <sum>, %add3A_652 masked %broadcast_in_dim3A_654 : vector<16xf32>, vector<16xi1> -> vector<16xf32>
      %add3A_656 = arith.constant 384 : i32
      %add3A_657 = arith.addi %add3A_656, %add3A_621 : i32
      %broadcast_in_dim3A_658 = vector.broadcast %add3A_657 : i32 to vector<16xi32>
      tpu.vector_store_idx %arg15[%broadcast_in_dim3A_658], %masked_cumsum3A_655 masked %eq3A_6 : memref<512xf32, #tpu.memory_space<vmem>>[vector<16xi32>], vector<16xf32>, vector<16xi1>
      %mul3A_659 = arith.constant 16 : i32
      %mul3A_660 = arith.muli %scan3A_332, %mul3A_659 : i32
      %add3A_661 = arith.constant 8 : i32
      %add3A_662 = arith.addi %mul3A_660, %add3A_661 : i32
      %get3A_663 = arith.index_cast %add3A_662 : i32 to index
      %get3A_664 = arith.constant 0 : index
      %get3A_665 = tpu.vector_load %arg11[%get3A_663, %get3A_664] {strides = array<i32>} : memref<128x64xf32, #tpu.memory_space<vmem>>, vector<16xf32>,
      %get3A_666 = arith.index_cast %add3A_662 : i32 to index
      %get3A_667 = arith.constant 0 : index
      %get3A_668 = tpu.vector_load %arg12[%get3A_666, %get3A_667] {strides = array<i32>} : memref<128x64xf32, #tpu.memory_space<vmem>>, vector<16xf32>,
      %mul3A_669 = arith.mulf %get3A_665, %get3A_668 : vector<16xf32>
      %get3A_670 = arith.index_cast %add3A_662 : i32 to index
      %get3A_671 = arith.constant 16 : index
      %get3A_672 = tpu.vector_load %arg11[%get3A_670, %get3A_671] {strides = array<i32>} : memref<128x64xf32, #tpu.memory_space<vmem>>, vector<16xf32>,
      %get3A_673 = arith.index_cast %add3A_662 : i32 to index
      %get3A_674 = arith.constant 16 : index
      %get3A_675 = tpu.vector_load %arg12[%get3A_673, %get3A_674] {strides = array<i32>} : memref<128x64xf32, #tpu.memory_space<vmem>>, vector<16xf32>,
      %mul3A_676 = arith.mulf %get3A_672, %get3A_675 : vector<16xf32>
      %add3A_677 = arith.addf %mul3A_669, %mul3A_676 : vector<16xf32>
      %get3A_678 = arith.index_cast %add3A_662 : i32 to index
      %get3A_679 = arith.constant 32 : index
      %get3A_680 = tpu.vector_load %arg11[%get3A_678, %get3A_679] {strides = array<i32>} : memref<128x64xf32, #tpu.memory_space<vmem>>, vector<16xf32>,
      %get3A_681 = arith.index_cast %add3A_662 : i32 to index
      %get3A_682 = arith.constant 32 : index
      %get3A_683 = tpu.vector_load %arg12[%get3A_681, %get3A_682] {strides = array<i32>} : memref<128x64xf32, #tpu.memory_space<vmem>>, vector<16xf32>,
      %mul3A_684 = arith.mulf %get3A_680, %get3A_683 : vector<16xf32>
      %add3A_685 = arith.addf %add3A_677, %mul3A_684 : vector<16xf32>
      %get3A_686 = arith.index_cast %add3A_662 : i32 to index
      %get3A_687 = arith.constant 48 : index
      %get3A_688 = tpu.vector_load %arg11[%get3A_686, %get3A_687] {strides = array<i32>} : memref<128x64xf32, #tpu.memory_space<vmem>>, vector<16xf32>,
      %get3A_689 = arith.index_cast %add3A_662 : i32 to index
      %get3A_690 = arith.constant 48 : index
      %get3A_691 = tpu.vector_load %arg12[%get3A_689, %get3A_690] {strides = array<i32>} : memref<128x64xf32, #tpu.memory_space<vmem>>, vector<16xf32>,
      %mul3A_692 = arith.mulf %get3A_688, %get3A_691 : vector<16xf32>
      %add3A_693 = arith.addf %add3A_685, %mul3A_692 : vector<16xf32>
      %broadcast_in_dim3A_694 = arith.constant true
      %broadcast_in_dim3A_695 = vector.broadcast %broadcast_in_dim3A_694 : i1 to vector<16xi1>
      %masked_cumsum3A_696 = tpu.scan <sum>, %add3A_693 masked %broadcast_in_dim3A_695 : vector<16xf32>, vector<16xi1> -> vector<16xf32>
      %add3A_697 = arith.constant 384 : i32
      %add3A_698 = arith.addi %add3A_697, %add3A_662 : i32
      %broadcast_in_dim3A_699 = vector.broadcast %add3A_698 : i32 to vector<16xi32>
      tpu.vector_store_idx %arg15[%broadcast_in_dim3A_699], %masked_cumsum3A_696 masked %eq3A_6 : memref<512xf32, #tpu.memory_space<vmem>>[vector<16xi32>], vector<16xf32>, vector<16xi1>
      %mul3A_700 = arith.constant 16 : i32
      %mul3A_701 = arith.muli %scan3A_332, %mul3A_700 : i32
      %add3A_702 = arith.constant 9 : i32
      %add3A_703 = arith.addi %mul3A_701, %add3A_702 : i32
      %get3A_704 = arith.index_cast %add3A_703 : i32 to index
      %get3A_705 = arith.constant 0 : index
      %get3A_706 = tpu.vector_load %arg11[%get3A_704, %get3A_705] {strides = array<i32>} : memref<128x64xf32, #tpu.memory_space<vmem>>, vector<16xf32>,
      %get3A_707 = arith.index_cast %add3A_703 : i32 to index
      %get3A_708 = arith.constant 0 : index
      %get3A_709 = tpu.vector_load %arg12[%get3A_707, %get3A_708] {strides = array<i32>} : memref<128x64xf32, #tpu.memory_space<vmem>>, vector<16xf32>,
      %mul3A_710 = arith.mulf %get3A_706, %get3A_709 : vector<16xf32>
      %get3A_711 = arith.index_cast %add3A_703 : i32 to index
      %get3A_712 = arith.constant 16 : index
      %get3A_713 = tpu.vector_load %arg11[%get3A_711, %get3A_712] {strides = array<i32>} : memref<128x64xf32, #tpu.memory_space<vmem>>, vector<16xf32>,
      %get3A_714 = arith.index_cast %add3A_703 : i32 to index
      %get3A_715 = arith.constant 16 : index
      %get3A_716 = tpu.vector_load %arg12[%get3A_714, %get3A_715] {strides = array<i32>} : memref<128x64xf32, #tpu.memory_space<vmem>>, vector<16xf32>,
      %mul3A_717 = arith.mulf %get3A_713, %get3A_716 : vector<16xf32>
      %add3A_718 = arith.addf %mul3A_710, %mul3A_717 : vector<16xf32>
      %get3A_719 = arith.index_cast %add3A_703 : i32 to index
      %get3A_720 = arith.constant 32 : index
      %get3A_721 = tpu.vector_load %arg11[%get3A_719, %get3A_720] {strides = array<i32>} : memref<128x64xf32, #tpu.memory_space<vmem>>, vector<16xf32>,
      %get3A_722 = arith.index_cast %add3A_703 : i32 to index
      %get3A_723 = arith.constant 32 : index
      %get3A_724 = tpu.vector_load %arg12[%get3A_722, %get3A_723] {strides = array<i32>} : memref<128x64xf32, #tpu.memory_space<vmem>>, vector<16xf32>,
      %mul3A_725 = arith.mulf %get3A_721, %get3A_724 : vector<16xf32>
      %add3A_726 = arith.addf %add3A_718, %mul3A_725 : vector<16xf32>
      %get3A_727 = arith.index_cast %add3A_703 : i32 to index
      %get3A_728 = arith.constant 48 : index
      %get3A_729 = tpu.vector_load %arg11[%get3A_727, %get3A_728] {strides = array<i32>} : memref<128x64xf32, #tpu.memory_space<vmem>>, vector<16xf32>,
      %get3A_730 = arith.index_cast %add3A_703 : i32 to index
      %get3A_731 = arith.constant 48 : index
      %get3A_732 = tpu.vector_load %arg12[%get3A_730, %get3A_731] {strides = array<i32>} : memref<128x64xf32, #tpu.memory_space<vmem>>, vector<16xf32>,
      %mul3A_733 = arith.mulf %get3A_729, %get3A_732 : vector<16xf32>
      %add3A_734 = arith.addf %add3A_726, %mul3A_733 : vector<16xf32>
      %broadcast_in_dim3A_735 = arith.constant true
      %broadcast_in_dim3A_736 = vector.broadcast %broadcast_in_dim3A_735 : i1 to vector<16xi1>
      %masked_cumsum3A_737 = tpu.scan <sum>, %add3A_734 masked %broadcast_in_dim3A_736 : vector<16xf32>, vector<16xi1> -> vector<16xf32>
      %add3A_738 = arith.constant 384 : i32
      %add3A_739 = arith.addi %add3A_738, %add3A_703 : i32
      %broadcast_in_dim3A_740 = vector.broadcast %add3A_739 : i32 to vector<16xi32>
      tpu.vector_store_idx %arg15[%broadcast_in_dim3A_740], %masked_cumsum3A_737 masked %eq3A_6 : memref<512xf32, #tpu.memory_space<vmem>>[vector<16xi32>], vector<16xf32>, vector<16xi1>
      %mul3A_741 = arith.constant 16 : i32
      %mul3A_742 = arith.muli %scan3A_332, %mul3A_741 : i32
      %add3A_743 = arith.constant 10 : i32
      %add3A_744 = arith.addi %mul3A_742, %add3A_743 : i32
      %get3A_745 = arith.index_cast %add3A_744 : i32 to index
      %get3A_746 = arith.constant 0 : index
      %get3A_747 = tpu.vector_load %arg11[%get3A_745, %get3A_746] {strides = array<i32>} : memref<128x64xf32, #tpu.memory_space<vmem>>, vector<16xf32>,
      %get3A_748 = arith.index_cast %add3A_744 : i32 to index
      %get3A_749 = arith.constant 0 : index
      %get3A_750 = tpu.vector_load %arg12[%get3A_748, %get3A_749] {strides = array<i32>} : memref<128x64xf32, #tpu.memory_space<vmem>>, vector<16xf32>,
      %mul3A_751 = arith.mulf %get3A_747, %get3A_750 : vector<16xf32>
      %get3A_752 = arith.index_cast %add3A_744 : i32 to index
      %get3A_753 = arith.constant 16 : index
      %get3A_754 = tpu.vector_load %arg11[%get3A_752, %get3A_753] {strides = array<i32>} : memref<128x64xf32, #tpu.memory_space<vmem>>, vector<16xf32>,
      %get3A_755 = arith.index_cast %add3A_744 : i32 to index
      %get3A_756 = arith.constant 16 : index
      %get3A_757 = tpu.vector_load %arg12[%get3A_755, %get3A_756] {strides = array<i32>} : memref<128x64xf32, #tpu.memory_space<vmem>>, vector<16xf32>,
      %mul3A_758 = arith.mulf %get3A_754, %get3A_757 : vector<16xf32>
      %add3A_759 = arith.addf %mul3A_751, %mul3A_758 : vector<16xf32>
      %get3A_760 = arith.index_cast %add3A_744 : i32 to index
      %get3A_761 = arith.constant 32 : index
      %get3A_762 = tpu.vector_load %arg11[%get3A_760, %get3A_761] {strides = array<i32>} : memref<128x64xf32, #tpu.memory_space<vmem>>, vector<16xf32>,
      %get3A_763 = arith.index_cast %add3A_744 : i32 to index
      %get3A_764 = arith.constant 32 : index
      %get3A_765 = tpu.vector_load %arg12[%get3A_763, %get3A_764] {strides = array<i32>} : memref<128x64xf32, #tpu.memory_space<vmem>>, vector<16xf32>,
      %mul3A_766 = arith.mulf %get3A_762, %get3A_765 : vector<16xf32>
      %add3A_767 = arith.addf %add3A_759, %mul3A_766 : vector<16xf32>
      %get3A_768 = arith.index_cast %add3A_744 : i32 to index
      %get3A_769 = arith.constant 48 : index
      %get3A_770 = tpu.vector_load %arg11[%get3A_768, %get3A_769] {strides = array<i32>} : memref<128x64xf32, #tpu.memory_space<vmem>>, vector<16xf32>,
      %get3A_771 = arith.index_cast %add3A_744 : i32 to index
      %get3A_772 = arith.constant 48 : index
      %get3A_773 = tpu.vector_load %arg12[%get3A_771, %get3A_772] {strides = array<i32>} : memref<128x64xf32, #tpu.memory_space<vmem>>, vector<16xf32>,
      %mul3A_774 = arith.mulf %get3A_770, %get3A_773 : vector<16xf32>
      %add3A_775 = arith.addf %add3A_767, %mul3A_774 : vector<16xf32>
      %broadcast_in_dim3A_776 = arith.constant true
      %broadcast_in_dim3A_777 = vector.broadcast %broadcast_in_dim3A_776 : i1 to vector<16xi1>
      %masked_cumsum3A_778 = tpu.scan <sum>, %add3A_775 masked %broadcast_in_dim3A_777 : vector<16xf32>, vector<16xi1> -> vector<16xf32>
      %add3A_779 = arith.constant 384 : i32
      %add3A_780 = arith.addi %add3A_779, %add3A_744 : i32
      %broadcast_in_dim3A_781 = vector.broadcast %add3A_780 : i32 to vector<16xi32>
      tpu.vector_store_idx %arg15[%broadcast_in_dim3A_781], %masked_cumsum3A_778 masked %eq3A_6 : memref<512xf32, #tpu.memory_space<vmem>>[vector<16xi32>], vector<16xf32>, vector<16xi1>
      %mul3A_782 = arith.constant 16 : i32
      %mul3A_783 = arith.muli %scan3A_332, %mul3A_782 : i32
      %add3A_784 = arith.constant 11 : i32
      %add3A_785 = arith.addi %mul3A_783, %add3A_784 : i32
      %get3A_786 = arith.index_cast %add3A_785 : i32 to index
      %get3A_787 = arith.constant 0 : index
      %get3A_788 = tpu.vector_load %arg11[%get3A_786, %get3A_787] {strides = array<i32>} : memref<128x64xf32, #tpu.memory_space<vmem>>, vector<16xf32>,
      %get3A_789 = arith.index_cast %add3A_785 : i32 to index
      %get3A_790 = arith.constant 0 : index
      %get3A_791 = tpu.vector_load %arg12[%get3A_789, %get3A_790] {strides = array<i32>} : memref<128x64xf32, #tpu.memory_space<vmem>>, vector<16xf32>,
      %mul3A_792 = arith.mulf %get3A_788, %get3A_791 : vector<16xf32>
      %get3A_793 = arith.index_cast %add3A_785 : i32 to index
      %get3A_794 = arith.constant 16 : index
      %get3A_795 = tpu.vector_load %arg11[%get3A_793, %get3A_794] {strides = array<i32>} : memref<128x64xf32, #tpu.memory_space<vmem>>, vector<16xf32>,
      %get3A_796 = arith.index_cast %add3A_785 : i32 to index
      %get3A_797 = arith.constant 16 : index
      %get3A_798 = tpu.vector_load %arg12[%get3A_796, %get3A_797] {strides = array<i32>} : memref<128x64xf32, #tpu.memory_space<vmem>>, vector<16xf32>,
      %mul3A_799 = arith.mulf %get3A_795, %get3A_798 : vector<16xf32>
      %add3A_800 = arith.addf %mul3A_792, %mul3A_799 : vector<16xf32>
      %get3A_801 = arith.index_cast %add3A_785 : i32 to index
      %get3A_802 = arith.constant 32 : index
      %get3A_803 = tpu.vector_load %arg11[%get3A_801, %get3A_802] {strides = array<i32>} : memref<128x64xf32, #tpu.memory_space<vmem>>, vector<16xf32>,
      %get3A_804 = arith.index_cast %add3A_785 : i32 to index
      %get3A_805 = arith.constant 32 : index
      %get3A_806 = tpu.vector_load %arg12[%get3A_804, %get3A_805] {strides = array<i32>} : memref<128x64xf32, #tpu.memory_space<vmem>>, vector<16xf32>,
      %mul3A_807 = arith.mulf %get3A_803, %get3A_806 : vector<16xf32>
      %add3A_808 = arith.addf %add3A_800, %mul3A_807 : vector<16xf32>
      %get3A_809 = arith.index_cast %add3A_785 : i32 to index
      %get3A_810 = arith.constant 48 : index
      %get3A_811 = tpu.vector_load %arg11[%get3A_809, %get3A_810] {strides = array<i32>} : memref<128x64xf32, #tpu.memory_space<vmem>>, vector<16xf32>,
      %get3A_812 = arith.index_cast %add3A_785 : i32 to index
      %get3A_813 = arith.constant 48 : index
      %get3A_814 = tpu.vector_load %arg12[%get3A_812, %get3A_813] {strides = array<i32>} : memref<128x64xf32, #tpu.memory_space<vmem>>, vector<16xf32>,
      %mul3A_815 = arith.mulf %get3A_811, %get3A_814 : vector<16xf32>
      %add3A_816 = arith.addf %add3A_808, %mul3A_815 : vector<16xf32>
      %broadcast_in_dim3A_817 = arith.constant true
      %broadcast_in_dim3A_818 = vector.broadcast %broadcast_in_dim3A_817 : i1 to vector<16xi1>
      %masked_cumsum3A_819 = tpu.scan <sum>, %add3A_816 masked %broadcast_in_dim3A_818 : vector<16xf32>, vector<16xi1> -> vector<16xf32>
      %add3A_820 = arith.constant 384 : i32
      %add3A_821 = arith.addi %add3A_820, %add3A_785 : i32
      %broadcast_in_dim3A_822 = vector.broadcast %add3A_821 : i32 to vector<16xi32>
      tpu.vector_store_idx %arg15[%broadcast_in_dim3A_822], %masked_cumsum3A_819 masked %eq3A_6 : memref<512xf32, #tpu.memory_space<vmem>>[vector<16xi32>], vector<16xf32>, vector<16xi1>
      %mul3A_823 = arith.constant 16 : i32
      %mul3A_824 = arith.muli %scan3A_332, %mul3A_823 : i32
      %add3A_825 = arith.constant 12 : i32
      %add3A_826 = arith.addi %mul3A_824, %add3A_825 : i32
      %get3A_827 = arith.index_cast %add3A_826 : i32 to index
      %get3A_828 = arith.constant 0 : index
      %get3A_829 = tpu.vector_load %arg11[%get3A_827, %get3A_828] {strides = array<i32>} : memref<128x64xf32, #tpu.memory_space<vmem>>, vector<16xf32>,
      %get3A_830 = arith.index_cast %add3A_826 : i32 to index
      %get3A_831 = arith.constant 0 : index
      %get3A_832 = tpu.vector_load %arg12[%get3A_830, %get3A_831] {strides = array<i32>} : memref<128x64xf32, #tpu.memory_space<vmem>>, vector<16xf32>,
      %mul3A_833 = arith.mulf %get3A_829, %get3A_832 : vector<16xf32>
      %get3A_834 = arith.index_cast %add3A_826 : i32 to index
      %get3A_835 = arith.constant 16 : index
      %get3A_836 = tpu.vector_load %arg11[%get3A_834, %get3A_835] {strides = array<i32>} : memref<128x64xf32, #tpu.memory_space<vmem>>, vector<16xf32>,
      %get3A_837 = arith.index_cast %add3A_826 : i32 to index
      %get3A_838 = arith.constant 16 : index
      %get3A_839 = tpu.vector_load %arg12[%get3A_837, %get3A_838] {strides = array<i32>} : memref<128x64xf32, #tpu.memory_space<vmem>>, vector<16xf32>,
      %mul3A_840 = arith.mulf %get3A_836, %get3A_839 : vector<16xf32>
      %add3A_841 = arith.addf %mul3A_833, %mul3A_840 : vector<16xf32>
      %get3A_842 = arith.index_cast %add3A_826 : i32 to index
      %get3A_843 = arith.constant 32 : index
      %get3A_844 = tpu.vector_load %arg11[%get3A_842, %get3A_843] {strides = array<i32>} : memref<128x64xf32, #tpu.memory_space<vmem>>, vector<16xf32>,
      %get3A_845 = arith.index_cast %add3A_826 : i32 to index
      %get3A_846 = arith.constant 32 : index
      %get3A_847 = tpu.vector_load %arg12[%get3A_845, %get3A_846] {strides = array<i32>} : memref<128x64xf32, #tpu.memory_space<vmem>>, vector<16xf32>,
      %mul3A_848 = arith.mulf %get3A_844, %get3A_847 : vector<16xf32>
      %add3A_849 = arith.addf %add3A_841, %mul3A_848 : vector<16xf32>
      %get3A_850 = arith.index_cast %add3A_826 : i32 to index
      %get3A_851 = arith.constant 48 : index
      %get3A_852 = tpu.vector_load %arg11[%get3A_850, %get3A_851] {strides = array<i32>} : memref<128x64xf32, #tpu.memory_space<vmem>>, vector<16xf32>,
      %get3A_853 = arith.index_cast %add3A_826 : i32 to index
      %get3A_854 = arith.constant 48 : index
      %get3A_855 = tpu.vector_load %arg12[%get3A_853, %get3A_854] {strides = array<i32>} : memref<128x64xf32, #tpu.memory_space<vmem>>, vector<16xf32>,
      %mul3A_856 = arith.mulf %get3A_852, %get3A_855 : vector<16xf32>
      %add3A_857 = arith.addf %add3A_849, %mul3A_856 : vector<16xf32>
      %broadcast_in_dim3A_858 = arith.constant true
      %broadcast_in_dim3A_859 = vector.broadcast %broadcast_in_dim3A_858 : i1 to vector<16xi1>
      %masked_cumsum3A_860 = tpu.scan <sum>, %add3A_857 masked %broadcast_in_dim3A_859 : vector<16xf32>, vector<16xi1> -> vector<16xf32>
      %add3A_861 = arith.constant 384 : i32
      %add3A_862 = arith.addi %add3A_861, %add3A_826 : i32
      %broadcast_in_dim3A_863 = vector.broadcast %add3A_862 : i32 to vector<16xi32>
      tpu.vector_store_idx %arg15[%broadcast_in_dim3A_863], %masked_cumsum3A_860 masked %eq3A_6 : memref<512xf32, #tpu.memory_space<vmem>>[vector<16xi32>], vector<16xf32>, vector<16xi1>
      %mul3A_864 = arith.constant 16 : i32
      %mul3A_865 = arith.muli %scan3A_332, %mul3A_864 : i32
      %add3A_866 = arith.constant 13 : i32
      %add3A_867 = arith.addi %mul3A_865, %add3A_866 : i32
      %get3A_868 = arith.index_cast %add3A_867 : i32 to index
      %get3A_869 = arith.constant 0 : index
      %get3A_870 = tpu.vector_load %arg11[%get3A_868, %get3A_869] {strides = array<i32>} : memref<128x64xf32, #tpu.memory_space<vmem>>, vector<16xf32>,
      %get3A_871 = arith.index_cast %add3A_867 : i32 to index
      %get3A_872 = arith.constant 0 : index
      %get3A_873 = tpu.vector_load %arg12[%get3A_871, %get3A_872] {strides = array<i32>} : memref<128x64xf32, #tpu.memory_space<vmem>>, vector<16xf32>,
      %mul3A_874 = arith.mulf %get3A_870, %get3A_873 : vector<16xf32>
      %get3A_875 = arith.index_cast %add3A_867 : i32 to index
      %get3A_876 = arith.constant 16 : index
      %get3A_877 = tpu.vector_load %arg11[%get3A_875, %get3A_876] {strides = array<i32>} : memref<128x64xf32, #tpu.memory_space<vmem>>, vector<16xf32>,
      %get3A_878 = arith.index_cast %add3A_867 : i32 to index
      %get3A_879 = arith.constant 16 : index
      %get3A_880 = tpu.vector_load %arg12[%get3A_878, %get3A_879] {strides = array<i32>} : memref<128x64xf32, #tpu.memory_space<vmem>>, vector<16xf32>,
      %mul3A_881 = arith.mulf %get3A_877, %get3A_880 : vector<16xf32>
      %add3A_882 = arith.addf %mul3A_874, %mul3A_881 : vector<16xf32>
      %get3A_883 = arith.index_cast %add3A_867 : i32 to index
      %get3A_884 = arith.constant 32 : index
      %get3A_885 = tpu.vector_load %arg11[%get3A_883, %get3A_884] {strides = array<i32>} : memref<128x64xf32, #tpu.memory_space<vmem>>, vector<16xf32>,
      %get3A_886 = arith.index_cast %add3A_867 : i32 to index
      %get3A_887 = arith.constant 32 : index
      %get3A_888 = tpu.vector_load %arg12[%get3A_886, %get3A_887] {strides = array<i32>} : memref<128x64xf32, #tpu.memory_space<vmem>>, vector<16xf32>,
      %mul3A_889 = arith.mulf %get3A_885, %get3A_888 : vector<16xf32>
      %add3A_890 = arith.addf %add3A_882, %mul3A_889 : vector<16xf32>
      %get3A_891 = arith.index_cast %add3A_867 : i32 to index
      %get3A_892 = arith.constant 48 : index
      %get3A_893 = tpu.vector_load %arg11[%get3A_891, %get3A_892] {strides = array<i32>} : memref<128x64xf32, #tpu.memory_space<vmem>>, vector<16xf32>,
      %get3A_894 = arith.index_cast %add3A_867 : i32 to index
      %get3A_895 = arith.constant 48 : index
      %get3A_896 = tpu.vector_load %arg12[%get3A_894, %get3A_895] {strides = array<i32>} : memref<128x64xf32, #tpu.memory_space<vmem>>, vector<16xf32>,
      %mul3A_897 = arith.mulf %get3A_893, %get3A_896 : vector<16xf32>
      %add3A_898 = arith.addf %add3A_890, %mul3A_897 : vector<16xf32>
      %broadcast_in_dim3A_899 = arith.constant true
      %broadcast_in_dim3A_900 = vector.broadcast %broadcast_in_dim3A_899 : i1 to vector<16xi1>
      %masked_cumsum3A_901 = tpu.scan <sum>, %add3A_898 masked %broadcast_in_dim3A_900 : vector<16xf32>, vector<16xi1> -> vector<16xf32>
      %add3A_902 = arith.constant 384 : i32
      %add3A_903 = arith.addi %add3A_902, %add3A_867 : i32
      %broadcast_in_dim3A_904 = vector.broadcast %add3A_903 : i32 to vector<16xi32>
      tpu.vector_store_idx %arg15[%broadcast_in_dim3A_904], %masked_cumsum3A_901 masked %eq3A_6 : memref<512xf32, #tpu.memory_space<vmem>>[vector<16xi32>], vector<16xf32>, vector<16xi1>
      %mul3A_905 = arith.constant 16 : i32
      %mul3A_906 = arith.muli %scan3A_332, %mul3A_905 : i32
      %add3A_907 = arith.constant 14 : i32
      %add3A_908 = arith.addi %mul3A_906, %add3A_907 : i32
      %get3A_909 = arith.index_cast %add3A_908 : i32 to index
      %get3A_910 = arith.constant 0 : index
      %get3A_911 = tpu.vector_load %arg11[%get3A_909, %get3A_910] {strides = array<i32>} : memref<128x64xf32, #tpu.memory_space<vmem>>, vector<16xf32>,
      %get3A_912 = arith.index_cast %add3A_908 : i32 to index
      %get3A_913 = arith.constant 0 : index
      %get3A_914 = tpu.vector_load %arg12[%get3A_912, %get3A_913] {strides = array<i32>} : memref<128x64xf32, #tpu.memory_space<vmem>>, vector<16xf32>,
      %mul3A_915 = arith.mulf %get3A_911, %get3A_914 : vector<16xf32>
      %get3A_916 = arith.index_cast %add3A_908 : i32 to index
      %get3A_917 = arith.constant 16 : index
      %get3A_918 = tpu.vector_load %arg11[%get3A_916, %get3A_917] {strides = array<i32>} : memref<128x64xf32, #tpu.memory_space<vmem>>, vector<16xf32>,
      %get3A_919 = arith.index_cast %add3A_908 : i32 to index
      %get3A_920 = arith.constant 16 : index
      %get3A_921 = tpu.vector_load %arg12[%get3A_919, %get3A_920] {strides = array<i32>} : memref<128x64xf32, #tpu.memory_space<vmem>>, vector<16xf32>,
      %mul3A_922 = arith.mulf %get3A_918, %get3A_921 : vector<16xf32>
      %add3A_923 = arith.addf %mul3A_915, %mul3A_922 : vector<16xf32>
      %get3A_924 = arith.index_cast %add3A_908 : i32 to index
      %get3A_925 = arith.constant 32 : index
      %get3A_926 = tpu.vector_load %arg11[%get3A_924, %get3A_925] {strides = array<i32>} : memref<128x64xf32, #tpu.memory_space<vmem>>, vector<16xf32>,
      %get3A_927 = arith.index_cast %add3A_908 : i32 to index
      %get3A_928 = arith.constant 32 : index
      %get3A_929 = tpu.vector_load %arg12[%get3A_927, %get3A_928] {strides = array<i32>} : memref<128x64xf32, #tpu.memory_space<vmem>>, vector<16xf32>,
      %mul3A_930 = arith.mulf %get3A_926, %get3A_929 : vector<16xf32>
      %add3A_931 = arith.addf %add3A_923, %mul3A_930 : vector<16xf32>
      %get3A_932 = arith.index_cast %add3A_908 : i32 to index
      %get3A_933 = arith.constant 48 : index
      %get3A_934 = tpu.vector_load %arg11[%get3A_932, %get3A_933] {strides = array<i32>} : memref<128x64xf32, #tpu.memory_space<vmem>>, vector<16xf32>,
      %get3A_935 = arith.index_cast %add3A_908 : i32 to index
      %get3A_936 = arith.constant 48 : index
      %get3A_937 = tpu.vector_load %arg12[%get3A_935, %get3A_936] {strides = array<i32>} : memref<128x64xf32, #tpu.memory_space<vmem>>, vector<16xf32>,
      %mul3A_938 = arith.mulf %get3A_934, %get3A_937 : vector<16xf32>
      %add3A_939 = arith.addf %add3A_931, %mul3A_938 : vector<16xf32>
      %broadcast_in_dim3A_940 = arith.constant true
      %broadcast_in_dim3A_941 = vector.broadcast %broadcast_in_dim3A_940 : i1 to vector<16xi1>
      %masked_cumsum3A_942 = tpu.scan <sum>, %add3A_939 masked %broadcast_in_dim3A_941 : vector<16xf32>, vector<16xi1> -> vector<16xf32>
      %add3A_943 = arith.constant 384 : i32
      %add3A_944 = arith.addi %add3A_943, %add3A_908 : i32
      %broadcast_in_dim3A_945 = vector.broadcast %add3A_944 : i32 to vector<16xi32>
      tpu.vector_store_idx %arg15[%broadcast_in_dim3A_945], %masked_cumsum3A_942 masked %eq3A_6 : memref<512xf32, #tpu.memory_space<vmem>>[vector<16xi32>], vector<16xf32>, vector<16xi1>
      %mul3A_946 = arith.constant 16 : i32
      %mul3A_947 = arith.muli %scan3A_332, %mul3A_946 : i32
      %add3A_948 = arith.constant 15 : i32
      %add3A_949 = arith.addi %mul3A_947, %add3A_948 : i32
      %get3A_950 = arith.index_cast %add3A_949 : i32 to index
      %get3A_951 = arith.constant 0 : index
      %get3A_952 = tpu.vector_load %arg11[%get3A_950, %get3A_951] {strides = array<i32>} : memref<128x64xf32, #tpu.memory_space<vmem>>, vector<16xf32>,
      %get3A_953 = arith.index_cast %add3A_949 : i32 to index
      %get3A_954 = arith.constant 0 : index
      %get3A_955 = tpu.vector_load %arg12[%get3A_953, %get3A_954] {strides = array<i32>} : memref<128x64xf32, #tpu.memory_space<vmem>>, vector<16xf32>,
      %mul3A_956 = arith.mulf %get3A_952, %get3A_955 : vector<16xf32>
      %get3A_957 = arith.index_cast %add3A_949 : i32 to index
      %get3A_958 = arith.constant 16 : index
      %get3A_959 = tpu.vector_load %arg11[%get3A_957, %get3A_958] {strides = array<i32>} : memref<128x64xf32, #tpu.memory_space<vmem>>, vector<16xf32>,
      %get3A_960 = arith.index_cast %add3A_949 : i32 to index
      %get3A_961 = arith.constant 16 : index
      %get3A_962 = tpu.vector_load %arg12[%get3A_960, %get3A_961] {strides = array<i32>} : memref<128x64xf32, #tpu.memory_space<vmem>>, vector<16xf32>,
      %mul3A_963 = arith.mulf %get3A_959, %get3A_962 : vector<16xf32>
      %add3A_964 = arith.addf %mul3A_956, %mul3A_963 : vector<16xf32>
      %get3A_965 = arith.index_cast %add3A_949 : i32 to index
      %get3A_966 = arith.constant 32 : index
      %get3A_967 = tpu.vector_load %arg11[%get3A_965, %get3A_966] {strides = array<i32>} : memref<128x64xf32, #tpu.memory_space<vmem>>, vector<16xf32>,
      %get3A_968 = arith.index_cast %add3A_949 : i32 to index
      %get3A_969 = arith.constant 32 : index
      %get3A_970 = tpu.vector_load %arg12[%get3A_968, %get3A_969] {strides = array<i32>} : memref<128x64xf32, #tpu.memory_space<vmem>>, vector<16xf32>,
      %mul3A_971 = arith.mulf %get3A_967, %get3A_970 : vector<16xf32>
      %add3A_972 = arith.addf %add3A_964, %mul3A_971 : vector<16xf32>
      %get3A_973 = arith.index_cast %add3A_949 : i32 to index
      %get3A_974 = arith.constant 48 : index
      %get3A_975 = tpu.vector_load %arg11[%get3A_973, %get3A_974] {strides = array<i32>} : memref<128x64xf32, #tpu.memory_space<vmem>>, vector<16xf32>,
      %get3A_976 = arith.index_cast %add3A_949 : i32 to index
      %get3A_977 = arith.constant 48 : index
      %get3A_978 = tpu.vector_load %arg12[%get3A_976, %get3A_977] {strides = array<i32>} : memref<128x64xf32, #tpu.memory_space<vmem>>, vector<16xf32>,
      %mul3A_979 = arith.mulf %get3A_975, %get3A_978 : vector<16xf32>
      %add3A_980 = arith.addf %add3A_972, %mul3A_979 : vector<16xf32>
      %broadcast_in_dim3A_981 = arith.constant true
      %broadcast_in_dim3A_982 = vector.broadcast %broadcast_in_dim3A_981 : i1 to vector<16xi1>
      %masked_cumsum3A_983 = tpu.scan <sum>, %add3A_980 masked %broadcast_in_dim3A_982 : vector<16xf32>, vector<16xi1> -> vector<16xf32>
      %add3A_984 = arith.constant 384 : i32
      %add3A_985 = arith.addi %add3A_984, %add3A_949 : i32
      %broadcast_in_dim3A_986 = vector.broadcast %add3A_985 : i32 to vector<16xi32>
      tpu.vector_store_idx %arg15[%broadcast_in_dim3A_986], %masked_cumsum3A_983 masked %eq3A_6 : memref<512xf32, #tpu.memory_space<vmem>>[vector<16xi32>], vector<16xf32>, vector<16xi1>
      %scan3A_987 = arith.constant 0 : i32
      scf.yield %scan3A_987 : i32
    }
    %scan3A_324 = arith.constant 8 : i32
    %scan3A_325 = arith.constant 0 : i32
    %scan3A_326 = arith.constant 0 : i32
    %scan3A_327 = arith.constant 8 : i32
    %scan3A_328 = arith.addi %scan3A_326, %scan3A_327 : i32
    %scan3A_329 = arith.constant 1 : i32
    %scan3A_330 = scf.for %scan3A_332 = %scan3A_326 to %scan3A_328 step %scan3A_329 iter_args(%scan3A_333 = %scan3A_325) -> (i32)  : i32 {
      %mul3A_334 = arith.constant 16 : i32
      %mul3A_335 = arith.muli %scan3A_332, %mul3A_334 : i32
      %add3A_336 = arith.constant 384 : i32
      %add3A_337 = arith.addi %add3A_336, %mul3A_335 : i32
      %mul3A_338 = arith.constant 16 : i32
      %mul3A_339 = arith.muli %scan3A_332, %mul3A_338 : i32
      %get3A = arith.index_cast %add3A_337 : i32 to index
      %get3A_340 = tpu.vector_load %arg15[%get3A] {strides = array<i32>} : memref<512xf32, #tpu.memory_space<vmem>>, vector<16xf32>,
      %get3A_341 = arith.constant 3 : i32
      %get3A_342 = arith.index_cast %get3A_341 : i32 to index
      %get3A_343 = arith.index_cast %mul3A_339 : i32 to index
      %get3A_344 = tpu.vector_load %arg13[%get3A_342, %get3A_343] {strides = array<i32>} : memref<4x128xf32, #tpu.memory_space<vmem>>, vector<16xf32>,
      %add3A_345 = arith.addf %get3A_340, %get3A_344 : vector<16xf32>
      %get3A_346 = arith.constant 3 : i32
      %get3A_347 = arith.index_cast %get3A_346 : i32 to index
      %get3A_348 = arith.index_cast %mul3A_339 : i32 to index
      %get3A_349 = tpu.vector_load %arg14[%get3A_347, %get3A_348] {strides = array<i32>} : memref<4x128xf32, #tpu.memory_space<vmem>>, vector<16xf32>,
      %add3A_350 = arith.addf %add3A_345, %get3A_349 : vector<16xf32>
      %swap3A = arith.index_cast %add3A_337 : i32 to index
      %swap3A_351 = tpu.vector_load %arg15[%swap3A] {strides = array<i32>} : memref<512xf32, #tpu.memory_space<vmem>>, vector<16xf32>,
      tpu.vector_store %arg15[%swap3A], %add3A_350 {strides = array<i32>} : memref<512xf32, #tpu.memory_space<vmem>>, vector<16xf32>,
      %scan3A_352 = arith.constant 0 : i32
      scf.yield %scan3A_352 : i32
    }
    %scan3A_331 = arith.constant 8 : i32
    "tpu.region"() ({
      %run_scoped3A = tpu.sem_alloc : memref<!tpu.dma_semaphore, #tpu.memory_space<semaphore_mem>>
      %dma_start3A_332 = tpu.memref_slice %arg8[%mul3A_2] : memref<16384xf32, #tpu.memory_space<hbm>> -> memref<512xf32, #tpu.memory_space<hbm>>
      %dma_start3A_333 = tpu.memref_slice %arg8[%mul3A_2] : memref<16384xf32, #tpu.memory_space<hbm>> -> memref<512xf32, #tpu.memory_space<hbm>>
      tpu.enqueue_dma source(%arg15 : memref<512xf32, #tpu.memory_space<vmem>>) target(%dma_start3A_333 : memref<512xf32, #tpu.memory_space<hbm>>) target_semaphore(%run_scoped3A : memref<!tpu.dma_semaphore, #tpu.memory_space<semaphore_mem>>)
      %dma_wait3A_334 = tpu.memref_slice %arg8[%mul3A_2] : memref<16384xf32, #tpu.memory_space<hbm>> -> memref<512xf32, #tpu.memory_space<hbm>>
      %dma_wait3A_335 = tpu.memref_slice %arg8[%mul3A_2] : memref<16384xf32, #tpu.memory_space<hbm>> -> memref<512xf32, #tpu.memory_space<hbm>>
      tpu.wait_dma2 semaphore(%run_scoped3A : memref<!tpu.dma_semaphore, #tpu.memory_space<semaphore_mem>>) src(%arg15 : memref<512xf32, #tpu.memory_space<vmem>>) dst(%dma_wait3A_335 : memref<512xf32, #tpu.memory_space<hbm>>)
      tpu.yield
    }) : () -> ()
    return
  }
}

module attributes {stable_mosaic.version = 14 : i64} {
  func.func @_rowsum_body(%arg0: i32, %arg1: i32, %arg2: memref<8x131072xf32, #tpu.memory_space<vmem>>, %arg3: memref<8x131072xf32, #tpu.memory_space<vmem>>, %arg4: memref<131072xf32, #tpu.memory_space<vmem>>, %arg5: memref<131072xf32, #tpu.memory_space<vmem>>) attributes {dimension_semantics = [#tpu.dimension_semantics<arbitrary>, #tpu.dimension_semantics<arbitrary>], iteration_bounds = array<i64: 8, 8>, scalar_prefetch = 0 : i64, scratch_operands = 0 : i64, tpu.core_type = #tpu.core_type<tc>, window_params = [{transform_indices = @transform_0, window_bounds = array<i64: 8, 131072>}, {transform_indices = @transform_1, window_bounds = array<i64: 8, 131072>}, {transform_indices = @transform_2, window_bounds = array<i64: 131072>}, {transform_indices = @transform_3, window_bounds = array<i64: 131072>}]} {
    %eq3A = arith.constant 0 : i32
    %eq3A_0 = arith.cmpi eq, %arg1, %eq3A : i32
    %convert_element_type3A = arith.extui %eq3A_0 : i1 to i32
    %cond3A = arith.constant 0 : i32
    %cond3A_1 = arith.cmpi ne, %convert_element_type3A, %cond3A : i32
    scf.if %cond3A_1 {
      %broadcast_in_dim3A = arith.constant 0.000000e+00 : f32
      %broadcast_in_dim3A_18 = vector.broadcast %broadcast_in_dim3A : f32 to vector<131072xf32>
      %swap3A_19 = arith.constant 0 : index
      %swap3A_20 = vector.load %arg4[%swap3A_19] : memref<131072xf32, #tpu.memory_space<vmem>>, vector<131072xf32>
      tpu.vector_store %arg4[%swap3A_19], %broadcast_in_dim3A_18 {strides = array<i32>} : memref<131072xf32, #tpu.memory_space<vmem>>, vector<131072xf32>,
      %broadcast_in_dim3A_21 = arith.constant 0.000000e+00 : f32
      %broadcast_in_dim3A_22 = vector.broadcast %broadcast_in_dim3A_21 : f32 to vector<131072xf32>
      %swap3A_23 = arith.constant 0 : index
      %swap3A_24 = vector.load %arg5[%swap3A_23] : memref<131072xf32, #tpu.memory_space<vmem>>, vector<131072xf32>
      tpu.vector_store %arg5[%swap3A_23], %broadcast_in_dim3A_22 {strides = array<i32>} : memref<131072xf32, #tpu.memory_space<vmem>>, vector<131072xf32>,
    } else {
    }
    %get3A = arith.constant 0 : index
    %get3A_2 = vector.load %arg4[%get3A] : memref<131072xf32, #tpu.memory_space<vmem>>, vector<131072xf32>
    %get3A_3 = arith.constant 0 : index
    %get3A_4 = arith.constant 0 : index
    %get3A_5 = vector.load %arg2[%get3A_3, %get3A_4] : memref<8x131072xf32, #tpu.memory_space<vmem>>, vector<8x131072xf32>
    %reduce_sum3A = arith.constant dense<0.000000e+00> : vector<131072xf32>
    %reduce_sum3A_6 = vector.multi_reduction <add>, %get3A_5, %reduce_sum3A [0] : vector<8x131072xf32> to vector<131072xf32>
    %add3A = arith.addf %get3A_2, %reduce_sum3A_6 : vector<131072xf32>
    %swap3A = arith.constant 0 : index
    %swap3A_7 = vector.load %arg4[%swap3A] : memref<131072xf32, #tpu.memory_space<vmem>>, vector<131072xf32>
    tpu.vector_store %arg4[%swap3A], %add3A {strides = array<i32>} : memref<131072xf32, #tpu.memory_space<vmem>>, vector<131072xf32>,
    %get3A_8 = arith.constant 0 : index
    %get3A_9 = vector.load %arg5[%get3A_8] : memref<131072xf32, #tpu.memory_space<vmem>>, vector<131072xf32>
    %get3A_10 = arith.constant 0 : index
    %get3A_11 = arith.constant 0 : index
    %get3A_12 = vector.load %arg3[%get3A_10, %get3A_11] : memref<8x131072xf32, #tpu.memory_space<vmem>>, vector<8x131072xf32>
    %reduce_sum3A_13 = arith.constant dense<0.000000e+00> : vector<131072xf32>
    %reduce_sum3A_14 = vector.multi_reduction <add>, %get3A_12, %reduce_sum3A_13 [0] : vector<8x131072xf32> to vector<131072xf32>
    %add3A_15 = arith.addf %get3A_9, %reduce_sum3A_14 : vector<131072xf32>
    %swap3A_16 = arith.constant 0 : index
    %swap3A_17 = vector.load %arg5[%swap3A_16] : memref<131072xf32, #tpu.memory_space<vmem>>, vector<131072xf32>
    tpu.vector_store %arg5[%swap3A_16], %add3A_15 {strides = array<i32>} : memref<131072xf32, #tpu.memory_space<vmem>>, vector<131072xf32>,
    return
  }
  func.func @transform_0(%arg0: i32, %arg1: i32) -> (i32, i32) {
    %c0_i32 = arith.constant 0 : i32
    return %arg1, %arg0 : i32, i32
  }
  func.func @transform_1(%arg0: i32, %arg1: i32) -> (i32, i32) {
    %c0_i32 = arith.constant 0 : i32
    return %arg1, %arg0 : i32, i32
  }
  func.func @transform_2(%arg0: i32, %arg1: i32) -> i32 {
    %c0_i32 = arith.constant 0 : i32
    return %arg0 : i32
  }
  func.func @transform_3(%arg0: i32, %arg1: i32) -> i32 {
    %c0_i32 = arith.constant 0 : i32
    return %arg0 : i32
  }
}

</mosaic_0001>

<sc_bundles>
// kernel: kernel.4.cloned.1.call-start
scs
__scs_entry_jumppad:
0x0: {  	(pc) =	sbr.rel $0x88, $3  }
0x1: {  	(tag) =	ssettag $0x0;
	lr =	simm.s32 $0x1  }
0x2: {  	[smem:$0x3F9B] =	sst lr;
	_ =	strace $0xD0000000  }
0x3: {  	_ = 	snop  }
0x4: {  	_ = 	snop  }
0x5: {  	_ = 	snop  }
0x6: {  	_ = 	snop  }
0x7: {  	_ = 	snop  }
__scs_overlays_trampoline_lowered:
0x8: {  	[smem:$0x3FAA] =	sst s0  }
0x9: {  	[smem:$0x3FAB] =	sst s1  }
0xa: {  	[smem:$0x3FAC] =	sst s2  }
0xb: {  	[smem:$0x3FAD] =	sst s3  }
0xc: {  	[smem:$0x3FAE] =	sst s4  }
0xd: {  	[smem:$0x3FAF] =	sst s5  }
0xe: {  	[smem:$0x3FB0] =	sst s6  }
0xf: {  	[smem:$0x3FB1] =	sst s7  }
0x10: {  	[smem:$0x3FB2] =	sst s8  }
0x11: {  	[smem:$0x3FB3] =	sst s9;
	s0 =	simm.s32 @!p0 $0x0  }
0x12: {  	s1 =	sld [smem:$0x3F99];
	s0 =	simm.s32 @p0 $0x1  }
0x13: {  	[smem:$0x3FB4] =	sst s0;
	s0 =	simm.s32 @!p1 $0x0  }
0x14: {  	s2 =	sld [smem:$0x3F98];
	s0 =	simm.s32 @p1 $0x1  }
0x15: {  	[smem:$0x3FB5] =	sst s0;
	s0 =	simm.s32 @!p2 $0x0  }
0x16: {  	s3 =	sld [smem:$0x3FDB];
	s0 =	simm.s32 @p2 $0x1  }
0x17: {  	s4 =	simm.s32 $0x1BF5;
	[smem:$0x3FB7] =	sst s0  }
0x18: {  	s0 =	sld [smem:$0x3F9A];
	_ =	swait.ge [sflag:s4], $0x0  }
0x19: {  	s7 =	sld [smem:$0x3F9B]  }
0x1a: {  	s8 =	sadd.s32 $0xFFFFE003, lr  }
0x1b: {  	s9 =	sadd.s32 $0xFFFFFEF7, lr;
	s5 =	simm.s32 $0xFFFFFFFF;
	p2 =	slt.u32 s8, $0xFFFFF086  }
0x1c: {  	p1 =	slt.u32 s9, $0xF7A;
	s5 =	simm.s32 @!p2 $0x0  }
0x1d: {  	s5 =	simm.s32 @p1 $0x1;
	p0 =	seq.s32 s7, s2  }
0x1e: {  	s7 =	smul.u32 @!p0 $0xF7A, s2;
	p2 =	seq.s32 @!p0 s5, $0x0  }
0x1f: {  	s9 =	smul.u32 $0xF7A, s1;
	s8 =	simm.s32 @!p0 $0x1BF5;
	p2 =	por !p2, p0  }
0x20: {  	[sflag:s8] =	ssyncset.s32 @!p0 $0xFFFFF086;
	s6 =	sadd.s32 @!p0 s3, s7;
	s7 =	simm.s32 @!p0 $0x108  }
0x21: {  	s3 =	sadd.s32 s3, s9;
	s6 =	sadd.s32 @!p0 $0x88, s6;
	s7 =	simm.s32 @p2 $0x1082  }
0x22: {  	[simem:s7], [sflag:s8] =	dma.local @!p0 [hbm:s6], $0xF7A  }
0x23: {  	s9 =	sor.u32 $0xD0000000, s2;
	s6 =	simm.s32 $0x108;
	_ =	swait.ge @!p0 [sflag:s8], $0x0  }
0x24: {  	s3 =	sadd.s32 $0x88, s3;
	s6 =	simm.s32 @!p1 $0x1082;
	[sflag:s4] =	ssyncset.s32 $0xFFFFF086  }
0x25: {  	[simem:s6], [sflag:s4] =	dma.local [hbm:s3], $0xF7A  }
0x26: {  	[smem:$0x3F9B] =	sst s1;
	(tag) =	ssettag s2;
	_ =	strace s9  }
0x27: {  	s1 =	sld [smem:$0x3FAB]  }
0x28: {  	s2 =	sld [smem:$0x3FAC]  }
0x29: {  	s4 =	sld [smem:$0x3FAE]  }
0x2a: {  	p0 =	seq.s32 s5, $0x0;
	s5 =	sld [smem:$0x3FAF]  }
0x2b: {  	s6 =	sld [smem:$0x3FB0]  }
0x2c: {  	s7 =	sld [smem:$0x3FB1]  }
0x2d: {  	s3 =	simm.s32 $0x108;
	s8 =	sld [smem:$0x3FB2]  }
0x2e: {  	s3 =	simm.s32 @!p0 $0x1082;
	s9 =	sld [smem:$0x3FB3]  }
0x2f: {  	lr =	sadd.s32 s0, s3;
	s0 =	sld [smem:$0x3FAA]  }
0x30: {  	s3 =	sld [smem:$0x3FAD]  }
0x31: {  	[smem:$0x3FB6] =	sst s10  }
0x32: {  	s10 =	sld [smem:$0x3FB4];
	_ =	sdelay $0x3  }
0x33: {  	p0 =	seq.s32 s10, $0x1;
	s10 =	sld [smem:$0x3FB6];
	_ =	sdelay $0x3  }
0x34: {  	[smem:$0x3FB6] =	sst s10  }
0x35: {  	s10 =	sld [smem:$0x3FB5];
	_ =	sdelay $0x3  }
0x36: {  	p1 =	seq.s32 s10, $0x1;
	s10 =	sld [smem:$0x3FB6];
	_ =	sdelay $0x3  }
0x37: {  	[smem:$0x3FB6] =	sst s10  }
0x38: {  	s10 =	sld [smem:$0x3FB7]  }
0x39: {  	_ = 	snop;
	(pc) =	sbr.ind lr, $3  }
0x3a: {  	_ = 	snop  }
0x3b: {  	_ = 	snop  }
0x3c: {  	p2 =	seq.s32 s10, $0x1;
	s10 =	sld [smem:$0x3FB6]  }
0x3d: {  	_ =	shalt  }
0x3e: {  	_ =	shalt  }
0x3f: {  	_ =	shalt  }
0x40: {  	_ =	shalt  }
0x41: {  	_ =	shalt  }
0x42: {  	_ =	shalt  }
0x43: {  	_ =	shalt  }
0x44: {  	_ =	shalt  }
0x45: {  	_ =	shalt  }
0x46: {  	_ =	shalt  }
0x47: {  	_ =	shalt  }
0x48: {  	_ =	shalt  }
0x49: {  	_ =	shalt  }
0x4a: {  	_ =	shalt  }
0x4b: {  	_ =	shalt  }
0x4c: {  	_ =	shalt  }
0x4d: {  	_ =	shalt  }
0x4e: {  	_ =	shalt  }
0x4f: {  	_ =	shalt  }
0x50: {  	_ =	shalt  }
0x51: {  	_ =	shalt  }
0x52: {  	_ =	shalt  }
0x53: {  	_ =	shalt  }
0x54: {  	_ =	shalt  }
0x55: {  	_ =	shalt  }
0x56: {  	_ =	shalt  }
0x57: {  	_ =	shalt  }
0x58: {  	_ =	shalt  }
0x59: {  	_ =	shalt  }
0x5a: {  	_ =	shalt  }
0x5b: {  	_ =	shalt  }
0x5c: {  	_ =	shalt  }
0x5d: {  	_ =	shalt  }
0x5e: {  	_ =	shalt  }
0x5f: {  	_ =	shalt  }
0x60: {  	_ =	shalt  }
0x61: {  	_ =	shalt  }
0x62: {  	_ =	shalt  }
0x63: {  	_ =	shalt  }
0x64: {  	_ =	shalt  }
0x65: {  	_ =	shalt  }
0x66: {  	_ =	shalt  }
0x67: {  	_ =	shalt  }
0x68: {  	_ =	shalt  }
0x69: {  	_ =	shalt  }
0x6a: {  	_ =	shalt  }
0x6b: {  	_ =	shalt  }
0x6c: {  	_ =	shalt  }
0x6d: {  	_ =	shalt  }
0x6e: {  	_ =	shalt  }
0x6f: {  	_ =	shalt  }
0x70: {  	_ =	shalt  }
0x71: {  	_ =	shalt  }
0x72: {  	_ =	shalt  }
0x73: {  	_ =	shalt  }
0x74: {  	_ =	shalt  }
0x75: {  	_ =	shalt  }
0x76: {  	_ =	shalt  }
0x77: {  	_ =	shalt  }
0x78: {  	_ =	shalt  }
0x79: {  	_ =	shalt  }
0x7a: {  	_ =	shalt  }
0x7b: {  	_ =	shalt  }
0x7c: {  	_ =	shalt  }
0x7d: {  	_ =	shalt  }
0x7e: {  	_ =	shalt  }
0x7f: {  	_ =	shalt  }
0x80: {  	_ =	shalt  }
0x81: {  	_ =	shalt  }
0x82: {  	_ =	shalt  }
0x83: {  	_ =	shalt  }
0x84: {  	_ =	shalt  }
0x85: {  	_ =	shalt  }
0x86: {  	_ =	shalt  }
0x87: {  	_ =	shalt  }
.Lfunc_end0:
.L_simem_size_0:
called_computation_lowered:
.L_overlay_start_0:
0x88: {  	s2 =	sld [smem:$0x3FD9]  }
0x89: {  	s3 =	sld [smem:$0x3FFE];
	_ =	sdelay $0x1  }
0x8a: {  	s1 =	srdreg.scid  }
0x8b: {  	s0 =	sand.u32 $0x1, s1  }
0x8c: {  	s17 =	sshll.u32 s0, $0xA;
	s2 =	sadd.s32 s3, s2  }
0x8d: {  	s2 =	sadd.s32 s2, s17  }
0x8e: {  	[smem:$0x3FC2] =	sst s2  }
0x8f: {  	_ = 	snop  }
0x90: {  	s2 =	sld [smem:$0x3FC9]  }
0x91: {  	s18 =	sld [smem:$0x3FC8]  }
0x92: {  	s4 =	sld [smem:$0x3FD0];
	(tm) =	ssettm $0x1  }
0x93: {  	s5 =	sld [smem:$0x3FFB];
	_ =	sdelay $0x3  }
0x94: {  	_ =	strace s5  }
0x95: {  	s5 =	sld [smem:$0x3FFC];
	_ =	sdelay $0x3  }
0x96: {  	_ =	strace s5  }
0x97: {  	s5 =	sld [smem:$0x3FFD];
	_ =	sdelay $0x3  }
0x98: {  	_ =	strace s5  }
0x99: {  	_ =	strace $0x8FFFFFFF  }
0x9a: {  	s19 =	sld [smem:$0x3FDB];
	_ =	sdelay $0x1  }
0x9b: {  	s6 =	simm.s32 $_scs_section_size  }
0x9c: {  	s7 =	simm.s32 $_size__tile_overlayer_lowered;
	s8 =	simm.s32 $_tile_overlayer_lowered  }
0x9d: {  	s22 =	simm.s32 $0x1BFF;
	s21 =	sshll.u32 s8, $0x1;
	s5 =	sadd.s32 s6, s19  }
0x9e: {  	s9 =	simm.s32 $0x0;
	s20 =	sshll.u32 s7, $0x1;
	s7 =	sadd.s32 s21, s5  }
0x9f: {  	[timem:s9], [sflag:s22] =	dma.local [hbm:s7], s20  }
0xa0: {  	_ =	swait.ge [sflag:s22], s20  }
0xa1: {  	s6 =	ssub.s32 $0x0, s20;
	[sflag:s22] =	ssyncset.done $0x0  }
0xa2: {  	[sflag:s22] =	ssyncadd.s32 s6;
	_ =	sdelay $0x1  }
0xa3: {  	s23 =	simm.s32 $0x1B8B  }
0xa4: {  	_ =	swait.ge [sflag:s23], $0x1  }
0xa5: {  	[sflag:s23] =	ssyncset.done $0x0  }
0xa6: {  	s25 =	simm.s32 $0x1B8E;
	s24 =	sld [smem:$0x3FFE];
	[sflag:s23] =	ssyncadd.s32 $0xFFFFFFFF  }
0xa7: {  	s26 =	simm.s32 $execute0_lowered;
	[smem:$0x3FD2] =	sst s25  }
0xa8: {  	s7 =	sshll.u32 s26, $0x1;
	_ =	strace $0x80000046;
	[dreg:$0x1] =	wrdreg $0xFFFFFFFF  }
0xa9: {  	s28 =	simm.s32 $_size_execute0_lowered;
	s5 =	sadd.s32 s5, s7;
	[dreg:$0x0] =	wrdreg $0x0  }
0xaa: {  	s7 =	sshll.u32 s28, $0x1;
	[dreg:$0x2] =	wrdreg s5  }
0xab: {  	[dreg:$0x3] =	wrdreg s7  }
0xac: {  	[dreg:$0x4] =	wrdreg $0xC0  }
0xad: {  	_ =	task [dreg:s9], $0x5FFFF  }
0xae: {  	[dreg:$0x1] =	wrdreg $0xFFFFFFFF  }
0xaf: {  	[dreg:$0x0] =	wrdreg $0x60  }
0xb0: {  	[dreg:$0x2] =	wrdreg s2  }
0xb1: {  	[dreg:$0x3] =	wrdreg s18  }
0xb2: {  	[dreg:$0x4] =	wrdreg s24  }
0xb3: {  	[dreg:$0x5] =	wrdreg s4  }
0xb4: {  	[dreg:$0x6] =	wrdreg $0x9  }
0xb5: {  	_ =	task.clear_ibuf [dreg:s9], $0x7FFFF;
	_ =	strace $0x90000046  }
0xb6: {  	s29 =	simm.s32 $0x9;
	_ =	strace $0x80000048  }
0xb7: {  	_ =	swait.ge [sflag:s29], $0x1  }
0xb8: {  	[sflag:s29] =	ssyncadd.s32 $0xFFFFFFFF  }
0xb9: {  	_ =	strace $0x90000048  }
0xba: {  	_ =	sfence  }
0xbb: {  	s30 =	sld [smem:$0x0];
	_ =	sdelay $0x2  }
0xbc: {  	s31 =	sshll.u32 s1, $0xD;
	s1 =	sshrl.u32 s1, $0x2  }
0xbd: {  	s3 =	sand.u32 $0x4000, s31;
	s1 =	sadd.s32 s1, s30  }
0xbe: {  	s0 =	sor.u32 s3, s0;
	s1 =	sshll.u32 s1, $0x11  }
0xbf: {  	s0 =	sor.u32 s1, s0  }
0xc0: {  	s0 =	sadd.s32 $0x8F2B, s0  }
0xc1: {  	[sflag:s0] =	ssyncadd.remote.s32 $0x1  }
0xc2: {  	_ =	sfence.sel $0xFFFF  }
0xc3: {  	[dreg:$0x0] =	wrdreg $0xFFFFFFFF;
	(pc) =	sbr.abs _section_cstart, $3  }
0xc4: {  	[dreg:$0x1] =	wrdreg $0xFFFFFFFF  }
0xc5: {  	_ =	task.clear_ibuf [dreg:s9], $0x2FFFF;
	_ =	strace $0x9FFFFFFF  }
0xc6: {  	(tm) =	ssettm $0x7FFFFFFF  }
0xc7: {  	_ =	shalt  }
tec
execute0_lowered:
.L_overlay_start_1:
0x0: {  	(tag) =	ssettag $0x1  }
0x1: {  	s0 =	rddreg [dreg:$0x0]  }
0x2: {  	s2 =	rddreg [dreg:$0x1]  }
0x3: {  	s6 =	rddreg [dreg:$0x2]  }
0x4: {  	s9 =	rddreg [dreg:$0x3];
	s1 =	simm.s32 $0x0;
	s5 =	srdreg.scid  }
0x5: {  	s8 =	stileid.u32;
	s12 =	simm.s32 $0x200;
	s13 =	simm.s32 $0x80  }
0x6: {  	s14 =	simm.s32 $0x400;
	s15 =	simm.s32 $0x2400;
	s18 =	simm.s32 $0x1  }
0x7: {  	s19 =	simm.s32 $0x4800;
	s20 =	simm.s32 $0x280;
	s22 =	simm.s32 $0x4680  }
0x8: {  	s23 =	simm.s32 $0x100;
	s24 =	simm.s32 $0x300;
	s25 =	simm.s32 $0x4500  }
0x9: {  	s26 =	simm.s32 $0x4700;
	s28 =	simm.s32 $0x180;
	s29 =	simm.s32 $0x380  }
0xa: {  	s30 =	simm.s32 $0x4580;
	s31 =	simm.s32 $0x4780;
	[smem:$0x7FF] =	sst s1  }
0xb: {  	s3 =	sadd.s32 $0xF42E00, s6;
	s4 =	sadd.s32 $0x16E4000, s6;
	s5 =	sand.u32 $0x1, s5  }
0xc: {  	s8 =	sshll.u32 s8, $0x7;
	_ =	strace $0x80000047;
	s7 =	ssub.s32 $0x2, s5  }
0xd: {  	s10 =	sshll.u32 s5, $0x6;
	s5 =	sadd.s32 $0xA00, s6;
	s11 =	sshrl.u32 s7, $0x1  }
0xe: {  	s6 =	sadd.s32 $0x20A00, s6;
	s10 =	sor.u32 s10, s8;
	s11 =	ssub.s32 s7, s11  }
0xf: {  	v0 =	vimm.s32 $0x0;
	vm0 =	vcmask $0x300;
	s7 =	sadd.s32 s0, s10;
	s8 =	sadd.s32 s2, s10;
	s9 =	sadd.s32 s9, s10  }
0x10: {  	v0 =	vsel vm0, $0x3, v0;
	vm0 =	vcmask $0x3F3C;
	s0 =	simm.s32 $0x0;
	s10 =	smax.u32 s11, $0x1;
	s11 =	simm.s32 $0x2  }
.LBB2_1:
0x11: {  	[tilespmem:s1], [sflag:$0x2] =	stream.linear.gather [hbm4b:s7+s1], $0x200, $0x38;
	[tilespmem:$0x4A00] =	vst v63  }
0x12: {  	_ =	swait.ge [sflag:s11], $0x200  }
0x13: {  	[sflag:s11] =	ssyncset.done $0x0  }
0x14: {  	[sflag:s11] =	ssyncadd.s32 $0xFFFFFE00  }
0x15: {  	[tilespmem:s12], [sflag:$0x2] =	stream.linear.gather [hbm4b:s8+s1], $0x200, $0x38;
	[tilespmem:$0x4A00] =	vst v63  }
0x16: {  	_ =	swait.ge [sflag:s11], $0x200  }
0x17: {  	[sflag:s11] =	ssyncset.done $0x0  }
0x18: {  	[sflag:s11] =	ssyncadd.s32 $0xFFFFFE00  }
0x19: {  	[tilespmem:s14], [sflag:$0x1] =	stream.indirect.gather [hbm4b:s3+s13], $0x40, s1, s13, $0xb8;
	[tilespmem:$0x4A00] =	vst v63  }
0x1a: {  	_ = 	snop  }
0x1b: {  	[tilespmem:s15], [sflag:$0x1] =	stream.indirect.gather [hbm4b:s4+s13], $0x40, s12, s13, $0xb8;
	[tilespmem:$0x4A00] =	vst v63  }
0x1c: {  	s2 =	simm.s32 $0x4400  }
0x1d: {  	[tilespmem:s2], [sflag:$0x1] =	stream.indirect.gather [hbm4b:s5+s13], $0x1, s1, s13, $0xb8;
	[tilespmem:$0x4A00] =	vst v63  }
0x1e: {  	s21 =	simm.s32 $0x4600  }
0x1f: {  	[tilespmem:s21], [sflag:$0x1] =	stream.indirect.gather [hbm4b:s6+s13], $0x1, s12, s13, $0xb8;
	[tilespmem:$0x4A00] =	vst v63  }
0x20: {  	_ =	swait.ge [sflag:s18], $0x2000  }
0x21: {  	[sflag:s18] =	ssyncset.done $0x0  }
0x22: {  	[sflag:s18] =	ssyncadd.s32 $0xFFFFE000  }
0x23: {  	_ =	swait.ge [sflag:s18], $0x2000  }
0x24: {  	[sflag:s18] =	ssyncset.done $0x0  }
0x25: {  	[sflag:s18] =	ssyncadd.s32 $0xFFFFE000  }
0x26: {  	_ =	swait.ge [sflag:s18], $0x80  }
0x27: {  	[sflag:s18] =	ssyncset.done $0x0  }
0x28: {  	[sflag:s18] =	ssyncadd.s32 $0xFFFFFF80  }
0x29: {  	_ =	swait.ge [sflag:s18], $0x80  }
0x2a: {  	s16 =	simm.s32 $0x2600;
	[sflag:s18] =	ssyncset.done $0x0  }
0x2b: {  	s17 =	simm.s32 $0x600;
	s2 =	simm.s32 $0xF;
	[sflag:s18] =	ssyncadd.s32 $0xFFFFFF80  }
.LBB2_2:
0x2c: {  	v1 =	vld [tilespmem:s17+$0xFFFFFE00]  }
0x2d: {  	v2 =	vld [tilespmem:s16+$0xFFFFFE00]  }
0x2e: {  	v3 =	vld [tilespmem:s17+$0xFFFFFE10]  }
0x2f: {  	v4 =	vld [tilespmem:s16+$0xFFFFFE10]  }
0x30: {  	v5 =	vld [tilespmem:s17+$0xFFFFFE20]  }
0x31: {  	v6 =	vld [tilespmem:s16+$0xFFFFFE20]  }
0x32: {  	v7 =	vld [tilespmem:s17+$0xFFFFFE30]  }
0x33: {  	v8 =	vld [tilespmem:s16+$0xFFFFFE30]  }
0x34: {  	v1 =	vmul.f32 v2, v1;
	v2 =	vmul.f32 v4, v3;
	_ =	sdelay $0x1  }
0x35: {  	v1 =	vadd.f32 v2, v1;
	v2 =	vmul.f32 v6, v5;
	_ =	sdelay $0x1  }
0x36: {  	v1 =	vadd.f32 v2, v1;
	v2 =	vmul.f32 v8, v7;
	_ =	sdelay $0x1  }
0x37: {  	v1 =	vadd.f32 v2, v1;
	_ =	sdelay $0x1  }
0x38: {  	(xrf2) =	vadd.scan.msk.f32 $0xffff, v1  }
0x39: {  	s21 =	sadd.s32 $0xFFFFFFF1, s2  }
0x3a: {  	v1 =	vmov s21  }
0x3b: {  	v1 =	vshrl.u32 v1, $0x3  }
0x3c: {  	v1 =	vshll.u32 v1, v0  }
0x3d: {  	v1 =	vbroadcast v1, $0x0;
	_ =	sdelay $0x4  }
0x3e: {  	v2, _, _ =	vpop (xrf2)  }
0x3f: {  	[tilespmem:v1+s19+$0x0] =	vst.idx.msk vm0, v2  }
0x40: {  	v1 =	vld [tilespmem:s17+$0xFFFFFE40]  }
0x41: {  	v2 =	vld [tilespmem:s16+$0xFFFFFE40]  }
0x42: {  	v3 =	vld [tilespmem:s17+$0xFFFFFE50]  }
0x43: {  	v41 =	vld [tilespmem:s16+$0xFFFFFE50]  }
0x44: {  	v42 =	vld [tilespmem:s17+$0xFFFFFE60]  }
0x45: {  	v43 =	vld [tilespmem:s16+$0xFFFFFE60]  }
0x46: {  	v44 =	vld [tilespmem:s17+$0xFFFFFE70]  }
0x47: {  	v45 =	vld [tilespmem:s16+$0xFFFFFE70]  }
0x48: {  	v1 =	vmul.f32 v2, v1;
	v2 =	vmul.f32 v41, v3;
	_ =	sdelay $0x1  }
0x49: {  	v1 =	vadd.f32 v2, v1;
	v2 =	vmul.f32 v43, v42;
	_ =	sdelay $0x1  }
0x4a: {  	v1 =	vadd.f32 v2, v1;
	v2 =	vmul.f32 v45, v44;
	_ =	sdelay $0x1  }
0x4b: {  	v1 =	vadd.f32 v2, v1;
	_ =	sdelay $0x1  }
0x4c: {  	s21 =	sadd.s32 $0xFFFFFFF2, s2;
	(xrf2) =	vadd.scan.msk.f32 $0xffff, v1  }
0x4d: {  	v1 =	vmov s21  }
0x4e: {  	v1 =	vshrl.u32 v1, $0x3  }
0x4f: {  	v1 =	vshll.u32 v1, v0  }
0x50: {  	v1 =	vadd.s32 $0x1, v1  }
0x51: {  	v1 =	vbroadcast v1, $0x0;
	_ =	sdelay $0x4  }
0x52: {  	v2, _, _ =	vpop (xrf2)  }
0x53: {  	[tilespmem:v1+s19+$0x0] =	vst.idx.msk vm0, v2  }
0x54: {  	v1 =	vld [tilespmem:s17+$0xFFFFFE80]  }
0x55: {  	v2 =	vld [tilespmem:s16+$0xFFFFFE80]  }
0x56: {  	v3 =	vld [tilespmem:s17+$0xFFFFFE90]  }
0x57: {  	v46 =	vld [tilespmem:s16+$0xFFFFFE90]  }
0x58: {  	v47 =	vld [tilespmem:s17+$0xFFFFFEA0]  }
0x59: {  	v48 =	vld [tilespmem:s16+$0xFFFFFEA0]  }
0x5a: {  	v49 =	vld [tilespmem:s17+$0xFFFFFEB0]  }
0x5b: {  	v50 =	vld [tilespmem:s16+$0xFFFFFEB0]  }
0x5c: {  	v1 =	vmul.f32 v2, v1;
	v2 =	vmul.f32 v46, v3;
	_ =	sdelay $0x1  }
0x5d: {  	v1 =	vadd.f32 v2, v1;
	v2 =	vmul.f32 v48, v47;
	_ =	sdelay $0x1  }
0x5e: {  	v1 =	vadd.f32 v2, v1;
	v2 =	vmul.f32 v50, v49;
	_ =	sdelay $0x1  }
0x5f: {  	v1 =	vadd.f32 v2, v1;
	_ =	sdelay $0x1  }
0x60: {  	s21 =	sadd.s32 $0xFFFFFFF3, s2;
	(xrf2) =	vadd.scan.msk.f32 $0xffff, v1  }
0x61: {  	v1 =	vmov s21  }
0x62: {  	v1 =	vshrl.u32 v1, $0x3  }
0x63: {  	v1 =	vshll.u32 v1, v0  }
0x64: {  	v1 =	vadd.s32 $0x2, v1  }
0x65: {  	v1 =	vbroadcast v1, $0x0;
	_ =	sdelay $0x4  }
0x66: {  	v2, _, _ =	vpop (xrf2)  }
0x67: {  	[tilespmem:v1+s19+$0x0] =	vst.idx.msk vm0, v2  }
0x68: {  	v1 =	vld [tilespmem:s17+$0xFFFFFEC0]  }
0x69: {  	v2 =	vld [tilespmem:s16+$0xFFFFFEC0]  }
0x6a: {  	v3 =	vld [tilespmem:s17+$0xFFFFFED0]  }
0x6b: {  	v51 =	vld [tilespmem:s16+$0xFFFFFED0]  }
0x6c: {  	v52 =	vld [tilespmem:s17+$0xFFFFFEE0]  }
0x6d: {  	v53 =	vld [tilespmem:s16+$0xFFFFFEE0]  }
0x6e: {  	v54 =	vld [tilespmem:s17+$0xFFFFFEF0]  }
0x6f: {  	v55 =	vld [tilespmem:s16+$0xFFFFFEF0]  }
0x70: {  	v1 =	vmul.f32 v2, v1;
	v2 =	vmul.f32 v51, v3;
	_ =	sdelay $0x1  }
0x71: {  	v1 =	vadd.f32 v2, v1;
	v2 =	vmul.f32 v53, v52;
	_ =	sdelay $0x1  }
0x72: {  	v1 =	vadd.f32 v2, v1;
	v2 =	vmul.f32 v55, v54;
	_ =	sdelay $0x1  }
0x73: {  	v1 =	vadd.f32 v2, v1;
	_ =	sdelay $0x1  }
0x74: {  	s21 =	sadd.s32 $0xFFFFFFF4, s2;
	(xrf2) =	vadd.scan.msk.f32 $0xffff, v1  }
0x75: {  	v1 =	vmov s21  }
0x76: {  	v1 =	vshrl.u32 v1, $0x3  }
0x77: {  	v1 =	vshll.u32 v1, v0  }
0x78: {  	v1 =	vadd.s32 $0x3, v1  }
0x79: {  	v1 =	vbroadcast v1, $0x0;
	_ =	sdelay $0x4  }
0x7a: {  	v2, _, _ =	vpop (xrf2)  }
0x7b: {  	[tilespmem:v1+s19+$0x0] =	vst.idx.msk vm0, v2  }
0x7c: {  	v1 =	vld [tilespmem:s17+$0xFFFFFF00]  }
0x7d: {  	v2 =	vld [tilespmem:s16+$0xFFFFFF00]  }
0x7e: {  	v3 =	vld [tilespmem:s17+$0xFFFFFF10]  }
0x7f: {  	v56 =	vld [tilespmem:s16+$0xFFFFFF10]  }
0x80: {  	v57 =	vld [tilespmem:s17+$0xFFFFFF20]  }
0x81: {  	v58 =	vld [tilespmem:s16+$0xFFFFFF20]  }
0x82: {  	v59 =	vld [tilespmem:s17+$0xFFFFFF30]  }
0x83: {  	v60 =	vld [tilespmem:s16+$0xFFFFFF30]  }
0x84: {  	v1 =	vmul.f32 v2, v1;
	v2 =	vmul.f32 v56, v3;
	_ =	sdelay $0x1  }
0x85: {  	v1 =	vadd.f32 v2, v1;
	v2 =	vmul.f32 v58, v57;
	_ =	sdelay $0x1  }
0x86: {  	v1 =	vadd.f32 v2, v1;
	v2 =	vmul.f32 v60, v59;
	_ =	sdelay $0x1  }
0x87: {  	v1 =	vadd.f32 v2, v1;
	_ =	sdelay $0x1  }
0x88: {  	s21 =	sadd.s32 $0xFFFFFFF5, s2;
	(xrf2) =	vadd.scan.msk.f32 $0xffff, v1  }
0x89: {  	v1 =	vmov s21  }
0x8a: {  	v1 =	vshrl.u32 v1, $0x3  }
0x8b: {  	v1 =	vshll.u32 v1, v0  }
0x8c: {  	v1 =	vadd.s32 $0x4, v1  }
0x8d: {  	v1 =	vbroadcast v1, $0x0;
	_ =	sdelay $0x4  }
0x8e: {  	v2, _, _ =	vpop (xrf2)  }
0x8f: {  	[tilespmem:v1+s19+$0x0] =	vst.idx.msk vm0, v2  }
0x90: {  	v1 =	vld [tilespmem:s17+$0xFFFFFF40]  }
0x91: {  	v2 =	vld [tilespmem:s16+$0xFFFFFF40]  }
0x92: {  	v3 =	vld [tilespmem:s17+$0xFFFFFF50]  }
0x93: {  	v61 =	vld [tilespmem:s16+$0xFFFFFF50]  }
0x94: {  	v62 =	vld [tilespmem:s17+$0xFFFFFF60]  }
0x95: {  	v63 =	vld [tilespmem:s16+$0xFFFFFF60]  }
0x96: {  	v12 =	vld [tilespmem:s17+$0xFFFFFF70]  }
0x97: {  	v13 =	vld [tilespmem:s16+$0xFFFFFF70]  }
0x98: {  	v1 =	vmul.f32 v2, v1;
	v2 =	vmul.f32 v61, v3;
	_ =	sdelay $0x1  }
0x99: {  	v1 =	vadd.f32 v2, v1;
	v2 =	vmul.f32 v63, v62;
	_ =	sdelay $0x1  }
0x9a: {  	v1 =	vadd.f32 v2, v1;
	v2 =	vmul.f32 v13, v12;
	_ =	sdelay $0x1  }
0x9b: {  	v1 =	vadd.f32 v2, v1;
	_ =	sdelay $0x1  }
0x9c: {  	s21 =	sadd.s32 $0xFFFFFFF6, s2;
	(xrf2) =	vadd.scan.msk.f32 $0xffff, v1  }
0x9d: {  	v1 =	vmov s21  }
0x9e: {  	v1 =	vshrl.u32 v1, $0x3  }
0x9f: {  	v1 =	vshll.u32 v1, v0  }
0xa0: {  	v1 =	vadd.s32 $0x5, v1  }
0xa1: {  	v1 =	vbroadcast v1, $0x0;
	_ =	sdelay $0x4  }
0xa2: {  	v2, _, _ =	vpop (xrf2)  }
0xa3: {  	[tilespmem:v1+s19+$0x0] =	vst.idx.msk vm0, v2  }
0xa4: {  	v1 =	vld [tilespmem:s17+$0xFFFFFF80]  }
0xa5: {  	v2 =	vld [tilespmem:s16+$0xFFFFFF80]  }
0xa6: {  	v3 =	vld [tilespmem:s17+$0xFFFFFF90]  }
0xa7: {  	v14 =	vld [tilespmem:s16+$0xFFFFFF90]  }
0xa8: {  	v15 =	vld [tilespmem:s17+$0xFFFFFFA0]  }
0xa9: {  	v16 =	vld [tilespmem:s16+$0xFFFFFFA0]  }
0xaa: {  	v17 =	vld [tilespmem:s17+$0xFFFFFFB0]  }
0xab: {  	v18 =	vld [tilespmem:s16+$0xFFFFFFB0]  }
0xac: {  	v1 =	vmul.f32 v2, v1;
	v2 =	vmul.f32 v14, v3;
	_ =	sdelay $0x1  }
0xad: {  	v1 =	vadd.f32 v2, v1;
	v2 =	vmul.f32 v16, v15;
	_ =	sdelay $0x1  }
0xae: {  	v1 =	vadd.f32 v2, v1;
	v2 =	vmul.f32 v18, v17;
	_ =	sdelay $0x1  }
0xaf: {  	v1 =	vadd.f32 v2, v1;
	_ =	sdelay $0x1  }
0xb0: {  	s21 =	sadd.s32 $0xFFFFFFF7, s2;
	(xrf2) =	vadd.scan.msk.f32 $0xffff, v1  }
0xb1: {  	v1 =	vmov s21  }
0xb2: {  	v1 =	vshrl.u32 v1, $0x3  }
0xb3: {  	v1 =	vshll.u32 v1, v0  }
0xb4: {  	v1 =	vadd.s32 $0x6, v1  }
0xb5: {  	v1 =	vbroadcast v1, $0x0;
	_ =	sdelay $0x4  }
0xb6: {  	v2, _, _ =	vpop (xrf2)  }
0xb7: {  	[tilespmem:v1+s19+$0x0] =	vst.idx.msk vm0, v2  }
0xb8: {  	v1 =	vld [tilespmem:s17+$0xFFFFFFC0]  }
0xb9: {  	v2 =	vld [tilespmem:s16+$0xFFFFFFC0]  }
0xba: {  	v3 =	vld [tilespmem:s17+$0xFFFFFFD0]  }
0xbb: {  	v19 =	vld [tilespmem:s16+$0xFFFFFFD0]  }
0xbc: {  	v20 =	vld [tilespmem:s17+$0xFFFFFFE0]  }
0xbd: {  	v21 =	vld [tilespmem:s16+$0xFFFFFFE0]  }
0xbe: {  	v22 =	vld [tilespmem:s17+$0xFFFFFFF0]  }
0xbf: {  	v23 =	vld [tilespmem:s16+$0xFFFFFFF0]  }
0xc0: {  	v1 =	vmul.f32 v2, v1;
	v2 =	vmul.f32 v19, v3;
	_ =	sdelay $0x1  }
0xc1: {  	v1 =	vadd.f32 v2, v1;
	v2 =	vmul.f32 v21, v20;
	_ =	sdelay $0x1  }
0xc2: {  	v1 =	vadd.f32 v2, v1;
	v2 =	vmul.f32 v23, v22;
	_ =	sdelay $0x1  }
0xc3: {  	v1 =	vadd.f32 v2, v1;
	_ =	sdelay $0x1  }
0xc4: {  	s21 =	sadd.s32 $0xFFFFFFF8, s2;
	(xrf2) =	vadd.scan.msk.f32 $0xffff, v1  }
0xc5: {  	v1 =	vmov s21  }
0xc6: {  	v1 =	vshrl.u32 v1, $0x3  }
0xc7: {  	v1 =	vshll.u32 v1, v0  }
0xc8: {  	v1 =	vadd.s32 $0x7, v1  }
0xc9: {  	v1 =	vbroadcast v1, $0x0;
	_ =	sdelay $0x4  }
0xca: {  	v2, _, _ =	vpop (xrf2)  }
0xcb: {  	[tilespmem:v1+s19+$0x0] =	vst.idx.msk vm0, v2  }
0xcc: {  	v1 =	vld [tilespmem:s17+$0x0]  }
0xcd: {  	v2 =	vld [tilespmem:s16+$0x0]  }
0xce: {  	v3 =	vld [tilespmem:s17+$0x10]  }
0xcf: {  	v24 =	vld [tilespmem:s16+$0x10]  }
0xd0: {  	v25 =	vld [tilespmem:s17+$0x20]  }
0xd1: {  	v26 =	vld [tilespmem:s16+$0x20]  }
0xd2: {  	v27 =	vld [tilespmem:s17+$0x30]  }
0xd3: {  	v28 =	vld [tilespmem:s16+$0x30]  }
0xd4: {  	v1 =	vmul.f32 v2, v1;
	v2 =	vmul.f32 v24, v3;
	_ =	sdelay $0x1  }
0xd5: {  	v1 =	vadd.f32 v2, v1;
	v2 =	vmul.f32 v26, v25;
	_ =	sdelay $0x1  }
0xd6: {  	v1 =	vadd.f32 v2, v1;
	v2 =	vmul.f32 v28, v27;
	_ =	sdelay $0x1  }
0xd7: {  	v1 =	vadd.f32 v2, v1;
	_ =	sdelay $0x1  }
0xd8: {  	(xrf2) =	vadd.scan.msk.f32 $0xffff, v1  }
0xd9: {  	s21 =	sadd.s32 $0xFFFFFFF9, s2  }
0xda: {  	v1 =	vmov s21  }
0xdb: {  	v1 =	vshrl.u32 v1, $0x3  }
0xdc: {  	v1 =	vshll.u32 v1, v0  }
0xdd: {  	v1 =	vbroadcast v1, $0x0;
	_ =	sdelay $0x4  }
0xde: {  	v2, _, _ =	vpop (xrf2)  }
0xdf: {  	[tilespmem:v1+s19+$0x0] =	vst.idx.msk vm0, v2  }
0xe0: {  	v1 =	vld [tilespmem:s17+$0x40]  }
0xe1: {  	v2 =	vld [tilespmem:s16+$0x40]  }
0xe2: {  	v3 =	vld [tilespmem:s17+$0x50]  }
0xe3: {  	v29 =	vld [tilespmem:s16+$0x50]  }
0xe4: {  	v30 =	vld [tilespmem:s17+$0x60]  }
0xe5: {  	v31 =	vld [tilespmem:s16+$0x60]  }
0xe6: {  	v32 =	vld [tilespmem:s17+$0x70]  }
0xe7: {  	v33 =	vld [tilespmem:s16+$0x70]  }
0xe8: {  	v1 =	vmul.f32 v2, v1;
	v2 =	vmul.f32 v29, v3;
	_ =	sdelay $0x1  }
0xe9: {  	v1 =	vadd.f32 v2, v1;
	v2 =	vmul.f32 v31, v30;
	_ =	sdelay $0x1  }
0xea: {  	v1 =	vadd.f32 v2, v1;
	v2 =	vmul.f32 v33, v32;
	_ =	sdelay $0x1  }
0xeb: {  	v1 =	vadd.f32 v2, v1;
	_ =	sdelay $0x1  }
0xec: {  	s21 =	sadd.s32 $0xFFFFFFFA, s2;
	(xrf2) =	vadd.scan.msk.f32 $0xffff, v1  }
0xed: {  	v1 =	vmov s21  }
0xee: {  	v1 =	vshrl.u32 v1, $0x3  }
0xef: {  	v1 =	vshll.u32 v1, v0  }
0xf0: {  	v1 =	vadd.s32 $0x1, v1  }
0xf1: {  	v1 =	vbroadcast v1, $0x0;
	_ =	sdelay $0x4  }
0xf2: {  	v2, _, _ =	vpop (xrf2)  }
0xf3: {  	[tilespmem:v1+s19+$0x0] =	vst.idx.msk vm0, v2  }
0xf4: {  	v1 =	vld [tilespmem:s17+$0x80]  }
0xf5: {  	v2 =	vld [tilespmem:s16+$0x80]  }
0xf6: {  	v3 =	vld [tilespmem:s17+$0x90]  }
0xf7: {  	v34 =	vld [tilespmem:s16+$0x90]  }
0xf8: {  	v35 =	vld [tilespmem:s17+$0xA0]  }
0xf9: {  	v36 =	vld [tilespmem:s16+$0xA0]  }
0xfa: {  	v37 =	vld [tilespmem:s17+$0xB0]  }
0xfb: {  	v38 =	vld [tilespmem:s16+$0xB0]  }
0xfc: {  	v1 =	vmul.f32 v2, v1;
	v2 =	vmul.f32 v34, v3;
	_ =	sdelay $0x1  }
0xfd: {  	v1 =	vadd.f32 v2, v1;
	v2 =	vmul.f32 v36, v35;
	_ =	sdelay $0x1  }
0xfe: {  	v1 =	vadd.f32 v2, v1;
	v2 =	vmul.f32 v38, v37;
	_ =	sdelay $0x1  }
0xff: {  	v1 =	vadd.f32 v2, v1;
	_ =	sdelay $0x1  }
0x100: {  	s21 =	sadd.s32 $0xFFFFFFFB, s2;
	(xrf2) =	vadd.scan.msk.f32 $0xffff, v1  }
0x101: {  	v1 =	vmov s21  }
0x102: {  	v1 =	vshrl.u32 v1, $0x3  }
0x103: {  	v1 =	vshll.u32 v1, v0  }
0x104: {  	v1 =	vadd.s32 $0x2, v1  }
0x105: {  	v1 =	vbroadcast v1, $0x0;
	_ =	sdelay $0x4  }
0x106: {  	v2, _, _ =	vpop (xrf2)  }
0x107: {  	[tilespmem:v1+s19+$0x0] =	vst.idx.msk vm0, v2  }
0x108: {  	v1 =	vld [tilespmem:s17+$0xC0]  }
0x109: {  	v2 =	vld [tilespmem:s16+$0xC0]  }
0x10a: {  	v3 =	vld [tilespmem:s17+$0xD0]  }
0x10b: {  	v39 =	vld [tilespmem:s16+$0xD0]  }
0x10c: {  	v40 =	vld [tilespmem:s17+$0xE0]  }
0x10d: {  	v41 =	vld [tilespmem:s16+$0xE0]  }
0x10e: {  	v42 =	vld [tilespmem:s17+$0xF0]  }
0x10f: {  	v43 =	vld [tilespmem:s16+$0xF0]  }
0x110: {  	v1 =	vmul.f32 v2, v1;
	v2 =	vmul.f32 v39, v3;
	_ =	sdelay $0x1  }
0x111: {  	v1 =	vadd.f32 v2, v1;
	v2 =	vmul.f32 v41, v40;
	_ =	sdelay $0x1  }
0x112: {  	v1 =	vadd.f32 v2, v1;
	v2 =	vmul.f32 v43, v42;
	_ =	sdelay $0x1  }
0x113: {  	v1 =	vadd.f32 v2, v1;
	_ =	sdelay $0x1  }
0x114: {  	s21 =	sadd.s32 $0xFFFFFFFC, s2;
	(xrf2) =	vadd.scan.msk.f32 $0xffff, v1  }
0x115: {  	v1 =	vmov s21  }
0x116: {  	v1 =	vshrl.u32 v1, $0x3  }
0x117: {  	v1 =	vshll.u32 v1, v0  }
0x118: {  	v1 =	vadd.s32 $0x3, v1  }
0x119: {  	v1 =	vbroadcast v1, $0x0;
	_ =	sdelay $0x4  }
0x11a: {  	v2, _, _ =	vpop (xrf2)  }
0x11b: {  	[tilespmem:v1+s19+$0x0] =	vst.idx.msk vm0, v2  }
0x11c: {  	v1 =	vld [tilespmem:s17+$0x100]  }
0x11d: {  	v2 =	vld [tilespmem:s16+$0x100]  }
0x11e: {  	v3 =	vld [tilespmem:s17+$0x110]  }
0x11f: {  	v44 =	vld [tilespmem:s16+$0x110]  }
0x120: {  	v45 =	vld [tilespmem:s17+$0x120]  }
0x121: {  	v46 =	vld [tilespmem:s16+$0x120]  }
0x122: {  	v47 =	vld [tilespmem:s17+$0x130]  }
0x123: {  	v48 =	vld [tilespmem:s16+$0x130]  }
0x124: {  	v1 =	vmul.f32 v2, v1;
	v2 =	vmul.f32 v44, v3;
	_ =	sdelay $0x1  }
0x125: {  	v1 =	vadd.f32 v2, v1;
	v2 =	vmul.f32 v46, v45;
	_ =	sdelay $0x1  }
0x126: {  	v1 =	vadd.f32 v2, v1;
	v2 =	vmul.f32 v48, v47;
	_ =	sdelay $0x1  }
0x127: {  	v1 =	vadd.f32 v2, v1;
	_ =	sdelay $0x1  }
0x128: {  	s21 =	sadd.s32 $0xFFFFFFFD, s2;
	(xrf2) =	vadd.scan.msk.f32 $0xffff, v1  }
0x129: {  	v1 =	vmov s21  }
0x12a: {  	v1 =	vshrl.u32 v1, $0x3  }
0x12b: {  	v1 =	vshll.u32 v1, v0  }
0x12c: {  	v1 =	vadd.s32 $0x4, v1  }
0x12d: {  	v1 =	vbroadcast v1, $0x0;
	_ =	sdelay $0x4  }
0x12e: {  	v2, _, _ =	vpop (xrf2)  }
0x12f: {  	[tilespmem:v1+s19+$0x0] =	vst.idx.msk vm0, v2  }
0x130: {  	v1 =	vld [tilespmem:s17+$0x140]  }
0x131: {  	v2 =	vld [tilespmem:s16+$0x140]  }
0x132: {  	v3 =	vld [tilespmem:s17+$0x150]  }
0x133: {  	v49 =	vld [tilespmem:s16+$0x150]  }
0x134: {  	v50 =	vld [tilespmem:s17+$0x160]  }
0x135: {  	v51 =	vld [tilespmem:s16+$0x160]  }
0x136: {  	v52 =	vld [tilespmem:s17+$0x170]  }
0x137: {  	v53 =	vld [tilespmem:s16+$0x170]  }
0x138: {  	v1 =	vmul.f32 v2, v1;
	v2 =	vmul.f32 v49, v3;
	_ =	sdelay $0x1  }
0x139: {  	v1 =	vadd.f32 v2, v1;
	v2 =	vmul.f32 v51, v50;
	_ =	sdelay $0x1  }
0x13a: {  	v1 =	vadd.f32 v2, v1;
	v2 =	vmul.f32 v53, v52;
	_ =	sdelay $0x1  }
0x13b: {  	v1 =	vadd.f32 v2, v1;
	_ =	sdelay $0x1  }
0x13c: {  	s21 =	sadd.s32 $0xFFFFFFFE, s2;
	(xrf2) =	vadd.scan.msk.f32 $0xffff, v1  }
0x13d: {  	v1 =	vmov s21  }
0x13e: {  	v1 =	vshrl.u32 v1, $0x3  }
0x13f: {  	v1 =	vshll.u32 v1, v0  }
0x140: {  	v1 =	vadd.s32 $0x5, v1  }
0x141: {  	v1 =	vbroadcast v1, $0x0;
	_ =	sdelay $0x4  }
0x142: {  	v2, _, _ =	vpop (xrf2)  }
0x143: {  	[tilespmem:v1+s19+$0x0] =	vst.idx.msk vm0, v2  }
0x144: {  	v1 =	vld [tilespmem:s17+$0x180]  }
0x145: {  	v2 =	vld [tilespmem:s16+$0x180]  }
0x146: {  	v3 =	vld [tilespmem:s17+$0x190]  }
0x147: {  	v54 =	vld [tilespmem:s16+$0x190]  }
0x148: {  	v55 =	vld [tilespmem:s17+$0x1A0]  }
0x149: {  	v56 =	vld [tilespmem:s16+$0x1A0]  }
0x14a: {  	v57 =	vld [tilespmem:s17+$0x1B0]  }
0x14b: {  	v58 =	vld [tilespmem:s16+$0x1B0]  }
0x14c: {  	v1 =	vmul.f32 v2, v1;
	v2 =	vmul.f32 v54, v3;
	_ =	sdelay $0x1  }
0x14d: {  	v1 =	vadd.f32 v2, v1;
	v2 =	vmul.f32 v56, v55;
	_ =	sdelay $0x1  }
0x14e: {  	v1 =	vadd.f32 v2, v1;
	v2 =	vmul.f32 v58, v57;
	_ =	sdelay $0x1  }
0x14f: {  	v1 =	vadd.f32 v2, v1;
	_ =	sdelay $0x1  }
0x150: {  	s21 =	sadd.s32 $0xFFFFFFFF, s2;
	(xrf2) =	vadd.scan.msk.f32 $0xffff, v1  }
0x151: {  	v1 =	vmov s21  }
0x152: {  	v1 =	vshrl.u32 v1, $0x3  }
0x153: {  	v1 =	vshll.u32 v1, v0  }
0x154: {  	v1 =	vadd.s32 $0x6, v1  }
0x155: {  	v1 =	vbroadcast v1, $0x0;
	_ =	sdelay $0x4  }
0x156: {  	v2, _, _ =	vpop (xrf2)  }
0x157: {  	[tilespmem:v1+s19+$0x0] =	vst.idx.msk vm0, v2  }
0x158: {  	v1 =	vld [tilespmem:s17+$0x1C0]  }
0x159: {  	v2 =	vld [tilespmem:s16+$0x1C0]  }
0x15a: {  	v3 =	vld [tilespmem:s17+$0x1D0]  }
0x15b: {  	v59 =	vld [tilespmem:s16+$0x1D0]  }
0x15c: {  	v60 =	vld [tilespmem:s17+$0x1E0]  }
0x15d: {  	v61 =	vld [tilespmem:s16+$0x1E0]  }
0x15e: {  	v62 =	vld [tilespmem:s17+$0x1F0]  }
0x15f: {  	v63 =	vld [tilespmem:s16+$0x1F0]  }
0x160: {  	v1 =	vmul.f32 v2, v1;
	v2 =	vmul.f32 v59, v3;
	_ =	sdelay $0x1  }
0x161: {  	v1 =	vadd.f32 v2, v1;
	v2 =	vmul.f32 v61, v60;
	_ =	sdelay $0x1  }
0x162: {  	v1 =	vadd.f32 v2, v1;
	v2 =	vmul.f32 v63, v62;
	_ =	sdelay $0x1  }
0x163: {  	v1 =	vadd.f32 v2, v1;
	_ =	sdelay $0x1  }
0x164: {  	(xrf2) =	vadd.scan.msk.f32 $0xffff, v1  }
0x165: {  	v1 =	vmov s2  }
0x166: {  	v1 =	vshrl.u32 v1, $0x3  }
0x167: {  	v1 =	vshll.u32 v1, v0  }
0x168: {  	v1 =	vadd.s32 $0x7, v1  }
0x169: {  	v1 =	vbroadcast v1, $0x0  }
0x16a: {  	p0 =	sne.s32 s2, $0x7F  }
.Ltmp0:
0x16b: {  	_ = 	snop;
	(pc) =	sbr.rel @p0 .LBB2_2-.Ltmp0, $3  }
0x16c: {  	_ =	sdelay $0x1  }
0x16d: {  	v2, _, _ =	vpop (xrf2)  }
0x16e: {  	s16 =	sadd.s32 $0x400, s16;
	s17 =	sadd.s32 $0x400, s17;
	s2 =	sadd.s32 $0x10, s2;
	[tilespmem:v1+s19+$0x0] =	vst.idx.msk vm0, v2  }
0x16f: {  	v1 =	vld [tilespmem:$0x4800]  }
0x170: {  	v2 =	vld [tilespmem:$0x4400]  }
0x171: {  	v3 =	vld [tilespmem:$0x4600]  }
0x172: {  	v4 =	vld [tilespmem:$0x4810]  }
0x173: {  	v5 =	vld [tilespmem:$0x4410]  }
0x174: {  	v6 =	vld [tilespmem:$0x4610]  }
0x175: {  	v7 =	vld [tilespmem:$0x4820]  }
0x176: {  	v8 =	vld [tilespmem:$0x4420]  }
0x177: {  	v9 =	vld [tilespmem:$0x4620]  }
0x178: {  	v10 =	vld [tilespmem:$0x4830]  }
0x179: {  	v11 =	vld [tilespmem:$0x4430]  }
0x17a: {  	v12 =	vld [tilespmem:$0x4630]  }
0x17b: {  	v13 =	vld [tilespmem:$0x4840]  }
0x17c: {  	v14 =	vld [tilespmem:$0x4440]  }
0x17d: {  	v15 =	vld [tilespmem:$0x4640]  }
0x17e: {  	v16 =	vld [tilespmem:$0x4850]  }
0x17f: {  	v17 =	vld [tilespmem:$0x4450]  }
0x180: {  	v18 =	vld [tilespmem:$0x4650]  }
0x181: {  	v19 =	vld [tilespmem:$0x4860]  }
0x182: {  	v56 =	vld [tilespmem:$0x4870];
	v1 =	vadd.f32 v2, v1  }
0x183: {  	v2 =	vld [tilespmem:$0x4460];
	v4 =	vadd.f32 v5, v4  }
0x184: {  	v57 =	vld [tilespmem:$0x4470];
	v1 =	vadd.f32 v3, v1;
	v3 =	vadd.f32 v8, v7  }
0x185: {  	v59 =	vld [tilespmem:$0x4660];
	v58 =	vadd.f32 v11, v10;
	v4 =	vadd.f32 v6, v4  }
0x186: {  	v60 =	vld [tilespmem:$0x4670];
	[tilespmem:$0x4800] =	vst v1;
	v1 =	vadd.f32 v9, v3;
	v3 =	vadd.f32 v14, v13  }
0x187: {  	v62 =	vadd.f32 v17, v16;
	v61 =	vadd.f32 v12, v58;
	[tilespmem:$0x4810] =	vst v4  }
0x188: {  	v2 =	vadd.f32 v2, v19;
	[tilespmem:$0x4820] =	vst v1;
	v1 =	vadd.f32 v15, v3  }
0x189: {  	v63 =	vadd.f32 v57, v56;
	[tilespmem:$0x4830] =	vst v61;
	v3 =	vadd.f32 v18, v62  }
0x18a: {  	[tilespmem:$0x4840] =	vst v1;
	v1 =	vadd.f32 v59, v2  }
0x18b: {  	[tilespmem:$0x4850] =	vst v3;
	v2 =	vadd.f32 v60, v63  }
0x18c: {  	[tilespmem:$0x4860] =	vst v1  }
0x18d: {  	[tilespmem:$0x4870] =	vst v2  }
0x18e: {  	[tilespmem:s14], [sflag:$0x1] =	stream.indirect.gather [hbm4b:s3+s13], $0x40, s13, s13, $0xb8;
	[tilespmem:$0x4A00] =	vst v63  }
0x18f: {  	_ = 	snop  }
0x190: {  	[tilespmem:s15], [sflag:$0x1] =	stream.indirect.gather [hbm4b:s4+s13], $0x40, s20, s13, $0xb8;
	[tilespmem:$0x4A00] =	vst v63  }
0x191: {  	s2 =	simm.s32 $0x4480  }
0x192: {  	[tilespmem:s2], [sflag:$0x1] =	stream.indirect.gather [hbm4b:s5+s13], $0x1, s13, s13, $0xb8;
	[tilespmem:$0x4A00] =	vst v63  }
0x193: {  	_ = 	snop  }
0x194: {  	[tilespmem:s22], [sflag:$0x1] =	stream.indirect.gather [hbm4b:s6+s13], $0x1, s20, s13, $0xb8;
	[tilespmem:$0x4A00] =	vst v63  }
0x195: {  	_ =	swait.ge [sflag:s18], $0x2000  }
0x196: {  	[sflag:s18] =	ssyncset.done $0x0  }
0x197: {  	[sflag:s18] =	ssyncadd.s32 $0xFFFFE000  }
0x198: {  	_ =	swait.ge [sflag:s18], $0x2000  }
0x199: {  	[sflag:s18] =	ssyncset.done $0x0  }
0x19a: {  	[sflag:s18] =	ssyncadd.s32 $0xFFFFE000  }
0x19b: {  	_ =	swait.ge [sflag:s18], $0x80  }
0x19c: {  	[sflag:s18] =	ssyncset.done $0x0  }
0x19d: {  	[sflag:s18] =	ssyncadd.s32 $0xFFFFFF80  }
0x19e: {  	_ =	swait.ge [sflag:s18], $0x80  }
0x19f: {  	s16 =	simm.s32 $0x600;
	[sflag:s18] =	ssyncset.done $0x0  }
0x1a0: {  	s17 =	simm.s32 $0x2600;
	s2 =	simm.s32 $0x8F;
	[sflag:s18] =	ssyncadd.s32 $0xFFFFFF80  }
.LBB2_4:
0x1a1: {  	v1 =	vld [tilespmem:s16+$0xFFFFFE00]  }
0x1a2: {  	v2 =	vld [tilespmem:s17+$0xFFFFFE00]  }
0x1a3: {  	v3 =	vld [tilespmem:s16+$0xFFFFFE10]  }
0x1a4: {  	v4 =	vld [tilespmem:s17+$0xFFFFFE10]  }
0x1a5: {  	v5 =	vld [tilespmem:s16+$0xFFFFFE20]  }
0x1a6: {  	v6 =	vld [tilespmem:s17+$0xFFFFFE20]  }
0x1a7: {  	v7 =	vld [tilespmem:s16+$0xFFFFFE30]  }
0x1a8: {  	v8 =	vld [tilespmem:s17+$0xFFFFFE30]  }
0x1a9: {  	v1 =	vmul.f32 v2, v1;
	v2 =	vmul.f32 v4, v3;
	_ =	sdelay $0x1  }
0x1aa: {  	v1 =	vadd.f32 v2, v1;
	v2 =	vmul.f32 v6, v5;
	_ =	sdelay $0x1  }
0x1ab: {  	v1 =	vadd.f32 v2, v1;
	v2 =	vmul.f32 v8, v7;
	_ =	sdelay $0x1  }
0x1ac: {  	v1 =	vadd.f32 v2, v1;
	_ =	sdelay $0x1  }
0x1ad: {  	(xrf2) =	vadd.scan.msk.f32 $0xffff, v1  }
0x1ae: {  	s21 =	sadd.s32 $0xFFFFFFF1, s2  }
0x1af: {  	v1 =	vmov s21  }
0x1b0: {  	v1 =	vshrl.u32 v1, $0x3  }
0x1b1: {  	v1 =	vshll.u32 v1, v0  }
0x1b2: {  	v1 =	vbroadcast v1, $0x0;
	_ =	sdelay $0x4  }
0x1b3: {  	v2, _, _ =	vpop (xrf2)  }
0x1b4: {  	[tilespmem:v1+s19+$0x0] =	vst.idx.msk vm0, v2  }
0x1b5: {  	v1 =	vld [tilespmem:s16+$0xFFFFFE40]  }
0x1b6: {  	v2 =	vld [tilespmem:s17+$0xFFFFFE40]  }
0x1b7: {  	v3 =	vld [tilespmem:s16+$0xFFFFFE50]  }
0x1b8: {  	v41 =	vld [tilespmem:s17+$0xFFFFFE50]  }
0x1b9: {  	v42 =	vld [tilespmem:s16+$0xFFFFFE60]  }
0x1ba: {  	v43 =	vld [tilespmem:s17+$0xFFFFFE60]  }
0x1bb: {  	v44 =	vld [tilespmem:s16+$0xFFFFFE70]  }
0x1bc: {  	v45 =	vld [tilespmem:s17+$0xFFFFFE70]  }
0x1bd: {  	v1 =	vmul.f32 v2, v1;
	v2 =	vmul.f32 v41, v3;
	_ =	sdelay $0x1  }
0x1be: {  	v1 =	vadd.f32 v2, v1;
	v2 =	vmul.f32 v43, v42;
	_ =	sdelay $0x1  }
0x1bf: {  	v1 =	vadd.f32 v2, v1;
	v2 =	vmul.f32 v45, v44;
	_ =	sdelay $0x1  }
0x1c0: {  	v1 =	vadd.f32 v2, v1;
	_ =	sdelay $0x1  }
0x1c1: {  	s21 =	sadd.s32 $0xFFFFFFF2, s2;
	(xrf2) =	vadd.scan.msk.f32 $0xffff, v1  }
0x1c2: {  	v1 =	vmov s21  }
0x1c3: {  	v1 =	vshrl.u32 v1, $0x3  }
0x1c4: {  	v1 =	vshll.u32 v1, v0  }
0x1c5: {  	v1 =	vadd.s32 $0x1, v1  }
0x1c6: {  	v1 =	vbroadcast v1, $0x0;
	_ =	sdelay $0x4  }
0x1c7: {  	v2, _, _ =	vpop (xrf2)  }
0x1c8: {  	[tilespmem:v1+s19+$0x0] =	vst.idx.msk vm0, v2  }
0x1c9: {  	v1 =	vld [tilespmem:s16+$0xFFFFFE80]  }
0x1ca: {  	v2 =	vld [tilespmem:s17+$0xFFFFFE80]  }
0x1cb: {  	v3 =	vld [tilespmem:s16+$0xFFFFFE90]  }
0x1cc: {  	v46 =	vld [tilespmem:s17+$0xFFFFFE90]  }
0x1cd: {  	v47 =	vld [tilespmem:s16+$0xFFFFFEA0]  }
0x1ce: {  	v48 =	vld [tilespmem:s17+$0xFFFFFEA0]  }
0x1cf: {  	v49 =	vld [tilespmem:s16+$0xFFFFFEB0]  }
0x1d0: {  	v50 =	vld [tilespmem:s17+$0xFFFFFEB0]  }
0x1d1: {  	v1 =	vmul.f32 v2, v1;
	v2 =	vmul.f32 v46, v3;
	_ =	sdelay $0x1  }
0x1d2: {  	v1 =	vadd.f32 v2, v1;
	v2 =	vmul.f32 v48, v47;
	_ =	sdelay $0x1  }
0x1d3: {  	v1 =	vadd.f32 v2, v1;
	v2 =	vmul.f32 v50, v49;
	_ =	sdelay $0x1  }
0x1d4: {  	v1 =	vadd.f32 v2, v1;
	_ =	sdelay $0x1  }
0x1d5: {  	s21 =	sadd.s32 $0xFFFFFFF3, s2;
	(xrf2) =	vadd.scan.msk.f32 $0xffff, v1  }
0x1d6: {  	v1 =	vmov s21  }
0x1d7: {  	v1 =	vshrl.u32 v1, $0x3  }
0x1d8: {  	v1 =	vshll.u32 v1, v0  }
0x1d9: {  	v1 =	vadd.s32 $0x2, v1  }
0x1da: {  	v1 =	vbroadcast v1, $0x0;
	_ =	sdelay $0x4  }
0x1db: {  	v2, _, _ =	vpop (xrf2)  }
0x1dc: {  	[tilespmem:v1+s19+$0x0] =	vst.idx.msk vm0, v2  }
0x1dd: {  	v1 =	vld [tilespmem:s16+$0xFFFFFEC0]  }
0x1de: {  	v2 =	vld [tilespmem:s17+$0xFFFFFEC0]  }
0x1df: {  	v3 =	vld [tilespmem:s16+$0xFFFFFED0]  }
0x1e0: {  	v51 =	vld [tilespmem:s17+$0xFFFFFED0]  }
0x1e1: {  	v52 =	vld [tilespmem:s16+$0xFFFFFEE0]  }
0x1e2: {  	v53 =	vld [tilespmem:s17+$0xFFFFFEE0]  }
0x1e3: {  	v54 =	vld [tilespmem:s16+$0xFFFFFEF0]  }
0x1e4: {  	v55 =	vld [tilespmem:s17+$0xFFFFFEF0]  }
0x1e5: {  	v1 =	vmul.f32 v2, v1;
	v2 =	vmul.f32 v51, v3;
	_ =	sdelay $0x1  }
0x1e6: {  	v1 =	vadd.f32 v2, v1;
	v2 =	vmul.f32 v53, v52;
	_ =	sdelay $0x1  }
0x1e7: {  	v1 =	vadd.f32 v2, v1;
	v2 =	vmul.f32 v55, v54;
	_ =	sdelay $0x1  }
0x1e8: {  	v1 =	vadd.f32 v2, v1;
	_ =	sdelay $0x1  }
0x1e9: {  	s21 =	sadd.s32 $0xFFFFFFF4, s2;
	(xrf2) =	vadd.scan.msk.f32 $0xffff, v1  }
0x1ea: {  	v1 =	vmov s21  }
0x1eb: {  	v1 =	vshrl.u32 v1, $0x3  }
0x1ec: {  	v1 =	vshll.u32 v1, v0  }
0x1ed: {  	v1 =	vadd.s32 $0x3, v1  }
0x1ee: {  	v1 =	vbroadcast v1, $0x0;
	_ =	sdelay $0x4  }
0x1ef: {  	v2, _, _ =	vpop (xrf2)  }
0x1f0: {  	[tilespmem:v1+s19+$0x0] =	vst.idx.msk vm0, v2  }
0x1f1: {  	v1 =	vld [tilespmem:s16+$0xFFFFFF00]  }
0x1f2: {  	v2 =	vld [tilespmem:s17+$0xFFFFFF00]  }
0x1f3: {  	v3 =	vld [tilespmem:s16+$0xFFFFFF10]  }
0x1f4: {  	v56 =	vld [tilespmem:s17+$0xFFFFFF10]  }
0x1f5: {  	v57 =	vld [tilespmem:s16+$0xFFFFFF20]  }
0x1f6: {  	v58 =	vld [tilespmem:s17+$0xFFFFFF20]  }
0x1f7: {  	v59 =	vld [tilespmem:s16+$0xFFFFFF30]  }
0x1f8: {  	v60 =	vld [tilespmem:s17+$0xFFFFFF30]  }
0x1f9: {  	v1 =	vmul.f32 v2, v1;
	v2 =	vmul.f32 v56, v3;
	_ =	sdelay $0x1  }
0x1fa: {  	v1 =	vadd.f32 v2, v1;
	v2 =	vmul.f32 v58, v57;
	_ =	sdelay $0x1  }
0x1fb: {  	v1 =	vadd.f32 v2, v1;
	v2 =	vmul.f32 v60, v59;
	_ =	sdelay $0x1  }
0x1fc: {  	v1 =	vadd.f32 v2, v1;
	_ =	sdelay $0x1  }
0x1fd: {  	s21 =	sadd.s32 $0xFFFFFFF5, s2;
	(xrf2) =	vadd.scan.msk.f32 $0xffff, v1  }
0x1fe: {  	v1 =	vmov s21  }
0x1ff: {  	v1 =	vshrl.u32 v1, $0x3  }
0x200: {  	v1 =	vshll.u32 v1, v0  }
0x201: {  	v1 =	vadd.s32 $0x4, v1  }
0x202: {  	v1 =	vbroadcast v1, $0x0;
	_ =	sdelay $0x4  }
0x203: {  	v2, _, _ =	vpop (xrf2)  }
0x204: {  	[tilespmem:v1+s19+$0x0] =	vst.idx.msk vm0, v2  }
0x205: {  	v1 =	vld [tilespmem:s16+$0xFFFFFF40]  }
0x206: {  	v2 =	vld [tilespmem:s17+$0xFFFFFF40]  }
0x207: {  	v3 =	vld [tilespmem:s16+$0xFFFFFF50]  }
0x208: {  	v61 =	vld [tilespmem:s17+$0xFFFFFF50]  }
0x209: {  	v62 =	vld [tilespmem:s16+$0xFFFFFF60]  }
0x20a: {  	v63 =	vld [tilespmem:s17+$0xFFFFFF60]  }
0x20b: {  	v12 =	vld [tilespmem:s16+$0xFFFFFF70]  }
0x20c: {  	v13 =	vld [tilespmem:s17+$0xFFFFFF70]  }
0x20d: {  	v1 =	vmul.f32 v2, v1;
	v2 =	vmul.f32 v61, v3;
	_ =	sdelay $0x1  }
0x20e: {  	v1 =	vadd.f32 v2, v1;
	v2 =	vmul.f32 v63, v62;
	_ =	sdelay $0x1  }
0x20f: {  	v1 =	vadd.f32 v2, v1;
	v2 =	vmul.f32 v13, v12;
	_ =	sdelay $0x1  }
0x210: {  	v1 =	vadd.f32 v2, v1;
	_ =	sdelay $0x1  }
0x211: {  	s21 =	sadd.s32 $0xFFFFFFF6, s2;
	(xrf2) =	vadd.scan.msk.f32 $0xffff, v1  }
0x212: {  	v1 =	vmov s21  }
0x213: {  	v1 =	vshrl.u32 v1, $0x3  }
0x214: {  	v1 =	vshll.u32 v1, v0  }
0x215: {  	v1 =	vadd.s32 $0x5, v1  }
0x216: {  	v1 =	vbroadcast v1, $0x0;
	_ =	sdelay $0x4  }
0x217: {  	v2, _, _ =	vpop (xrf2)  }
0x218: {  	[tilespmem:v1+s19+$0x0] =	vst.idx.msk vm0, v2  }
0x219: {  	v1 =	vld [tilespmem:s16+$0xFFFFFF80]  }
0x21a: {  	v2 =	vld [tilespmem:s17+$0xFFFFFF80]  }
0x21b: {  	v3 =	vld [tilespmem:s16+$0xFFFFFF90]  }
0x21c: {  	v14 =	vld [tilespmem:s17+$0xFFFFFF90]  }
0x21d: {  	v15 =	vld [tilespmem:s16+$0xFFFFFFA0]  }
0x21e: {  	v16 =	vld [tilespmem:s17+$0xFFFFFFA0]  }
0x21f: {  	v17 =	vld [tilespmem:s16+$0xFFFFFFB0]  }
0x220: {  	v18 =	vld [tilespmem:s17+$0xFFFFFFB0]  }
0x221: {  	v1 =	vmul.f32 v2, v1;
	v2 =	vmul.f32 v14, v3;
	_ =	sdelay $0x1  }
0x222: {  	v1 =	vadd.f32 v2, v1;
	v2 =	vmul.f32 v16, v15;
	_ =	sdelay $0x1  }
0x223: {  	v1 =	vadd.f32 v2, v1;
	v2 =	vmul.f32 v18, v17;
	_ =	sdelay $0x1  }
0x224: {  	v1 =	vadd.f32 v2, v1;
	_ =	sdelay $0x1  }
0x225: {  	s21 =	sadd.s32 $0xFFFFFFF7, s2;
	(xrf2) =	vadd.scan.msk.f32 $0xffff, v1  }
0x226: {  	v1 =	vmov s21  }
0x227: {  	v1 =	vshrl.u32 v1, $0x3  }
0x228: {  	v1 =	vshll.u32 v1, v0  }
0x229: {  	v1 =	vadd.s32 $0x6, v1  }
0x22a: {  	v1 =	vbroadcast v1, $0x0;
	_ =	sdelay $0x4  }
0x22b: {  	v2, _, _ =	vpop (xrf2)  }
0x22c: {  	[tilespmem:v1+s19+$0x0] =	vst.idx.msk vm0, v2  }
0x22d: {  	v1 =	vld [tilespmem:s16+$0xFFFFFFC0]  }
0x22e: {  	v2 =	vld [tilespmem:s17+$0xFFFFFFC0]  }
0x22f: {  	v3 =	vld [tilespmem:s16+$0xFFFFFFD0]  }
0x230: {  	v19 =	vld [tilespmem:s17+$0xFFFFFFD0]  }
0x231: {  	v20 =	vld [tilespmem:s16+$0xFFFFFFE0]  }
0x232: {  	v21 =	vld [tilespmem:s17+$0xFFFFFFE0]  }
0x233: {  	v22 =	vld [tilespmem:s16+$0xFFFFFFF0]  }
0x234: {  	v23 =	vld [tilespmem:s17+$0xFFFFFFF0]  }
0x235: {  	v1 =	vmul.f32 v2, v1;
	v2 =	vmul.f32 v19, v3;
	_ =	sdelay $0x1  }
0x236: {  	v1 =	vadd.f32 v2, v1;
	v2 =	vmul.f32 v21, v20;
	_ =	sdelay $0x1  }
0x237: {  	v1 =	vadd.f32 v2, v1;
	v2 =	vmul.f32 v23, v22;
	_ =	sdelay $0x1  }
0x238: {  	v1 =	vadd.f32 v2, v1;
	_ =	sdelay $0x1  }
0x239: {  	s21 =	sadd.s32 $0xFFFFFFF8, s2;
	(xrf2) =	vadd.scan.msk.f32 $0xffff, v1  }
0x23a: {  	v1 =	vmov s21  }
0x23b: {  	v1 =	vshrl.u32 v1, $0x3  }
0x23c: {  	v1 =	vshll.u32 v1, v0  }
0x23d: {  	v1 =	vadd.s32 $0x7, v1  }
0x23e: {  	v1 =	vbroadcast v1, $0x0;
	_ =	sdelay $0x4  }
0x23f: {  	v2, _, _ =	vpop (xrf2)  }
0x240: {  	[tilespmem:v1+s19+$0x0] =	vst.idx.msk vm0, v2  }
0x241: {  	v1 =	vld [tilespmem:s16+$0x0]  }
0x242: {  	v2 =	vld [tilespmem:s17+$0x0]  }
0x243: {  	v3 =	vld [tilespmem:s16+$0x10]  }
0x244: {  	v24 =	vld [tilespmem:s17+$0x10]  }
0x245: {  	v25 =	vld [tilespmem:s16+$0x20]  }
0x246: {  	v26 =	vld [tilespmem:s17+$0x20]  }
0x247: {  	v27 =	vld [tilespmem:s16+$0x30]  }
0x248: {  	v28 =	vld [tilespmem:s17+$0x30]  }
0x249: {  	v1 =	vmul.f32 v2, v1;
	v2 =	vmul.f32 v24, v3;
	_ =	sdelay $0x1  }
0x24a: {  	v1 =	vadd.f32 v2, v1;
	v2 =	vmul.f32 v26, v25;
	_ =	sdelay $0x1  }
0x24b: {  	v1 =	vadd.f32 v2, v1;
	v2 =	vmul.f32 v28, v27;
	_ =	sdelay $0x1  }
0x24c: {  	v1 =	vadd.f32 v2, v1;
	_ =	sdelay $0x1  }
0x24d: {  	(xrf2) =	vadd.scan.msk.f32 $0xffff, v1  }
0x24e: {  	s21 =	sadd.s32 $0xFFFFFFF9, s2  }
0x24f: {  	v1 =	vmov s21  }
0x250: {  	v1 =	vshrl.u32 v1, $0x3  }
0x251: {  	v1 =	vshll.u32 v1, v0  }
0x252: {  	v1 =	vbroadcast v1, $0x0;
	_ =	sdelay $0x4  }
0x253: {  	v2, _, _ =	vpop (xrf2)  }
0x254: {  	[tilespmem:v1+s19+$0x0] =	vst.idx.msk vm0, v2  }
0x255: {  	v1 =	vld [tilespmem:s16+$0x40]  }
0x256: {  	v2 =	vld [tilespmem:s17+$0x40]  }
0x257: {  	v3 =	vld [tilespmem:s16+$0x50]  }
0x258: {  	v29 =	vld [tilespmem:s17+$0x50]  }
0x259: {  	v30 =	vld [tilespmem:s16+$0x60]  }
0x25a: {  	v31 =	vld [tilespmem:s17+$0x60]  }
0x25b: {  	v32 =	vld [tilespmem:s16+$0x70]  }
0x25c: {  	v33 =	vld [tilespmem:s17+$0x70]  }
0x25d: {  	v1 =	vmul.f32 v2, v1;
	v2 =	vmul.f32 v29, v3;
	_ =	sdelay $0x1  }
0x25e: {  	v1 =	vadd.f32 v2, v1;
	v2 =	vmul.f32 v31, v30;
	_ =	sdelay $0x1  }
0x25f: {  	v1 =	vadd.f32 v2, v1;
	v2 =	vmul.f32 v33, v32;
	_ =	sdelay $0x1  }
0x260: {  	v1 =	vadd.f32 v2, v1;
	_ =	sdelay $0x1  }
0x261: {  	s21 =	sadd.s32 $0xFFFFFFFA, s2;
	(xrf2) =	vadd.scan.msk.f32 $0xffff, v1  }
0x262: {  	v1 =	vmov s21  }
0x263: {  	v1 =	vshrl.u32 v1, $0x3  }
0x264: {  	v1 =	vshll.u32 v1, v0  }
0x265: {  	v1 =	vadd.s32 $0x1, v1  }
0x266: {  	v1 =	vbroadcast v1, $0x0;
	_ =	sdelay $0x4  }
0x267: {  	v2, _, _ =	vpop (xrf2)  }
0x268: {  	[tilespmem:v1+s19+$0x0] =	vst.idx.msk vm0, v2  }
0x269: {  	v1 =	vld [tilespmem:s16+$0x80]  }
0x26a: {  	v2 =	vld [tilespmem:s17+$0x80]  }
0x26b: {  	v3 =	vld [tilespmem:s16+$0x90]  }
0x26c: {  	v34 =	vld [tilespmem:s17+$0x90]  }
0x26d: {  	v35 =	vld [tilespmem:s16+$0xA0]  }
0x26e: {  	v36 =	vld [tilespmem:s17+$0xA0]  }
0x26f: {  	v37 =	vld [tilespmem:s16+$0xB0]  }
0x270: {  	v38 =	vld [tilespmem:s17+$0xB0]  }
0x271: {  	v1 =	vmul.f32 v2, v1;
	v2 =	vmul.f32 v34, v3;
	_ =	sdelay $0x1  }
0x272: {  	v1 =	vadd.f32 v2, v1;
	v2 =	vmul.f32 v36, v35;
	_ =	sdelay $0x1  }
0x273: {  	v1 =	vadd.f32 v2, v1;
	v2 =	vmul.f32 v38, v37;
	_ =	sdelay $0x1  }
0x274: {  	v1 =	vadd.f32 v2, v1;
	_ =	sdelay $0x1  }
0x275: {  	s21 =	sadd.s32 $0xFFFFFFFB, s2;
	(xrf2) =	vadd.scan.msk.f32 $0xffff, v1  }
0x276: {  	v1 =	vmov s21  }
0x277: {  	v1 =	vshrl.u32 v1, $0x3  }
0x278: {  	v1 =	vshll.u32 v1, v0  }
0x279: {  	v1 =	vadd.s32 $0x2, v1  }
0x27a: {  	v1 =	vbroadcast v1, $0x0;
	_ =	sdelay $0x4  }
0x27b: {  	v2, _, _ =	vpop (xrf2)  }
0x27c: {  	[tilespmem:v1+s19+$0x0] =	vst.idx.msk vm0, v2  }
0x27d: {  	v1 =	vld [tilespmem:s16+$0xC0]  }
0x27e: {  	v2 =	vld [tilespmem:s17+$0xC0]  }
0x27f: {  	v3 =	vld [tilespmem:s16+$0xD0]  }
0x280: {  	v39 =	vld [tilespmem:s17+$0xD0]  }
0x281: {  	v40 =	vld [tilespmem:s16+$0xE0]  }
0x282: {  	v41 =	vld [tilespmem:s17+$0xE0]  }
0x283: {  	v42 =	vld [tilespmem:s16+$0xF0]  }
0x284: {  	v43 =	vld [tilespmem:s17+$0xF0]  }
0x285: {  	v1 =	vmul.f32 v2, v1;
	v2 =	vmul.f32 v39, v3;
	_ =	sdelay $0x1  }
0x286: {  	v1 =	vadd.f32 v2, v1;
	v2 =	vmul.f32 v41, v40;
	_ =	sdelay $0x1  }
0x287: {  	v1 =	vadd.f32 v2, v1;
	v2 =	vmul.f32 v43, v42;
	_ =	sdelay $0x1  }
0x288: {  	v1 =	vadd.f32 v2, v1;
	_ =	sdelay $0x1  }
0x289: {  	s21 =	sadd.s32 $0xFFFFFFFC, s2;
	(xrf2) =	vadd.scan.msk.f32 $0xffff, v1  }
0x28a: {  	v1 =	vmov s21  }
0x28b: {  	v1 =	vshrl.u32 v1, $0x3  }
0x28c: {  	v1 =	vshll.u32 v1, v0  }
0x28d: {  	v1 =	vadd.s32 $0x3, v1  }
0x28e: {  	v1 =	vbroadcast v1, $0x0;
	_ =	sdelay $0x4  }
0x28f: {  	v2, _, _ =	vpop (xrf2)  }
0x290: {  	[tilespmem:v1+s19+$0x0] =	vst.idx.msk vm0, v2  }
0x291: {  	v1 =	vld [tilespmem:s16+$0x100]  }
0x292: {  	v2 =	vld [tilespmem:s17+$0x100]  }
0x293: {  	v3 =	vld [tilespmem:s16+$0x110]  }
0x294: {  	v44 =	vld [tilespmem:s17+$0x110]  }
0x295: {  	v45 =	vld [tilespmem:s16+$0x120]  }
0x296: {  	v46 =	vld [tilespmem:s17+$0x120]  }
0x297: {  	v47 =	vld [tilespmem:s16+$0x130]  }
0x298: {  	v48 =	vld [tilespmem:s17+$0x130]  }
0x299: {  	v1 =	vmul.f32 v2, v1;
	v2 =	vmul.f32 v44, v3;
	_ =	sdelay $0x1  }
0x29a: {  	v1 =	vadd.f32 v2, v1;
	v2 =	vmul.f32 v46, v45;
	_ =	sdelay $0x1  }
0x29b: {  	v1 =	vadd.f32 v2, v1;
	v2 =	vmul.f32 v48, v47;
	_ =	sdelay $0x1  }
0x29c: {  	v1 =	vadd.f32 v2, v1;
	_ =	sdelay $0x1  }
0x29d: {  	s21 =	sadd.s32 $0xFFFFFFFD, s2;
	(xrf2) =	vadd.scan.msk.f32 $0xffff, v1  }
0x29e: {  	v1 =	vmov s21  }
0x29f: {  	v1 =	vshrl.u32 v1, $0x3  }
0x2a0: {  	v1 =	vshll.u32 v1, v0  }
0x2a1: {  	v1 =	vadd.s32 $0x4, v1  }
0x2a2: {  	v1 =	vbroadcast v1, $0x0;
	_ =	sdelay $0x4  }
0x2a3: {  	v2, _, _ =	vpop (xrf2)  }
0x2a4: {  	[tilespmem:v1+s19+$0x0] =	vst.idx.msk vm0, v2  }
0x2a5: {  	v1 =	vld [tilespmem:s16+$0x140]  }
0x2a6: {  	v2 =	vld [tilespmem:s17+$0x140]  }
0x2a7: {  	v3 =	vld [tilespmem:s16+$0x150]  }
0x2a8: {  	v49 =	vld [tilespmem:s17+$0x150]  }
0x2a9: {  	v50 =	vld [tilespmem:s16+$0x160]  }
0x2aa: {  	v51 =	vld [tilespmem:s17+$0x160]  }
0x2ab: {  	v52 =	vld [tilespmem:s16+$0x170]  }
0x2ac: {  	v53 =	vld [tilespmem:s17+$0x170]  }
0x2ad: {  	v1 =	vmul.f32 v2, v1;
	v2 =	vmul.f32 v49, v3;
	_ =	sdelay $0x1  }
0x2ae: {  	v1 =	vadd.f32 v2, v1;
	v2 =	vmul.f32 v51, v50;
	_ =	sdelay $0x1  }
0x2af: {  	v1 =	vadd.f32 v2, v1;
	v2 =	vmul.f32 v53, v52;
	_ =	sdelay $0x1  }
0x2b0: {  	v1 =	vadd.f32 v2, v1;
	_ =	sdelay $0x1  }
0x2b1: {  	s21 =	sadd.s32 $0xFFFFFFFE, s2;
	(xrf2) =	vadd.scan.msk.f32 $0xffff, v1  }
0x2b2: {  	v1 =	vmov s21  }
0x2b3: {  	v1 =	vshrl.u32 v1, $0x3  }
0x2b4: {  	v1 =	vshll.u32 v1, v0  }
0x2b5: {  	v1 =	vadd.s32 $0x5, v1  }
0x2b6: {  	v1 =	vbroadcast v1, $0x0;
	_ =	sdelay $0x4  }
0x2b7: {  	v2, _, _ =	vpop (xrf2)  }
0x2b8: {  	[tilespmem:v1+s19+$0x0] =	vst.idx.msk vm0, v2  }
0x2b9: {  	v1 =	vld [tilespmem:s16+$0x180]  }
0x2ba: {  	v2 =	vld [tilespmem:s17+$0x180]  }
0x2bb: {  	v3 =	vld [tilespmem:s16+$0x190]  }
0x2bc: {  	v54 =	vld [tilespmem:s17+$0x190]  }
0x2bd: {  	v55 =	vld [tilespmem:s16+$0x1A0]  }
0x2be: {  	v56 =	vld [tilespmem:s17+$0x1A0]  }
0x2bf: {  	v57 =	vld [tilespmem:s16+$0x1B0]  }
0x2c0: {  	v58 =	vld [tilespmem:s17+$0x1B0]  }
0x2c1: {  	v1 =	vmul.f32 v2, v1;
	v2 =	vmul.f32 v54, v3;
	_ =	sdelay $0x1  }
0x2c2: {  	v1 =	vadd.f32 v2, v1;
	v2 =	vmul.f32 v56, v55;
	_ =	sdelay $0x1  }
0x2c3: {  	v1 =	vadd.f32 v2, v1;
	v2 =	vmul.f32 v58, v57;
	_ =	sdelay $0x1  }
0x2c4: {  	v1 =	vadd.f32 v2, v1;
	_ =	sdelay $0x1  }
0x2c5: {  	s21 =	sadd.s32 $0xFFFFFFFF, s2;
	(xrf2) =	vadd.scan.msk.f32 $0xffff, v1  }
0x2c6: {  	v1 =	vmov s21  }
0x2c7: {  	v1 =	vshrl.u32 v1, $0x3  }
0x2c8: {  	v1 =	vshll.u32 v1, v0  }
0x2c9: {  	v1 =	vadd.s32 $0x6, v1  }
0x2ca: {  	v1 =	vbroadcast v1, $0x0;
	_ =	sdelay $0x4  }
0x2cb: {  	v2, _, _ =	vpop (xrf2)  }
0x2cc: {  	[tilespmem:v1+s19+$0x0] =	vst.idx.msk vm0, v2  }
0x2cd: {  	v1 =	vld [tilespmem:s16+$0x1C0]  }
0x2ce: {  	v2 =	vld [tilespmem:s17+$0x1C0]  }
0x2cf: {  	v3 =	vld [tilespmem:s16+$0x1D0]  }
0x2d0: {  	v59 =	vld [tilespmem:s17+$0x1D0]  }
0x2d1: {  	v60 =	vld [tilespmem:s16+$0x1E0]  }
0x2d2: {  	v61 =	vld [tilespmem:s17+$0x1E0]  }
0x2d3: {  	v62 =	vld [tilespmem:s16+$0x1F0]  }
0x2d4: {  	v63 =	vld [tilespmem:s17+$0x1F0]  }
0x2d5: {  	v1 =	vmul.f32 v2, v1;
	v2 =	vmul.f32 v59, v3;
	_ =	sdelay $0x1  }
0x2d6: {  	v1 =	vadd.f32 v2, v1;
	v2 =	vmul.f32 v61, v60;
	_ =	sdelay $0x1  }
0x2d7: {  	v1 =	vadd.f32 v2, v1;
	v2 =	vmul.f32 v63, v62;
	_ =	sdelay $0x1  }
0x2d8: {  	v1 =	vadd.f32 v2, v1;
	_ =	sdelay $0x1  }
0x2d9: {  	(xrf2) =	vadd.scan.msk.f32 $0xffff, v1  }
0x2da: {  	v1 =	vmov s2  }
0x2db: {  	v1 =	vshrl.u32 v1, $0x3  }
0x2dc: {  	v1 =	vshll.u32 v1, v0  }
0x2dd: {  	v1 =	vadd.s32 $0x7, v1  }
0x2de: {  	v1 =	vbroadcast v1, $0x0  }
0x2df: {  	p0 =	sne.s32 s2, $0xFF  }
.Ltmp1:
0x2e0: {  	_ = 	snop;
	(pc) =	sbr.rel @p0 .LBB2_4-.Ltmp1, $3  }
0x2e1: {  	_ =	sdelay $0x1  }
0x2e2: {  	v2, _, _ =	vpop (xrf2)  }
0x2e3: {  	s16 =	sadd.s32 $0x400, s16;
	s17 =	sadd.s32 $0x400, s17;
	s2 =	sadd.s32 $0x10, s2;
	[tilespmem:v1+s19+$0x0] =	vst.idx.msk vm0, v2  }
0x2e4: {  	v1 =	vld [tilespmem:$0x4880]  }
0x2e5: {  	v2 =	vld [tilespmem:$0x4480]  }
0x2e6: {  	v3 =	vld [tilespmem:$0x4680]  }
0x2e7: {  	v4 =	vld [tilespmem:$0x4890]  }
0x2e8: {  	v5 =	vld [tilespmem:$0x4490]  }
0x2e9: {  	v6 =	vld [tilespmem:$0x4690]  }
0x2ea: {  	v7 =	vld [tilespmem:$0x48A0]  }
0x2eb: {  	v8 =	vld [tilespmem:$0x44A0]  }
0x2ec: {  	v9 =	vld [tilespmem:$0x46A0]  }
0x2ed: {  	v10 =	vld [tilespmem:$0x48B0]  }
0x2ee: {  	v11 =	vld [tilespmem:$0x44B0]  }
0x2ef: {  	v12 =	vld [tilespmem:$0x46B0]  }
0x2f0: {  	v13 =	vld [tilespmem:$0x48C0]  }
0x2f1: {  	v14 =	vld [tilespmem:$0x44C0]  }
0x2f2: {  	v15 =	vld [tilespmem:$0x46C0]  }
0x2f3: {  	v16 =	vld [tilespmem:$0x48D0]  }
0x2f4: {  	v17 =	vld [tilespmem:$0x44D0]  }
0x2f5: {  	v18 =	vld [tilespmem:$0x46D0]  }
0x2f6: {  	v19 =	vld [tilespmem:$0x48E0]  }
0x2f7: {  	v56 =	vld [tilespmem:$0x48F0];
	v1 =	vadd.f32 v2, v1  }
0x2f8: {  	v2 =	vld [tilespmem:$0x44E0];
	v4 =	vadd.f32 v5, v4  }
0x2f9: {  	v57 =	vld [tilespmem:$0x44F0];
	v1 =	vadd.f32 v3, v1;
	v3 =	vadd.f32 v8, v7  }
0x2fa: {  	v59 =	vld [tilespmem:$0x46E0];
	v58 =	vadd.f32 v11, v10;
	v4 =	vadd.f32 v6, v4  }
0x2fb: {  	v60 =	vld [tilespmem:$0x46F0];
	[tilespmem:$0x4880] =	vst v1;
	v1 =	vadd.f32 v9, v3;
	v3 =	vadd.f32 v14, v13  }
0x2fc: {  	v62 =	vadd.f32 v17, v16;
	v61 =	vadd.f32 v12, v58;
	[tilespmem:$0x4890] =	vst v4  }
0x2fd: {  	v2 =	vadd.f32 v2, v19;
	[tilespmem:$0x48A0] =	vst v1;
	v1 =	vadd.f32 v15, v3  }
0x2fe: {  	v63 =	vadd.f32 v57, v56;
	[tilespmem:$0x48B0] =	vst v61;
	v3 =	vadd.f32 v18, v62  }
0x2ff: {  	[tilespmem:$0x48C0] =	vst v1;
	v1 =	vadd.f32 v59, v2  }
0x300: {  	[tilespmem:$0x48D0] =	vst v3;
	v2 =	vadd.f32 v60, v63  }
0x301: {  	[tilespmem:$0x48E0] =	vst v1  }
0x302: {  	[tilespmem:$0x48F0] =	vst v2  }
0x303: {  	[tilespmem:s14], [sflag:$0x1] =	stream.indirect.gather [hbm4b:s3+s13], $0x40, s23, s13, $0xb8;
	[tilespmem:$0x4A00] =	vst v63  }
0x304: {  	_ = 	snop  }
0x305: {  	[tilespmem:s15], [sflag:$0x1] =	stream.indirect.gather [hbm4b:s4+s13], $0x40, s24, s13, $0xb8;
	[tilespmem:$0x4A00] =	vst v63  }
0x306: {  	_ = 	snop  }
0x307: {  	[tilespmem:s25], [sflag:$0x1] =	stream.indirect.gather [hbm4b:s5+s13], $0x1, s23, s13, $0xb8;
	[tilespmem:$0x4A00] =	vst v63  }
0x308: {  	_ = 	snop  }
0x309: {  	[tilespmem:s26], [sflag:$0x1] =	stream.indirect.gather [hbm4b:s6+s13], $0x1, s24, s13, $0xb8;
	[tilespmem:$0x4A00] =	vst v63  }
0x30a: {  	_ =	swait.ge [sflag:s18], $0x2000  }
0x30b: {  	[sflag:s18] =	ssyncset.done $0x0  }
0x30c: {  	[sflag:s18] =	ssyncadd.s32 $0xFFFFE000  }
0x30d: {  	_ =	swait.ge [sflag:s18], $0x2000  }
0x30e: {  	[sflag:s18] =	ssyncset.done $0x0  }
0x30f: {  	[sflag:s18] =	ssyncadd.s32 $0xFFFFE000  }
0x310: {  	_ =	swait.ge [sflag:s18], $0x80  }
0x311: {  	[sflag:s18] =	ssyncset.done $0x0  }
0x312: {  	[sflag:s18] =	ssyncadd.s32 $0xFFFFFF80  }
0x313: {  	_ =	swait.ge [sflag:s18], $0x80  }
0x314: {  	s2 =	simm.s32 $0x10F;
	[sflag:s18] =	ssyncset.done $0x0  }
0x315: {  	s16 =	simm.s32 $0x600;
	s17 =	simm.s32 $0x2600;
	[sflag:s18] =	ssyncadd.s32 $0xFFFFFF80  }
.LBB2_6:
0x316: {  	v1 =	vld [tilespmem:s16+$0xFFFFFE00]  }
0x317: {  	v2 =	vld [tilespmem:s17+$0xFFFFFE00]  }
0x318: {  	v3 =	vld [tilespmem:s16+$0xFFFFFE10]  }
0x319: {  	v4 =	vld [tilespmem:s17+$0xFFFFFE10]  }
0x31a: {  	v5 =	vld [tilespmem:s16+$0xFFFFFE20]  }
0x31b: {  	v6 =	vld [tilespmem:s17+$0xFFFFFE20]  }
0x31c: {  	v7 =	vld [tilespmem:s16+$0xFFFFFE30]  }
0x31d: {  	v8 =	vld [tilespmem:s17+$0xFFFFFE30]  }
0x31e: {  	v1 =	vmul.f32 v2, v1;
	v2 =	vmul.f32 v4, v3;
	_ =	sdelay $0x1  }
0x31f: {  	v1 =	vadd.f32 v2, v1;
	v2 =	vmul.f32 v6, v5;
	_ =	sdelay $0x1  }
0x320: {  	v1 =	vadd.f32 v2, v1;
	v2 =	vmul.f32 v8, v7;
	_ =	sdelay $0x1  }
0x321: {  	v1 =	vadd.f32 v2, v1;
	_ =	sdelay $0x1  }
0x322: {  	(xrf2) =	vadd.scan.msk.f32 $0xffff, v1  }
0x323: {  	s21 =	sadd.s32 $0xFFFFFFF1, s2  }
0x324: {  	v1 =	vmov s21  }
0x325: {  	v1 =	vshrl.u32 v1, $0x3  }
0x326: {  	v1 =	vshll.u32 v1, v0  }
0x327: {  	v1 =	vbroadcast v1, $0x0;
	_ =	sdelay $0x4  }
0x328: {  	v2, _, _ =	vpop (xrf2)  }
0x329: {  	[tilespmem:v1+s19+$0x0] =	vst.idx.msk vm0, v2  }
0x32a: {  	v1 =	vld [tilespmem:s16+$0xFFFFFE40]  }
0x32b: {  	v2 =	vld [tilespmem:s17+$0xFFFFFE40]  }
0x32c: {  	v3 =	vld [tilespmem:s16+$0xFFFFFE50]  }
0x32d: {  	v41 =	vld [tilespmem:s17+$0xFFFFFE50]  }
0x32e: {  	v42 =	vld [tilespmem:s16+$0xFFFFFE60]  }
0x32f: {  	v43 =	vld [tilespmem:s17+$0xFFFFFE60]  }
0x330: {  	v44 =	vld [tilespmem:s16+$0xFFFFFE70]  }
0x331: {  	v45 =	vld [tilespmem:s17+$0xFFFFFE70]  }
0x332: {  	v1 =	vmul.f32 v2, v1;
	v2 =	vmul.f32 v41, v3;
	_ =	sdelay $0x1  }
0x333: {  	v1 =	vadd.f32 v2, v1;
	v2 =	vmul.f32 v43, v42;
	_ =	sdelay $0x1  }
0x334: {  	v1 =	vadd.f32 v2, v1;
	v2 =	vmul.f32 v45, v44;
	_ =	sdelay $0x1  }
0x335: {  	v1 =	vadd.f32 v2, v1;
	_ =	sdelay $0x1  }
0x336: {  	s21 =	sadd.s32 $0xFFFFFFF2, s2;
	(xrf2) =	vadd.scan.msk.f32 $0xffff, v1  }
0x337: {  	v1 =	vmov s21  }
0x338: {  	v1 =	vshrl.u32 v1, $0x3  }
0x339: {  	v1 =	vshll.u32 v1, v0  }
0x33a: {  	v1 =	vadd.s32 $0x1, v1  }
0x33b: {  	v1 =	vbroadcast v1, $0x0;
	_ =	sdelay $0x4  }
0x33c: {  	v2, _, _ =	vpop (xrf2)  }
0x33d: {  	[tilespmem:v1+s19+$0x0] =	vst.idx.msk vm0, v2  }
0x33e: {  	v1 =	vld [tilespmem:s16+$0xFFFFFE80]  }
0x33f: {  	v2 =	vld [tilespmem:s17+$0xFFFFFE80]  }
0x340: {  	v3 =	vld [tilespmem:s16+$0xFFFFFE90]  }
0x341: {  	v46 =	vld [tilespmem:s17+$0xFFFFFE90]  }
0x342: {  	v47 =	vld [tilespmem:s16+$0xFFFFFEA0]  }
0x343: {  	v48 =	vld [tilespmem:s17+$0xFFFFFEA0]  }
0x344: {  	v49 =	vld [tilespmem:s16+$0xFFFFFEB0]  }
0x345: {  	v50 =	vld [tilespmem:s17+$0xFFFFFEB0]  }
0x346: {  	v1 =	vmul.f32 v2, v1;
	v2 =	vmul.f32 v46, v3;
	_ =	sdelay $0x1  }
0x347: {  	v1 =	vadd.f32 v2, v1;
	v2 =	vmul.f32 v48, v47;
	_ =	sdelay $0x1  }
0x348: {  	v1 =	vadd.f32 v2, v1;
	v2 =	vmul.f32 v50, v49;
	_ =	sdelay $0x1  }
0x349: {  	v1 =	vadd.f32 v2, v1;
	_ =	sdelay $0x1  }
0x34a: {  	s21 =	sadd.s32 $0xFFFFFFF3, s2;
	(xrf2) =	vadd.scan.msk.f32 $0xffff, v1  }
0x34b: {  	v1 =	vmov s21  }
0x34c: {  	v1 =	vshrl.u32 v1, $0x3  }
0x34d: {  	v1 =	vshll.u32 v1, v0  }
0x34e: {  	v1 =	vadd.s32 $0x2, v1  }
0x34f: {  	v1 =	vbroadcast v1, $0x0;
	_ =	sdelay $0x4  }
0x350: {  	v2, _, _ =	vpop (xrf2)  }
0x351: {  	[tilespmem:v1+s19+$0x0] =	vst.idx.msk vm0, v2  }
0x352: {  	v1 =	vld [tilespmem:s16+$0xFFFFFEC0]  }
0x353: {  	v2 =	vld [tilespmem:s17+$0xFFFFFEC0]  }
0x354: {  	v3 =	vld [tilespmem:s16+$0xFFFFFED0]  }
0x355: {  	v51 =	vld [tilespmem:s17+$0xFFFFFED0]  }
0x356: {  	v52 =	vld [tilespmem:s16+$0xFFFFFEE0]  }
0x357: {  	v53 =	vld [tilespmem:s17+$0xFFFFFEE0]  }
0x358: {  	v54 =	vld [tilespmem:s16+$0xFFFFFEF0]  }
0x359: {  	v55 =	vld [tilespmem:s17+$0xFFFFFEF0]  }
0x35a: {  	v1 =	vmul.f32 v2, v1;
	v2 =	vmul.f32 v51, v3;
	_ =	sdelay $0x1  }
0x35b: {  	v1 =	vadd.f32 v2, v1;
	v2 =	vmul.f32 v53, v52;
	_ =	sdelay $0x1  }
0x35c: {  	v1 =	vadd.f32 v2, v1;
	v2 =	vmul.f32 v55, v54;
	_ =	sdelay $0x1  }
0x35d: {  	v1 =	vadd.f32 v2, v1;
	_ =	sdelay $0x1  }
0x35e: {  	s21 =	sadd.s32 $0xFFFFFFF4, s2;
	(xrf2) =	vadd.scan.msk.f32 $0xffff, v1  }
0x35f: {  	v1 =	vmov s21  }
0x360: {  	v1 =	vshrl.u32 v1, $0x3  }
0x361: {  	v1 =	vshll.u32 v1, v0  }
0x362: {  	v1 =	vadd.s32 $0x3, v1  }
0x363: {  	v1 =	vbroadcast v1, $0x0;
	_ =	sdelay $0x4  }
0x364: {  	v2, _, _ =	vpop (xrf2)  }
0x365: {  	[tilespmem:v1+s19+$0x0] =	vst.idx.msk vm0, v2  }
0x366: {  	v1 =	vld [tilespmem:s16+$0xFFFFFF00]  }
0x367: {  	v2 =	vld [tilespmem:s17+$0xFFFFFF00]  }
0x368: {  	v3 =	vld [tilespmem:s16+$0xFFFFFF10]  }
0x369: {  	v56 =	vld [tilespmem:s17+$0xFFFFFF10]  }
0x36a: {  	v57 =	vld [tilespmem:s16+$0xFFFFFF20]  }
0x36b: {  	v58 =	vld [tilespmem:s17+$0xFFFFFF20]  }
0x36c: {  	v59 =	vld [tilespmem:s16+$0xFFFFFF30]  }
0x36d: {  	v60 =	vld [tilespmem:s17+$0xFFFFFF30]  }
0x36e: {  	v1 =	vmul.f32 v2, v1;
	v2 =	vmul.f32 v56, v3;
	_ =	sdelay $0x1  }
0x36f: {  	v1 =	vadd.f32 v2, v1;
	v2 =	vmul.f32 v58, v57;
	_ =	sdelay $0x1  }
0x370: {  	v1 =	vadd.f32 v2, v1;
	v2 =	vmul.f32 v60, v59;
	_ =	sdelay $0x1  }
0x371: {  	v1 =	vadd.f32 v2, v1;
	_ =	sdelay $0x1  }
0x372: {  	s21 =	sadd.s32 $0xFFFFFFF5, s2;
	(xrf2) =	vadd.scan.msk.f32 $0xffff, v1  }
0x373: {  	v1 =	vmov s21  }
0x374: {  	v1 =	vshrl.u32 v1, $0x3  }
0x375: {  	v1 =	vshll.u32 v1, v0  }
0x376: {  	v1 =	vadd.s32 $0x4, v1  }
0x377: {  	v1 =	vbroadcast v1, $0x0;
	_ =	sdelay $0x4  }
0x378: {  	v2, _, _ =	vpop (xrf2)  }
0x379: {  	[tilespmem:v1+s19+$0x0] =	vst.idx.msk vm0, v2  }
0x37a: {  	v1 =	vld [tilespmem:s16+$0xFFFFFF40]  }
0x37b: {  	v2 =	vld [tilespmem:s17+$0xFFFFFF40]  }
0x37c: {  	v3 =	vld [tilespmem:s16+$0xFFFFFF50]  }
0x37d: {  	v61 =	vld [tilespmem:s17+$0xFFFFFF50]  }
0x37e: {  	v62 =	vld [tilespmem:s16+$0xFFFFFF60]  }
0x37f: {  	v63 =	vld [tilespmem:s17+$0xFFFFFF60]  }
0x380: {  	v12 =	vld [tilespmem:s16+$0xFFFFFF70]  }
0x381: {  	v13 =	vld [tilespmem:s17+$0xFFFFFF70]  }
0x382: {  	v1 =	vmul.f32 v2, v1;
	v2 =	vmul.f32 v61, v3;
	_ =	sdelay $0x1  }
0x383: {  	v1 =	vadd.f32 v2, v1;
	v2 =	vmul.f32 v63, v62;
	_ =	sdelay $0x1  }
0x384: {  	v1 =	vadd.f32 v2, v1;
	v2 =	vmul.f32 v13, v12;
	_ =	sdelay $0x1  }
0x385: {  	v1 =	vadd.f32 v2, v1;
	_ =	sdelay $0x1  }
0x386: {  	s21 =	sadd.s32 $0xFFFFFFF6, s2;
	(xrf2) =	vadd.scan.msk.f32 $0xffff, v1  }
0x387: {  	v1 =	vmov s21  }
0x388: {  	v1 =	vshrl.u32 v1, $0x3  }
0x389: {  	v1 =	vshll.u32 v1, v0  }
0x38a: {  	v1 =	vadd.s32 $0x5, v1  }
0x38b: {  	v1 =	vbroadcast v1, $0x0;
	_ =	sdelay $0x4  }
0x38c: {  	v2, _, _ =	vpop (xrf2)  }
0x38d: {  	[tilespmem:v1+s19+$0x0] =	vst.idx.msk vm0, v2  }
0x38e: {  	v1 =	vld [tilespmem:s16+$0xFFFFFF80]  }
0x38f: {  	v2 =	vld [tilespmem:s17+$0xFFFFFF80]  }
0x390: {  	v3 =	vld [tilespmem:s16+$0xFFFFFF90]  }
0x391: {  	v14 =	vld [tilespmem:s17+$0xFFFFFF90]  }
0x392: {  	v15 =	vld [tilespmem:s16+$0xFFFFFFA0]  }
0x393: {  	v16 =	vld [tilespmem:s17+$0xFFFFFFA0]  }
0x394: {  	v17 =	vld [tilespmem:s16+$0xFFFFFFB0]  }
0x395: {  	v18 =	vld [tilespmem:s17+$0xFFFFFFB0]  }
0x396: {  	v1 =	vmul.f32 v2, v1;
	v2 =	vmul.f32 v14, v3;
	_ =	sdelay $0x1  }
0x397: {  	v1 =	vadd.f32 v2, v1;
	v2 =	vmul.f32 v16, v15;
	_ =	sdelay $0x1  }
0x398: {  	v1 =	vadd.f32 v2, v1;
	v2 =	vmul.f32 v18, v17;
	_ =	sdelay $0x1  }
0x399: {  	v1 =	vadd.f32 v2, v1;
	_ =	sdelay $0x1  }
0x39a: {  	s21 =	sadd.s32 $0xFFFFFFF7, s2;
	(xrf2) =	vadd.scan.msk.f32 $0xffff, v1  }
0x39b: {  	v1 =	vmov s21  }
0x39c: {  	v1 =	vshrl.u32 v1, $0x3  }
0x39d: {  	v1 =	vshll.u32 v1, v0  }
0x39e: {  	v1 =	vadd.s32 $0x6, v1  }
0x39f: {  	v1 =	vbroadcast v1, $0x0;
	_ =	sdelay $0x4  }
0x3a0: {  	v2, _, _ =	vpop (xrf2)  }
0x3a1: {  	[tilespmem:v1+s19+$0x0] =	vst.idx.msk vm0, v2  }
0x3a2: {  	v1 =	vld [tilespmem:s16+$0xFFFFFFC0]  }
0x3a3: {  	v2 =	vld [tilespmem:s17+$0xFFFFFFC0]  }
0x3a4: {  	v3 =	vld [tilespmem:s16+$0xFFFFFFD0]  }
0x3a5: {  	v19 =	vld [tilespmem:s17+$0xFFFFFFD0]  }
0x3a6: {  	v20 =	vld [tilespmem:s16+$0xFFFFFFE0]  }
0x3a7: {  	v21 =	vld [tilespmem:s17+$0xFFFFFFE0]  }
0x3a8: {  	v22 =	vld [tilespmem:s16+$0xFFFFFFF0]  }
0x3a9: {  	v23 =	vld [tilespmem:s17+$0xFFFFFFF0]  }
0x3aa: {  	v1 =	vmul.f32 v2, v1;
	v2 =	vmul.f32 v19, v3;
	_ =	sdelay $0x1  }
0x3ab: {  	v1 =	vadd.f32 v2, v1;
	v2 =	vmul.f32 v21, v20;
	_ =	sdelay $0x1  }
0x3ac: {  	v1 =	vadd.f32 v2, v1;
	v2 =	vmul.f32 v23, v22;
	_ =	sdelay $0x1  }
0x3ad: {  	v1 =	vadd.f32 v2, v1;
	_ =	sdelay $0x1  }
0x3ae: {  	s21 =	sadd.s32 $0xFFFFFFF8, s2;
	(xrf2) =	vadd.scan.msk.f32 $0xffff, v1  }
0x3af: {  	v1 =	vmov s21  }
0x3b0: {  	v1 =	vshrl.u32 v1, $0x3  }
0x3b1: {  	v1 =	vshll.u32 v1, v0  }
0x3b2: {  	v1 =	vadd.s32 $0x7, v1  }
0x3b3: {  	v1 =	vbroadcast v1, $0x0;
	_ =	sdelay $0x4  }
0x3b4: {  	v2, _, _ =	vpop (xrf2)  }
0x3b5: {  	[tilespmem:v1+s19+$0x0] =	vst.idx.msk vm0, v2  }
0x3b6: {  	v1 =	vld [tilespmem:s16+$0x0]  }
0x3b7: {  	v2 =	vld [tilespmem:s17+$0x0]  }
0x3b8: {  	v3 =	vld [tilespmem:s16+$0x10]  }
0x3b9: {  	v24 =	vld [tilespmem:s17+$0x10]  }
0x3ba: {  	v25 =	vld [tilespmem:s16+$0x20]  }
0x3bb: {  	v26 =	vld [tilespmem:s17+$0x20]  }
0x3bc: {  	v27 =	vld [tilespmem:s16+$0x30]  }
0x3bd: {  	v28 =	vld [tilespmem:s17+$0x30]  }
0x3be: {  	v1 =	vmul.f32 v2, v1;
	v2 =	vmul.f32 v24, v3;
	_ =	sdelay $0x1  }
0x3bf: {  	v1 =	vadd.f32 v2, v1;
	v2 =	vmul.f32 v26, v25;
	_ =	sdelay $0x1  }
0x3c0: {  	v1 =	vadd.f32 v2, v1;
	v2 =	vmul.f32 v28, v27;
	_ =	sdelay $0x1  }
0x3c1: {  	v1 =	vadd.f32 v2, v1;
	_ =	sdelay $0x1  }
0x3c2: {  	(xrf2) =	vadd.scan.msk.f32 $0xffff, v1  }
0x3c3: {  	s21 =	sadd.s32 $0xFFFFFFF9, s2  }
0x3c4: {  	v1 =	vmov s21  }
0x3c5: {  	v1 =	vshrl.u32 v1, $0x3  }
0x3c6: {  	v1 =	vshll.u32 v1, v0  }
0x3c7: {  	v1 =	vbroadcast v1, $0x0;
	_ =	sdelay $0x4  }
0x3c8: {  	v2, _, _ =	vpop (xrf2)  }
0x3c9: {  	[tilespmem:v1+s19+$0x0] =	vst.idx.msk vm0, v2  }
0x3ca: {  	v1 =	vld [tilespmem:s16+$0x40]  }
0x3cb: {  	v2 =	vld [tilespmem:s17+$0x40]  }
0x3cc: {  	v3 =	vld [tilespmem:s16+$0x50]  }
0x3cd: {  	v29 =	vld [tilespmem:s17+$0x50]  }
0x3ce: {  	v30 =	vld [tilespmem:s16+$0x60]  }
0x3cf: {  	v31 =	vld [tilespmem:s17+$0x60]  }
0x3d0: {  	v32 =	vld [tilespmem:s16+$0x70]  }
0x3d1: {  	v33 =	vld [tilespmem:s17+$0x70]  }
0x3d2: {  	v1 =	vmul.f32 v2, v1;
	v2 =	vmul.f32 v29, v3;
	_ =	sdelay $0x1  }
0x3d3: {  	v1 =	vadd.f32 v2, v1;
	v2 =	vmul.f32 v31, v30;
	_ =	sdelay $0x1  }
0x3d4: {  	v1 =	vadd.f32 v2, v1;
	v2 =	vmul.f32 v33, v32;
	_ =	sdelay $0x1  }
0x3d5: {  	v1 =	vadd.f32 v2, v1;
	_ =	sdelay $0x1  }
0x3d6: {  	s21 =	sadd.s32 $0xFFFFFFFA, s2;
	(xrf2) =	vadd.scan.msk.f32 $0xffff, v1  }
0x3d7: {  	v1 =	vmov s21  }
0x3d8: {  	v1 =	vshrl.u32 v1, $0x3  }
0x3d9: {  	v1 =	vshll.u32 v1, v0  }
0x3da: {  	v1 =	vadd.s32 $0x1, v1  }
0x3db: {  	v1 =	vbroadcast v1, $0x0;
	_ =	sdelay $0x4  }
0x3dc: {  	v2, _, _ =	vpop (xrf2)  }
0x3dd: {  	[tilespmem:v1+s19+$0x0] =	vst.idx.msk vm0, v2  }
0x3de: {  	v1 =	vld [tilespmem:s16+$0x80]  }
0x3df: {  	v2 =	vld [tilespmem:s17+$0x80]  }
0x3e0: {  	v3 =	vld [tilespmem:s16+$0x90]  }
0x3e1: {  	v34 =	vld [tilespmem:s17+$0x90]  }
0x3e2: {  	v35 =	vld [tilespmem:s16+$0xA0]  }
0x3e3: {  	v36 =	vld [tilespmem:s17+$0xA0]  }
0x3e4: {  	v37 =	vld [tilespmem:s16+$0xB0]  }
0x3e5: {  	v38 =	vld [tilespmem:s17+$0xB0]  }
0x3e6: {  	v1 =	vmul.f32 v2, v1;
	v2 =	vmul.f32 v34, v3;
	_ =	sdelay $0x1  }
0x3e7: {  	v1 =	vadd.f32 v2, v1;
	v2 =	vmul.f32 v36, v35;
	_ =	sdelay $0x1  }
0x3e8: {  	v1 =	vadd.f32 v2, v1;
	v2 =	vmul.f32 v38, v37;
	_ =	sdelay $0x1  }
0x3e9: {  	v1 =	vadd.f32 v2, v1;
	_ =	sdelay $0x1  }
0x3ea: {  	s21 =	sadd.s32 $0xFFFFFFFB, s2;
	(xrf2) =	vadd.scan.msk.f32 $0xffff, v1  }
0x3eb: {  	v1 =	vmov s21  }
0x3ec: {  	v1 =	vshrl.u32 v1, $0x3  }
0x3ed: {  	v1 =	vshll.u32 v1, v0  }
0x3ee: {  	v1 =	vadd.s32 $0x2, v1  }
0x3ef: {  	v1 =	vbroadcast v1, $0x0;
	_ =	sdelay $0x4  }
0x3f0: {  	v2, _, _ =	vpop (xrf2)  }
0x3f1: {  	[tilespmem:v1+s19+$0x0] =	vst.idx.msk vm0, v2  }
0x3f2: {  	v1 =	vld [tilespmem:s16+$0xC0]  }
0x3f3: {  	v2 =	vld [tilespmem:s17+$0xC0]  }
0x3f4: {  	v3 =	vld [tilespmem:s16+$0xD0]  }
0x3f5: {  	v39 =	vld [tilespmem:s17+$0xD0]  }
0x3f6: {  	v40 =	vld [tilespmem:s16+$0xE0]  }
0x3f7: {  	v41 =	vld [tilespmem:s17+$0xE0]  }
0x3f8: {  	v42 =	vld [tilespmem:s16+$0xF0]  }
0x3f9: {  	v43 =	vld [tilespmem:s17+$0xF0]  }
0x3fa: {  	v1 =	vmul.f32 v2, v1;
	v2 =	vmul.f32 v39, v3;
	_ =	sdelay $0x1  }
0x3fb: {  	v1 =	vadd.f32 v2, v1;
	v2 =	vmul.f32 v41, v40;
	_ =	sdelay $0x1  }
0x3fc: {  	v1 =	vadd.f32 v2, v1;
	v2 =	vmul.f32 v43, v42;
	_ =	sdelay $0x1  }
0x3fd: {  	v1 =	vadd.f32 v2, v1;
	_ =	sdelay $0x1  }
0x3fe: {  	s21 =	sadd.s32 $0xFFFFFFFC, s2;
	(xrf2) =	vadd.scan.msk.f32 $0xffff, v1  }
0x3ff: {  	v1 =	vmov s21  }
0x400: {  	v1 =	vshrl.u32 v1, $0x3  }
0x401: {  	v1 =	vshll.u32 v1, v0  }
0x402: {  	v1 =	vadd.s32 $0x3, v1  }
0x403: {  	v1 =	vbroadcast v1, $0x0;
	_ =	sdelay $0x4  }
0x404: {  	v2, _, _ =	vpop (xrf2)  }
0x405: {  	[tilespmem:v1+s19+$0x0] =	vst.idx.msk vm0, v2  }
0x406: {  	v1 =	vld [tilespmem:s16+$0x100]  }
0x407: {  	v2 =	vld [tilespmem:s17+$0x100]  }
0x408: {  	v3 =	vld [tilespmem:s16+$0x110]  }
0x409: {  	v44 =	vld [tilespmem:s17+$0x110]  }
0x40a: {  	v45 =	vld [tilespmem:s16+$0x120]  }
0x40b: {  	v46 =	vld [tilespmem:s17+$0x120]  }
0x40c: {  	v47 =	vld [tilespmem:s16+$0x130]  }
0x40d: {  	v48 =	vld [tilespmem:s17+$0x130]  }
0x40e: {  	v1 =	vmul.f32 v2, v1;
	v2 =	vmul.f32 v44, v3;
	_ =	sdelay $0x1  }
0x40f: {  	v1 =	vadd.f32 v2, v1;
	v2 =	vmul.f32 v46, v45;
	_ =	sdelay $0x1  }
0x410: {  	v1 =	vadd.f32 v2, v1;
	v2 =	vmul.f32 v48, v47;
	_ =	sdelay $0x1  }
0x411: {  	v1 =	vadd.f32 v2, v1;
	_ =	sdelay $0x1  }
0x412: {  	s21 =	sadd.s32 $0xFFFFFFFD, s2;
	(xrf2) =	vadd.scan.msk.f32 $0xffff, v1  }
0x413: {  	v1 =	vmov s21  }
0x414: {  	v1 =	vshrl.u32 v1, $0x3  }
0x415: {  	v1 =	vshll.u32 v1, v0  }
0x416: {  	v1 =	vadd.s32 $0x4, v1  }
0x417: {  	v1 =	vbroadcast v1, $0x0;
	_ =	sdelay $0x4  }
0x418: {  	v2, _, _ =	vpop (xrf2)  }
0x419: {  	[tilespmem:v1+s19+$0x0] =	vst.idx.msk vm0, v2  }
0x41a: {  	v1 =	vld [tilespmem:s16+$0x140]  }
0x41b: {  	v2 =	vld [tilespmem:s17+$0x140]  }
0x41c: {  	v3 =	vld [tilespmem:s16+$0x150]  }
0x41d: {  	v49 =	vld [tilespmem:s17+$0x150]  }
0x41e: {  	v50 =	vld [tilespmem:s16+$0x160]  }
0x41f: {  	v51 =	vld [tilespmem:s17+$0x160]  }
0x420: {  	v52 =	vld [tilespmem:s16+$0x170]  }
0x421: {  	v53 =	vld [tilespmem:s17+$0x170]  }
0x422: {  	v1 =	vmul.f32 v2, v1;
	v2 =	vmul.f32 v49, v3;
	_ =	sdelay $0x1  }
0x423: {  	v1 =	vadd.f32 v2, v1;
	v2 =	vmul.f32 v51, v50;
	_ =	sdelay $0x1  }
0x424: {  	v1 =	vadd.f32 v2, v1;
	v2 =	vmul.f32 v53, v52;
	_ =	sdelay $0x1  }
0x425: {  	v1 =	vadd.f32 v2, v1;
	_ =	sdelay $0x1  }
0x426: {  	s21 =	sadd.s32 $0xFFFFFFFE, s2;
	(xrf2) =	vadd.scan.msk.f32 $0xffff, v1  }
0x427: {  	v1 =	vmov s21  }
0x428: {  	v1 =	vshrl.u32 v1, $0x3  }
0x429: {  	v1 =	vshll.u32 v1, v0  }
0x42a: {  	v1 =	vadd.s32 $0x5, v1  }
0x42b: {  	v1 =	vbroadcast v1, $0x0;
	_ =	sdelay $0x4  }
0x42c: {  	v2, _, _ =	vpop (xrf2)  }
0x42d: {  	[tilespmem:v1+s19+$0x0] =	vst.idx.msk vm0, v2  }
0x42e: {  	v1 =	vld [tilespmem:s16+$0x180]  }
0x42f: {  	v2 =	vld [tilespmem:s17+$0x180]  }
0x430: {  	v3 =	vld [tilespmem:s16+$0x190]  }
0x431: {  	v54 =	vld [tilespmem:s17+$0x190]  }
0x432: {  	v55 =	vld [tilespmem:s16+$0x1A0]  }
0x433: {  	v56 =	vld [tilespmem:s17+$0x1A0]  }
0x434: {  	v57 =	vld [tilespmem:s16+$0x1B0]  }
0x435: {  	v58 =	vld [tilespmem:s17+$0x1B0]  }
0x436: {  	v1 =	vmul.f32 v2, v1;
	v2 =	vmul.f32 v54, v3;
	_ =	sdelay $0x1  }
0x437: {  	v1 =	vadd.f32 v2, v1;
	v2 =	vmul.f32 v56, v55;
	_ =	sdelay $0x1  }
0x438: {  	v1 =	vadd.f32 v2, v1;
	v2 =	vmul.f32 v58, v57;
	_ =	sdelay $0x1  }
0x439: {  	v1 =	vadd.f32 v2, v1;
	_ =	sdelay $0x1  }
0x43a: {  	s21 =	sadd.s32 $0xFFFFFFFF, s2;
	(xrf2) =	vadd.scan.msk.f32 $0xffff, v1  }
0x43b: {  	v1 =	vmov s21  }
0x43c: {  	v1 =	vshrl.u32 v1, $0x3  }
0x43d: {  	v1 =	vshll.u32 v1, v0  }
0x43e: {  	v1 =	vadd.s32 $0x6, v1  }
0x43f: {  	v1 =	vbroadcast v1, $0x0;
	_ =	sdelay $0x4  }
0x440: {  	v2, _, _ =	vpop (xrf2)  }
0x441: {  	[tilespmem:v1+s19+$0x0] =	vst.idx.msk vm0, v2  }
0x442: {  	v1 =	vld [tilespmem:s16+$0x1C0]  }
0x443: {  	v2 =	vld [tilespmem:s17+$0x1C0]  }
0x444: {  	v3 =	vld [tilespmem:s16+$0x1D0]  }
0x445: {  	v59 =	vld [tilespmem:s17+$0x1D0]  }
0x446: {  	v60 =	vld [tilespmem:s16+$0x1E0]  }
0x447: {  	v61 =	vld [tilespmem:s17+$0x1E0]  }
0x448: {  	v62 =	vld [tilespmem:s16+$0x1F0]  }
0x449: {  	v63 =	vld [tilespmem:s17+$0x1F0]  }
0x44a: {  	v1 =	vmul.f32 v2, v1;
	v2 =	vmul.f32 v59, v3;
	_ =	sdelay $0x1  }
0x44b: {  	v1 =	vadd.f32 v2, v1;
	v2 =	vmul.f32 v61, v60;
	_ =	sdelay $0x1  }
0x44c: {  	v1 =	vadd.f32 v2, v1;
	v2 =	vmul.f32 v63, v62;
	_ =	sdelay $0x1  }
0x44d: {  	v1 =	vadd.f32 v2, v1;
	_ =	sdelay $0x1  }
0x44e: {  	(xrf2) =	vadd.scan.msk.f32 $0xffff, v1  }
0x44f: {  	v1 =	vmov s2  }
0x450: {  	v1 =	vshrl.u32 v1, $0x3  }
0x451: {  	v1 =	vshll.u32 v1, v0  }
0x452: {  	v1 =	vadd.s32 $0x7, v1  }
0x453: {  	v1 =	vbroadcast v1, $0x0  }
0x454: {  	p0 =	sne.s32 s2, $0x17F  }
.Ltmp2:
0x455: {  	_ = 	snop;
	(pc) =	sbr.rel @p0 .LBB2_6-.Ltmp2, $3  }
0x456: {  	_ =	sdelay $0x1  }
0x457: {  	v2, _, _ =	vpop (xrf2)  }
0x458: {  	s16 =	sadd.s32 $0x400, s16;
	s17 =	sadd.s32 $0x400, s17;
	s2 =	sadd.s32 $0x10, s2;
	[tilespmem:v1+s19+$0x0] =	vst.idx.msk vm0, v2  }
0x459: {  	v1 =	vld [tilespmem:$0x4900]  }
0x45a: {  	v2 =	vld [tilespmem:$0x4500]  }
0x45b: {  	v3 =	vld [tilespmem:$0x4700]  }
0x45c: {  	v4 =	vld [tilespmem:$0x4910]  }
0x45d: {  	v5 =	vld [tilespmem:$0x4510]  }
0x45e: {  	v6 =	vld [tilespmem:$0x4710]  }
0x45f: {  	v7 =	vld [tilespmem:$0x4920]  }
0x460: {  	v8 =	vld [tilespmem:$0x4520]  }
0x461: {  	v9 =	vld [tilespmem:$0x4720]  }
0x462: {  	v10 =	vld [tilespmem:$0x4930]  }
0x463: {  	v11 =	vld [tilespmem:$0x4530]  }
0x464: {  	v12 =	vld [tilespmem:$0x4730]  }
0x465: {  	v13 =	vld [tilespmem:$0x4940]  }
0x466: {  	v14 =	vld [tilespmem:$0x4540]  }
0x467: {  	v15 =	vld [tilespmem:$0x4740]  }
0x468: {  	v16 =	vld [tilespmem:$0x4950]  }
0x469: {  	v17 =	vld [tilespmem:$0x4550]  }
0x46a: {  	v18 =	vld [tilespmem:$0x4750]  }
0x46b: {  	v19 =	vld [tilespmem:$0x4960]  }
0x46c: {  	v56 =	vld [tilespmem:$0x4970];
	v1 =	vadd.f32 v2, v1  }
0x46d: {  	v2 =	vld [tilespmem:$0x4560];
	v4 =	vadd.f32 v5, v4  }
0x46e: {  	v57 =	vld [tilespmem:$0x4570];
	v1 =	vadd.f32 v3, v1;
	v3 =	vadd.f32 v8, v7  }
0x46f: {  	v59 =	vld [tilespmem:$0x4760];
	v58 =	vadd.f32 v11, v10;
	v4 =	vadd.f32 v6, v4  }
0x470: {  	v60 =	vld [tilespmem:$0x4770];
	[tilespmem:$0x4900] =	vst v1;
	v1 =	vadd.f32 v9, v3;
	v3 =	vadd.f32 v14, v13  }
0x471: {  	v62 =	vadd.f32 v17, v16;
	v61 =	vadd.f32 v12, v58;
	[tilespmem:$0x4910] =	vst v4  }
0x472: {  	v2 =	vadd.f32 v2, v19;
	[tilespmem:$0x4920] =	vst v1;
	v1 =	vadd.f32 v15, v3  }
0x473: {  	v63 =	vadd.f32 v57, v56;
	[tilespmem:$0x4930] =	vst v61;
	v3 =	vadd.f32 v18, v62  }
0x474: {  	[tilespmem:$0x4940] =	vst v1;
	v1 =	vadd.f32 v59, v2  }
0x475: {  	[tilespmem:$0x4950] =	vst v3;
	v2 =	vadd.f32 v60, v63  }
0x476: {  	[tilespmem:$0x4960] =	vst v1  }
0x477: {  	[tilespmem:$0x4970] =	vst v2  }
0x478: {  	[tilespmem:s14], [sflag:$0x1] =	stream.indirect.gather [hbm4b:s3+s13], $0x40, s28, s13, $0xb8;
	[tilespmem:$0x4A00] =	vst v63  }
0x479: {  	_ = 	snop  }
0x47a: {  	[tilespmem:s15], [sflag:$0x1] =	stream.indirect.gather [hbm4b:s4+s13], $0x40, s29, s13, $0xb8;
	[tilespmem:$0x4A00] =	vst v63  }
0x47b: {  	_ = 	snop  }
0x47c: {  	[tilespmem:s30], [sflag:$0x1] =	stream.indirect.gather [hbm4b:s5+s13], $0x1, s28, s13, $0xb8;
	[tilespmem:$0x4A00] =	vst v63  }
0x47d: {  	_ = 	snop  }
0x47e: {  	[tilespmem:s31], [sflag:$0x1] =	stream.indirect.gather [hbm4b:s6+s13], $0x1, s29, s13, $0xb8;
	[tilespmem:$0x4A00] =	vst v63  }
0x47f: {  	_ =	swait.ge [sflag:s18], $0x2000  }
0x480: {  	[sflag:s18] =	ssyncset.done $0x0  }
0x481: {  	[sflag:s18] =	ssyncadd.s32 $0xFFFFE000  }
0x482: {  	_ =	swait.ge [sflag:s18], $0x2000  }
0x483: {  	[sflag:s18] =	ssyncset.done $0x0  }
0x484: {  	[sflag:s18] =	ssyncadd.s32 $0xFFFFE000  }
0x485: {  	_ =	swait.ge [sflag:s18], $0x80  }
0x486: {  	[sflag:s18] =	ssyncset.done $0x0  }
0x487: {  	[sflag:s18] =	ssyncadd.s32 $0xFFFFFF80  }
0x488: {  	_ =	swait.ge [sflag:s18], $0x80  }
0x489: {  	s2 =	simm.s32 $0x18F;
	[sflag:s18] =	ssyncset.done $0x0  }
0x48a: {  	s16 =	simm.s32 $0x600;
	s17 =	simm.s32 $0x2600;
	[sflag:s18] =	ssyncadd.s32 $0xFFFFFF80  }
.LBB2_8:
0x48b: {  	v1 =	vld [tilespmem:s16+$0xFFFFFE00]  }
0x48c: {  	v2 =	vld [tilespmem:s17+$0xFFFFFE00]  }
0x48d: {  	v3 =	vld [tilespmem:s16+$0xFFFFFE10]  }
0x48e: {  	v4 =	vld [tilespmem:s17+$0xFFFFFE10]  }
0x48f: {  	v5 =	vld [tilespmem:s16+$0xFFFFFE20]  }
0x490: {  	v6 =	vld [tilespmem:s17+$0xFFFFFE20]  }
0x491: {  	v7 =	vld [tilespmem:s16+$0xFFFFFE30]  }
0x492: {  	v8 =	vld [tilespmem:s17+$0xFFFFFE30]  }
0x493: {  	v1 =	vmul.f32 v2, v1;
	v2 =	vmul.f32 v4, v3;
	_ =	sdelay $0x1  }
0x494: {  	v1 =	vadd.f32 v2, v1;
	v2 =	vmul.f32 v6, v5;
	_ =	sdelay $0x1  }
0x495: {  	v1 =	vadd.f32 v2, v1;
	v2 =	vmul.f32 v8, v7;
	_ =	sdelay $0x1  }
0x496: {  	v1 =	vadd.f32 v2, v1;
	_ =	sdelay $0x1  }
0x497: {  	(xrf2) =	vadd.scan.msk.f32 $0xffff, v1  }
0x498: {  	s21 =	sadd.s32 $0xFFFFFFF1, s2  }
0x499: {  	v1 =	vmov s21  }
0x49a: {  	v1 =	vshrl.u32 v1, $0x3  }
0x49b: {  	v1 =	vshll.u32 v1, v0  }
0x49c: {  	v1 =	vbroadcast v1, $0x0;
	_ =	sdelay $0x4  }
0x49d: {  	v2, _, _ =	vpop (xrf2)  }
0x49e: {  	[tilespmem:v1+s19+$0x0] =	vst.idx.msk vm0, v2  }
0x49f: {  	v1 =	vld [tilespmem:s16+$0xFFFFFE40]  }
0x4a0: {  	v2 =	vld [tilespmem:s17+$0xFFFFFE40]  }
0x4a1: {  	v3 =	vld [tilespmem:s16+$0xFFFFFE50]  }
0x4a2: {  	v41 =	vld [tilespmem:s17+$0xFFFFFE50]  }
0x4a3: {  	v42 =	vld [tilespmem:s16+$0xFFFFFE60]  }
0x4a4: {  	v43 =	vld [tilespmem:s17+$0xFFFFFE60]  }
0x4a5: {  	v44 =	vld [tilespmem:s16+$0xFFFFFE70]  }
0x4a6: {  	v45 =	vld [tilespmem:s17+$0xFFFFFE70]  }
0x4a7: {  	v1 =	vmul.f32 v2, v1;
	v2 =	vmul.f32 v41, v3;
	_ =	sdelay $0x1  }
0x4a8: {  	v1 =	vadd.f32 v2, v1;
	v2 =	vmul.f32 v43, v42;
	_ =	sdelay $0x1  }
0x4a9: {  	v1 =	vadd.f32 v2, v1;
	v2 =	vmul.f32 v45, v44;
	_ =	sdelay $0x1  }
0x4aa: {  	v1 =	vadd.f32 v2, v1;
	_ =	sdelay $0x1  }
0x4ab: {  	s21 =	sadd.s32 $0xFFFFFFF2, s2;
	(xrf2) =	vadd.scan.msk.f32 $0xffff, v1  }
0x4ac: {  	v1 =	vmov s21  }
0x4ad: {  	v1 =	vshrl.u32 v1, $0x3  }
0x4ae: {  	v1 =	vshll.u32 v1, v0  }
0x4af: {  	v1 =	vadd.s32 $0x1, v1  }
0x4b0: {  	v1 =	vbroadcast v1, $0x0;
	_ =	sdelay $0x4  }
0x4b1: {  	v2, _, _ =	vpop (xrf2)  }
0x4b2: {  	[tilespmem:v1+s19+$0x0] =	vst.idx.msk vm0, v2  }
0x4b3: {  	v1 =	vld [tilespmem:s16+$0xFFFFFE80]  }
0x4b4: {  	v2 =	vld [tilespmem:s17+$0xFFFFFE80]  }
0x4b5: {  	v3 =	vld [tilespmem:s16+$0xFFFFFE90]  }
0x4b6: {  	v46 =	vld [tilespmem:s17+$0xFFFFFE90]  }
0x4b7: {  	v47 =	vld [tilespmem:s16+$0xFFFFFEA0]  }
0x4b8: {  	v48 =	vld [tilespmem:s17+$0xFFFFFEA0]  }
0x4b9: {  	v49 =	vld [tilespmem:s16+$0xFFFFFEB0]  }
0x4ba: {  	v50 =	vld [tilespmem:s17+$0xFFFFFEB0]  }
0x4bb: {  	v1 =	vmul.f32 v2, v1;
	v2 =	vmul.f32 v46, v3;
	_ =	sdelay $0x1  }
0x4bc: {  	v1 =	vadd.f32 v2, v1;
	v2 =	vmul.f32 v48, v47;
	_ =	sdelay $0x1  }
0x4bd: {  	v1 =	vadd.f32 v2, v1;
	v2 =	vmul.f32 v50, v49;
	_ =	sdelay $0x1  }
0x4be: {  	v1 =	vadd.f32 v2, v1;
	_ =	sdelay $0x1  }
0x4bf: {  	s21 =	sadd.s32 $0xFFFFFFF3, s2;
	(xrf2) =	vadd.scan.msk.f32 $0xffff, v1  }
0x4c0: {  	v1 =	vmov s21  }
0x4c1: {  	v1 =	vshrl.u32 v1, $0x3  }
0x4c2: {  	v1 =	vshll.u32 v1, v0  }
0x4c3: {  	v1 =	vadd.s32 $0x2, v1  }
0x4c4: {  	v1 =	vbroadcast v1, $0x0;
	_ =	sdelay $0x4  }
0x4c5: {  	v2, _, _ =	vpop (xrf2)  }
0x4c6: {  	[tilespmem:v1+s19+$0x0] =	vst.idx.msk vm0, v2  }
0x4c7: {  	v1 =	vld [tilespmem:s16+$0xFFFFFEC0]  }
0x4c8: {  	v2 =	vld [tilespmem:s17+$0xFFFFFEC0]  }
0x4c9: {  	v3 =	vld [tilespmem:s16+$0xFFFFFED0]  }
0x4ca: {  	v51 =	vld [tilespmem:s17+$0xFFFFFED0]  }
0x4cb: {  	v52 =	vld [tilespmem:s16+$0xFFFFFEE0]  }
0x4cc: {  	v53 =	vld [tilespmem:s17+$0xFFFFFEE0]  }
0x4cd: {  	v54 =	vld [tilespmem:s16+$0xFFFFFEF0]  }
0x4ce: {  	v55 =	vld [tilespmem:s17+$0xFFFFFEF0]  }
0x4cf: {  	v1 =	vmul.f32 v2, v1;
	v2 =	vmul.f32 v51, v3;
	_ =	sdelay $0x1  }
0x4d0: {  	v1 =	vadd.f32 v2, v1;
	v2 =	vmul.f32 v53, v52;
	_ =	sdelay $0x1  }
0x4d1: {  	v1 =	vadd.f32 v2, v1;
	v2 =	vmul.f32 v55, v54;
	_ =	sdelay $0x1  }
0x4d2: {  	v1 =	vadd.f32 v2, v1;
	_ =	sdelay $0x1  }
0x4d3: {  	s21 =	sadd.s32 $0xFFFFFFF4, s2;
	(xrf2) =	vadd.scan.msk.f32 $0xffff, v1  }
0x4d4: {  	v1 =	vmov s21  }
0x4d5: {  	v1 =	vshrl.u32 v1, $0x3  }
0x4d6: {  	v1 =	vshll.u32 v1, v0  }
0x4d7: {  	v1 =	vadd.s32 $0x3, v1  }
0x4d8: {  	v1 =	vbroadcast v1, $0x0;
	_ =	sdelay $0x4  }
0x4d9: {  	v2, _, _ =	vpop (xrf2)  }
0x4da: {  	[tilespmem:v1+s19+$0x0] =	vst.idx.msk vm0, v2  }
0x4db: {  	v1 =	vld [tilespmem:s16+$0xFFFFFF00]  }
0x4dc: {  	v2 =	vld [tilespmem:s17+$0xFFFFFF00]  }
0x4dd: {  	v3 =	vld [tilespmem:s16+$0xFFFFFF10]  }
0x4de: {  	v56 =	vld [tilespmem:s17+$0xFFFFFF10]  }
0x4df: {  	v57 =	vld [tilespmem:s16+$0xFFFFFF20]  }
0x4e0: {  	v58 =	vld [tilespmem:s17+$0xFFFFFF20]  }
0x4e1: {  	v59 =	vld [tilespmem:s16+$0xFFFFFF30]  }
0x4e2: {  	v60 =	vld [tilespmem:s17+$0xFFFFFF30]  }
0x4e3: {  	v1 =	vmul.f32 v2, v1;
	v2 =	vmul.f32 v56, v3;
	_ =	sdelay $0x1  }
0x4e4: {  	v1 =	vadd.f32 v2, v1;
	v2 =	vmul.f32 v58, v57;
	_ =	sdelay $0x1  }
0x4e5: {  	v1 =	vadd.f32 v2, v1;
	v2 =	vmul.f32 v60, v59;
	_ =	sdelay $0x1  }
0x4e6: {  	v1 =	vadd.f32 v2, v1;
	_ =	sdelay $0x1  }
0x4e7: {  	s21 =	sadd.s32 $0xFFFFFFF5, s2;
	(xrf2) =	vadd.scan.msk.f32 $0xffff, v1  }
0x4e8: {  	v1 =	vmov s21  }
0x4e9: {  	v1 =	vshrl.u32 v1, $0x3  }
0x4ea: {  	v1 =	vshll.u32 v1, v0  }
0x4eb: {  	v1 =	vadd.s32 $0x4, v1  }
0x4ec: {  	v1 =	vbroadcast v1, $0x0;
	_ =	sdelay $0x4  }
0x4ed: {  	v2, _, _ =	vpop (xrf2)  }
0x4ee: {  	[tilespmem:v1+s19+$0x0] =	vst.idx.msk vm0, v2  }
0x4ef: {  	v1 =	vld [tilespmem:s16+$0xFFFFFF40]  }
0x4f0: {  	v2 =	vld [tilespmem:s17+$0xFFFFFF40]  }
0x4f1: {  	v3 =	vld [tilespmem:s16+$0xFFFFFF50]  }
0x4f2: {  	v61 =	vld [tilespmem:s17+$0xFFFFFF50]  }
0x4f3: {  	v62 =	vld [tilespmem:s16+$0xFFFFFF60]  }
0x4f4: {  	v63 =	vld [tilespmem:s17+$0xFFFFFF60]  }
0x4f5: {  	v12 =	vld [tilespmem:s16+$0xFFFFFF70]  }
0x4f6: {  	v13 =	vld [tilespmem:s17+$0xFFFFFF70]  }
0x4f7: {  	v1 =	vmul.f32 v2, v1;
	v2 =	vmul.f32 v61, v3;
	_ =	sdelay $0x1  }
0x4f8: {  	v1 =	vadd.f32 v2, v1;
	v2 =	vmul.f32 v63, v62;
	_ =	sdelay $0x1  }
0x4f9: {  	v1 =	vadd.f32 v2, v1;
	v2 =	vmul.f32 v13, v12;
	_ =	sdelay $0x1  }
0x4fa: {  	v1 =	vadd.f32 v2, v1;
	_ =	sdelay $0x1  }
0x4fb: {  	s21 =	sadd.s32 $0xFFFFFFF6, s2;
	(xrf2) =	vadd.scan.msk.f32 $0xffff, v1  }
0x4fc: {  	v1 =	vmov s21  }
0x4fd: {  	v1 =	vshrl.u32 v1, $0x3  }
0x4fe: {  	v1 =	vshll.u32 v1, v0  }
0x4ff: {  	v1 =	vadd.s32 $0x5, v1  }
0x500: {  	v1 =	vbroadcast v1, $0x0;
	_ =	sdelay $0x4  }
0x501: {  	v2, _, _ =	vpop (xrf2)  }
0x502: {  	[tilespmem:v1+s19+$0x0] =	vst.idx.msk vm0, v2  }
0x503: {  	v1 =	vld [tilespmem:s16+$0xFFFFFF80]  }
0x504: {  	v2 =	vld [tilespmem:s17+$0xFFFFFF80]  }
0x505: {  	v3 =	vld [tilespmem:s16+$0xFFFFFF90]  }
0x506: {  	v14 =	vld [tilespmem:s17+$0xFFFFFF90]  }
0x507: {  	v15 =	vld [tilespmem:s16+$0xFFFFFFA0]  }
0x508: {  	v16 =	vld [tilespmem:s17+$0xFFFFFFA0]  }
0x509: {  	v17 =	vld [tilespmem:s16+$0xFFFFFFB0]  }
0x50a: {  	v18 =	vld [tilespmem:s17+$0xFFFFFFB0]  }
0x50b: {  	v1 =	vmul.f32 v2, v1;
	v2 =	vmul.f32 v14, v3;
	_ =	sdelay $0x1  }
0x50c: {  	v1 =	vadd.f32 v2, v1;
	v2 =	vmul.f32 v16, v15;
	_ =	sdelay $0x1  }
0x50d: {  	v1 =	vadd.f32 v2, v1;
	v2 =	vmul.f32 v18, v17;
	_ =	sdelay $0x1  }
0x50e: {  	v1 =	vadd.f32 v2, v1;
	_ =	sdelay $0x1  }
0x50f: {  	s21 =	sadd.s32 $0xFFFFFFF7, s2;
	(xrf2) =	vadd.scan.msk.f32 $0xffff, v1  }
0x510: {  	v1 =	vmov s21  }
0x511: {  	v1 =	vshrl.u32 v1, $0x3  }
0x512: {  	v1 =	vshll.u32 v1, v0  }
0x513: {  	v1 =	vadd.s32 $0x6, v1  }
0x514: {  	v1 =	vbroadcast v1, $0x0;
	_ =	sdelay $0x4  }
0x515: {  	v2, _, _ =	vpop (xrf2)  }
0x516: {  	[tilespmem:v1+s19+$0x0] =	vst.idx.msk vm0, v2  }
0x517: {  	v1 =	vld [tilespmem:s16+$0xFFFFFFC0]  }
0x518: {  	v2 =	vld [tilespmem:s17+$0xFFFFFFC0]  }
0x519: {  	v3 =	vld [tilespmem:s16+$0xFFFFFFD0]  }
0x51a: {  	v19 =	vld [tilespmem:s17+$0xFFFFFFD0]  }
0x51b: {  	v20 =	vld [tilespmem:s16+$0xFFFFFFE0]  }
0x51c: {  	v21 =	vld [tilespmem:s17+$0xFFFFFFE0]  }
0x51d: {  	v22 =	vld [tilespmem:s16+$0xFFFFFFF0]  }
0x51e: {  	v23 =	vld [tilespmem:s17+$0xFFFFFFF0]  }
0x51f: {  	v1 =	vmul.f32 v2, v1;
	v2 =	vmul.f32 v19, v3;
	_ =	sdelay $0x1  }
0x520: {  	v1 =	vadd.f32 v2, v1;
	v2 =	vmul.f32 v21, v20;
	_ =	sdelay $0x1  }
0x521: {  	v1 =	vadd.f32 v2, v1;
	v2 =	vmul.f32 v23, v22;
	_ =	sdelay $0x1  }
0x522: {  	v1 =	vadd.f32 v2, v1;
	_ =	sdelay $0x1  }
0x523: {  	s21 =	sadd.s32 $0xFFFFFFF8, s2;
	(xrf2) =	vadd.scan.msk.f32 $0xffff, v1  }
0x524: {  	v1 =	vmov s21  }
0x525: {  	v1 =	vshrl.u32 v1, $0x3  }
0x526: {  	v1 =	vshll.u32 v1, v0  }
0x527: {  	v1 =	vadd.s32 $0x7, v1  }
0x528: {  	v1 =	vbroadcast v1, $0x0;
	_ =	sdelay $0x4  }
0x529: {  	v2, _, _ =	vpop (xrf2)  }
0x52a: {  	[tilespmem:v1+s19+$0x0] =	vst.idx.msk vm0, v2  }
0x52b: {  	v1 =	vld [tilespmem:s16+$0x0]  }
0x52c: {  	v2 =	vld [tilespmem:s17+$0x0]  }
0x52d: {  	v3 =	vld [tilespmem:s16+$0x10]  }
0x52e: {  	v24 =	vld [tilespmem:s17+$0x10]  }
0x52f: {  	v25 =	vld [tilespmem:s16+$0x20]  }
0x530: {  	v26 =	vld [tilespmem:s17+$0x20]  }
0x531: {  	v27 =	vld [tilespmem:s16+$0x30]  }
0x532: {  	v28 =	vld [tilespmem:s17+$0x30]  }
0x533: {  	v1 =	vmul.f32 v2, v1;
	v2 =	vmul.f32 v24, v3;
	_ =	sdelay $0x1  }
0x534: {  	v1 =	vadd.f32 v2, v1;
	v2 =	vmul.f32 v26, v25;
	_ =	sdelay $0x1  }
0x535: {  	v1 =	vadd.f32 v2, v1;
	v2 =	vmul.f32 v28, v27;
	_ =	sdelay $0x1  }
0x536: {  	v1 =	vadd.f32 v2, v1;
	_ =	sdelay $0x1  }
0x537: {  	(xrf2) =	vadd.scan.msk.f32 $0xffff, v1  }
0x538: {  	s21 =	sadd.s32 $0xFFFFFFF9, s2  }
0x539: {  	v1 =	vmov s21  }
0x53a: {  	v1 =	vshrl.u32 v1, $0x3  }
0x53b: {  	v1 =	vshll.u32 v1, v0  }
0x53c: {  	v1 =	vbroadcast v1, $0x0;
	_ =	sdelay $0x4  }
0x53d: {  	v2, _, _ =	vpop (xrf2)  }
0x53e: {  	[tilespmem:v1+s19+$0x0] =	vst.idx.msk vm0, v2  }
0x53f: {  	v1 =	vld [tilespmem:s16+$0x40]  }
0x540: {  	v2 =	vld [tilespmem:s17+$0x40]  }
0x541: {  	v3 =	vld [tilespmem:s16+$0x50]  }
0x542: {  	v29 =	vld [tilespmem:s17+$0x50]  }
0x543: {  	v30 =	vld [tilespmem:s16+$0x60]  }
0x544: {  	v31 =	vld [tilespmem:s17+$0x60]  }
0x545: {  	v32 =	vld [tilespmem:s16+$0x70]  }
0x546: {  	v33 =	vld [tilespmem:s17+$0x70]  }
0x547: {  	v1 =	vmul.f32 v2, v1;
	v2 =	vmul.f32 v29, v3;
	_ =	sdelay $0x1  }
0x548: {  	v1 =	vadd.f32 v2, v1;
	v2 =	vmul.f32 v31, v30;
	_ =	sdelay $0x1  }
0x549: {  	v1 =	vadd.f32 v2, v1;
	v2 =	vmul.f32 v33, v32;
	_ =	sdelay $0x1  }
0x54a: {  	v1 =	vadd.f32 v2, v1;
	_ =	sdelay $0x1  }
0x54b: {  	s21 =	sadd.s32 $0xFFFFFFFA, s2;
	(xrf2) =	vadd.scan.msk.f32 $0xffff, v1  }
0x54c: {  	v1 =	vmov s21  }
0x54d: {  	v1 =	vshrl.u32 v1, $0x3  }
0x54e: {  	v1 =	vshll.u32 v1, v0  }
0x54f: {  	v1 =	vadd.s32 $0x1, v1  }
0x550: {  	v1 =	vbroadcast v1, $0x0;
	_ =	sdelay $0x4  }
0x551: {  	v2, _, _ =	vpop (xrf2)  }
0x552: {  	[tilespmem:v1+s19+$0x0] =	vst.idx.msk vm0, v2  }
0x553: {  	v1 =	vld [tilespmem:s16+$0x80]  }
0x554: {  	v2 =	vld [tilespmem:s17+$0x80]  }
0x555: {  	v3 =	vld [tilespmem:s16+$0x90]  }
0x556: {  	v34 =	vld [tilespmem:s17+$0x90]  }
0x557: {  	v35 =	vld [tilespmem:s16+$0xA0]  }
0x558: {  	v36 =	vld [tilespmem:s17+$0xA0]  }
0x559: {  	v37 =	vld [tilespmem:s16+$0xB0]  }
0x55a: {  	v38 =	vld [tilespmem:s17+$0xB0]  }
0x55b: {  	v1 =	vmul.f32 v2, v1;
	v2 =	vmul.f32 v34, v3;
	_ =	sdelay $0x1  }
0x55c: {  	v1 =	vadd.f32 v2, v1;
	v2 =	vmul.f32 v36, v35;
	_ =	sdelay $0x1  }
0x55d: {  	v1 =	vadd.f32 v2, v1;
	v2 =	vmul.f32 v38, v37;
	_ =	sdelay $0x1  }
0x55e: {  	v1 =	vadd.f32 v2, v1;
	_ =	sdelay $0x1  }
0x55f: {  	s21 =	sadd.s32 $0xFFFFFFFB, s2;
	(xrf2) =	vadd.scan.msk.f32 $0xffff, v1  }
0x560: {  	v1 =	vmov s21  }
0x561: {  	v1 =	vshrl.u32 v1, $0x3  }
0x562: {  	v1 =	vshll.u32 v1, v0  }
0x563: {  	v1 =	vadd.s32 $0x2, v1  }
0x564: {  	v1 =	vbroadcast v1, $0x0;
	_ =	sdelay $0x4  }
0x565: {  	v2, _, _ =	vpop (xrf2)  }
0x566: {  	[tilespmem:v1+s19+$0x0] =	vst.idx.msk vm0, v2  }
0x567: {  	v1 =	vld [tilespmem:s16+$0xC0]  }
0x568: {  	v2 =	vld [tilespmem:s17+$0xC0]  }
0x569: {  	v3 =	vld [tilespmem:s16+$0xD0]  }
0x56a: {  	v39 =	vld [tilespmem:s17+$0xD0]  }
0x56b: {  	v40 =	vld [tilespmem:s16+$0xE0]  }
0x56c: {  	v41 =	vld [tilespmem:s17+$0xE0]  }
0x56d: {  	v42 =	vld [tilespmem:s16+$0xF0]  }
0x56e: {  	v43 =	vld [tilespmem:s17+$0xF0]  }
0x56f: {  	v1 =	vmul.f32 v2, v1;
	v2 =	vmul.f32 v39, v3;
	_ =	sdelay $0x1  }
0x570: {  	v1 =	vadd.f32 v2, v1;
	v2 =	vmul.f32 v41, v40;
	_ =	sdelay $0x1  }
0x571: {  	v1 =	vadd.f32 v2, v1;
	v2 =	vmul.f32 v43, v42;
	_ =	sdelay $0x1  }
0x572: {  	v1 =	vadd.f32 v2, v1;
	_ =	sdelay $0x1  }
0x573: {  	s21 =	sadd.s32 $0xFFFFFFFC, s2;
	(xrf2) =	vadd.scan.msk.f32 $0xffff, v1  }
0x574: {  	v1 =	vmov s21  }
0x575: {  	v1 =	vshrl.u32 v1, $0x3  }
0x576: {  	v1 =	vshll.u32 v1, v0  }
0x577: {  	v1 =	vadd.s32 $0x3, v1  }
0x578: {  	v1 =	vbroadcast v1, $0x0;
	_ =	sdelay $0x4  }
0x579: {  	v2, _, _ =	vpop (xrf2)  }
0x57a: {  	[tilespmem:v1+s19+$0x0] =	vst.idx.msk vm0, v2  }
0x57b: {  	v1 =	vld [tilespmem:s16+$0x100]  }
0x57c: {  	v2 =	vld [tilespmem:s17+$0x100]  }
0x57d: {  	v3 =	vld [tilespmem:s16+$0x110]  }
0x57e: {  	v44 =	vld [tilespmem:s17+$0x110]  }
0x57f: {  	v45 =	vld [tilespmem:s16+$0x120]  }
0x580: {  	v46 =	vld [tilespmem:s17+$0x120]  }
0x581: {  	v47 =	vld [tilespmem:s16+$0x130]  }
0x582: {  	v48 =	vld [tilespmem:s17+$0x130]  }
0x583: {  	v1 =	vmul.f32 v2, v1;
	v2 =	vmul.f32 v44, v3;
	_ =	sdelay $0x1  }
0x584: {  	v1 =	vadd.f32 v2, v1;
	v2 =	vmul.f32 v46, v45;
	_ =	sdelay $0x1  }
0x585: {  	v1 =	vadd.f32 v2, v1;
	v2 =	vmul.f32 v48, v47;
	_ =	sdelay $0x1  }
0x586: {  	v1 =	vadd.f32 v2, v1;
	_ =	sdelay $0x1  }
0x587: {  	s21 =	sadd.s32 $0xFFFFFFFD, s2;
	(xrf2) =	vadd.scan.msk.f32 $0xffff, v1  }
0x588: {  	v1 =	vmov s21  }
0x589: {  	v1 =	vshrl.u32 v1, $0x3  }
0x58a: {  	v1 =	vshll.u32 v1, v0  }
0x58b: {  	v1 =	vadd.s32 $0x4, v1  }
0x58c: {  	v1 =	vbroadcast v1, $0x0;
	_ =	sdelay $0x4  }
0x58d: {  	v2, _, _ =	vpop (xrf2)  }
0x58e: {  	[tilespmem:v1+s19+$0x0] =	vst.idx.msk vm0, v2  }
0x58f: {  	v1 =	vld [tilespmem:s16+$0x140]  }
0x590: {  	v2 =	vld [tilespmem:s17+$0x140]  }
0x591: {  	v3 =	vld [tilespmem:s16+$0x150]  }
0x592: {  	v49 =	vld [tilespmem:s17+$0x150]  }
0x593: {  	v50 =	vld [tilespmem:s16+$0x160]  }
0x594: {  	v51 =	vld [tilespmem:s17+$0x160]  }
0x595: {  	v52 =	vld [tilespmem:s16+$0x170]  }
0x596: {  	v53 =	vld [tilespmem:s17+$0x170]  }
0x597: {  	v1 =	vmul.f32 v2, v1;
	v2 =	vmul.f32 v49, v3;
	_ =	sdelay $0x1  }
0x598: {  	v1 =	vadd.f32 v2, v1;
	v2 =	vmul.f32 v51, v50;
	_ =	sdelay $0x1  }
0x599: {  	v1 =	vadd.f32 v2, v1;
	v2 =	vmul.f32 v53, v52;
	_ =	sdelay $0x1  }
0x59a: {  	v1 =	vadd.f32 v2, v1;
	_ =	sdelay $0x1  }
0x59b: {  	s21 =	sadd.s32 $0xFFFFFFFE, s2;
	(xrf2) =	vadd.scan.msk.f32 $0xffff, v1  }
0x59c: {  	v1 =	vmov s21  }
0x59d: {  	v1 =	vshrl.u32 v1, $0x3  }
0x59e: {  	v1 =	vshll.u32 v1, v0  }
0x59f: {  	v1 =	vadd.s32 $0x5, v1  }
0x5a0: {  	v1 =	vbroadcast v1, $0x0;
	_ =	sdelay $0x4  }
0x5a1: {  	v2, _, _ =	vpop (xrf2)  }
0x5a2: {  	[tilespmem:v1+s19+$0x0] =	vst.idx.msk vm0, v2  }
0x5a3: {  	v1 =	vld [tilespmem:s16+$0x180]  }
0x5a4: {  	v2 =	vld [tilespmem:s17+$0x180]  }
0x5a5: {  	v3 =	vld [tilespmem:s16+$0x190]  }
0x5a6: {  	v54 =	vld [tilespmem:s17+$0x190]  }
0x5a7: {  	v55 =	vld [tilespmem:s16+$0x1A0]  }
0x5a8: {  	v56 =	vld [tilespmem:s17+$0x1A0]  }
0x5a9: {  	v57 =	vld [tilespmem:s16+$0x1B0]  }
0x5aa: {  	v58 =	vld [tilespmem:s17+$0x1B0]  }
0x5ab: {  	v1 =	vmul.f32 v2, v1;
	v2 =	vmul.f32 v54, v3;
	_ =	sdelay $0x1  }
0x5ac: {  	v1 =	vadd.f32 v2, v1;
	v2 =	vmul.f32 v56, v55;
	_ =	sdelay $0x1  }
0x5ad: {  	v1 =	vadd.f32 v2, v1;
	v2 =	vmul.f32 v58, v57;
	_ =	sdelay $0x1  }
0x5ae: {  	v1 =	vadd.f32 v2, v1;
	_ =	sdelay $0x1  }
0x5af: {  	s21 =	sadd.s32 $0xFFFFFFFF, s2;
	(xrf2) =	vadd.scan.msk.f32 $0xffff, v1  }
0x5b0: {  	v1 =	vmov s21  }
0x5b1: {  	v1 =	vshrl.u32 v1, $0x3  }
0x5b2: {  	v1 =	vshll.u32 v1, v0  }
0x5b3: {  	v1 =	vadd.s32 $0x6, v1  }
0x5b4: {  	v1 =	vbroadcast v1, $0x0;
	_ =	sdelay $0x4  }
0x5b5: {  	v2, _, _ =	vpop (xrf2)  }
0x5b6: {  	[tilespmem:v1+s19+$0x0] =	vst.idx.msk vm0, v2  }
0x5b7: {  	v1 =	vld [tilespmem:s16+$0x1C0]  }
0x5b8: {  	v2 =	vld [tilespmem:s17+$0x1C0]  }
0x5b9: {  	v3 =	vld [tilespmem:s16+$0x1D0]  }
0x5ba: {  	v59 =	vld [tilespmem:s17+$0x1D0]  }
0x5bb: {  	v60 =	vld [tilespmem:s16+$0x1E0]  }
0x5bc: {  	v61 =	vld [tilespmem:s17+$0x1E0]  }
0x5bd: {  	v62 =	vld [tilespmem:s16+$0x1F0]  }
0x5be: {  	v63 =	vld [tilespmem:s17+$0x1F0]  }
0x5bf: {  	v1 =	vmul.f32 v2, v1;
	v2 =	vmul.f32 v59, v3;
	_ =	sdelay $0x1  }
0x5c0: {  	v1 =	vadd.f32 v2, v1;
	v2 =	vmul.f32 v61, v60;
	_ =	sdelay $0x1  }
0x5c1: {  	v1 =	vadd.f32 v2, v1;
	v2 =	vmul.f32 v63, v62;
	_ =	sdelay $0x1  }
0x5c2: {  	v1 =	vadd.f32 v2, v1;
	_ =	sdelay $0x1  }
0x5c3: {  	(xrf2) =	vadd.scan.msk.f32 $0xffff, v1  }
0x5c4: {  	v1 =	vmov s2  }
0x5c5: {  	v1 =	vshrl.u32 v1, $0x3  }
0x5c6: {  	v1 =	vshll.u32 v1, v0  }
0x5c7: {  	v1 =	vadd.s32 $0x7, v1  }
0x5c8: {  	v1 =	vbroadcast v1, $0x0  }
0x5c9: {  	p0 =	sne.s32 s2, $0x1FF  }
.Ltmp3:
0x5ca: {  	_ = 	snop;
	(pc) =	sbr.rel @p0 .LBB2_8-.Ltmp3, $3  }
0x5cb: {  	_ =	sdelay $0x1  }
0x5cc: {  	v2, _, _ =	vpop (xrf2)  }
0x5cd: {  	s16 =	sadd.s32 $0x400, s16;
	s17 =	sadd.s32 $0x400, s17;
	s2 =	sadd.s32 $0x10, s2;
	[tilespmem:v1+s19+$0x0] =	vst.idx.msk vm0, v2  }
0x5ce: {  	v1 =	vld [tilespmem:$0x4980]  }
0x5cf: {  	v2 =	vld [tilespmem:$0x4580]  }
0x5d0: {  	v3 =	vld [tilespmem:$0x4780]  }
0x5d1: {  	v4 =	vld [tilespmem:$0x4990]  }
0x5d2: {  	v5 =	vld [tilespmem:$0x4590]  }
0x5d3: {  	v6 =	vld [tilespmem:$0x4790]  }
0x5d4: {  	v7 =	vld [tilespmem:$0x49A0]  }
0x5d5: {  	v8 =	vld [tilespmem:$0x45A0]  }
0x5d6: {  	v9 =	vld [tilespmem:$0x47A0]  }
0x5d7: {  	v10 =	vld [tilespmem:$0x49B0]  }
0x5d8: {  	v11 =	vld [tilespmem:$0x45B0]  }
0x5d9: {  	v12 =	vld [tilespmem:$0x47B0]  }
0x5da: {  	v13 =	vld [tilespmem:$0x49C0]  }
0x5db: {  	v14 =	vld [tilespmem:$0x45C0]  }
0x5dc: {  	v15 =	vld [tilespmem:$0x47C0]  }
0x5dd: {  	v16 =	vld [tilespmem:$0x49D0]  }
0x5de: {  	v17 =	vld [tilespmem:$0x45D0]  }
0x5df: {  	v18 =	vld [tilespmem:$0x47D0]  }
0x5e0: {  	v19 =	vld [tilespmem:$0x49E0]  }
0x5e1: {  	v56 =	vld [tilespmem:$0x49F0];
	v1 =	vadd.f32 v2, v1  }
0x5e2: {  	v2 =	vld [tilespmem:$0x45E0];
	v4 =	vadd.f32 v5, v4  }
0x5e3: {  	v57 =	vld [tilespmem:$0x45F0];
	v1 =	vadd.f32 v3, v1;
	v3 =	vadd.f32 v8, v7  }
0x5e4: {  	v59 =	vld [tilespmem:$0x47E0];
	v58 =	vadd.f32 v11, v10;
	v4 =	vadd.f32 v6, v4  }
0x5e5: {  	v60 =	vld [tilespmem:$0x47F0];
	[tilespmem:$0x4980] =	vst v1;
	v1 =	vadd.f32 v9, v3;
	v3 =	vadd.f32 v14, v13  }
0x5e6: {  	v62 =	vadd.f32 v17, v16;
	v61 =	vadd.f32 v12, v58;
	[tilespmem:$0x4990] =	vst v4  }
0x5e7: {  	v2 =	vadd.f32 v2, v19;
	[tilespmem:$0x49A0] =	vst v1;
	v1 =	vadd.f32 v15, v3  }
0x5e8: {  	v63 =	vadd.f32 v57, v56;
	[tilespmem:$0x49B0] =	vst v61;
	v3 =	vadd.f32 v18, v62  }
0x5e9: {  	[tilespmem:$0x49C0] =	vst v1;
	v1 =	vadd.f32 v59, v2  }
0x5ea: {  	s0 =	sadd.s32 $0x1, s0;
	[tilespmem:$0x49D0] =	vst v3;
	v2 =	vadd.f32 v60, v63  }
0x5eb: {  	p0 =	sne.s32 s0, s10;
	[tilespmem:$0x49E0] =	vst v1  }
.Ltmp4:
0x5ec: {  	[tilespmem:$0x49F0] =	vst v2;
	(pc) =	sbr.rel @p0 .LBB2_1-.Ltmp4, $4  }
0x5ed: {  	[hbm4b:s9+s1] =	stream.linear.scatter [tilespmem:s19], [sflag:$0x2], $0x200, $0x38;
	[tilespmem:$0x4A00] =	vst v63  }
0x5ee: {  	_ =	swait.ge [sflag:s11], $0x200  }
0x5ef: {  	[sflag:s11] =	ssyncset.done $0x0  }
0x5f0: {  	[sflag:s11] =	ssyncadd.s32 $0xFFFFFE00  }
0x5f1: {  	_ =	sfence.sel $0x180000  }
0x5f2: {  	[bflag:$0x0] =	sbarrier.arrive $0xFFFF  }
0x5f3: {  	_ =	strace $0x90000047  }
0x5f4: {  	s0 =	stileid.u32;
	[bflag:$0x2] =	sbarrier.arrive $0xFFFF  }
0x5f5: {  	p0 =	sne.s32 s0, $0x0;
	s0 =	rddreg [dreg:$0x4]  }
0x5f6: {  	s0 =	sadd.s32 @!p0 $0x100000, s0  }
0x5f7: {  	[sflag:s0] =	ssyncadd.tile.s32 @!p0 $0x1;
	_ =	shalt  }
.Lfunc_end2:
_tile_overlayer_lowered:
.L_overlay_start_2:
0x5f8: {  	(tag) =	ssettag $0x2  }
0x5f9: {  	s0 =	rddreg [dreg:$0x0];
	s2 =	stileid.u32  }
0x5fa: {  	s1 =	rddreg [dreg:$0x1];
	p0 =	sne.s32 s2, $0x0  }
0x5fb: {  	s3 =	rddreg [dreg:$0x2];
	[bflag:$0x3] =	sbarrier.arrive $0xFFFF;
	s2 =	simm.s32 @!p0 $0x1C02  }
0x5fc: {  	[timem:s3], [sflag:s2] =	dma.local @!p0 [hbm:s0], s1  }
0x5fd: {  	s0 =	simm.s32 @!p0 $0x2  }
0x5fe: {  	_ =	swait.ge @!p0 [sflag:s0], s1  }
0x5ff: {  	s1 =	ssub.s32 @!p0 $0x0, s1;
	[sflag:s0] =	ssyncset.done @!p0 $0x0  }
0x600: {  	[sflag:s0] =	ssyncadd.s32 @!p0 s1  }
0x601: {  	[bflag:$0x3] =	sbarrier.arrive $0xFFFF  }
0x602: {  	_ =	shalt  }

</sc_bundles>
